<compile_context>
chip_gen: v7x
topology: tpu7x:2x2x1
jax: 0.10.2.dev20260603
libtpu: 0.0.44.dev20260713+nightly
codegen_flags: <defaults>
</compile_context>

<pallas_src>
import functools

import jax
import jax.numpy as jnp
from jax import lax
from jax.experimental import pallas as pl
from jax.experimental.pallas import tpu as pltpu
from jax.experimental.pallas import tpu_sc as plsc

B, N, S, NS, D = 8, 8192, 1024, 32, 64
C_IN = 3 + D
CP = 128
MLP_CH = (64, 64, 128)
EPS = 1e-5
M_SAMPLES = float(B * S * NS)

S_BLK = 128
G_SBLK = 128
MLP_TILES = (B * S) // G_SBLK

_NC, _NSUB = 2, 16
_NW = _NC * _NSUB



def _sc_gather_body(n_rows, window, table_hbm, idx_hbm, out_hbm, idx_v, rows_v, sem):
    per_w = n_rows // _NW
    wid = lax.axis_index("s") * _NC + lax.axis_index("c")
    base = wid * per_w
    for w in range(per_w // window):
        off = base + w * window
        pltpu.sync_copy(idx_hbm.at[pl.ds(off, window)], idx_v)
        pltpu.async_copy(table_hbm.at[idx_v], rows_v, sem).wait()
        pltpu.sync_copy(rows_v, out_hbm.at[pl.ds(off, window)])


def _sc_gather(table, idx, window):
    n_rows = idx.shape[0]
    mesh = plsc.VectorSubcoreMesh(core_axis_name="c", subcore_axis_name="s")
    fn = pl.kernel(
        functools.partial(_sc_gather_body, n_rows, window),
        out_type=jax.ShapeDtypeStruct((n_rows, CP), jnp.float32),
        mesh=mesh,
        scratch_types=[
            pltpu.VMEM((window,), jnp.int32),
            pltpu.VMEM((window, CP), jnp.float32),
            pltpu.SemaphoreType.DMA,
        ],
    )
    return fn(table, idx)



_CH = N // 128
_TOPQ = 6


def _compute_d2(cg_ref, xyz_ref):
    qx = cg_ref[0, :, 0:1]
    qy = cg_ref[0, :, 1:2]
    qz = cg_ref[0, :, 2:3]
    rx = xyz_ref[0, 0:1, :]
    ry = xyz_ref[0, 1:2, :]
    rz = xyz_ref[0, 2:3, :]
    rr = rx * rx + ry * ry + rz * rz
    qq = qx * qx + qy * qy + qz * qz
    q3 = cg_ref[0, :, 0:3].astype(jnp.bfloat16)
    r3 = xyz_ref[0, 0:3, :].astype(jnp.bfloat16)
    e = jnp.dot(q3, r3, preferred_element_type=jnp.float32)
    return (qq - 2.0 * e) + rr


def _d2_topk_kernel(cg_ref, xyz_ref, out_ref):
    b = pl.program_id(0)
    big = jnp.float32(3.0e38)
    d2 = _compute_d2(cg_ref, xyz_ref)

    d2v = d2.reshape(S_BLK, _CH, 128)
    jio = lax.broadcasted_iota(jnp.int32, (S_BLK, _CH, 128), 1)
    ms, js = [], []
    for t in range(_TOPQ):
        m = jnp.min(d2v, axis=1)
        jt = jnp.min(jnp.where(d2v == m[:, None, :], jio, _CH), axis=1)
        ms.append(m)
        js.append(jt)
        if t < _TOPQ - 1:
            d2v = jnp.where(jio == jt[:, None, :], big, d2v)

    lane = lax.broadcasted_iota(jnp.int32, (S_BLK, 128), 1)
    invacc = jnp.zeros((S_BLK, 1), jnp.float32)
    for k in range(NS):
        v = jnp.min(ms[0], axis=1, keepdims=True)
        nh = js[0] * 128 + lane
        n = jnp.min(jnp.where(ms[0] == v, nh, N), axis=1, keepdims=True)
        out_ref[0, :, k : k + 1] = n + b * N
        sel = lane == lax.rem(n, 128)
        for t in range(_TOPQ - 1):
            ms[t] = jnp.where(sel, ms[t + 1], ms[t])
            js[t] = jnp.where(sel, js[t + 1], js[t])
        ms[_TOPQ - 1] = jnp.where(sel, big, ms[_TOPQ - 1])
        if k < NS - 1:
            hit = jnp.max(jnp.where(sel, ms[0], 0.0), axis=1, keepdims=True)
            invacc = jnp.maximum(invacc, hit)

    @pl.when(jnp.max(invacc) >= big)
    def _slow_path():
        d2s = _compute_d2(cg_ref, xyz_ref)
        iota = lax.broadcasted_iota(jnp.int32, (S_BLK, N), 1)
        for k in range(NS):
            v = jnp.min(d2s, axis=1, keepdims=True)
            i = jnp.min(jnp.where(d2s == v, iota, N), axis=1, keepdims=True)
            out_ref[0, :, k : k + 1] = i + b * N
            d2s = jnp.where(iota == i, big, d2s)


def _d2_topk(cg, xyz_pad):
    cg3 = cg.reshape(B, S, CP)
    grid = (B, S // S_BLK)
    return pl.pallas_call(
        _d2_topk_kernel,
        grid=grid,
        in_specs=[
            pl.BlockSpec((1, S_BLK, CP), lambda b, t: (b, t, 0)),
            pl.BlockSpec((1, 8, N), lambda b, t: (b, 0, 0)),
        ],
        out_specs=pl.BlockSpec((1, S_BLK, NS), lambda b, t: (b, t, 0)),
        out_shape=jax.ShapeDtypeStruct((B, S, NS), jnp.int32),
    )(cg3, xyz_pad)



def _bn_coeffs(acc_sum, acc_sq, params, l, nch):
    mean = acc_sum[l, 0:nch] * (1.0 / M_SAMPLES)
    var = acc_sq[l, 0:nch] * (1.0 / M_SAMPLES) - mean * mean
    var = jnp.maximum(var, 0.0)
    g = params[2 * l, 0:nch]
    bb = params[2 * l + 1, 0:nch]
    a = g * lax.rsqrt(var + EPS)
    c = bb - mean * a
    return a.reshape(1, nch), c.reshape(1, nch)


def _accum(acc_sum, acc_sq, y, l, nch):
    acc_sum[l, 0:nch] += jnp.sum(y, axis=0)
    acc_sq[l, 0:nch] += jnp.sum(y * y, axis=0)


def _mlp_kernel(g3_ref, cg_ref, w0_ref, w1_ref, w2_ref, wx_ref, par_ref,
                out_ref, acc_sum, acc_sq):
    phase = pl.program_id(0)
    t = pl.program_id(1)

    @pl.when(jnp.logical_and(phase == 0, t == 0))
    def _init():
        acc_sum[...] = jnp.zeros_like(acc_sum)
        acc_sq[...] = jnp.zeros_like(acc_sq)

    x = g3_ref[...].reshape(G_SBLK * NS, CP)
    qx = cg_ref[:, 0:1]
    qy = cg_ref[:, 1:2]
    qz = cg_ref[:, 2:3]
    offs = (qx * wx_ref[0:1, :] + qy * wx_ref[1:2, :] + qz * wx_ref[2:3, :])
    offs = jnp.broadcast_to(offs[:, None, :], (G_SBLK, NS, MLP_CH[0]))
    offs = offs.reshape(G_SBLK * NS, MLP_CH[0])

    def bdot(a, wref):
        return jnp.dot(a.astype(jnp.bfloat16), wref[...].astype(jnp.bfloat16),
                       preferred_element_type=jnp.float32)

    def y1_of():
        return bdot(x, w0_ref) - offs

    def z_of(y, l, nch):
        a, c = _bn_coeffs(acc_sum, acc_sq, par_ref, l, nch)
        return jnp.maximum(y * a + c, 0.0)

    @pl.when(phase == 0)
    def _p0():
        _accum(acc_sum, acc_sq, y1_of(), 0, MLP_CH[0])

    @pl.when(phase == 1)
    def _p1():
        z1 = z_of(y1_of(), 0, MLP_CH[0])
        y2 = bdot(z1, w1_ref)
        _accum(acc_sum, acc_sq, y2, 1, MLP_CH[1])

    @pl.when(phase == 2)
    def _p2():
        z1 = z_of(y1_of(), 0, MLP_CH[0])
        y2 = bdot(z1, w1_ref)
        z2 = z_of(y2, 1, MLP_CH[1])
        y3 = bdot(z2, w2_ref)
        _accum(acc_sum, acc_sq, y3, 2, MLP_CH[2])

    @pl.when(phase == 3)
    def _p3():
        z1 = z_of(y1_of(), 0, MLP_CH[0])
        y2 = bdot(z1, w1_ref)
        z2 = z_of(y2, 1, MLP_CH[1])
        y3 = bdot(z2, w2_ref)
        z3 = z_of(y3, 2, MLP_CH[2])
        pooled = jnp.max(z3.reshape(G_SBLK, NS, MLP_CH[2]), axis=1)
        out_ref[...] = pooled


def _mlp(g3, cg, w0p, w1p, w2p, wxyz, params):
    grid = (4, MLP_TILES)
    full = lambda *_: tuple(0 for _ in range(2))
    return pl.pallas_call(
        _mlp_kernel,
        grid=grid,
        in_specs=[
            pl.BlockSpec((G_SBLK, NS, CP), lambda p, t: (t, 0, 0)),
            pl.BlockSpec((G_SBLK, CP), lambda p, t: (t, 0)),
            pl.BlockSpec((CP, MLP_CH[0]), full),
            pl.BlockSpec((MLP_CH[0], MLP_CH[1]), full),
            pl.BlockSpec((MLP_CH[1], MLP_CH[2]), full),
            pl.BlockSpec((8, MLP_CH[0]), full),
            pl.BlockSpec((8, 128), full),
        ],
        out_specs=pl.BlockSpec((G_SBLK, MLP_CH[2]), lambda p, t: (t, 0)),
        out_shape=jax.ShapeDtypeStruct((B * S, MLP_CH[2]), jnp.float32),
        scratch_shapes=[
            pltpu.VMEM((8, 128), jnp.float32),
            pltpu.VMEM((8, 128), jnp.float32),
        ],
    )(g3, cg, w0p, w1p, w2p, wxyz, params)



def kernel(xyz, points, fps_idx, W0, g0, b0, W1, g1, b1, W2, g2, b2):
    f32 = jnp.float32
    table = jnp.concatenate([xyz, points], axis=1)
    table = jnp.transpose(table, (0, 2, 1)).reshape(B * N, C_IN)
    table = jnp.pad(table, ((0, 0), (0, CP - C_IN)))

    fps_glob = (fps_idx + (jnp.arange(B, dtype=jnp.int32) * N)[:, None]).reshape(-1)

    cg = _sc_gather(table, fps_glob, 256)

    xyz_pad = jnp.pad(xyz, ((0, 0), (0, 5), (0, 0)))
    knn_glob = _d2_topk(cg, xyz_pad)

    g_rows = _sc_gather(table, knn_glob.reshape(-1), 512)
    g3 = g_rows.reshape(B * S, NS, CP)

    w0p = jnp.pad(W0, ((0, 0), (0, CP - C_IN))).T.astype(f32)
    w1p = W1.T.astype(f32)
    w2p = W2.T.astype(f32)
    wxyz = jnp.pad(W0[:, 0:3].T, ((0, 5), (0, 0))).astype(f32)
    params = jnp.zeros((8, 128), f32)
    params = params.at[0, 0:64].set(g0).at[1, 0:64].set(b0)
    params = params.at[2, 0:64].set(g1).at[3, 0:64].set(b1)
    params = params.at[4, 0:128].set(g2).at[5, 0:128].set(b2)

    pooled = _mlp(g3, cg, w0p, w1p, w2p, wxyz, params)

    new_xyz = jnp.transpose(cg[:, 0:3].reshape(B, S, 3), (0, 2, 1))
    new_points = jnp.transpose(pooled.reshape(B, S, MLP_CH[2]), (0, 2, 1))
    return (new_xyz, new_points, fps_idx)

# --- scband reference (transcript-rebuilt; emitter-appended) ---
"""Pipeline reference for scband-point-net-set-abstraction-9354438770914 (READ-ONLY COPY).

The authoritative reference and input builder live on the scoring server;
editing this copy changes nothing except your own understanding.
"""

import jax, jax.numpy as jnp
import numpy as np

B, N, S, NS, D = 8, 8192, 1024, 32, 64
MLP = [64, 64, 128]
EPS = 1e-5


def setup_inputs(seed: int = 0):
    key = jax.random.key(seed)
    ks = jax.random.split(key, 8)
    inp = {}
    inp["xyz"] = jax.random.normal(ks[0], (B, 3, N), dtype=jnp.float32)
    inp["points"] = jax.random.normal(ks[1], (B, D, N), dtype=jnp.float32)
    inp["fps_idx"] = jax.random.randint(ks[2], (B, S), 0, N, dtype=jnp.int32)
    last = D + 3
    for i, oc in enumerate(MLP):
        inp[f"W{i}"] = jax.random.normal(ks[3 + i], (oc, last), dtype=jnp.float32) * (1.0 / np.sqrt(last))
        inp[f"g{i}"] = jnp.ones((oc,), jnp.float32)
        inp[f"b{i}"] = jnp.zeros((oc,), jnp.float32)
        last = oc
    return inp


def _group(feat, knn_idx):
    # feat: [B, C, N], knn_idx: [B, S, NS] -> [B, C, S, NS]
    feat_t = jnp.transpose(feat, (0, 2, 1))
    b_idx = jnp.arange(feat.shape[0])[:, None, None]
    g = feat_t[b_idx, knn_idx]
    return jnp.transpose(g, (0, 3, 1, 2))


def _forward(xyz, points, fps_idx, Ws, gs, bs):
    # gather_operation: sample centroids
    new_xyz = jnp.take_along_axis(xyz, fps_idx[:, None, :], axis=2)  # [B, 3, S]
    # knn(nsample, new_xyz^T, xyz^T)
    q = jnp.transpose(new_xyz, (0, 2, 1))   # [B, S, 3]
    ref = jnp.transpose(xyz, (0, 2, 1))     # [B, N, 3]
    d2 = (jnp.sum(q * q, axis=-1, keepdims=True)
          - 2.0 * jnp.einsum('bsc,bnc->bsn', q, ref)
          + jnp.sum(ref * ref, axis=-1)[:, None, :])  # [B, S, N]
    _, knn_idx = jax.lax.top_k(-d2, NS)  # [B, S, NS] nearest neighbors
    # grouping_operation
    pos_diff = _group(xyz, knn_idx) - new_xyz[:, :, :, None]   # [B, 3, S, NS]
    x = jnp.concatenate([pos_diff, _group(points, knn_idx)], axis=1)  # [B, 3+D, S, NS]
    # MLP: 1x1 conv (no bias) + BatchNorm (training-mode batch stats) + ReLU
    for W, g, b in zip(Ws, gs, bs):
        x = jnp.einsum('oc,bcsn->bosn', W, x)
        mean = jnp.mean(x, axis=(0, 2, 3), keepdims=True)
        var = jnp.var(x, axis=(0, 2, 3), keepdims=True)
        x = (x - mean) / jnp.sqrt(var + EPS)
        x = x * g[None, :, None, None] + b[None, :, None, None]
        x = jax.nn.relu(x)
    new_points = jnp.max(x, axis=-1)  # [B, C_out, S]
    return new_xyz, new_points


def reference(xyz, points, fps_idx, W0, g0, b0, W1, g1, b1, W2, g2, b2):
    new_xyz, new_points = _forward(xyz, points, fps_idx,
                                   [W0, W1, W2], [g0, g1, g2], [b0, b1, b2])
    return (new_xyz, new_points, fps_idx)

if __name__ == "__main__":
    import jax
    _d = setup_inputs()
    print(jax.jit(kernel)(*tuple(_d.values())))

</pallas_src>

<mosaic_0001>
#map = affine_map<(d0, d1) -> (0, 0)>
#map1 = affine_map<(d0, d1) -> (0)>
module attributes {stable_mosaic.version = 14 : i64} {
  func.func @_sc_gather_body(%arg0: i32, %arg1: i32, %arg2: memref<65536x128xf32, #tpu.memory_space<hbm>>, %arg3: memref<262144xi32, #tpu.memory_space<hbm>>, %arg4: memref<262144x128xf32, #tpu.memory_space<hbm>>, %arg5: memref<512xi32, #tpu.memory_space<vmem>>, %arg6: memref<512x128xf32, #tpu.memory_space<vmem>>, %arg7: memref<!tpu.dma_semaphore, #tpu.memory_space<semaphore_mem>>) attributes {dimension_semantics = [#tpu.dimension_semantics<core_parallel>, #tpu.dimension_semantics<subcore_parallel>], iteration_bounds = array<i64: 2, 16>, scalar_prefetch = 0 : i64, scratch_operands = 3 : i64, tpu.core_type = #tpu.core_type<sc_vector_subcore>, window_params = [{transform_indices = #map}, {transform_indices = #map1}, {transform_indices = #map}]} {
    %mul3A = arith.constant 2 : i32
    %mul3A_0 = arith.muli %arg1, %mul3A : i32
    %add3A = arith.addi %mul3A_0, %arg0 : i32
    %mul3A_1 = arith.constant 8192 : i32
    %mul3A_2 = arith.muli %add3A, %mul3A_1 : i32
    %add3A_3 = arith.constant 0 : i32
    %add3A_4 = arith.addi %mul3A_2, %add3A_3 : i32
    "tpu.region"() ({
      %run_scoped3A = tpu.sem_alloc : memref<!tpu.dma_semaphore, #tpu.memory_space<semaphore_mem>>
      %dma_start3A_129 = tpu.memref_slice %arg3[%add3A_4] : memref<262144xi32, #tpu.memory_space<hbm>> -> memref<512xi32, #tpu.memory_space<hbm>>
      %dma_start3A_130 = tpu.memref_slice %arg3[%add3A_4] : memref<262144xi32, #tpu.memory_space<hbm>> -> memref<512xi32, #tpu.memory_space<hbm>>
      tpu.enqueue_dma source(%dma_start3A_130 : memref<512xi32, #tpu.memory_space<hbm>>) target(%arg5 : memref<512xi32, #tpu.memory_space<vmem>>) target_semaphore(%run_scoped3A : memref<!tpu.dma_semaphore, #tpu.memory_space<semaphore_mem>>)
      %dma_wait3A_131 = tpu.memref_slice %arg3[%add3A_4] : memref<262144xi32, #tpu.memory_space<hbm>> -> memref<512xi32, #tpu.memory_space<hbm>>
      %dma_wait3A_132 = tpu.memref_slice %arg3[%add3A_4] : memref<262144xi32, #tpu.memory_space<hbm>> -> memref<512xi32, #tpu.memory_space<hbm>>
      tpu.wait_dma2 semaphore(%run_scoped3A : memref<!tpu.dma_semaphore, #tpu.memory_space<semaphore_mem>>) src(%dma_wait3A_132 : memref<512xi32, #tpu.memory_space<hbm>>) dst(%arg5 : memref<512xi32, #tpu.memory_space<vmem>>)
      tpu.yield
    }) : () -> ()
    %dma_start3A = arith.constant 0 : i32
    %dma_start3A_5 = arith.constant 0 : i32
    %dma_start3A_6 = tpu.memref_slice %arg2[%dma_start3A, %dma_start3A_5] : memref<65536x128xf32, #tpu.memory_space<hbm>> -> memref<65536x128xf32, #tpu.memory_space<hbm>>
    tpu.enqueue_indirect_dma source(%dma_start3A_6 : memref<65536x128xf32, #tpu.memory_space<hbm>>) target(%arg6 : memref<512x128xf32, #tpu.memory_space<vmem>>) offsets(%arg5 : memref<512xi32, #tpu.memory_space<vmem>>) semaphore(%arg7 : memref<!tpu.dma_semaphore, #tpu.memory_space<semaphore_mem>>)
    %dma_wait3A = arith.constant 0 : i32
    %dma_wait3A_7 = arith.constant 0 : i32
    %dma_wait3A_8 = tpu.memref_slice %arg2[%dma_wait3A, %dma_wait3A_7] : memref<65536x128xf32, #tpu.memory_space<hbm>> -> memref<65536x128xf32, #tpu.memory_space<hbm>>
    tpu.wait_indirect_dma semaphore(%arg7 : memref<!tpu.dma_semaphore, #tpu.memory_space<semaphore_mem>>) src(%dma_wait3A_8 : memref<65536x128xf32, #tpu.memory_space<hbm>>) dst(%arg6 : memref<512x128xf32, #tpu.memory_space<vmem>>)
    "tpu.region"() ({
      %run_scoped3A = tpu.sem_alloc : memref<!tpu.dma_semaphore, #tpu.memory_space<semaphore_mem>>
      %dma_start3A_129 = arith.constant 0 : i32
      %dma_start3A_130 = tpu.memref_slice %arg4[%add3A_4, %dma_start3A_129] : memref<262144x128xf32, #tpu.memory_space<hbm>> -> memref<512x128xf32, #tpu.memory_space<hbm>>
      %dma_start3A_131 = arith.constant 0 : i32
      %dma_start3A_132 = tpu.memref_slice %arg4[%add3A_4, %dma_start3A_131] : memref<262144x128xf32, #tpu.memory_space<hbm>> -> memref<512x128xf32, #tpu.memory_space<hbm>>
      tpu.enqueue_dma source(%arg6 : memref<512x128xf32, #tpu.memory_space<vmem>>) target(%dma_start3A_132 : memref<512x128xf32, #tpu.memory_space<hbm>>) target_semaphore(%run_scoped3A : memref<!tpu.dma_semaphore, #tpu.memory_space<semaphore_mem>>)
      %dma_wait3A_133 = arith.constant 0 : i32
      %dma_wait3A_134 = tpu.memref_slice %arg4[%add3A_4, %dma_wait3A_133] : memref<262144x128xf32, #tpu.memory_space<hbm>> -> memref<512x128xf32, #tpu.memory_space<hbm>>
      %dma_wait3A_135 = arith.constant 0 : i32
      %dma_wait3A_136 = tpu.memref_slice %arg4[%add3A_4, %dma_wait3A_135] : memref<262144x128xf32, #tpu.memory_space<hbm>> -> memref<512x128xf32, #tpu.memory_space<hbm>>
      tpu.wait_dma2 semaphore(%run_scoped3A : memref<!tpu.dma_semaphore, #tpu.memory_space<semaphore_mem>>) src(%arg6 : memref<512x128xf32, #tpu.memory_space<vmem>>) dst(%dma_wait3A_136 : memref<512x128xf32, #tpu.memory_space<hbm>>)
      tpu.yield
    }) : () -> ()
    %add3A_9 = arith.constant 512 : i32
    %add3A_10 = arith.addi %mul3A_2, %add3A_9 : i32
    "tpu.region"() ({
      %run_scoped3A = tpu.sem_alloc : memref<!tpu.dma_semaphore, #tpu.memory_space<semaphore_mem>>
      %dma_start3A_129 = tpu.memref_slice %arg3[%add3A_10] : memref<262144xi32, #tpu.memory_space<hbm>> -> memref<512xi32, #tpu.memory_space<hbm>>
      %dma_start3A_130 = tpu.memref_slice %arg3[%add3A_10] : memref<262144xi32, #tpu.memory_space<hbm>> -> memref<512xi32, #tpu.memory_space<hbm>>
      tpu.enqueue_dma source(%dma_start3A_130 : memref<512xi32, #tpu.memory_space<hbm>>) target(%arg5 : memref<512xi32, #tpu.memory_space<vmem>>) target_semaphore(%run_scoped3A : memref<!tpu.dma_semaphore, #tpu.memory_space<semaphore_mem>>)
      %dma_wait3A_131 = tpu.memref_slice %arg3[%add3A_10] : memref<262144xi32, #tpu.memory_space<hbm>> -> memref<512xi32, #tpu.memory_space<hbm>>
      %dma_wait3A_132 = tpu.memref_slice %arg3[%add3A_10] : memref<262144xi32, #tpu.memory_space<hbm>> -> memref<512xi32, #tpu.memory_space<hbm>>
      tpu.wait_dma2 semaphore(%run_scoped3A : memref<!tpu.dma_semaphore, #tpu.memory_space<semaphore_mem>>) src(%dma_wait3A_132 : memref<512xi32, #tpu.memory_space<hbm>>) dst(%arg5 : memref<512xi32, #tpu.memory_space<vmem>>)
      tpu.yield
    }) : () -> ()
    %dma_start3A_11 = arith.constant 0 : i32
    %dma_start3A_12 = arith.constant 0 : i32
    %dma_start3A_13 = tpu.memref_slice %arg2[%dma_start3A_11, %dma_start3A_12] : memref<65536x128xf32, #tpu.memory_space<hbm>> -> memref<65536x128xf32, #tpu.memory_space<hbm>>
    tpu.enqueue_indirect_dma source(%dma_start3A_13 : memref<65536x128xf32, #tpu.memory_space<hbm>>) target(%arg6 : memref<512x128xf32, #tpu.memory_space<vmem>>) offsets(%arg5 : memref<512xi32, #tpu.memory_space<vmem>>) semaphore(%arg7 : memref<!tpu.dma_semaphore, #tpu.memory_space<semaphore_mem>>)
    %dma_wait3A_14 = arith.constant 0 : i32
    %dma_wait3A_15 = arith.constant 0 : i32
    %dma_wait3A_16 = tpu.memref_slice %arg2[%dma_wait3A_14, %dma_wait3A_15] : memref<65536x128xf32, #tpu.memory_space<hbm>> -> memref<65536x128xf32, #tpu.memory_space<hbm>>
    tpu.wait_indirect_dma semaphore(%arg7 : memref<!tpu.dma_semaphore, #tpu.memory_space<semaphore_mem>>) src(%dma_wait3A_16 : memref<65536x128xf32, #tpu.memory_space<hbm>>) dst(%arg6 : memref<512x128xf32, #tpu.memory_space<vmem>>)
    "tpu.region"() ({
      %run_scoped3A = tpu.sem_alloc : memref<!tpu.dma_semaphore, #tpu.memory_space<semaphore_mem>>
      %dma_start3A_129 = arith.constant 0 : i32
      %dma_start3A_130 = tpu.memref_slice %arg4[%add3A_10, %dma_start3A_129] : memref<262144x128xf32, #tpu.memory_space<hbm>> -> memref<512x128xf32, #tpu.memory_space<hbm>>
      %dma_start3A_131 = arith.constant 0 : i32
      %dma_start3A_132 = tpu.memref_slice %arg4[%add3A_10, %dma_start3A_131] : memref<262144x128xf32, #tpu.memory_space<hbm>> -> memref<512x128xf32, #tpu.memory_space<hbm>>
      tpu.enqueue_dma source(%arg6 : memref<512x128xf32, #tpu.memory_space<vmem>>) target(%dma_start3A_132 : memref<512x128xf32, #tpu.memory_space<hbm>>) target_semaphore(%run_scoped3A : memref<!tpu.dma_semaphore, #tpu.memory_space<semaphore_mem>>)
      %dma_wait3A_133 = arith.constant 0 : i32
      %dma_wait3A_134 = tpu.memref_slice %arg4[%add3A_10, %dma_wait3A_133] : memref<262144x128xf32, #tpu.memory_space<hbm>> -> memref<512x128xf32, #tpu.memory_space<hbm>>
      %dma_wait3A_135 = arith.constant 0 : i32
      %dma_wait3A_136 = tpu.memref_slice %arg4[%add3A_10, %dma_wait3A_135] : memref<262144x128xf32, #tpu.memory_space<hbm>> -> memref<512x128xf32, #tpu.memory_space<hbm>>
      tpu.wait_dma2 semaphore(%run_scoped3A : memref<!tpu.dma_semaphore, #tpu.memory_space<semaphore_mem>>) src(%arg6 : memref<512x128xf32, #tpu.memory_space<vmem>>) dst(%dma_wait3A_136 : memref<512x128xf32, #tpu.memory_space<hbm>>)
      tpu.yield
    }) : () -> ()
    %add3A_17 = arith.constant 1024 : i32
    %add3A_18 = arith.addi %mul3A_2, %add3A_17 : i32
    "tpu.region"() ({
      %run_scoped3A = tpu.sem_alloc : memref<!tpu.dma_semaphore, #tpu.memory_space<semaphore_mem>>
      %dma_start3A_129 = tpu.memref_slice %arg3[%add3A_18] : memref<262144xi32, #tpu.memory_space<hbm>> -> memref<512xi32, #tpu.memory_space<hbm>>
      %dma_start3A_130 = tpu.memref_slice %arg3[%add3A_18] : memref<262144xi32, #tpu.memory_space<hbm>> -> memref<512xi32, #tpu.memory_space<hbm>>
      tpu.enqueue_dma source(%dma_start3A_130 : memref<512xi32, #tpu.memory_space<hbm>>) target(%arg5 : memref<512xi32, #tpu.memory_space<vmem>>) target_semaphore(%run_scoped3A : memref<!tpu.dma_semaphore, #tpu.memory_space<semaphore_mem>>)
      %dma_wait3A_131 = tpu.memref_slice %arg3[%add3A_18] : memref<262144xi32, #tpu.memory_space<hbm>> -> memref<512xi32, #tpu.memory_space<hbm>>
      %dma_wait3A_132 = tpu.memref_slice %arg3[%add3A_18] : memref<262144xi32, #tpu.memory_space<hbm>> -> memref<512xi32, #tpu.memory_space<hbm>>
      tpu.wait_dma2 semaphore(%run_scoped3A : memref<!tpu.dma_semaphore, #tpu.memory_space<semaphore_mem>>) src(%dma_wait3A_132 : memref<512xi32, #tpu.memory_space<hbm>>) dst(%arg5 : memref<512xi32, #tpu.memory_space<vmem>>)
      tpu.yield
    }) : () -> ()
    %dma_start3A_19 = arith.constant 0 : i32
    %dma_start3A_20 = arith.constant 0 : i32
    %dma_start3A_21 = tpu.memref_slice %arg2[%dma_start3A_19, %dma_start3A_20] : memref<65536x128xf32, #tpu.memory_space<hbm>> -> memref<65536x128xf32, #tpu.memory_space<hbm>>
    tpu.enqueue_indirect_dma source(%dma_start3A_21 : memref<65536x128xf32, #tpu.memory_space<hbm>>) target(%arg6 : memref<512x128xf32, #tpu.memory_space<vmem>>) offsets(%arg5 : memref<512xi32, #tpu.memory_space<vmem>>) semaphore(%arg7 : memref<!tpu.dma_semaphore, #tpu.memory_space<semaphore_mem>>)
    %dma_wait3A_22 = arith.constant 0 : i32
    %dma_wait3A_23 = arith.constant 0 : i32
    %dma_wait3A_24 = tpu.memref_slice %arg2[%dma_wait3A_22, %dma_wait3A_23] : memref<65536x128xf32, #tpu.memory_space<hbm>> -> memref<65536x128xf32, #tpu.memory_space<hbm>>
    tpu.wait_indirect_dma semaphore(%arg7 : memref<!tpu.dma_semaphore, #tpu.memory_space<semaphore_mem>>) src(%dma_wait3A_24 : memref<65536x128xf32, #tpu.memory_space<hbm>>) dst(%arg6 : memref<512x128xf32, #tpu.memory_space<vmem>>)
    "tpu.region"() ({
      %run_scoped3A = tpu.sem_alloc : memref<!tpu.dma_semaphore, #tpu.memory_space<semaphore_mem>>
      %dma_start3A_129 = arith.constant 0 : i32
      %dma_start3A_130 = tpu.memref_slice %arg4[%add3A_18, %dma_start3A_129] : memref<262144x128xf32, #tpu.memory_space<hbm>> -> memref<512x128xf32, #tpu.memory_space<hbm>>
      %dma_start3A_131 = arith.constant 0 : i32
      %dma_start3A_132 = tpu.memref_slice %arg4[%add3A_18, %dma_start3A_131] : memref<262144x128xf32, #tpu.memory_space<hbm>> -> memref<512x128xf32, #tpu.memory_space<hbm>>
      tpu.enqueue_dma source(%arg6 : memref<512x128xf32, #tpu.memory_space<vmem>>) target(%dma_start3A_132 : memref<512x128xf32, #tpu.memory_space<hbm>>) target_semaphore(%run_scoped3A : memref<!tpu.dma_semaphore, #tpu.memory_space<semaphore_mem>>)
      %dma_wait3A_133 = arith.constant 0 : i32
      %dma_wait3A_134 = tpu.memref_slice %arg4[%add3A_18, %dma_wait3A_133] : memref<262144x128xf32, #tpu.memory_space<hbm>> -> memref<512x128xf32, #tpu.memory_space<hbm>>
      %dma_wait3A_135 = arith.constant 0 : i32
      %dma_wait3A_136 = tpu.memref_slice %arg4[%add3A_18, %dma_wait3A_135] : memref<262144x128xf32, #tpu.memory_space<hbm>> -> memref<512x128xf32, #tpu.memory_space<hbm>>
      tpu.wait_dma2 semaphore(%run_scoped3A : memref<!tpu.dma_semaphore, #tpu.memory_space<semaphore_mem>>) src(%arg6 : memref<512x128xf32, #tpu.memory_space<vmem>>) dst(%dma_wait3A_136 : memref<512x128xf32, #tpu.memory_space<hbm>>)
      tpu.yield
    }) : () -> ()
    %add3A_25 = arith.constant 1536 : i32
    %add3A_26 = arith.addi %mul3A_2, %add3A_25 : i32
    "tpu.region"() ({
      %run_scoped3A = tpu.sem_alloc : memref<!tpu.dma_semaphore, #tpu.memory_space<semaphore_mem>>
      %dma_start3A_129 = tpu.memref_slice %arg3[%add3A_26] : memref<262144xi32, #tpu.memory_space<hbm>> -> memref<512xi32, #tpu.memory_space<hbm>>
      %dma_start3A_130 = tpu.memref_slice %arg3[%add3A_26] : memref<262144xi32, #tpu.memory_space<hbm>> -> memref<512xi32, #tpu.memory_space<hbm>>
      tpu.enqueue_dma source(%dma_start3A_130 : memref<512xi32, #tpu.memory_space<hbm>>) target(%arg5 : memref<512xi32, #tpu.memory_space<vmem>>) target_semaphore(%run_scoped3A : memref<!tpu.dma_semaphore, #tpu.memory_space<semaphore_mem>>)
      %dma_wait3A_131 = tpu.memref_slice %arg3[%add3A_26] : memref<262144xi32, #tpu.memory_space<hbm>> -> memref<512xi32, #tpu.memory_space<hbm>>
      %dma_wait3A_132 = tpu.memref_slice %arg3[%add3A_26] : memref<262144xi32, #tpu.memory_space<hbm>> -> memref<512xi32, #tpu.memory_space<hbm>>
      tpu.wait_dma2 semaphore(%run_scoped3A : memref<!tpu.dma_semaphore, #tpu.memory_space<semaphore_mem>>) src(%dma_wait3A_132 : memref<512xi32, #tpu.memory_space<hbm>>) dst(%arg5 : memref<512xi32, #tpu.memory_space<vmem>>)
      tpu.yield
    }) : () -> ()
    %dma_start3A_27 = arith.constant 0 : i32
    %dma_start3A_28 = arith.constant 0 : i32
    %dma_start3A_29 = tpu.memref_slice %arg2[%dma_start3A_27, %dma_start3A_28] : memref<65536x128xf32, #tpu.memory_space<hbm>> -> memref<65536x128xf32, #tpu.memory_space<hbm>>
    tpu.enqueue_indirect_dma source(%dma_start3A_29 : memref<65536x128xf32, #tpu.memory_space<hbm>>) target(%arg6 : memref<512x128xf32, #tpu.memory_space<vmem>>) offsets(%arg5 : memref<512xi32, #tpu.memory_space<vmem>>) semaphore(%arg7 : memref<!tpu.dma_semaphore, #tpu.memory_space<semaphore_mem>>)
    %dma_wait3A_30 = arith.constant 0 : i32
    %dma_wait3A_31 = arith.constant 0 : i32
    %dma_wait3A_32 = tpu.memref_slice %arg2[%dma_wait3A_30, %dma_wait3A_31] : memref<65536x128xf32, #tpu.memory_space<hbm>> -> memref<65536x128xf32, #tpu.memory_space<hbm>>
    tpu.wait_indirect_dma semaphore(%arg7 : memref<!tpu.dma_semaphore, #tpu.memory_space<semaphore_mem>>) src(%dma_wait3A_32 : memref<65536x128xf32, #tpu.memory_space<hbm>>) dst(%arg6 : memref<512x128xf32, #tpu.memory_space<vmem>>)
    "tpu.region"() ({
      %run_scoped3A = tpu.sem_alloc : memref<!tpu.dma_semaphore, #tpu.memory_space<semaphore_mem>>
      %dma_start3A_129 = arith.constant 0 : i32
      %dma_start3A_130 = tpu.memref_slice %arg4[%add3A_26, %dma_start3A_129] : memref<262144x128xf32, #tpu.memory_space<hbm>> -> memref<512x128xf32, #tpu.memory_space<hbm>>
      %dma_start3A_131 = arith.constant 0 : i32
      %dma_start3A_132 = tpu.memref_slice %arg4[%add3A_26, %dma_start3A_131] : memref<262144x128xf32, #tpu.memory_space<hbm>> -> memref<512x128xf32, #tpu.memory_space<hbm>>
      tpu.enqueue_dma source(%arg6 : memref<512x128xf32, #tpu.memory_space<vmem>>) target(%dma_start3A_132 : memref<512x128xf32, #tpu.memory_space<hbm>>) target_semaphore(%run_scoped3A : memref<!tpu.dma_semaphore, #tpu.memory_space<semaphore_mem>>)
      %dma_wait3A_133 = arith.constant 0 : i32
      %dma_wait3A_134 = tpu.memref_slice %arg4[%add3A_26, %dma_wait3A_133] : memref<262144x128xf32, #tpu.memory_space<hbm>> -> memref<512x128xf32, #tpu.memory_space<hbm>>
      %dma_wait3A_135 = arith.constant 0 : i32
      %dma_wait3A_136 = tpu.memref_slice %arg4[%add3A_26, %dma_wait3A_135] : memref<262144x128xf32, #tpu.memory_space<hbm>> -> memref<512x128xf32, #tpu.memory_space<hbm>>
      tpu.wait_dma2 semaphore(%run_scoped3A : memref<!tpu.dma_semaphore, #tpu.memory_space<semaphore_mem>>) src(%arg6 : memref<512x128xf32, #tpu.memory_space<vmem>>) dst(%dma_wait3A_136 : memref<512x128xf32, #tpu.memory_space<hbm>>)
      tpu.yield
    }) : () -> ()
    %add3A_33 = arith.constant 2048 : i32
    %add3A_34 = arith.addi %mul3A_2, %add3A_33 : i32
    "tpu.region"() ({
      %run_scoped3A = tpu.sem_alloc : memref<!tpu.dma_semaphore, #tpu.memory_space<semaphore_mem>>
      %dma_start3A_129 = tpu.memref_slice %arg3[%add3A_34] : memref<262144xi32, #tpu.memory_space<hbm>> -> memref<512xi32, #tpu.memory_space<hbm>>
      %dma_start3A_130 = tpu.memref_slice %arg3[%add3A_34] : memref<262144xi32, #tpu.memory_space<hbm>> -> memref<512xi32, #tpu.memory_space<hbm>>
      tpu.enqueue_dma source(%dma_start3A_130 : memref<512xi32, #tpu.memory_space<hbm>>) target(%arg5 : memref<512xi32, #tpu.memory_space<vmem>>) target_semaphore(%run_scoped3A : memref<!tpu.dma_semaphore, #tpu.memory_space<semaphore_mem>>)
      %dma_wait3A_131 = tpu.memref_slice %arg3[%add3A_34] : memref<262144xi32, #tpu.memory_space<hbm>> -> memref<512xi32, #tpu.memory_space<hbm>>
      %dma_wait3A_132 = tpu.memref_slice %arg3[%add3A_34] : memref<262144xi32, #tpu.memory_space<hbm>> -> memref<512xi32, #tpu.memory_space<hbm>>
      tpu.wait_dma2 semaphore(%run_scoped3A : memref<!tpu.dma_semaphore, #tpu.memory_space<semaphore_mem>>) src(%dma_wait3A_132 : memref<512xi32, #tpu.memory_space<hbm>>) dst(%arg5 : memref<512xi32, #tpu.memory_space<vmem>>)
      tpu.yield
    }) : () -> ()
    %dma_start3A_35 = arith.constant 0 : i32
    %dma_start3A_36 = arith.constant 0 : i32
    %dma_start3A_37 = tpu.memref_slice %arg2[%dma_start3A_35, %dma_start3A_36] : memref<65536x128xf32, #tpu.memory_space<hbm>> -> memref<65536x128xf32, #tpu.memory_space<hbm>>
    tpu.enqueue_indirect_dma source(%dma_start3A_37 : memref<65536x128xf32, #tpu.memory_space<hbm>>) target(%arg6 : memref<512x128xf32, #tpu.memory_space<vmem>>) offsets(%arg5 : memref<512xi32, #tpu.memory_space<vmem>>) semaphore(%arg7 : memref<!tpu.dma_semaphore, #tpu.memory_space<semaphore_mem>>)
    %dma_wait3A_38 = arith.constant 0 : i32
    %dma_wait3A_39 = arith.constant 0 : i32
    %dma_wait3A_40 = tpu.memref_slice %arg2[%dma_wait3A_38, %dma_wait3A_39] : memref<65536x128xf32, #tpu.memory_space<hbm>> -> memref<65536x128xf32, #tpu.memory_space<hbm>>
    tpu.wait_indirect_dma semaphore(%arg7 : memref<!tpu.dma_semaphore, #tpu.memory_space<semaphore_mem>>) src(%dma_wait3A_40 : memref<65536x128xf32, #tpu.memory_space<hbm>>) dst(%arg6 : memref<512x128xf32, #tpu.memory_space<vmem>>)
    "tpu.region"() ({
      %run_scoped3A = tpu.sem_alloc : memref<!tpu.dma_semaphore, #tpu.memory_space<semaphore_mem>>
      %dma_start3A_129 = arith.constant 0 : i32
      %dma_start3A_130 = tpu.memref_slice %arg4[%add3A_34, %dma_start3A_129] : memref<262144x128xf32, #tpu.memory_space<hbm>> -> memref<512x128xf32, #tpu.memory_space<hbm>>
      %dma_start3A_131 = arith.constant 0 : i32
      %dma_start3A_132 = tpu.memref_slice %arg4[%add3A_34, %dma_start3A_131] : memref<262144x128xf32, #tpu.memory_space<hbm>> -> memref<512x128xf32, #tpu.memory_space<hbm>>
      tpu.enqueue_dma source(%arg6 : memref<512x128xf32, #tpu.memory_space<vmem>>) target(%dma_start3A_132 : memref<512x128xf32, #tpu.memory_space<hbm>>) target_semaphore(%run_scoped3A : memref<!tpu.dma_semaphore, #tpu.memory_space<semaphore_mem>>)
      %dma_wait3A_133 = arith.constant 0 : i32
      %dma_wait3A_134 = tpu.memref_slice %arg4[%add3A_34, %dma_wait3A_133] : memref<262144x128xf32, #tpu.memory_space<hbm>> -> memref<512x128xf32, #tpu.memory_space<hbm>>
      %dma_wait3A_135 = arith.constant 0 : i32
      %dma_wait3A_136 = tpu.memref_slice %arg4[%add3A_34, %dma_wait3A_135] : memref<262144x128xf32, #tpu.memory_space<hbm>> -> memref<512x128xf32, #tpu.memory_space<hbm>>
      tpu.wait_dma2 semaphore(%run_scoped3A : memref<!tpu.dma_semaphore, #tpu.memory_space<semaphore_mem>>) src(%arg6 : memref<512x128xf32, #tpu.memory_space<vmem>>) dst(%dma_wait3A_136 : memref<512x128xf32, #tpu.memory_space<hbm>>)
      tpu.yield
    }) : () -> ()
    %add3A_41 = arith.constant 2560 : i32
    %add3A_42 = arith.addi %mul3A_2, %add3A_41 : i32
    "tpu.region"() ({
      %run_scoped3A = tpu.sem_alloc : memref<!tpu.dma_semaphore, #tpu.memory_space<semaphore_mem>>
      %dma_start3A_129 = tpu.memref_slice %arg3[%add3A_42] : memref<262144xi32, #tpu.memory_space<hbm>> -> memref<512xi32, #tpu.memory_space<hbm>>
      %dma_start3A_130 = tpu.memref_slice %arg3[%add3A_42] : memref<262144xi32, #tpu.memory_space<hbm>> -> memref<512xi32, #tpu.memory_space<hbm>>
      tpu.enqueue_dma source(%dma_start3A_130 : memref<512xi32, #tpu.memory_space<hbm>>) target(%arg5 : memref<512xi32, #tpu.memory_space<vmem>>) target_semaphore(%run_scoped3A : memref<!tpu.dma_semaphore, #tpu.memory_space<semaphore_mem>>)
      %dma_wait3A_131 = tpu.memref_slice %arg3[%add3A_42] : memref<262144xi32, #tpu.memory_space<hbm>> -> memref<512xi32, #tpu.memory_space<hbm>>
      %dma_wait3A_132 = tpu.memref_slice %arg3[%add3A_42] : memref<262144xi32, #tpu.memory_space<hbm>> -> memref<512xi32, #tpu.memory_space<hbm>>
      tpu.wait_dma2 semaphore(%run_scoped3A : memref<!tpu.dma_semaphore, #tpu.memory_space<semaphore_mem>>) src(%dma_wait3A_132 : memref<512xi32, #tpu.memory_space<hbm>>) dst(%arg5 : memref<512xi32, #tpu.memory_space<vmem>>)
      tpu.yield
    }) : () -> ()
    %dma_start3A_43 = arith.constant 0 : i32
    %dma_start3A_44 = arith.constant 0 : i32
    %dma_start3A_45 = tpu.memref_slice %arg2[%dma_start3A_43, %dma_start3A_44] : memref<65536x128xf32, #tpu.memory_space<hbm>> -> memref<65536x128xf32, #tpu.memory_space<hbm>>
    tpu.enqueue_indirect_dma source(%dma_start3A_45 : memref<65536x128xf32, #tpu.memory_space<hbm>>) target(%arg6 : memref<512x128xf32, #tpu.memory_space<vmem>>) offsets(%arg5 : memref<512xi32, #tpu.memory_space<vmem>>) semaphore(%arg7 : memref<!tpu.dma_semaphore, #tpu.memory_space<semaphore_mem>>)
    %dma_wait3A_46 = arith.constant 0 : i32
    %dma_wait3A_47 = arith.constant 0 : i32
    %dma_wait3A_48 = tpu.memref_slice %arg2[%dma_wait3A_46, %dma_wait3A_47] : memref<65536x128xf32, #tpu.memory_space<hbm>> -> memref<65536x128xf32, #tpu.memory_space<hbm>>
    tpu.wait_indirect_dma semaphore(%arg7 : memref<!tpu.dma_semaphore, #tpu.memory_space<semaphore_mem>>) src(%dma_wait3A_48 : memref<65536x128xf32, #tpu.memory_space<hbm>>) dst(%arg6 : memref<512x128xf32, #tpu.memory_space<vmem>>)
    "tpu.region"() ({
      %run_scoped3A = tpu.sem_alloc : memref<!tpu.dma_semaphore, #tpu.memory_space<semaphore_mem>>
      %dma_start3A_129 = arith.constant 0 : i32
      %dma_start3A_130 = tpu.memref_slice %arg4[%add3A_42, %dma_start3A_129] : memref<262144x128xf32, #tpu.memory_space<hbm>> -> memref<512x128xf32, #tpu.memory_space<hbm>>
      %dma_start3A_131 = arith.constant 0 : i32
      %dma_start3A_132 = tpu.memref_slice %arg4[%add3A_42, %dma_start3A_131] : memref<262144x128xf32, #tpu.memory_space<hbm>> -> memref<512x128xf32, #tpu.memory_space<hbm>>
      tpu.enqueue_dma source(%arg6 : memref<512x128xf32, #tpu.memory_space<vmem>>) target(%dma_start3A_132 : memref<512x128xf32, #tpu.memory_space<hbm>>) target_semaphore(%run_scoped3A : memref<!tpu.dma_semaphore, #tpu.memory_space<semaphore_mem>>)
      %dma_wait3A_133 = arith.constant 0 : i32
      %dma_wait3A_134 = tpu.memref_slice %arg4[%add3A_42, %dma_wait3A_133] : memref<262144x128xf32, #tpu.memory_space<hbm>> -> memref<512x128xf32, #tpu.memory_space<hbm>>
      %dma_wait3A_135 = arith.constant 0 : i32
      %dma_wait3A_136 = tpu.memref_slice %arg4[%add3A_42, %dma_wait3A_135] : memref<262144x128xf32, #tpu.memory_space<hbm>> -> memref<512x128xf32, #tpu.memory_space<hbm>>
      tpu.wait_dma2 semaphore(%run_scoped3A : memref<!tpu.dma_semaphore, #tpu.memory_space<semaphore_mem>>) src(%arg6 : memref<512x128xf32, #tpu.memory_space<vmem>>) dst(%dma_wait3A_136 : memref<512x128xf32, #tpu.memory_space<hbm>>)
      tpu.yield
    }) : () -> ()
    %add3A_49 = arith.constant 3072 : i32
    %add3A_50 = arith.addi %mul3A_2, %add3A_49 : i32
    "tpu.region"() ({
      %run_scoped3A = tpu.sem_alloc : memref<!tpu.dma_semaphore, #tpu.memory_space<semaphore_mem>>
      %dma_start3A_129 = tpu.memref_slice %arg3[%add3A_50] : memref<262144xi32, #tpu.memory_space<hbm>> -> memref<512xi32, #tpu.memory_space<hbm>>
      %dma_start3A_130 = tpu.memref_slice %arg3[%add3A_50] : memref<262144xi32, #tpu.memory_space<hbm>> -> memref<512xi32, #tpu.memory_space<hbm>>
      tpu.enqueue_dma source(%dma_start3A_130 : memref<512xi32, #tpu.memory_space<hbm>>) target(%arg5 : memref<512xi32, #tpu.memory_space<vmem>>) target_semaphore(%run_scoped3A : memref<!tpu.dma_semaphore, #tpu.memory_space<semaphore_mem>>)
      %dma_wait3A_131 = tpu.memref_slice %arg3[%add3A_50] : memref<262144xi32, #tpu.memory_space<hbm>> -> memref<512xi32, #tpu.memory_space<hbm>>
      %dma_wait3A_132 = tpu.memref_slice %arg3[%add3A_50] : memref<262144xi32, #tpu.memory_space<hbm>> -> memref<512xi32, #tpu.memory_space<hbm>>
      tpu.wait_dma2 semaphore(%run_scoped3A : memref<!tpu.dma_semaphore, #tpu.memory_space<semaphore_mem>>) src(%dma_wait3A_132 : memref<512xi32, #tpu.memory_space<hbm>>) dst(%arg5 : memref<512xi32, #tpu.memory_space<vmem>>)
      tpu.yield
    }) : () -> ()
    %dma_start3A_51 = arith.constant 0 : i32
    %dma_start3A_52 = arith.constant 0 : i32
    %dma_start3A_53 = tpu.memref_slice %arg2[%dma_start3A_51, %dma_start3A_52] : memref<65536x128xf32, #tpu.memory_space<hbm>> -> memref<65536x128xf32, #tpu.memory_space<hbm>>
    tpu.enqueue_indirect_dma source(%dma_start3A_53 : memref<65536x128xf32, #tpu.memory_space<hbm>>) target(%arg6 : memref<512x128xf32, #tpu.memory_space<vmem>>) offsets(%arg5 : memref<512xi32, #tpu.memory_space<vmem>>) semaphore(%arg7 : memref<!tpu.dma_semaphore, #tpu.memory_space<semaphore_mem>>)
    %dma_wait3A_54 = arith.constant 0 : i32
    %dma_wait3A_55 = arith.constant 0 : i32
    %dma_wait3A_56 = tpu.memref_slice %arg2[%dma_wait3A_54, %dma_wait3A_55] : memref<65536x128xf32, #tpu.memory_space<hbm>> -> memref<65536x128xf32, #tpu.memory_space<hbm>>
    tpu.wait_indirect_dma semaphore(%arg7 : memref<!tpu.dma_semaphore, #tpu.memory_space<semaphore_mem>>) src(%dma_wait3A_56 : memref<65536x128xf32, #tpu.memory_space<hbm>>) dst(%arg6 : memref<512x128xf32, #tpu.memory_space<vmem>>)
    "tpu.region"() ({
      %run_scoped3A = tpu.sem_alloc : memref<!tpu.dma_semaphore, #tpu.memory_space<semaphore_mem>>
      %dma_start3A_129 = arith.constant 0 : i32
      %dma_start3A_130 = tpu.memref_slice %arg4[%add3A_50, %dma_start3A_129] : memref<262144x128xf32, #tpu.memory_space<hbm>> -> memref<512x128xf32, #tpu.memory_space<hbm>>
      %dma_start3A_131 = arith.constant 0 : i32
      %dma_start3A_132 = tpu.memref_slice %arg4[%add3A_50, %dma_start3A_131] : memref<262144x128xf32, #tpu.memory_space<hbm>> -> memref<512x128xf32, #tpu.memory_space<hbm>>
      tpu.enqueue_dma source(%arg6 : memref<512x128xf32, #tpu.memory_space<vmem>>) target(%dma_start3A_132 : memref<512x128xf32, #tpu.memory_space<hbm>>) target_semaphore(%run_scoped3A : memref<!tpu.dma_semaphore, #tpu.memory_space<semaphore_mem>>)
      %dma_wait3A_133 = arith.constant 0 : i32
      %dma_wait3A_134 = tpu.memref_slice %arg4[%add3A_50, %dma_wait3A_133] : memref<262144x128xf32, #tpu.memory_space<hbm>> -> memref<512x128xf32, #tpu.memory_space<hbm>>
      %dma_wait3A_135 = arith.constant 0 : i32
      %dma_wait3A_136 = tpu.memref_slice %arg4[%add3A_50, %dma_wait3A_135] : memref<262144x128xf32, #tpu.memory_space<hbm>> -> memref<512x128xf32, #tpu.memory_space<hbm>>
      tpu.wait_dma2 semaphore(%run_scoped3A : memref<!tpu.dma_semaphore, #tpu.memory_space<semaphore_mem>>) src(%arg6 : memref<512x128xf32, #tpu.memory_space<vmem>>) dst(%dma_wait3A_136 : memref<512x128xf32, #tpu.memory_space<hbm>>)
      tpu.yield
    }) : () -> ()
    %add3A_57 = arith.constant 3584 : i32
    %add3A_58 = arith.addi %mul3A_2, %add3A_57 : i32
    "tpu.region"() ({
      %run_scoped3A = tpu.sem_alloc : memref<!tpu.dma_semaphore, #tpu.memory_space<semaphore_mem>>
      %dma_start3A_129 = tpu.memref_slice %arg3[%add3A_58] : memref<262144xi32, #tpu.memory_space<hbm>> -> memref<512xi32, #tpu.memory_space<hbm>>
      %dma_start3A_130 = tpu.memref_slice %arg3[%add3A_58] : memref<262144xi32, #tpu.memory_space<hbm>> -> memref<512xi32, #tpu.memory_space<hbm>>
      tpu.enqueue_dma source(%dma_start3A_130 : memref<512xi32, #tpu.memory_space<hbm>>) target(%arg5 : memref<512xi32, #tpu.memory_space<vmem>>) target_semaphore(%run_scoped3A : memref<!tpu.dma_semaphore, #tpu.memory_space<semaphore_mem>>)
      %dma_wait3A_131 = tpu.memref_slice %arg3[%add3A_58] : memref<262144xi32, #tpu.memory_space<hbm>> -> memref<512xi32, #tpu.memory_space<hbm>>
      %dma_wait3A_132 = tpu.memref_slice %arg3[%add3A_58] : memref<262144xi32, #tpu.memory_space<hbm>> -> memref<512xi32, #tpu.memory_space<hbm>>
      tpu.wait_dma2 semaphore(%run_scoped3A : memref<!tpu.dma_semaphore, #tpu.memory_space<semaphore_mem>>) src(%dma_wait3A_132 : memref<512xi32, #tpu.memory_space<hbm>>) dst(%arg5 : memref<512xi32, #tpu.memory_space<vmem>>)
      tpu.yield
    }) : () -> ()
    %dma_start3A_59 = arith.constant 0 : i32
    %dma_start3A_60 = arith.constant 0 : i32
    %dma_start3A_61 = tpu.memref_slice %arg2[%dma_start3A_59, %dma_start3A_60] : memref<65536x128xf32, #tpu.memory_space<hbm>> -> memref<65536x128xf32, #tpu.memory_space<hbm>>
    tpu.enqueue_indirect_dma source(%dma_start3A_61 : memref<65536x128xf32, #tpu.memory_space<hbm>>) target(%arg6 : memref<512x128xf32, #tpu.memory_space<vmem>>) offsets(%arg5 : memref<512xi32, #tpu.memory_space<vmem>>) semaphore(%arg7 : memref<!tpu.dma_semaphore, #tpu.memory_space<semaphore_mem>>)
    %dma_wait3A_62 = arith.constant 0 : i32
    %dma_wait3A_63 = arith.constant 0 : i32
    %dma_wait3A_64 = tpu.memref_slice %arg2[%dma_wait3A_62, %dma_wait3A_63] : memref<65536x128xf32, #tpu.memory_space<hbm>> -> memref<65536x128xf32, #tpu.memory_space<hbm>>
    tpu.wait_indirect_dma semaphore(%arg7 : memref<!tpu.dma_semaphore, #tpu.memory_space<semaphore_mem>>) src(%dma_wait3A_64 : memref<65536x128xf32, #tpu.memory_space<hbm>>) dst(%arg6 : memref<512x128xf32, #tpu.memory_space<vmem>>)
    "tpu.region"() ({
      %run_scoped3A = tpu.sem_alloc : memref<!tpu.dma_semaphore, #tpu.memory_space<semaphore_mem>>
      %dma_start3A_129 = arith.constant 0 : i32
      %dma_start3A_130 = tpu.memref_slice %arg4[%add3A_58, %dma_start3A_129] : memref<262144x128xf32, #tpu.memory_space<hbm>> -> memref<512x128xf32, #tpu.memory_space<hbm>>
      %dma_start3A_131 = arith.constant 0 : i32
      %dma_start3A_132 = tpu.memref_slice %arg4[%add3A_58, %dma_start3A_131] : memref<262144x128xf32, #tpu.memory_space<hbm>> -> memref<512x128xf32, #tpu.memory_space<hbm>>
      tpu.enqueue_dma source(%arg6 : memref<512x128xf32, #tpu.memory_space<vmem>>) target(%dma_start3A_132 : memref<512x128xf32, #tpu.memory_space<hbm>>) target_semaphore(%run_scoped3A : memref<!tpu.dma_semaphore, #tpu.memory_space<semaphore_mem>>)
      %dma_wait3A_133 = arith.constant 0 : i32
      %dma_wait3A_134 = tpu.memref_slice %arg4[%add3A_58, %dma_wait3A_133] : memref<262144x128xf32, #tpu.memory_space<hbm>> -> memref<512x128xf32, #tpu.memory_space<hbm>>
      %dma_wait3A_135 = arith.constant 0 : i32
      %dma_wait3A_136 = tpu.memref_slice %arg4[%add3A_58, %dma_wait3A_135] : memref<262144x128xf32, #tpu.memory_space<hbm>> -> memref<512x128xf32, #tpu.memory_space<hbm>>
      tpu.wait_dma2 semaphore(%run_scoped3A : memref<!tpu.dma_semaphore, #tpu.memory_space<semaphore_mem>>) src(%arg6 : memref<512x128xf32, #tpu.memory_space<vmem>>) dst(%dma_wait3A_136 : memref<512x128xf32, #tpu.memory_space<hbm>>)
      tpu.yield
    }) : () -> ()
    %add3A_65 = arith.constant 4096 : i32
    %add3A_66 = arith.addi %mul3A_2, %add3A_65 : i32
    "tpu.region"() ({
      %run_scoped3A = tpu.sem_alloc : memref<!tpu.dma_semaphore, #tpu.memory_space<semaphore_mem>>
      %dma_start3A_129 = tpu.memref_slice %arg3[%add3A_66] : memref<262144xi32, #tpu.memory_space<hbm>> -> memref<512xi32, #tpu.memory_space<hbm>>
      %dma_start3A_130 = tpu.memref_slice %arg3[%add3A_66] : memref<262144xi32, #tpu.memory_space<hbm>> -> memref<512xi32, #tpu.memory_space<hbm>>
      tpu.enqueue_dma source(%dma_start3A_130 : memref<512xi32, #tpu.memory_space<hbm>>) target(%arg5 : memref<512xi32, #tpu.memory_space<vmem>>) target_semaphore(%run_scoped3A : memref<!tpu.dma_semaphore, #tpu.memory_space<semaphore_mem>>)
      %dma_wait3A_131 = tpu.memref_slice %arg3[%add3A_66] : memref<262144xi32, #tpu.memory_space<hbm>> -> memref<512xi32, #tpu.memory_space<hbm>>
      %dma_wait3A_132 = tpu.memref_slice %arg3[%add3A_66] : memref<262144xi32, #tpu.memory_space<hbm>> -> memref<512xi32, #tpu.memory_space<hbm>>
      tpu.wait_dma2 semaphore(%run_scoped3A : memref<!tpu.dma_semaphore, #tpu.memory_space<semaphore_mem>>) src(%dma_wait3A_132 : memref<512xi32, #tpu.memory_space<hbm>>) dst(%arg5 : memref<512xi32, #tpu.memory_space<vmem>>)
      tpu.yield
    }) : () -> ()
    %dma_start3A_67 = arith.constant 0 : i32
    %dma_start3A_68 = arith.constant 0 : i32
    %dma_start3A_69 = tpu.memref_slice %arg2[%dma_start3A_67, %dma_start3A_68] : memref<65536x128xf32, #tpu.memory_space<hbm>> -> memref<65536x128xf32, #tpu.memory_space<hbm>>
    tpu.enqueue_indirect_dma source(%dma_start3A_69 : memref<65536x128xf32, #tpu.memory_space<hbm>>) target(%arg6 : memref<512x128xf32, #tpu.memory_space<vmem>>) offsets(%arg5 : memref<512xi32, #tpu.memory_space<vmem>>) semaphore(%arg7 : memref<!tpu.dma_semaphore, #tpu.memory_space<semaphore_mem>>)
    %dma_wait3A_70 = arith.constant 0 : i32
    %dma_wait3A_71 = arith.constant 0 : i32
    %dma_wait3A_72 = tpu.memref_slice %arg2[%dma_wait3A_70, %dma_wait3A_71] : memref<65536x128xf32, #tpu.memory_space<hbm>> -> memref<65536x128xf32, #tpu.memory_space<hbm>>
    tpu.wait_indirect_dma semaphore(%arg7 : memref<!tpu.dma_semaphore, #tpu.memory_space<semaphore_mem>>) src(%dma_wait3A_72 : memref<65536x128xf32, #tpu.memory_space<hbm>>) dst(%arg6 : memref<512x128xf32, #tpu.memory_space<vmem>>)
    "tpu.region"() ({
      %run_scoped3A = tpu.sem_alloc : memref<!tpu.dma_semaphore, #tpu.memory_space<semaphore_mem>>
      %dma_start3A_129 = arith.constant 0 : i32
      %dma_start3A_130 = tpu.memref_slice %arg4[%add3A_66, %dma_start3A_129] : memref<262144x128xf32, #tpu.memory_space<hbm>> -> memref<512x128xf32, #tpu.memory_space<hbm>>
      %dma_start3A_131 = arith.constant 0 : i32
      %dma_start3A_132 = tpu.memref_slice %arg4[%add3A_66, %dma_start3A_131] : memref<262144x128xf32, #tpu.memory_space<hbm>> -> memref<512x128xf32, #tpu.memory_space<hbm>>
      tpu.enqueue_dma source(%arg6 : memref<512x128xf32, #tpu.memory_space<vmem>>) target(%dma_start3A_132 : memref<512x128xf32, #tpu.memory_space<hbm>>) target_semaphore(%run_scoped3A : memref<!tpu.dma_semaphore, #tpu.memory_space<semaphore_mem>>)
      %dma_wait3A_133 = arith.constant 0 : i32
      %dma_wait3A_134 = tpu.memref_slice %arg4[%add3A_66, %dma_wait3A_133] : memref<262144x128xf32, #tpu.memory_space<hbm>> -> memref<512x128xf32, #tpu.memory_space<hbm>>
      %dma_wait3A_135 = arith.constant 0 : i32
      %dma_wait3A_136 = tpu.memref_slice %arg4[%add3A_66, %dma_wait3A_135] : memref<262144x128xf32, #tpu.memory_space<hbm>> -> memref<512x128xf32, #tpu.memory_space<hbm>>
      tpu.wait_dma2 semaphore(%run_scoped3A : memref<!tpu.dma_semaphore, #tpu.memory_space<semaphore_mem>>) src(%arg6 : memref<512x128xf32, #tpu.memory_space<vmem>>) dst(%dma_wait3A_136 : memref<512x128xf32, #tpu.memory_space<hbm>>)
      tpu.yield
    }) : () -> ()
    %add3A_73 = arith.constant 4608 : i32
    %add3A_74 = arith.addi %mul3A_2, %add3A_73 : i32
    "tpu.region"() ({
      %run_scoped3A = tpu.sem_alloc : memref<!tpu.dma_semaphore, #tpu.memory_space<semaphore_mem>>
      %dma_start3A_129 = tpu.memref_slice %arg3[%add3A_74] : memref<262144xi32, #tpu.memory_space<hbm>> -> memref<512xi32, #tpu.memory_space<hbm>>
      %dma_start3A_130 = tpu.memref_slice %arg3[%add3A_74] : memref<262144xi32, #tpu.memory_space<hbm>> -> memref<512xi32, #tpu.memory_space<hbm>>
      tpu.enqueue_dma source(%dma_start3A_130 : memref<512xi32, #tpu.memory_space<hbm>>) target(%arg5 : memref<512xi32, #tpu.memory_space<vmem>>) target_semaphore(%run_scoped3A : memref<!tpu.dma_semaphore, #tpu.memory_space<semaphore_mem>>)
      %dma_wait3A_131 = tpu.memref_slice %arg3[%add3A_74] : memref<262144xi32, #tpu.memory_space<hbm>> -> memref<512xi32, #tpu.memory_space<hbm>>
      %dma_wait3A_132 = tpu.memref_slice %arg3[%add3A_74] : memref<262144xi32, #tpu.memory_space<hbm>> -> memref<512xi32, #tpu.memory_space<hbm>>
      tpu.wait_dma2 semaphore(%run_scoped3A : memref<!tpu.dma_semaphore, #tpu.memory_space<semaphore_mem>>) src(%dma_wait3A_132 : memref<512xi32, #tpu.memory_space<hbm>>) dst(%arg5 : memref<512xi32, #tpu.memory_space<vmem>>)
      tpu.yield
    }) : () -> ()
    %dma_start3A_75 = arith.constant 0 : i32
    %dma_start3A_76 = arith.constant 0 : i32
    %dma_start3A_77 = tpu.memref_slice %arg2[%dma_start3A_75, %dma_start3A_76] : memref<65536x128xf32, #tpu.memory_space<hbm>> -> memref<65536x128xf32, #tpu.memory_space<hbm>>
    tpu.enqueue_indirect_dma source(%dma_start3A_77 : memref<65536x128xf32, #tpu.memory_space<hbm>>) target(%arg6 : memref<512x128xf32, #tpu.memory_space<vmem>>) offsets(%arg5 : memref<512xi32, #tpu.memory_space<vmem>>) semaphore(%arg7 : memref<!tpu.dma_semaphore, #tpu.memory_space<semaphore_mem>>)
    %dma_wait3A_78 = arith.constant 0 : i32
    %dma_wait3A_79 = arith.constant 0 : i32
    %dma_wait3A_80 = tpu.memref_slice %arg2[%dma_wait3A_78, %dma_wait3A_79] : memref<65536x128xf32, #tpu.memory_space<hbm>> -> memref<65536x128xf32, #tpu.memory_space<hbm>>
    tpu.wait_indirect_dma semaphore(%arg7 : memref<!tpu.dma_semaphore, #tpu.memory_space<semaphore_mem>>) src(%dma_wait3A_80 : memref<65536x128xf32, #tpu.memory_space<hbm>>) dst(%arg6 : memref<512x128xf32, #tpu.memory_space<vmem>>)
    "tpu.region"() ({
      %run_scoped3A = tpu.sem_alloc : memref<!tpu.dma_semaphore, #tpu.memory_space<semaphore_mem>>
      %dma_start3A_129 = arith.constant 0 : i32
      %dma_start3A_130 = tpu.memref_slice %arg4[%add3A_74, %dma_start3A_129] : memref<262144x128xf32, #tpu.memory_space<hbm>> -> memref<512x128xf32, #tpu.memory_space<hbm>>
      %dma_start3A_131 = arith.constant 0 : i32
      %dma_start3A_132 = tpu.memref_slice %arg4[%add3A_74, %dma_start3A_131] : memref<262144x128xf32, #tpu.memory_space<hbm>> -> memref<512x128xf32, #tpu.memory_space<hbm>>
      tpu.enqueue_dma source(%arg6 : memref<512x128xf32, #tpu.memory_space<vmem>>) target(%dma_start3A_132 : memref<512x128xf32, #tpu.memory_space<hbm>>) target_semaphore(%run_scoped3A : memref<!tpu.dma_semaphore, #tpu.memory_space<semaphore_mem>>)
      %dma_wait3A_133 = arith.constant 0 : i32
      %dma_wait3A_134 = tpu.memref_slice %arg4[%add3A_74, %dma_wait3A_133] : memref<262144x128xf32, #tpu.memory_space<hbm>> -> memref<512x128xf32, #tpu.memory_space<hbm>>
      %dma_wait3A_135 = arith.constant 0 : i32
      %dma_wait3A_136 = tpu.memref_slice %arg4[%add3A_74, %dma_wait3A_135] : memref<262144x128xf32, #tpu.memory_space<hbm>> -> memref<512x128xf32, #tpu.memory_space<hbm>>
      tpu.wait_dma2 semaphore(%run_scoped3A : memref<!tpu.dma_semaphore, #tpu.memory_space<semaphore_mem>>) src(%arg6 : memref<512x128xf32, #tpu.memory_space<vmem>>) dst(%dma_wait3A_136 : memref<512x128xf32, #tpu.memory_space<hbm>>)
      tpu.yield
    }) : () -> ()
    %add3A_81 = arith.constant 5120 : i32
    %add3A_82 = arith.addi %mul3A_2, %add3A_81 : i32
    "tpu.region"() ({
      %run_scoped3A = tpu.sem_alloc : memref<!tpu.dma_semaphore, #tpu.memory_space<semaphore_mem>>
      %dma_start3A_129 = tpu.memref_slice %arg3[%add3A_82] : memref<262144xi32, #tpu.memory_space<hbm>> -> memref<512xi32, #tpu.memory_space<hbm>>
      %dma_start3A_130 = tpu.memref_slice %arg3[%add3A_82] : memref<262144xi32, #tpu.memory_space<hbm>> -> memref<512xi32, #tpu.memory_space<hbm>>
      tpu.enqueue_dma source(%dma_start3A_130 : memref<512xi32, #tpu.memory_space<hbm>>) target(%arg5 : memref<512xi32, #tpu.memory_space<vmem>>) target_semaphore(%run_scoped3A : memref<!tpu.dma_semaphore, #tpu.memory_space<semaphore_mem>>)
      %dma_wait3A_131 = tpu.memref_slice %arg3[%add3A_82] : memref<262144xi32, #tpu.memory_space<hbm>> -> memref<512xi32, #tpu.memory_space<hbm>>
      %dma_wait3A_132 = tpu.memref_slice %arg3[%add3A_82] : memref<262144xi32, #tpu.memory_space<hbm>> -> memref<512xi32, #tpu.memory_space<hbm>>
      tpu.wait_dma2 semaphore(%run_scoped3A : memref<!tpu.dma_semaphore, #tpu.memory_space<semaphore_mem>>) src(%dma_wait3A_132 : memref<512xi32, #tpu.memory_space<hbm>>) dst(%arg5 : memref<512xi32, #tpu.memory_space<vmem>>)
      tpu.yield
    }) : () -> ()
    %dma_start3A_83 = arith.constant 0 : i32
    %dma_start3A_84 = arith.constant 0 : i32
    %dma_start3A_85 = tpu.memref_slice %arg2[%dma_start3A_83, %dma_start3A_84] : memref<65536x128xf32, #tpu.memory_space<hbm>> -> memref<65536x128xf32, #tpu.memory_space<hbm>>
    tpu.enqueue_indirect_dma source(%dma_start3A_85 : memref<65536x128xf32, #tpu.memory_space<hbm>>) target(%arg6 : memref<512x128xf32, #tpu.memory_space<vmem>>) offsets(%arg5 : memref<512xi32, #tpu.memory_space<vmem>>) semaphore(%arg7 : memref<!tpu.dma_semaphore, #tpu.memory_space<semaphore_mem>>)
    %dma_wait3A_86 = arith.constant 0 : i32
    %dma_wait3A_87 = arith.constant 0 : i32
    %dma_wait3A_88 = tpu.memref_slice %arg2[%dma_wait3A_86, %dma_wait3A_87] : memref<65536x128xf32, #tpu.memory_space<hbm>> -> memref<65536x128xf32, #tpu.memory_space<hbm>>
    tpu.wait_indirect_dma semaphore(%arg7 : memref<!tpu.dma_semaphore, #tpu.memory_space<semaphore_mem>>) src(%dma_wait3A_88 : memref<65536x128xf32, #tpu.memory_space<hbm>>) dst(%arg6 : memref<512x128xf32, #tpu.memory_space<vmem>>)
    "tpu.region"() ({
      %run_scoped3A = tpu.sem_alloc : memref<!tpu.dma_semaphore, #tpu.memory_space<semaphore_mem>>
      %dma_start3A_129 = arith.constant 0 : i32
      %dma_start3A_130 = tpu.memref_slice %arg4[%add3A_82, %dma_start3A_129] : memref<262144x128xf32, #tpu.memory_space<hbm>> -> memref<512x128xf32, #tpu.memory_space<hbm>>
      %dma_start3A_131 = arith.constant 0 : i32
      %dma_start3A_132 = tpu.memref_slice %arg4[%add3A_82, %dma_start3A_131] : memref<262144x128xf32, #tpu.memory_space<hbm>> -> memref<512x128xf32, #tpu.memory_space<hbm>>
      tpu.enqueue_dma source(%arg6 : memref<512x128xf32, #tpu.memory_space<vmem>>) target(%dma_start3A_132 : memref<512x128xf32, #tpu.memory_space<hbm>>) target_semaphore(%run_scoped3A : memref<!tpu.dma_semaphore, #tpu.memory_space<semaphore_mem>>)
      %dma_wait3A_133 = arith.constant 0 : i32
      %dma_wait3A_134 = tpu.memref_slice %arg4[%add3A_82, %dma_wait3A_133] : memref<262144x128xf32, #tpu.memory_space<hbm>> -> memref<512x128xf32, #tpu.memory_space<hbm>>
      %dma_wait3A_135 = arith.constant 0 : i32
      %dma_wait3A_136 = tpu.memref_slice %arg4[%add3A_82, %dma_wait3A_135] : memref<262144x128xf32, #tpu.memory_space<hbm>> -> memref<512x128xf32, #tpu.memory_space<hbm>>
      tpu.wait_dma2 semaphore(%run_scoped3A : memref<!tpu.dma_semaphore, #tpu.memory_space<semaphore_mem>>) src(%arg6 : memref<512x128xf32, #tpu.memory_space<vmem>>) dst(%dma_wait3A_136 : memref<512x128xf32, #tpu.memory_space<hbm>>)
      tpu.yield
    }) : () -> ()
    %add3A_89 = arith.constant 5632 : i32
    %add3A_90 = arith.addi %mul3A_2, %add3A_89 : i32
    "tpu.region"() ({
      %run_scoped3A = tpu.sem_alloc : memref<!tpu.dma_semaphore, #tpu.memory_space<semaphore_mem>>
      %dma_start3A_129 = tpu.memref_slice %arg3[%add3A_90] : memref<262144xi32, #tpu.memory_space<hbm>> -> memref<512xi32, #tpu.memory_space<hbm>>
      %dma_start3A_130 = tpu.memref_slice %arg3[%add3A_90] : memref<262144xi32, #tpu.memory_space<hbm>> -> memref<512xi32, #tpu.memory_space<hbm>>
      tpu.enqueue_dma source(%dma_start3A_130 : memref<512xi32, #tpu.memory_space<hbm>>) target(%arg5 : memref<512xi32, #tpu.memory_space<vmem>>) target_semaphore(%run_scoped3A : memref<!tpu.dma_semaphore, #tpu.memory_space<semaphore_mem>>)
      %dma_wait3A_131 = tpu.memref_slice %arg3[%add3A_90] : memref<262144xi32, #tpu.memory_space<hbm>> -> memref<512xi32, #tpu.memory_space<hbm>>
      %dma_wait3A_132 = tpu.memref_slice %arg3[%add3A_90] : memref<262144xi32, #tpu.memory_space<hbm>> -> memref<512xi32, #tpu.memory_space<hbm>>
      tpu.wait_dma2 semaphore(%run_scoped3A : memref<!tpu.dma_semaphore, #tpu.memory_space<semaphore_mem>>) src(%dma_wait3A_132 : memref<512xi32, #tpu.memory_space<hbm>>) dst(%arg5 : memref<512xi32, #tpu.memory_space<vmem>>)
      tpu.yield
    }) : () -> ()
    %dma_start3A_91 = arith.constant 0 : i32
    %dma_start3A_92 = arith.constant 0 : i32
    %dma_start3A_93 = tpu.memref_slice %arg2[%dma_start3A_91, %dma_start3A_92] : memref<65536x128xf32, #tpu.memory_space<hbm>> -> memref<65536x128xf32, #tpu.memory_space<hbm>>
    tpu.enqueue_indirect_dma source(%dma_start3A_93 : memref<65536x128xf32, #tpu.memory_space<hbm>>) target(%arg6 : memref<512x128xf32, #tpu.memory_space<vmem>>) offsets(%arg5 : memref<512xi32, #tpu.memory_space<vmem>>) semaphore(%arg7 : memref<!tpu.dma_semaphore, #tpu.memory_space<semaphore_mem>>)
    %dma_wait3A_94 = arith.constant 0 : i32
    %dma_wait3A_95 = arith.constant 0 : i32
    %dma_wait3A_96 = tpu.memref_slice %arg2[%dma_wait3A_94, %dma_wait3A_95] : memref<65536x128xf32, #tpu.memory_space<hbm>> -> memref<65536x128xf32, #tpu.memory_space<hbm>>
    tpu.wait_indirect_dma semaphore(%arg7 : memref<!tpu.dma_semaphore, #tpu.memory_space<semaphore_mem>>) src(%dma_wait3A_96 : memref<65536x128xf32, #tpu.memory_space<hbm>>) dst(%arg6 : memref<512x128xf32, #tpu.memory_space<vmem>>)
    "tpu.region"() ({
      %run_scoped3A = tpu.sem_alloc : memref<!tpu.dma_semaphore, #tpu.memory_space<semaphore_mem>>
      %dma_start3A_129 = arith.constant 0 : i32
      %dma_start3A_130 = tpu.memref_slice %arg4[%add3A_90, %dma_start3A_129] : memref<262144x128xf32, #tpu.memory_space<hbm>> -> memref<512x128xf32, #tpu.memory_space<hbm>>
      %dma_start3A_131 = arith.constant 0 : i32
      %dma_start3A_132 = tpu.memref_slice %arg4[%add3A_90, %dma_start3A_131] : memref<262144x128xf32, #tpu.memory_space<hbm>> -> memref<512x128xf32, #tpu.memory_space<hbm>>
      tpu.enqueue_dma source(%arg6 : memref<512x128xf32, #tpu.memory_space<vmem>>) target(%dma_start3A_132 : memref<512x128xf32, #tpu.memory_space<hbm>>) target_semaphore(%run_scoped3A : memref<!tpu.dma_semaphore, #tpu.memory_space<semaphore_mem>>)
      %dma_wait3A_133 = arith.constant 0 : i32
      %dma_wait3A_134 = tpu.memref_slice %arg4[%add3A_90, %dma_wait3A_133] : memref<262144x128xf32, #tpu.memory_space<hbm>> -> memref<512x128xf32, #tpu.memory_space<hbm>>
      %dma_wait3A_135 = arith.constant 0 : i32
      %dma_wait3A_136 = tpu.memref_slice %arg4[%add3A_90, %dma_wait3A_135] : memref<262144x128xf32, #tpu.memory_space<hbm>> -> memref<512x128xf32, #tpu.memory_space<hbm>>
      tpu.wait_dma2 semaphore(%run_scoped3A : memref<!tpu.dma_semaphore, #tpu.memory_space<semaphore_mem>>) src(%arg6 : memref<512x128xf32, #tpu.memory_space<vmem>>) dst(%dma_wait3A_136 : memref<512x128xf32, #tpu.memory_space<hbm>>)
      tpu.yield
    }) : () -> ()
    %add3A_97 = arith.constant 6144 : i32
    %add3A_98 = arith.addi %mul3A_2, %add3A_97 : i32
    "tpu.region"() ({
      %run_scoped3A = tpu.sem_alloc : memref<!tpu.dma_semaphore, #tpu.memory_space<semaphore_mem>>
      %dma_start3A_129 = tpu.memref_slice %arg3[%add3A_98] : memref<262144xi32, #tpu.memory_space<hbm>> -> memref<512xi32, #tpu.memory_space<hbm>>
      %dma_start3A_130 = tpu.memref_slice %arg3[%add3A_98] : memref<262144xi32, #tpu.memory_space<hbm>> -> memref<512xi32, #tpu.memory_space<hbm>>
      tpu.enqueue_dma source(%dma_start3A_130 : memref<512xi32, #tpu.memory_space<hbm>>) target(%arg5 : memref<512xi32, #tpu.memory_space<vmem>>) target_semaphore(%run_scoped3A : memref<!tpu.dma_semaphore, #tpu.memory_space<semaphore_mem>>)
      %dma_wait3A_131 = tpu.memref_slice %arg3[%add3A_98] : memref<262144xi32, #tpu.memory_space<hbm>> -> memref<512xi32, #tpu.memory_space<hbm>>
      %dma_wait3A_132 = tpu.memref_slice %arg3[%add3A_98] : memref<262144xi32, #tpu.memory_space<hbm>> -> memref<512xi32, #tpu.memory_space<hbm>>
      tpu.wait_dma2 semaphore(%run_scoped3A : memref<!tpu.dma_semaphore, #tpu.memory_space<semaphore_mem>>) src(%dma_wait3A_132 : memref<512xi32, #tpu.memory_space<hbm>>) dst(%arg5 : memref<512xi32, #tpu.memory_space<vmem>>)
      tpu.yield
    }) : () -> ()
    %dma_start3A_99 = arith.constant 0 : i32
    %dma_start3A_100 = arith.constant 0 : i32
    %dma_start3A_101 = tpu.memref_slice %arg2[%dma_start3A_99, %dma_start3A_100] : memref<65536x128xf32, #tpu.memory_space<hbm>> -> memref<65536x128xf32, #tpu.memory_space<hbm>>
    tpu.enqueue_indirect_dma source(%dma_start3A_101 : memref<65536x128xf32, #tpu.memory_space<hbm>>) target(%arg6 : memref<512x128xf32, #tpu.memory_space<vmem>>) offsets(%arg5 : memref<512xi32, #tpu.memory_space<vmem>>) semaphore(%arg7 : memref<!tpu.dma_semaphore, #tpu.memory_space<semaphore_mem>>)
    %dma_wait3A_102 = arith.constant 0 : i32
    %dma_wait3A_103 = arith.constant 0 : i32
    %dma_wait3A_104 = tpu.memref_slice %arg2[%dma_wait3A_102, %dma_wait3A_103] : memref<65536x128xf32, #tpu.memory_space<hbm>> -> memref<65536x128xf32, #tpu.memory_space<hbm>>
    tpu.wait_indirect_dma semaphore(%arg7 : memref<!tpu.dma_semaphore, #tpu.memory_space<semaphore_mem>>) src(%dma_wait3A_104 : memref<65536x128xf32, #tpu.memory_space<hbm>>) dst(%arg6 : memref<512x128xf32, #tpu.memory_space<vmem>>)
    "tpu.region"() ({
      %run_scoped3A = tpu.sem_alloc : memref<!tpu.dma_semaphore, #tpu.memory_space<semaphore_mem>>
      %dma_start3A_129 = arith.constant 0 : i32
      %dma_start3A_130 = tpu.memref_slice %arg4[%add3A_98, %dma_start3A_129] : memref<262144x128xf32, #tpu.memory_space<hbm>> -> memref<512x128xf32, #tpu.memory_space<hbm>>
      %dma_start3A_131 = arith.constant 0 : i32
      %dma_start3A_132 = tpu.memref_slice %arg4[%add3A_98, %dma_start3A_131] : memref<262144x128xf32, #tpu.memory_space<hbm>> -> memref<512x128xf32, #tpu.memory_space<hbm>>
      tpu.enqueue_dma source(%arg6 : memref<512x128xf32, #tpu.memory_space<vmem>>) target(%dma_start3A_132 : memref<512x128xf32, #tpu.memory_space<hbm>>) target_semaphore(%run_scoped3A : memref<!tpu.dma_semaphore, #tpu.memory_space<semaphore_mem>>)
      %dma_wait3A_133 = arith.constant 0 : i32
      %dma_wait3A_134 = tpu.memref_slice %arg4[%add3A_98, %dma_wait3A_133] : memref<262144x128xf32, #tpu.memory_space<hbm>> -> memref<512x128xf32, #tpu.memory_space<hbm>>
      %dma_wait3A_135 = arith.constant 0 : i32
      %dma_wait3A_136 = tpu.memref_slice %arg4[%add3A_98, %dma_wait3A_135] : memref<262144x128xf32, #tpu.memory_space<hbm>> -> memref<512x128xf32, #tpu.memory_space<hbm>>
      tpu.wait_dma2 semaphore(%run_scoped3A : memref<!tpu.dma_semaphore, #tpu.memory_space<semaphore_mem>>) src(%arg6 : memref<512x128xf32, #tpu.memory_space<vmem>>) dst(%dma_wait3A_136 : memref<512x128xf32, #tpu.memory_space<hbm>>)
      tpu.yield
    }) : () -> ()
    %add3A_105 = arith.constant 6656 : i32
    %add3A_106 = arith.addi %mul3A_2, %add3A_105 : i32
    "tpu.region"() ({
      %run_scoped3A = tpu.sem_alloc : memref<!tpu.dma_semaphore, #tpu.memory_space<semaphore_mem>>
      %dma_start3A_129 = tpu.memref_slice %arg3[%add3A_106] : memref<262144xi32, #tpu.memory_space<hbm>> -> memref<512xi32, #tpu.memory_space<hbm>>
      %dma_start3A_130 = tpu.memref_slice %arg3[%add3A_106] : memref<262144xi32, #tpu.memory_space<hbm>> -> memref<512xi32, #tpu.memory_space<hbm>>
      tpu.enqueue_dma source(%dma_start3A_130 : memref<512xi32, #tpu.memory_space<hbm>>) target(%arg5 : memref<512xi32, #tpu.memory_space<vmem>>) target_semaphore(%run_scoped3A : memref<!tpu.dma_semaphore, #tpu.memory_space<semaphore_mem>>)
      %dma_wait3A_131 = tpu.memref_slice %arg3[%add3A_106] : memref<262144xi32, #tpu.memory_space<hbm>> -> memref<512xi32, #tpu.memory_space<hbm>>
      %dma_wait3A_132 = tpu.memref_slice %arg3[%add3A_106] : memref<262144xi32, #tpu.memory_space<hbm>> -> memref<512xi32, #tpu.memory_space<hbm>>
      tpu.wait_dma2 semaphore(%run_scoped3A : memref<!tpu.dma_semaphore, #tpu.memory_space<semaphore_mem>>) src(%dma_wait3A_132 : memref<512xi32, #tpu.memory_space<hbm>>) dst(%arg5 : memref<512xi32, #tpu.memory_space<vmem>>)
      tpu.yield
    }) : () -> ()
    %dma_start3A_107 = arith.constant 0 : i32
    %dma_start3A_108 = arith.constant 0 : i32
    %dma_start3A_109 = tpu.memref_slice %arg2[%dma_start3A_107, %dma_start3A_108] : memref<65536x128xf32, #tpu.memory_space<hbm>> -> memref<65536x128xf32, #tpu.memory_space<hbm>>
    tpu.enqueue_indirect_dma source(%dma_start3A_109 : memref<65536x128xf32, #tpu.memory_space<hbm>>) target(%arg6 : memref<512x128xf32, #tpu.memory_space<vmem>>) offsets(%arg5 : memref<512xi32, #tpu.memory_space<vmem>>) semaphore(%arg7 : memref<!tpu.dma_semaphore, #tpu.memory_space<semaphore_mem>>)
    %dma_wait3A_110 = arith.constant 0 : i32
    %dma_wait3A_111 = arith.constant 0 : i32
    %dma_wait3A_112 = tpu.memref_slice %arg2[%dma_wait3A_110, %dma_wait3A_111] : memref<65536x128xf32, #tpu.memory_space<hbm>> -> memref<65536x128xf32, #tpu.memory_space<hbm>>
    tpu.wait_indirect_dma semaphore(%arg7 : memref<!tpu.dma_semaphore, #tpu.memory_space<semaphore_mem>>) src(%dma_wait3A_112 : memref<65536x128xf32, #tpu.memory_space<hbm>>) dst(%arg6 : memref<512x128xf32, #tpu.memory_space<vmem>>)
    "tpu.region"() ({
      %run_scoped3A = tpu.sem_alloc : memref<!tpu.dma_semaphore, #tpu.memory_space<semaphore_mem>>
      %dma_start3A_129 = arith.constant 0 : i32
      %dma_start3A_130 = tpu.memref_slice %arg4[%add3A_106, %dma_start3A_129] : memref<262144x128xf32, #tpu.memory_space<hbm>> -> memref<512x128xf32, #tpu.memory_space<hbm>>
      %dma_start3A_131 = arith.constant 0 : i32
      %dma_start3A_132 = tpu.memref_slice %arg4[%add3A_106, %dma_start3A_131] : memref<262144x128xf32, #tpu.memory_space<hbm>> -> memref<512x128xf32, #tpu.memory_space<hbm>>
      tpu.enqueue_dma source(%arg6 : memref<512x128xf32, #tpu.memory_space<vmem>>) target(%dma_start3A_132 : memref<512x128xf32, #tpu.memory_space<hbm>>) target_semaphore(%run_scoped3A : memref<!tpu.dma_semaphore, #tpu.memory_space<semaphore_mem>>)
      %dma_wait3A_133 = arith.constant 0 : i32
      %dma_wait3A_134 = tpu.memref_slice %arg4[%add3A_106, %dma_wait3A_133] : memref<262144x128xf32, #tpu.memory_space<hbm>> -> memref<512x128xf32, #tpu.memory_space<hbm>>
      %dma_wait3A_135 = arith.constant 0 : i32
      %dma_wait3A_136 = tpu.memref_slice %arg4[%add3A_106, %dma_wait3A_135] : memref<262144x128xf32, #tpu.memory_space<hbm>> -> memref<512x128xf32, #tpu.memory_space<hbm>>
      tpu.wait_dma2 semaphore(%run_scoped3A : memref<!tpu.dma_semaphore, #tpu.memory_space<semaphore_mem>>) src(%arg6 : memref<512x128xf32, #tpu.memory_space<vmem>>) dst(%dma_wait3A_136 : memref<512x128xf32, #tpu.memory_space<hbm>>)
      tpu.yield
    }) : () -> ()
    %add3A_113 = arith.constant 7168 : i32
    %add3A_114 = arith.addi %mul3A_2, %add3A_113 : i32
    "tpu.region"() ({
      %run_scoped3A = tpu.sem_alloc : memref<!tpu.dma_semaphore, #tpu.memory_space<semaphore_mem>>
      %dma_start3A_129 = tpu.memref_slice %arg3[%add3A_114] : memref<262144xi32, #tpu.memory_space<hbm>> -> memref<512xi32, #tpu.memory_space<hbm>>
      %dma_start3A_130 = tpu.memref_slice %arg3[%add3A_114] : memref<262144xi32, #tpu.memory_space<hbm>> -> memref<512xi32, #tpu.memory_space<hbm>>
      tpu.enqueue_dma source(%dma_start3A_130 : memref<512xi32, #tpu.memory_space<hbm>>) target(%arg5 : memref<512xi32, #tpu.memory_space<vmem>>) target_semaphore(%run_scoped3A : memref<!tpu.dma_semaphore, #tpu.memory_space<semaphore_mem>>)
      %dma_wait3A_131 = tpu.memref_slice %arg3[%add3A_114] : memref<262144xi32, #tpu.memory_space<hbm>> -> memref<512xi32, #tpu.memory_space<hbm>>
      %dma_wait3A_132 = tpu.memref_slice %arg3[%add3A_114] : memref<262144xi32, #tpu.memory_space<hbm>> -> memref<512xi32, #tpu.memory_space<hbm>>
      tpu.wait_dma2 semaphore(%run_scoped3A : memref<!tpu.dma_semaphore, #tpu.memory_space<semaphore_mem>>) src(%dma_wait3A_132 : memref<512xi32, #tpu.memory_space<hbm>>) dst(%arg5 : memref<512xi32, #tpu.memory_space<vmem>>)
      tpu.yield
    }) : () -> ()
    %dma_start3A_115 = arith.constant 0 : i32
    %dma_start3A_116 = arith.constant 0 : i32
    %dma_start3A_117 = tpu.memref_slice %arg2[%dma_start3A_115, %dma_start3A_116] : memref<65536x128xf32, #tpu.memory_space<hbm>> -> memref<65536x128xf32, #tpu.memory_space<hbm>>
    tpu.enqueue_indirect_dma source(%dma_start3A_117 : memref<65536x128xf32, #tpu.memory_space<hbm>>) target(%arg6 : memref<512x128xf32, #tpu.memory_space<vmem>>) offsets(%arg5 : memref<512xi32, #tpu.memory_space<vmem>>) semaphore(%arg7 : memref<!tpu.dma_semaphore, #tpu.memory_space<semaphore_mem>>)
    %dma_wait3A_118 = arith.constant 0 : i32
    %dma_wait3A_119 = arith.constant 0 : i32
    %dma_wait3A_120 = tpu.memref_slice %arg2[%dma_wait3A_118, %dma_wait3A_119] : memref<65536x128xf32, #tpu.memory_space<hbm>> -> memref<65536x128xf32, #tpu.memory_space<hbm>>
    tpu.wait_indirect_dma semaphore(%arg7 : memref<!tpu.dma_semaphore, #tpu.memory_space<semaphore_mem>>) src(%dma_wait3A_120 : memref<65536x128xf32, #tpu.memory_space<hbm>>) dst(%arg6 : memref<512x128xf32, #tpu.memory_space<vmem>>)
    "tpu.region"() ({
      %run_scoped3A = tpu.sem_alloc : memref<!tpu.dma_semaphore, #tpu.memory_space<semaphore_mem>>
      %dma_start3A_129 = arith.constant 0 : i32
      %dma_start3A_130 = tpu.memref_slice %arg4[%add3A_114, %dma_start3A_129] : memref<262144x128xf32, #tpu.memory_space<hbm>> -> memref<512x128xf32, #tpu.memory_space<hbm>>
      %dma_start3A_131 = arith.constant 0 : i32
      %dma_start3A_132 = tpu.memref_slice %arg4[%add3A_114, %dma_start3A_131] : memref<262144x128xf32, #tpu.memory_space<hbm>> -> memref<512x128xf32, #tpu.memory_space<hbm>>
      tpu.enqueue_dma source(%arg6 : memref<512x128xf32, #tpu.memory_space<vmem>>) target(%dma_start3A_132 : memref<512x128xf32, #tpu.memory_space<hbm>>) target_semaphore(%run_scoped3A : memref<!tpu.dma_semaphore, #tpu.memory_space<semaphore_mem>>)
      %dma_wait3A_133 = arith.constant 0 : i32
      %dma_wait3A_134 = tpu.memref_slice %arg4[%add3A_114, %dma_wait3A_133] : memref<262144x128xf32, #tpu.memory_space<hbm>> -> memref<512x128xf32, #tpu.memory_space<hbm>>
      %dma_wait3A_135 = arith.constant 0 : i32
      %dma_wait3A_136 = tpu.memref_slice %arg4[%add3A_114, %dma_wait3A_135] : memref<262144x128xf32, #tpu.memory_space<hbm>> -> memref<512x128xf32, #tpu.memory_space<hbm>>
      tpu.wait_dma2 semaphore(%run_scoped3A : memref<!tpu.dma_semaphore, #tpu.memory_space<semaphore_mem>>) src(%arg6 : memref<512x128xf32, #tpu.memory_space<vmem>>) dst(%dma_wait3A_136 : memref<512x128xf32, #tpu.memory_space<hbm>>)
      tpu.yield
    }) : () -> ()
    %add3A_121 = arith.constant 7680 : i32
    %add3A_122 = arith.addi %mul3A_2, %add3A_121 : i32
    "tpu.region"() ({
      %run_scoped3A = tpu.sem_alloc : memref<!tpu.dma_semaphore, #tpu.memory_space<semaphore_mem>>
      %dma_start3A_129 = tpu.memref_slice %arg3[%add3A_122] : memref<262144xi32, #tpu.memory_space<hbm>> -> memref<512xi32, #tpu.memory_space<hbm>>
      %dma_start3A_130 = tpu.memref_slice %arg3[%add3A_122] : memref<262144xi32, #tpu.memory_space<hbm>> -> memref<512xi32, #tpu.memory_space<hbm>>
      tpu.enqueue_dma source(%dma_start3A_130 : memref<512xi32, #tpu.memory_space<hbm>>) target(%arg5 : memref<512xi32, #tpu.memory_space<vmem>>) target_semaphore(%run_scoped3A : memref<!tpu.dma_semaphore, #tpu.memory_space<semaphore_mem>>)
      %dma_wait3A_131 = tpu.memref_slice %arg3[%add3A_122] : memref<262144xi32, #tpu.memory_space<hbm>> -> memref<512xi32, #tpu.memory_space<hbm>>
      %dma_wait3A_132 = tpu.memref_slice %arg3[%add3A_122] : memref<262144xi32, #tpu.memory_space<hbm>> -> memref<512xi32, #tpu.memory_space<hbm>>
      tpu.wait_dma2 semaphore(%run_scoped3A : memref<!tpu.dma_semaphore, #tpu.memory_space<semaphore_mem>>) src(%dma_wait3A_132 : memref<512xi32, #tpu.memory_space<hbm>>) dst(%arg5 : memref<512xi32, #tpu.memory_space<vmem>>)
      tpu.yield
    }) : () -> ()
    %dma_start3A_123 = arith.constant 0 : i32
    %dma_start3A_124 = arith.constant 0 : i32
    %dma_start3A_125 = tpu.memref_slice %arg2[%dma_start3A_123, %dma_start3A_124] : memref<65536x128xf32, #tpu.memory_space<hbm>> -> memref<65536x128xf32, #tpu.memory_space<hbm>>
    tpu.enqueue_indirect_dma source(%dma_start3A_125 : memref<65536x128xf32, #tpu.memory_space<hbm>>) target(%arg6 : memref<512x128xf32, #tpu.memory_space<vmem>>) offsets(%arg5 : memref<512xi32, #tpu.memory_space<vmem>>) semaphore(%arg7 : memref<!tpu.dma_semaphore, #tpu.memory_space<semaphore_mem>>)
    %dma_wait3A_126 = arith.constant 0 : i32
    %dma_wait3A_127 = arith.constant 0 : i32
    %dma_wait3A_128 = tpu.memref_slice %arg2[%dma_wait3A_126, %dma_wait3A_127] : memref<65536x128xf32, #tpu.memory_space<hbm>> -> memref<65536x128xf32, #tpu.memory_space<hbm>>
    tpu.wait_indirect_dma semaphore(%arg7 : memref<!tpu.dma_semaphore, #tpu.memory_space<semaphore_mem>>) src(%dma_wait3A_128 : memref<65536x128xf32, #tpu.memory_space<hbm>>) dst(%arg6 : memref<512x128xf32, #tpu.memory_space<vmem>>)
    "tpu.region"() ({
      %run_scoped3A = tpu.sem_alloc : memref<!tpu.dma_semaphore, #tpu.memory_space<semaphore_mem>>
      %dma_start3A_129 = arith.constant 0 : i32
      %dma_start3A_130 = tpu.memref_slice %arg4[%add3A_122, %dma_start3A_129] : memref<262144x128xf32, #tpu.memory_space<hbm>> -> memref<512x128xf32, #tpu.memory_space<hbm>>
      %dma_start3A_131 = arith.constant 0 : i32
      %dma_start3A_132 = tpu.memref_slice %arg4[%add3A_122, %dma_start3A_131] : memref<262144x128xf32, #tpu.memory_space<hbm>> -> memref<512x128xf32, #tpu.memory_space<hbm>>
      tpu.enqueue_dma source(%arg6 : memref<512x128xf32, #tpu.memory_space<vmem>>) target(%dma_start3A_132 : memref<512x128xf32, #tpu.memory_space<hbm>>) target_semaphore(%run_scoped3A : memref<!tpu.dma_semaphore, #tpu.memory_space<semaphore_mem>>)
      %dma_wait3A_133 = arith.constant 0 : i32
      %dma_wait3A_134 = tpu.memref_slice %arg4[%add3A_122, %dma_wait3A_133] : memref<262144x128xf32, #tpu.memory_space<hbm>> -> memref<512x128xf32, #tpu.memory_space<hbm>>
      %dma_wait3A_135 = arith.constant 0 : i32
      %dma_wait3A_136 = tpu.memref_slice %arg4[%add3A_122, %dma_wait3A_135] : memref<262144x128xf32, #tpu.memory_space<hbm>> -> memref<512x128xf32, #tpu.memory_space<hbm>>
      tpu.wait_dma2 semaphore(%run_scoped3A : memref<!tpu.dma_semaphore, #tpu.memory_space<semaphore_mem>>) src(%arg6 : memref<512x128xf32, #tpu.memory_space<vmem>>) dst(%dma_wait3A_136 : memref<512x128xf32, #tpu.memory_space<hbm>>)
      tpu.yield
    }) : () -> ()
    return
  }
}

#map = affine_map<(d0, d1) -> (0, 0)>
#map1 = affine_map<(d0, d1) -> (0)>
module attributes {stable_mosaic.version = 14 : i64} {
  func.func @_sc_gather_body(%arg0: i32, %arg1: i32, %arg2: memref<65536x128xf32, #tpu.memory_space<hbm>>, %arg3: memref<8192xi32, #tpu.memory_space<hbm>>, %arg4: memref<8192x128xf32, #tpu.memory_space<hbm>>, %arg5: memref<256xi32, #tpu.memory_space<vmem>>, %arg6: memref<256x128xf32, #tpu.memory_space<vmem>>, %arg7: memref<!tpu.dma_semaphore, #tpu.memory_space<semaphore_mem>>) attributes {dimension_semantics = [#tpu.dimension_semantics<core_parallel>, #tpu.dimension_semantics<subcore_parallel>], iteration_bounds = array<i64: 2, 16>, scalar_prefetch = 0 : i64, scratch_operands = 3 : i64, tpu.core_type = #tpu.core_type<sc_vector_subcore>, window_params = [{transform_indices = #map}, {transform_indices = #map1}, {transform_indices = #map}]} {
    %mul3A = arith.constant 2 : i32
    %mul3A_0 = arith.muli %arg1, %mul3A : i32
    %add3A = arith.addi %mul3A_0, %arg0 : i32
    %mul3A_1 = arith.constant 256 : i32
    %mul3A_2 = arith.muli %add3A, %mul3A_1 : i32
    %add3A_3 = arith.constant 0 : i32
    %add3A_4 = arith.addi %mul3A_2, %add3A_3 : i32
    "tpu.region"() ({
      %run_scoped3A = tpu.sem_alloc : memref<!tpu.dma_semaphore, #tpu.memory_space<semaphore_mem>>
      %dma_start3A_9 = tpu.memref_slice %arg3[%add3A_4] : memref<8192xi32, #tpu.memory_space<hbm>> -> memref<256xi32, #tpu.memory_space<hbm>>
      %dma_start3A_10 = tpu.memref_slice %arg3[%add3A_4] : memref<8192xi32, #tpu.memory_space<hbm>> -> memref<256xi32, #tpu.memory_space<hbm>>
      tpu.enqueue_dma source(%dma_start3A_10 : memref<256xi32, #tpu.memory_space<hbm>>) target(%arg5 : memref<256xi32, #tpu.memory_space<vmem>>) target_semaphore(%run_scoped3A : memref<!tpu.dma_semaphore, #tpu.memory_space<semaphore_mem>>)
      %dma_wait3A_11 = tpu.memref_slice %arg3[%add3A_4] : memref<8192xi32, #tpu.memory_space<hbm>> -> memref<256xi32, #tpu.memory_space<hbm>>
      %dma_wait3A_12 = tpu.memref_slice %arg3[%add3A_4] : memref<8192xi32, #tpu.memory_space<hbm>> -> memref<256xi32, #tpu.memory_space<hbm>>
      tpu.wait_dma2 semaphore(%run_scoped3A : memref<!tpu.dma_semaphore, #tpu.memory_space<semaphore_mem>>) src(%dma_wait3A_12 : memref<256xi32, #tpu.memory_space<hbm>>) dst(%arg5 : memref<256xi32, #tpu.memory_space<vmem>>)
      tpu.yield
    }) : () -> ()
    %dma_start3A = arith.constant 0 : i32
    %dma_start3A_5 = arith.constant 0 : i32
    %dma_start3A_6 = tpu.memref_slice %arg2[%dma_start3A, %dma_start3A_5] : memref<65536x128xf32, #tpu.memory_space<hbm>> -> memref<65536x128xf32, #tpu.memory_space<hbm>>
    tpu.enqueue_indirect_dma source(%dma_start3A_6 : memref<65536x128xf32, #tpu.memory_space<hbm>>) target(%arg6 : memref<256x128xf32, #tpu.memory_space<vmem>>) offsets(%arg5 : memref<256xi32, #tpu.memory_space<vmem>>) semaphore(%arg7 : memref<!tpu.dma_semaphore, #tpu.memory_space<semaphore_mem>>)
    %dma_wait3A = arith.constant 0 : i32
    %dma_wait3A_7 = arith.constant 0 : i32
    %dma_wait3A_8 = tpu.memref_slice %arg2[%dma_wait3A, %dma_wait3A_7] : memref<65536x128xf32, #tpu.memory_space<hbm>> -> memref<65536x128xf32, #tpu.memory_space<hbm>>
    tpu.wait_indirect_dma semaphore(%arg7 : memref<!tpu.dma_semaphore, #tpu.memory_space<semaphore_mem>>) src(%dma_wait3A_8 : memref<65536x128xf32, #tpu.memory_space<hbm>>) dst(%arg6 : memref<256x128xf32, #tpu.memory_space<vmem>>)
    "tpu.region"() ({
      %run_scoped3A = tpu.sem_alloc : memref<!tpu.dma_semaphore, #tpu.memory_space<semaphore_mem>>
      %dma_start3A_9 = arith.constant 0 : i32
      %dma_start3A_10 = tpu.memref_slice %arg4[%add3A_4, %dma_start3A_9] : memref<8192x128xf32, #tpu.memory_space<hbm>> -> memref<256x128xf32, #tpu.memory_space<hbm>>
      %dma_start3A_11 = arith.constant 0 : i32
      %dma_start3A_12 = tpu.memref_slice %arg4[%add3A_4, %dma_start3A_11] : memref<8192x128xf32, #tpu.memory_space<hbm>> -> memref<256x128xf32, #tpu.memory_space<hbm>>
      tpu.enqueue_dma source(%arg6 : memref<256x128xf32, #tpu.memory_space<vmem>>) target(%dma_start3A_12 : memref<256x128xf32, #tpu.memory_space<hbm>>) target_semaphore(%run_scoped3A : memref<!tpu.dma_semaphore, #tpu.memory_space<semaphore_mem>>)
      %dma_wait3A_13 = arith.constant 0 : i32
      %dma_wait3A_14 = tpu.memref_slice %arg4[%add3A_4, %dma_wait3A_13] : memref<8192x128xf32, #tpu.memory_space<hbm>> -> memref<256x128xf32, #tpu.memory_space<hbm>>
      %dma_wait3A_15 = arith.constant 0 : i32
      %dma_wait3A_16 = tpu.memref_slice %arg4[%add3A_4, %dma_wait3A_15] : memref<8192x128xf32, #tpu.memory_space<hbm>> -> memref<256x128xf32, #tpu.memory_space<hbm>>
      tpu.wait_dma2 semaphore(%run_scoped3A : memref<!tpu.dma_semaphore, #tpu.memory_space<semaphore_mem>>) src(%arg6 : memref<256x128xf32, #tpu.memory_space<vmem>>) dst(%dma_wait3A_16 : memref<256x128xf32, #tpu.memory_space<hbm>>)
      tpu.yield
    }) : () -> ()
    return
  }
}

module attributes {stable_mosaic.version = 14 : i64} {
  func.func @_d2_topk_kernel(%arg0: i32, %arg1: i32, %arg2: memref<1x128x128xf32, #tpu.memory_space<vmem>>, %arg3: memref<1x8x8192xf32, #tpu.memory_space<vmem>>, %arg4: memref<1x128x32xi32, #tpu.memory_space<vmem>>) attributes {dimension_semantics = [#tpu.dimension_semantics<arbitrary>, #tpu.dimension_semantics<arbitrary>], iteration_bounds = array<i64: 8, 8>, scalar_prefetch = 0 : i64, scratch_operands = 0 : i64, tpu.core_type = #tpu.core_type<tc>, window_params = [{transform_indices = @transform_0, window_bounds = array<i64: 1, 128, 128>}, {transform_indices = @transform_1, window_bounds = array<i64: 1, 8, 8192>}, {transform_indices = @transform_2, window_bounds = array<i64: 1, 128, 32>}]} {
    %get3A = arith.constant 0 : index
    %get3A_0 = arith.constant 0 : index
    %get3A_1 = arith.constant 0 : index
    %get3A_2 = vector.load %arg2[%get3A, %get3A_0, %get3A_1] : memref<1x128x128xf32, #tpu.memory_space<vmem>>, vector<1x128x1xf32>
    %get3A_3 = vector.shape_cast %get3A_2 : vector<1x128x1xf32> to vector<128x1xf32>
    %get3A_4 = arith.constant 0 : index
    %get3A_5 = arith.constant 0 : index
    %get3A_6 = arith.constant 1 : index
    %get3A_7 = vector.load %arg2[%get3A_4, %get3A_5, %get3A_6] : memref<1x128x128xf32, #tpu.memory_space<vmem>>, vector<1x128x1xf32>
    %get3A_8 = vector.shape_cast %get3A_7 : vector<1x128x1xf32> to vector<128x1xf32>
    %get3A_9 = arith.constant 0 : index
    %get3A_10 = arith.constant 0 : index
    %get3A_11 = arith.constant 2 : index
    %get3A_12 = vector.load %arg2[%get3A_9, %get3A_10, %get3A_11] : memref<1x128x128xf32, #tpu.memory_space<vmem>>, vector<1x128x1xf32>
    %get3A_13 = vector.shape_cast %get3A_12 : vector<1x128x1xf32> to vector<128x1xf32>
    %get3A_14 = arith.constant 0 : index
    %get3A_15 = arith.constant 0 : index
    %get3A_16 = arith.constant 0 : index
    %get3A_17 = vector.load %arg3[%get3A_14, %get3A_15, %get3A_16] : memref<1x8x8192xf32, #tpu.memory_space<vmem>>, vector<1x1x8192xf32>
    %get3A_18 = vector.shape_cast %get3A_17 : vector<1x1x8192xf32> to vector<1x8192xf32>
    %get3A_19 = arith.constant 0 : index
    %get3A_20 = arith.constant 1 : index
    %get3A_21 = arith.constant 0 : index
    %get3A_22 = vector.load %arg3[%get3A_19, %get3A_20, %get3A_21] : memref<1x8x8192xf32, #tpu.memory_space<vmem>>, vector<1x1x8192xf32>
    %get3A_23 = vector.shape_cast %get3A_22 : vector<1x1x8192xf32> to vector<1x8192xf32>
    %get3A_24 = arith.constant 0 : index
    %get3A_25 = arith.constant 2 : index
    %get3A_26 = arith.constant 0 : index
    %get3A_27 = vector.load %arg3[%get3A_24, %get3A_25, %get3A_26] : memref<1x8x8192xf32, #tpu.memory_space<vmem>>, vector<1x1x8192xf32>
    %get3A_28 = vector.shape_cast %get3A_27 : vector<1x1x8192xf32> to vector<1x8192xf32>
    %mul3A = arith.mulf %get3A_18, %get3A_18 : vector<1x8192xf32>
    %mul3A_29 = arith.mulf %get3A_23, %get3A_23 : vector<1x8192xf32>
    %add3A = arith.addf %mul3A, %mul3A_29 : vector<1x8192xf32>
    %mul3A_30 = arith.mulf %get3A_28, %get3A_28 : vector<1x8192xf32>
    %add3A_31 = arith.addf %add3A, %mul3A_30 : vector<1x8192xf32>
    %mul3A_32 = arith.mulf %get3A_3, %get3A_3 : vector<128x1xf32>
    %mul3A_33 = arith.mulf %get3A_8, %get3A_8 : vector<128x1xf32>
    %add3A_34 = arith.addf %mul3A_32, %mul3A_33 : vector<128x1xf32>
    %mul3A_35 = arith.mulf %get3A_13, %get3A_13 : vector<128x1xf32>
    %add3A_36 = arith.addf %add3A_34, %mul3A_35 : vector<128x1xf32>
    %get3A_37 = arith.constant 0 : index
    %get3A_38 = arith.constant 0 : index
    %get3A_39 = arith.constant 0 : index
    %get3A_40 = vector.load %arg2[%get3A_37, %get3A_38, %get3A_39] : memref<1x128x128xf32, #tpu.memory_space<vmem>>, vector<1x128x3xf32>
    %get3A_41 = vector.shape_cast %get3A_40 : vector<1x128x3xf32> to vector<128x3xf32>
    %convert_element_type3A = arith.truncf %get3A_41 : vector<128x3xf32> to vector<128x3xbf16>
    %get3A_42 = arith.constant 0 : index
    %get3A_43 = arith.constant 0 : index
    %get3A_44 = arith.constant 0 : index
    %get3A_45 = vector.load %arg3[%get3A_42, %get3A_43, %get3A_44] : memref<1x8x8192xf32, #tpu.memory_space<vmem>>, vector<1x3x8192xf32>
    %get3A_46 = vector.shape_cast %get3A_45 : vector<1x3x8192xf32> to vector<3x8192xf32>
    %convert_element_type3A_47 = arith.truncf %get3A_46 : vector<3x8192xf32> to vector<3x8192xbf16>
    %dot_general3A = arith.constant dense<0.000000e+00> : vector<128x8192xf32>
    %dot_general3A_48 = tpu.matmul %convert_element_type3A, %convert_element_type3A_47, %dot_general3A {dimension_numbers = #tpu.dot_dimension_numbers<[1], [0], [0], [1], [0, 0, 1, 1], [], []>, transpose_lhs_hint = false} : vector<128x3xbf16>, vector<3x8192xbf16>, vector<128x8192xf32> -> vector<128x8192xf32>
    %mul3A_49 = arith.constant 2.000000e+00 : f32
    %mul3A_50 = vector.broadcast %mul3A_49 : f32 to vector<128x8192xf32>
    %mul3A_51 = arith.mulf %mul3A_50, %dot_general3A_48 : vector<128x8192xf32>
    %sub3A = vector.broadcast %add3A_36 : vector<128x1xf32> to vector<128x8192xf32>
    %sub3A_52 = arith.subf %sub3A, %mul3A_51 : vector<128x8192xf32>
    %add3A_53 = vector.broadcast %add3A_31 : vector<1x8192xf32> to vector<128x8192xf32>
    %add3A_54 = arith.addf %sub3A_52, %add3A_53 : vector<128x8192xf32>
    %reshape3A = vector.shape_cast %add3A_54 : vector<128x8192xf32> to vector<128x64x128xf32>
    %iota3A = tpu.iota {dimensions = array<i32: 1>} : vector<128x64x128xi32>
    %reduce_min3A = arith.constant dense<0x7F800000> : vector<128x128xf32>
    %reduce_min3A_55 = vector.multi_reduction <minimumf>, %reshape3A, %reduce_min3A [1] : vector<128x64x128xf32> to vector<128x128xf32>
    %broadcast_in_dim3A = vector.shape_cast %reduce_min3A_55 : vector<128x128xf32> to vector<128x1x128xf32>
    %eq3A = vector.broadcast %broadcast_in_dim3A : vector<128x1x128xf32> to vector<128x64x128xf32>
    %eq3A_56 = arith.cmpf oeq, %reshape3A, %eq3A : vector<128x64x128xf32>
    %jit3A = arith.constant 64 : i32
    %broadcast_in_dim3A_57 = vector.broadcast %jit3A : i32 to vector<128x64x128xi32>
    %select_n3A = arith.select %eq3A_56, %iota3A, %broadcast_in_dim3A_57 : vector<128x64x128xi1>, vector<128x64x128xi32>
    %reduce_min3A_58 = arith.constant dense<2147483647> : vector<128x128xi32>
    %reduce_min3A_59 = vector.multi_reduction <minsi>, %select_n3A, %reduce_min3A_58 [1] : vector<128x64x128xi32> to vector<128x128xi32>
    %broadcast_in_dim3A_60 = vector.shape_cast %reduce_min3A_59 : vector<128x128xi32> to vector<128x1x128xi32>
    %eq3A_61 = vector.broadcast %broadcast_in_dim3A_60 : vector<128x1x128xi32> to vector<128x64x128xi32>
    %eq3A_62 = arith.cmpi eq, %iota3A, %eq3A_61 : vector<128x64x128xi32>
    %jit3A_63 = arith.constant 3.000000e+38 : f32
    %broadcast_in_dim3A_64 = vector.broadcast %jit3A_63 : f32 to vector<128x64x128xf32>
    %select_n3A_65 = arith.select %eq3A_62, %broadcast_in_dim3A_64, %reshape3A : vector<128x64x128xi1>, vector<128x64x128xf32>
    %reduce_min3A_66 = arith.constant dense<0x7F800000> : vector<128x128xf32>
    %reduce_min3A_67 = vector.multi_reduction <minimumf>, %select_n3A_65, %reduce_min3A_66 [1] : vector<128x64x128xf32> to vector<128x128xf32>
    %broadcast_in_dim3A_68 = vector.shape_cast %reduce_min3A_67 : vector<128x128xf32> to vector<128x1x128xf32>
    %eq3A_69 = vector.broadcast %broadcast_in_dim3A_68 : vector<128x1x128xf32> to vector<128x64x128xf32>
    %eq3A_70 = arith.cmpf oeq, %select_n3A_65, %eq3A_69 : vector<128x64x128xf32>
    %jit3A_71 = arith.constant 64 : i32
    %broadcast_in_dim3A_72 = vector.broadcast %jit3A_71 : i32 to vector<128x64x128xi32>
    %select_n3A_73 = arith.select %eq3A_70, %iota3A, %broadcast_in_dim3A_72 : vector<128x64x128xi1>, vector<128x64x128xi32>
    %reduce_min3A_74 = arith.constant dense<2147483647> : vector<128x128xi32>
    %reduce_min3A_75 = vector.multi_reduction <minsi>, %select_n3A_73, %reduce_min3A_74 [1] : vector<128x64x128xi32> to vector<128x128xi32>
    %broadcast_in_dim3A_76 = vector.shape_cast %reduce_min3A_75 : vector<128x128xi32> to vector<128x1x128xi32>
    %eq3A_77 = vector.broadcast %broadcast_in_dim3A_76 : vector<128x1x128xi32> to vector<128x64x128xi32>
    %eq3A_78 = arith.cmpi eq, %iota3A, %eq3A_77 : vector<128x64x128xi32>
    %jit3A_79 = arith.constant 3.000000e+38 : f32
    %broadcast_in_dim3A_80 = vector.broadcast %jit3A_79 : f32 to vector<128x64x128xf32>
    %select_n3A_81 = arith.select %eq3A_78, %broadcast_in_dim3A_80, %select_n3A_65 : vector<128x64x128xi1>, vector<128x64x128xf32>
    %reduce_min3A_82 = arith.constant dense<0x7F800000> : vector<128x128xf32>
    %reduce_min3A_83 = vector.multi_reduction <minimumf>, %select_n3A_81, %reduce_min3A_82 [1] : vector<128x64x128xf32> to vector<128x128xf32>
    %broadcast_in_dim3A_84 = vector.shape_cast %reduce_min3A_83 : vector<128x128xf32> to vector<128x1x128xf32>
    %eq3A_85 = vector.broadcast %broadcast_in_dim3A_84 : vector<128x1x128xf32> to vector<128x64x128xf32>
    %eq3A_86 = arith.cmpf oeq, %select_n3A_81, %eq3A_85 : vector<128x64x128xf32>
    %jit3A_87 = arith.constant 64 : i32
    %broadcast_in_dim3A_88 = vector.broadcast %jit3A_87 : i32 to vector<128x64x128xi32>
    %select_n3A_89 = arith.select %eq3A_86, %iota3A, %broadcast_in_dim3A_88 : vector<128x64x128xi1>, vector<128x64x128xi32>
    %reduce_min3A_90 = arith.constant dense<2147483647> : vector<128x128xi32>
    %reduce_min3A_91 = vector.multi_reduction <minsi>, %select_n3A_89, %reduce_min3A_90 [1] : vector<128x64x128xi32> to vector<128x128xi32>
    %broadcast_in_dim3A_92 = vector.shape_cast %reduce_min3A_91 : vector<128x128xi32> to vector<128x1x128xi32>
    %eq3A_93 = vector.broadcast %broadcast_in_dim3A_92 : vector<128x1x128xi32> to vector<128x64x128xi32>
    %eq3A_94 = arith.cmpi eq, %iota3A, %eq3A_93 : vector<128x64x128xi32>
    %jit3A_95 = arith.constant 3.000000e+38 : f32
    %broadcast_in_dim3A_96 = vector.broadcast %jit3A_95 : f32 to vector<128x64x128xf32>
    %select_n3A_97 = arith.select %eq3A_94, %broadcast_in_dim3A_96, %select_n3A_81 : vector<128x64x128xi1>, vector<128x64x128xf32>
    %reduce_min3A_98 = arith.constant dense<0x7F800000> : vector<128x128xf32>
    %reduce_min3A_99 = vector.multi_reduction <minimumf>, %select_n3A_97, %reduce_min3A_98 [1] : vector<128x64x128xf32> to vector<128x128xf32>
    %broadcast_in_dim3A_100 = vector.shape_cast %reduce_min3A_99 : vector<128x128xf32> to vector<128x1x128xf32>
    %eq3A_101 = vector.broadcast %broadcast_in_dim3A_100 : vector<128x1x128xf32> to vector<128x64x128xf32>
    %eq3A_102 = arith.cmpf oeq, %select_n3A_97, %eq3A_101 : vector<128x64x128xf32>
    %jit3A_103 = arith.constant 64 : i32
    %broadcast_in_dim3A_104 = vector.broadcast %jit3A_103 : i32 to vector<128x64x128xi32>
    %select_n3A_105 = arith.select %eq3A_102, %iota3A, %broadcast_in_dim3A_104 : vector<128x64x128xi1>, vector<128x64x128xi32>
    %reduce_min3A_106 = arith.constant dense<2147483647> : vector<128x128xi32>
    %reduce_min3A_107 = vector.multi_reduction <minsi>, %select_n3A_105, %reduce_min3A_106 [1] : vector<128x64x128xi32> to vector<128x128xi32>
    %broadcast_in_dim3A_108 = vector.shape_cast %reduce_min3A_107 : vector<128x128xi32> to vector<128x1x128xi32>
    %eq3A_109 = vector.broadcast %broadcast_in_dim3A_108 : vector<128x1x128xi32> to vector<128x64x128xi32>
    %eq3A_110 = arith.cmpi eq, %iota3A, %eq3A_109 : vector<128x64x128xi32>
    %jit3A_111 = arith.constant 3.000000e+38 : f32
    %broadcast_in_dim3A_112 = vector.broadcast %jit3A_111 : f32 to vector<128x64x128xf32>
    %select_n3A_113 = arith.select %eq3A_110, %broadcast_in_dim3A_112, %select_n3A_97 : vector<128x64x128xi1>, vector<128x64x128xf32>
    %reduce_min3A_114 = arith.constant dense<0x7F800000> : vector<128x128xf32>
    %reduce_min3A_115 = vector.multi_reduction <minimumf>, %select_n3A_113, %reduce_min3A_114 [1] : vector<128x64x128xf32> to vector<128x128xf32>
    %broadcast_in_dim3A_116 = vector.shape_cast %reduce_min3A_115 : vector<128x128xf32> to vector<128x1x128xf32>
    %eq3A_117 = vector.broadcast %broadcast_in_dim3A_116 : vector<128x1x128xf32> to vector<128x64x128xf32>
    %eq3A_118 = arith.cmpf oeq, %select_n3A_113, %eq3A_117 : vector<128x64x128xf32>
    %jit3A_119 = arith.constant 64 : i32
    %broadcast_in_dim3A_120 = vector.broadcast %jit3A_119 : i32 to vector<128x64x128xi32>
    %select_n3A_121 = arith.select %eq3A_118, %iota3A, %broadcast_in_dim3A_120 : vector<128x64x128xi1>, vector<128x64x128xi32>
    %reduce_min3A_122 = arith.constant dense<2147483647> : vector<128x128xi32>
    %reduce_min3A_123 = vector.multi_reduction <minsi>, %select_n3A_121, %reduce_min3A_122 [1] : vector<128x64x128xi32> to vector<128x128xi32>
    %broadcast_in_dim3A_124 = vector.shape_cast %reduce_min3A_123 : vector<128x128xi32> to vector<128x1x128xi32>
    %eq3A_125 = vector.broadcast %broadcast_in_dim3A_124 : vector<128x1x128xi32> to vector<128x64x128xi32>
    %eq3A_126 = arith.cmpi eq, %iota3A, %eq3A_125 : vector<128x64x128xi32>
    %jit3A_127 = arith.constant 3.000000e+38 : f32
    %broadcast_in_dim3A_128 = vector.broadcast %jit3A_127 : f32 to vector<128x64x128xf32>
    %select_n3A_129 = arith.select %eq3A_126, %broadcast_in_dim3A_128, %select_n3A_113 : vector<128x64x128xi1>, vector<128x64x128xf32>
    %reduce_min3A_130 = arith.constant dense<0x7F800000> : vector<128x128xf32>
    %reduce_min3A_131 = vector.multi_reduction <minimumf>, %select_n3A_129, %reduce_min3A_130 [1] : vector<128x64x128xf32> to vector<128x128xf32>
    %broadcast_in_dim3A_132 = vector.shape_cast %reduce_min3A_131 : vector<128x128xf32> to vector<128x1x128xf32>
    %eq3A_133 = vector.broadcast %broadcast_in_dim3A_132 : vector<128x1x128xf32> to vector<128x64x128xf32>
    %eq3A_134 = arith.cmpf oeq, %select_n3A_129, %eq3A_133 : vector<128x64x128xf32>
    %jit3A_135 = arith.constant 64 : i32
    %broadcast_in_dim3A_136 = vector.broadcast %jit3A_135 : i32 to vector<128x64x128xi32>
    %select_n3A_137 = arith.select %eq3A_134, %iota3A, %broadcast_in_dim3A_136 : vector<128x64x128xi1>, vector<128x64x128xi32>
    %reduce_min3A_138 = arith.constant dense<2147483647> : vector<128x128xi32>
    %reduce_min3A_139 = vector.multi_reduction <minsi>, %select_n3A_137, %reduce_min3A_138 [1] : vector<128x64x128xi32> to vector<128x128xi32>
    %iota3A_140 = tpu.iota {dimensions = array<i32: 1>} : vector<128x128xi32>
    %broadcast_in_dim3A_141 = arith.constant 0.000000e+00 : f32
    %broadcast_in_dim3A_142 = vector.broadcast %broadcast_in_dim3A_141 : f32 to vector<128x1xf32>
    %reduce_min3A_143 = arith.constant dense<0x7F800000> : vector<128xf32>
    %reduce_min3A_144 = vector.multi_reduction <minimumf>, %reduce_min3A_55, %reduce_min3A_143 [1] : vector<128x128xf32> to vector<128xf32>
    %broadcast_in_dim3A_145 = vector.shape_cast %reduce_min3A_144 : vector<128xf32> to vector<128x1xf32>
    %mul3A_146 = arith.constant 128 : i32
    %mul3A_147 = vector.broadcast %mul3A_146 : i32 to vector<128x128xi32>
    %mul3A_148 = arith.muli %reduce_min3A_59, %mul3A_147 : vector<128x128xi32>
    %add3A_149 = arith.addi %mul3A_148, %iota3A_140 : vector<128x128xi32>
    %eq3A_150 = vector.broadcast %broadcast_in_dim3A_145 : vector<128x1xf32> to vector<128x128xf32>
    %eq3A_151 = arith.cmpf oeq, %reduce_min3A_55, %eq3A_150 : vector<128x128xf32>
    %jit3A_152 = arith.constant 8192 : i32
    %broadcast_in_dim3A_153 = vector.broadcast %jit3A_152 : i32 to vector<128x128xi32>
    %select_n3A_154 = arith.select %eq3A_151, %add3A_149, %broadcast_in_dim3A_153 : vector<128x128xi1>, vector<128x128xi32>
    %reduce_min3A_155 = arith.constant dense<2147483647> : vector<128xi32>
    %reduce_min3A_156 = vector.multi_reduction <minsi>, %select_n3A_154, %reduce_min3A_155 [1] : vector<128x128xi32> to vector<128xi32>
    %broadcast_in_dim3A_157 = vector.shape_cast %reduce_min3A_156 : vector<128xi32> to vector<128x1xi32>
    %mul3A_158 = arith.constant 8192 : i32
    %mul3A_159 = arith.muli %arg0, %mul3A_158 : i32
    %add3A_160 = vector.broadcast %mul3A_159 : i32 to vector<128x1xi32>
    %add3A_161 = arith.addi %broadcast_in_dim3A_157, %add3A_160 : vector<128x1xi32>
    %swap3A = arith.constant 0 : index
    %swap3A_162 = arith.constant 0 : index
    %swap3A_163 = arith.constant 0 : index
    %swap3A_164 = vector.load %arg4[%swap3A, %swap3A_162, %swap3A_163] : memref<1x128x32xi32, #tpu.memory_space<vmem>>, vector<1x128x1xi32>
    %swap3A_165 = vector.shape_cast %swap3A_164 : vector<1x128x1xi32> to vector<128x1xi32>
    %swap3A_166 = vector.shape_cast %add3A_161 : vector<128x1xi32> to vector<1x128x1xi32>
    tpu.vector_store %arg4[%swap3A, %swap3A_162, %swap3A_163], %swap3A_166 {strides = array<i32>} : memref<1x128x32xi32, #tpu.memory_space<vmem>>, vector<1x128x1xi32>,
    %rem3A = arith.constant 128 : i32
    %rem3A_167 = vector.broadcast %rem3A : i32 to vector<128x1xi32>
    %rem3A_168 = arith.remsi %broadcast_in_dim3A_157, %rem3A_167 : vector<128x1xi32>
    %eq3A_169 = vector.broadcast %rem3A_168 : vector<128x1xi32> to vector<128x128xi32>
    %eq3A_170 = arith.cmpi eq, %iota3A_140, %eq3A_169 : vector<128x128xi32>
    %select_n3A_171 = arith.select %eq3A_170, %reduce_min3A_67, %reduce_min3A_55 : vector<128x128xi1>, vector<128x128xf32>
    %select_n3A_172 = arith.select %eq3A_170, %reduce_min3A_75, %reduce_min3A_59 : vector<128x128xi1>, vector<128x128xi32>
    %select_n3A_173 = arith.select %eq3A_170, %reduce_min3A_83, %reduce_min3A_67 : vector<128x128xi1>, vector<128x128xf32>
    %select_n3A_174 = arith.select %eq3A_170, %reduce_min3A_91, %reduce_min3A_75 : vector<128x128xi1>, vector<128x128xi32>
    %select_n3A_175 = arith.select %eq3A_170, %reduce_min3A_99, %reduce_min3A_83 : vector<128x128xi1>, vector<128x128xf32>
    %select_n3A_176 = arith.select %eq3A_170, %reduce_min3A_107, %reduce_min3A_91 : vector<128x128xi1>, vector<128x128xi32>
    %select_n3A_177 = arith.select %eq3A_170, %reduce_min3A_115, %reduce_min3A_99 : vector<128x128xi1>, vector<128x128xf32>
    %select_n3A_178 = arith.select %eq3A_170, %reduce_min3A_123, %reduce_min3A_107 : vector<128x128xi1>, vector<128x128xi32>
    %select_n3A_179 = arith.select %eq3A_170, %reduce_min3A_131, %reduce_min3A_115 : vector<128x128xi1>, vector<128x128xf32>
    %select_n3A_180 = arith.select %eq3A_170, %reduce_min3A_139, %reduce_min3A_123 : vector<128x128xi1>, vector<128x128xi32>
    %jit3A_181 = arith.constant 3.000000e+38 : f32
    %broadcast_in_dim3A_182 = vector.broadcast %jit3A_181 : f32 to vector<128x128xf32>
    %select_n3A_183 = arith.select %eq3A_170, %broadcast_in_dim3A_182, %reduce_min3A_131 : vector<128x128xi1>, vector<128x128xf32>
    %jit3A_184 = arith.constant 0.000000e+00 : f32
    %broadcast_in_dim3A_185 = vector.broadcast %jit3A_184 : f32 to vector<128x128xf32>
    %select_n3A_186 = arith.select %eq3A_170, %select_n3A_171, %broadcast_in_dim3A_185 : vector<128x128xi1>, vector<128x128xf32>
    %reduce_max3A = arith.constant dense<0xFF800000> : vector<128xf32>
    %reduce_max3A_187 = vector.multi_reduction <maximumf>, %select_n3A_186, %reduce_max3A [1] : vector<128x128xf32> to vector<128xf32>
    %broadcast_in_dim3A_188 = vector.shape_cast %reduce_max3A_187 : vector<128xf32> to vector<128x1xf32>
    %max3A = arith.maximumf %broadcast_in_dim3A_142, %broadcast_in_dim3A_188 : vector<128x1xf32>
    %reduce_min3A_189 = arith.constant dense<0x7F800000> : vector<128xf32>
    %reduce_min3A_190 = vector.multi_reduction <minimumf>, %select_n3A_171, %reduce_min3A_189 [1] : vector<128x128xf32> to vector<128xf32>
    %broadcast_in_dim3A_191 = vector.shape_cast %reduce_min3A_190 : vector<128xf32> to vector<128x1xf32>
    %mul3A_192 = arith.constant 128 : i32
    %mul3A_193 = vector.broadcast %mul3A_192 : i32 to vector<128x128xi32>
    %mul3A_194 = arith.muli %select_n3A_172, %mul3A_193 : vector<128x128xi32>
    %add3A_195 = arith.addi %mul3A_194, %iota3A_140 : vector<128x128xi32>
    %eq3A_196 = vector.broadcast %broadcast_in_dim3A_191 : vector<128x1xf32> to vector<128x128xf32>
    %eq3A_197 = arith.cmpf oeq, %select_n3A_171, %eq3A_196 : vector<128x128xf32>
    %jit3A_198 = arith.constant 8192 : i32
    %broadcast_in_dim3A_199 = vector.broadcast %jit3A_198 : i32 to vector<128x128xi32>
    %select_n3A_200 = arith.select %eq3A_197, %add3A_195, %broadcast_in_dim3A_199 : vector<128x128xi1>, vector<128x128xi32>
    %reduce_min3A_201 = arith.constant dense<2147483647> : vector<128xi32>
    %reduce_min3A_202 = vector.multi_reduction <minsi>, %select_n3A_200, %reduce_min3A_201 [1] : vector<128x128xi32> to vector<128xi32>
    %broadcast_in_dim3A_203 = vector.shape_cast %reduce_min3A_202 : vector<128xi32> to vector<128x1xi32>
    %mul3A_204 = arith.constant 8192 : i32
    %mul3A_205 = arith.muli %arg0, %mul3A_204 : i32
    %add3A_206 = vector.broadcast %mul3A_205 : i32 to vector<128x1xi32>
    %add3A_207 = arith.addi %broadcast_in_dim3A_203, %add3A_206 : vector<128x1xi32>
    %swap3A_208 = arith.constant 0 : index
    %swap3A_209 = arith.constant 0 : index
    %swap3A_210 = arith.constant 1 : index
    %swap3A_211 = vector.load %arg4[%swap3A_208, %swap3A_209, %swap3A_210] : memref<1x128x32xi32, #tpu.memory_space<vmem>>, vector<1x128x1xi32>
    %swap3A_212 = vector.shape_cast %swap3A_211 : vector<1x128x1xi32> to vector<128x1xi32>
    %swap3A_213 = vector.shape_cast %add3A_207 : vector<128x1xi32> to vector<1x128x1xi32>
    tpu.vector_store %arg4[%swap3A_208, %swap3A_209, %swap3A_210], %swap3A_213 {strides = array<i32>} : memref<1x128x32xi32, #tpu.memory_space<vmem>>, vector<1x128x1xi32>,
    %rem3A_214 = arith.constant 128 : i32
    %rem3A_215 = vector.broadcast %rem3A_214 : i32 to vector<128x1xi32>
    %rem3A_216 = arith.remsi %broadcast_in_dim3A_203, %rem3A_215 : vector<128x1xi32>
    %eq3A_217 = vector.broadcast %rem3A_216 : vector<128x1xi32> to vector<128x128xi32>
    %eq3A_218 = arith.cmpi eq, %iota3A_140, %eq3A_217 : vector<128x128xi32>
    %select_n3A_219 = arith.select %eq3A_218, %select_n3A_173, %select_n3A_171 : vector<128x128xi1>, vector<128x128xf32>
    %select_n3A_220 = arith.select %eq3A_218, %select_n3A_174, %select_n3A_172 : vector<128x128xi1>, vector<128x128xi32>
    %select_n3A_221 = arith.select %eq3A_218, %select_n3A_175, %select_n3A_173 : vector<128x128xi1>, vector<128x128xf32>
    %select_n3A_222 = arith.select %eq3A_218, %select_n3A_176, %select_n3A_174 : vector<128x128xi1>, vector<128x128xi32>
    %select_n3A_223 = arith.select %eq3A_218, %select_n3A_177, %select_n3A_175 : vector<128x128xi1>, vector<128x128xf32>
    %select_n3A_224 = arith.select %eq3A_218, %select_n3A_178, %select_n3A_176 : vector<128x128xi1>, vector<128x128xi32>
    %select_n3A_225 = arith.select %eq3A_218, %select_n3A_179, %select_n3A_177 : vector<128x128xi1>, vector<128x128xf32>
    %select_n3A_226 = arith.select %eq3A_218, %select_n3A_180, %select_n3A_178 : vector<128x128xi1>, vector<128x128xi32>
    %select_n3A_227 = arith.select %eq3A_218, %select_n3A_183, %select_n3A_179 : vector<128x128xi1>, vector<128x128xf32>
    %select_n3A_228 = arith.select %eq3A_218, %reduce_min3A_139, %select_n3A_180 : vector<128x128xi1>, vector<128x128xi32>
    %jit3A_229 = arith.constant 3.000000e+38 : f32
    %broadcast_in_dim3A_230 = vector.broadcast %jit3A_229 : f32 to vector<128x128xf32>
    %select_n3A_231 = arith.select %eq3A_218, %broadcast_in_dim3A_230, %select_n3A_183 : vector<128x128xi1>, vector<128x128xf32>
    %jit3A_232 = arith.constant 0.000000e+00 : f32
    %broadcast_in_dim3A_233 = vector.broadcast %jit3A_232 : f32 to vector<128x128xf32>
    %select_n3A_234 = arith.select %eq3A_218, %select_n3A_219, %broadcast_in_dim3A_233 : vector<128x128xi1>, vector<128x128xf32>
    %reduce_max3A_235 = arith.constant dense<0xFF800000> : vector<128xf32>
    %reduce_max3A_236 = vector.multi_reduction <maximumf>, %select_n3A_234, %reduce_max3A_235 [1] : vector<128x128xf32> to vector<128xf32>
    %broadcast_in_dim3A_237 = vector.shape_cast %reduce_max3A_236 : vector<128xf32> to vector<128x1xf32>
    %max3A_238 = arith.maximumf %max3A, %broadcast_in_dim3A_237 : vector<128x1xf32>
    %reduce_min3A_239 = arith.constant dense<0x7F800000> : vector<128xf32>
    %reduce_min3A_240 = vector.multi_reduction <minimumf>, %select_n3A_219, %reduce_min3A_239 [1] : vector<128x128xf32> to vector<128xf32>
    %broadcast_in_dim3A_241 = vector.shape_cast %reduce_min3A_240 : vector<128xf32> to vector<128x1xf32>
    %mul3A_242 = arith.constant 128 : i32
    %mul3A_243 = vector.broadcast %mul3A_242 : i32 to vector<128x128xi32>
    %mul3A_244 = arith.muli %select_n3A_220, %mul3A_243 : vector<128x128xi32>
    %add3A_245 = arith.addi %mul3A_244, %iota3A_140 : vector<128x128xi32>
    %eq3A_246 = vector.broadcast %broadcast_in_dim3A_241 : vector<128x1xf32> to vector<128x128xf32>
    %eq3A_247 = arith.cmpf oeq, %select_n3A_219, %eq3A_246 : vector<128x128xf32>
    %jit3A_248 = arith.constant 8192 : i32
    %broadcast_in_dim3A_249 = vector.broadcast %jit3A_248 : i32 to vector<128x128xi32>
    %select_n3A_250 = arith.select %eq3A_247, %add3A_245, %broadcast_in_dim3A_249 : vector<128x128xi1>, vector<128x128xi32>
    %reduce_min3A_251 = arith.constant dense<2147483647> : vector<128xi32>
    %reduce_min3A_252 = vector.multi_reduction <minsi>, %select_n3A_250, %reduce_min3A_251 [1] : vector<128x128xi32> to vector<128xi32>
    %broadcast_in_dim3A_253 = vector.shape_cast %reduce_min3A_252 : vector<128xi32> to vector<128x1xi32>
    %mul3A_254 = arith.constant 8192 : i32
    %mul3A_255 = arith.muli %arg0, %mul3A_254 : i32
    %add3A_256 = vector.broadcast %mul3A_255 : i32 to vector<128x1xi32>
    %add3A_257 = arith.addi %broadcast_in_dim3A_253, %add3A_256 : vector<128x1xi32>
    %swap3A_258 = arith.constant 0 : index
    %swap3A_259 = arith.constant 0 : index
    %swap3A_260 = arith.constant 2 : index
    %swap3A_261 = vector.load %arg4[%swap3A_258, %swap3A_259, %swap3A_260] : memref<1x128x32xi32, #tpu.memory_space<vmem>>, vector<1x128x1xi32>
    %swap3A_262 = vector.shape_cast %swap3A_261 : vector<1x128x1xi32> to vector<128x1xi32>
    %swap3A_263 = vector.shape_cast %add3A_257 : vector<128x1xi32> to vector<1x128x1xi32>
    tpu.vector_store %arg4[%swap3A_258, %swap3A_259, %swap3A_260], %swap3A_263 {strides = array<i32>} : memref<1x128x32xi32, #tpu.memory_space<vmem>>, vector<1x128x1xi32>,
    %rem3A_264 = arith.constant 128 : i32
    %rem3A_265 = vector.broadcast %rem3A_264 : i32 to vector<128x1xi32>
    %rem3A_266 = arith.remsi %broadcast_in_dim3A_253, %rem3A_265 : vector<128x1xi32>
    %eq3A_267 = vector.broadcast %rem3A_266 : vector<128x1xi32> to vector<128x128xi32>
    %eq3A_268 = arith.cmpi eq, %iota3A_140, %eq3A_267 : vector<128x128xi32>
    %select_n3A_269 = arith.select %eq3A_268, %select_n3A_221, %select_n3A_219 : vector<128x128xi1>, vector<128x128xf32>
    %select_n3A_270 = arith.select %eq3A_268, %select_n3A_222, %select_n3A_220 : vector<128x128xi1>, vector<128x128xi32>
    %select_n3A_271 = arith.select %eq3A_268, %select_n3A_223, %select_n3A_221 : vector<128x128xi1>, vector<128x128xf32>
    %select_n3A_272 = arith.select %eq3A_268, %select_n3A_224, %select_n3A_222 : vector<128x128xi1>, vector<128x128xi32>
    %select_n3A_273 = arith.select %eq3A_268, %select_n3A_225, %select_n3A_223 : vector<128x128xi1>, vector<128x128xf32>
    %select_n3A_274 = arith.select %eq3A_268, %select_n3A_226, %select_n3A_224 : vector<128x128xi1>, vector<128x128xi32>
    %select_n3A_275 = arith.select %eq3A_268, %select_n3A_227, %select_n3A_225 : vector<128x128xi1>, vector<128x128xf32>
    %select_n3A_276 = arith.select %eq3A_268, %select_n3A_228, %select_n3A_226 : vector<128x128xi1>, vector<128x128xi32>
    %select_n3A_277 = arith.select %eq3A_268, %select_n3A_231, %select_n3A_227 : vector<128x128xi1>, vector<128x128xf32>
    %select_n3A_278 = arith.select %eq3A_268, %reduce_min3A_139, %select_n3A_228 : vector<128x128xi1>, vector<128x128xi32>
    %jit3A_279 = arith.constant 3.000000e+38 : f32
    %broadcast_in_dim3A_280 = vector.broadcast %jit3A_279 : f32 to vector<128x128xf32>
    %select_n3A_281 = arith.select %eq3A_268, %broadcast_in_dim3A_280, %select_n3A_231 : vector<128x128xi1>, vector<128x128xf32>
    %jit3A_282 = arith.constant 0.000000e+00 : f32
    %broadcast_in_dim3A_283 = vector.broadcast %jit3A_282 : f32 to vector<128x128xf32>
    %select_n3A_284 = arith.select %eq3A_268, %select_n3A_269, %broadcast_in_dim3A_283 : vector<128x128xi1>, vector<128x128xf32>
    %reduce_max3A_285 = arith.constant dense<0xFF800000> : vector<128xf32>
    %reduce_max3A_286 = vector.multi_reduction <maximumf>, %select_n3A_284, %reduce_max3A_285 [1] : vector<128x128xf32> to vector<128xf32>
    %broadcast_in_dim3A_287 = vector.shape_cast %reduce_max3A_286 : vector<128xf32> to vector<128x1xf32>
    %max3A_288 = arith.maximumf %max3A_238, %broadcast_in_dim3A_287 : vector<128x1xf32>
    %reduce_min3A_289 = arith.constant dense<0x7F800000> : vector<128xf32>
    %reduce_min3A_290 = vector.multi_reduction <minimumf>, %select_n3A_269, %reduce_min3A_289 [1] : vector<128x128xf32> to vector<128xf32>
    %broadcast_in_dim3A_291 = vector.shape_cast %reduce_min3A_290 : vector<128xf32> to vector<128x1xf32>
    %mul3A_292 = arith.constant 128 : i32
    %mul3A_293 = vector.broadcast %mul3A_292 : i32 to vector<128x128xi32>
    %mul3A_294 = arith.muli %select_n3A_270, %mul3A_293 : vector<128x128xi32>
    %add3A_295 = arith.addi %mul3A_294, %iota3A_140 : vector<128x128xi32>
    %eq3A_296 = vector.broadcast %broadcast_in_dim3A_291 : vector<128x1xf32> to vector<128x128xf32>
    %eq3A_297 = arith.cmpf oeq, %select_n3A_269, %eq3A_296 : vector<128x128xf32>
    %jit3A_298 = arith.constant 8192 : i32
    %broadcast_in_dim3A_299 = vector.broadcast %jit3A_298 : i32 to vector<128x128xi32>
    %select_n3A_300 = arith.select %eq3A_297, %add3A_295, %broadcast_in_dim3A_299 : vector<128x128xi1>, vector<128x128xi32>
    %reduce_min3A_301 = arith.constant dense<2147483647> : vector<128xi32>
    %reduce_min3A_302 = vector.multi_reduction <minsi>, %select_n3A_300, %reduce_min3A_301 [1] : vector<128x128xi32> to vector<128xi32>
    %broadcast_in_dim3A_303 = vector.shape_cast %reduce_min3A_302 : vector<128xi32> to vector<128x1xi32>
    %mul3A_304 = arith.constant 8192 : i32
    %mul3A_305 = arith.muli %arg0, %mul3A_304 : i32
    %add3A_306 = vector.broadcast %mul3A_305 : i32 to vector<128x1xi32>
    %add3A_307 = arith.addi %broadcast_in_dim3A_303, %add3A_306 : vector<128x1xi32>
    %swap3A_308 = arith.constant 0 : index
    %swap3A_309 = arith.constant 0 : index
    %swap3A_310 = arith.constant 3 : index
    %swap3A_311 = vector.load %arg4[%swap3A_308, %swap3A_309, %swap3A_310] : memref<1x128x32xi32, #tpu.memory_space<vmem>>, vector<1x128x1xi32>
    %swap3A_312 = vector.shape_cast %swap3A_311 : vector<1x128x1xi32> to vector<128x1xi32>
    %swap3A_313 = vector.shape_cast %add3A_307 : vector<128x1xi32> to vector<1x128x1xi32>
    tpu.vector_store %arg4[%swap3A_308, %swap3A_309, %swap3A_310], %swap3A_313 {strides = array<i32>} : memref<1x128x32xi32, #tpu.memory_space<vmem>>, vector<1x128x1xi32>,
    %rem3A_314 = arith.constant 128 : i32
    %rem3A_315 = vector.broadcast %rem3A_314 : i32 to vector<128x1xi32>
    %rem3A_316 = arith.remsi %broadcast_in_dim3A_303, %rem3A_315 : vector<128x1xi32>
    %eq3A_317 = vector.broadcast %rem3A_316 : vector<128x1xi32> to vector<128x128xi32>
    %eq3A_318 = arith.cmpi eq, %iota3A_140, %eq3A_317 : vector<128x128xi32>
    %select_n3A_319 = arith.select %eq3A_318, %select_n3A_271, %select_n3A_269 : vector<128x128xi1>, vector<128x128xf32>
    %select_n3A_320 = arith.select %eq3A_318, %select_n3A_272, %select_n3A_270 : vector<128x128xi1>, vector<128x128xi32>
    %select_n3A_321 = arith.select %eq3A_318, %select_n3A_273, %select_n3A_271 : vector<128x128xi1>, vector<128x128xf32>
    %select_n3A_322 = arith.select %eq3A_318, %select_n3A_274, %select_n3A_272 : vector<128x128xi1>, vector<128x128xi32>
    %select_n3A_323 = arith.select %eq3A_318, %select_n3A_275, %select_n3A_273 : vector<128x128xi1>, vector<128x128xf32>
    %select_n3A_324 = arith.select %eq3A_318, %select_n3A_276, %select_n3A_274 : vector<128x128xi1>, vector<128x128xi32>
    %select_n3A_325 = arith.select %eq3A_318, %select_n3A_277, %select_n3A_275 : vector<128x128xi1>, vector<128x128xf32>
    %select_n3A_326 = arith.select %eq3A_318, %select_n3A_278, %select_n3A_276 : vector<128x128xi1>, vector<128x128xi32>
    %select_n3A_327 = arith.select %eq3A_318, %select_n3A_281, %select_n3A_277 : vector<128x128xi1>, vector<128x128xf32>
    %select_n3A_328 = arith.select %eq3A_318, %reduce_min3A_139, %select_n3A_278 : vector<128x128xi1>, vector<128x128xi32>
    %jit3A_329 = arith.constant 3.000000e+38 : f32
    %broadcast_in_dim3A_330 = vector.broadcast %jit3A_329 : f32 to vector<128x128xf32>
    %select_n3A_331 = arith.select %eq3A_318, %broadcast_in_dim3A_330, %select_n3A_281 : vector<128x128xi1>, vector<128x128xf32>
    %jit3A_332 = arith.constant 0.000000e+00 : f32
    %broadcast_in_dim3A_333 = vector.broadcast %jit3A_332 : f32 to vector<128x128xf32>
    %select_n3A_334 = arith.select %eq3A_318, %select_n3A_319, %broadcast_in_dim3A_333 : vector<128x128xi1>, vector<128x128xf32>
    %reduce_max3A_335 = arith.constant dense<0xFF800000> : vector<128xf32>
    %reduce_max3A_336 = vector.multi_reduction <maximumf>, %select_n3A_334, %reduce_max3A_335 [1] : vector<128x128xf32> to vector<128xf32>
    %broadcast_in_dim3A_337 = vector.shape_cast %reduce_max3A_336 : vector<128xf32> to vector<128x1xf32>
    %max3A_338 = arith.maximumf %max3A_288, %broadcast_in_dim3A_337 : vector<128x1xf32>
    %reduce_min3A_339 = arith.constant dense<0x7F800000> : vector<128xf32>
    %reduce_min3A_340 = vector.multi_reduction <minimumf>, %select_n3A_319, %reduce_min3A_339 [1] : vector<128x128xf32> to vector<128xf32>
    %broadcast_in_dim3A_341 = vector.shape_cast %reduce_min3A_340 : vector<128xf32> to vector<128x1xf32>
    %mul3A_342 = arith.constant 128 : i32
    %mul3A_343 = vector.broadcast %mul3A_342 : i32 to vector<128x128xi32>
    %mul3A_344 = arith.muli %select_n3A_320, %mul3A_343 : vector<128x128xi32>
    %add3A_345 = arith.addi %mul3A_344, %iota3A_140 : vector<128x128xi32>
    %eq3A_346 = vector.broadcast %broadcast_in_dim3A_341 : vector<128x1xf32> to vector<128x128xf32>
    %eq3A_347 = arith.cmpf oeq, %select_n3A_319, %eq3A_346 : vector<128x128xf32>
    %jit3A_348 = arith.constant 8192 : i32
    %broadcast_in_dim3A_349 = vector.broadcast %jit3A_348 : i32 to vector<128x128xi32>
    %select_n3A_350 = arith.select %eq3A_347, %add3A_345, %broadcast_in_dim3A_349 : vector<128x128xi1>, vector<128x128xi32>
    %reduce_min3A_351 = arith.constant dense<2147483647> : vector<128xi32>
    %reduce_min3A_352 = vector.multi_reduction <minsi>, %select_n3A_350, %reduce_min3A_351 [1] : vector<128x128xi32> to vector<128xi32>
    %broadcast_in_dim3A_353 = vector.shape_cast %reduce_min3A_352 : vector<128xi32> to vector<128x1xi32>
    %mul3A_354 = arith.constant 8192 : i32
    %mul3A_355 = arith.muli %arg0, %mul3A_354 : i32
    %add3A_356 = vector.broadcast %mul3A_355 : i32 to vector<128x1xi32>
    %add3A_357 = arith.addi %broadcast_in_dim3A_353, %add3A_356 : vector<128x1xi32>
    %swap3A_358 = arith.constant 0 : index
    %swap3A_359 = arith.constant 0 : index
    %swap3A_360 = arith.constant 4 : index
    %swap3A_361 = vector.load %arg4[%swap3A_358, %swap3A_359, %swap3A_360] : memref<1x128x32xi32, #tpu.memory_space<vmem>>, vector<1x128x1xi32>
    %swap3A_362 = vector.shape_cast %swap3A_361 : vector<1x128x1xi32> to vector<128x1xi32>
    %swap3A_363 = vector.shape_cast %add3A_357 : vector<128x1xi32> to vector<1x128x1xi32>
    tpu.vector_store %arg4[%swap3A_358, %swap3A_359, %swap3A_360], %swap3A_363 {strides = array<i32>} : memref<1x128x32xi32, #tpu.memory_space<vmem>>, vector<1x128x1xi32>,
    %rem3A_364 = arith.constant 128 : i32
    %rem3A_365 = vector.broadcast %rem3A_364 : i32 to vector<128x1xi32>
    %rem3A_366 = arith.remsi %broadcast_in_dim3A_353, %rem3A_365 : vector<128x1xi32>
    %eq3A_367 = vector.broadcast %rem3A_366 : vector<128x1xi32> to vector<128x128xi32>
    %eq3A_368 = arith.cmpi eq, %iota3A_140, %eq3A_367 : vector<128x128xi32>
    %select_n3A_369 = arith.select %eq3A_368, %select_n3A_321, %select_n3A_319 : vector<128x128xi1>, vector<128x128xf32>
    %select_n3A_370 = arith.select %eq3A_368, %select_n3A_322, %select_n3A_320 : vector<128x128xi1>, vector<128x128xi32>
    %select_n3A_371 = arith.select %eq3A_368, %select_n3A_323, %select_n3A_321 : vector<128x128xi1>, vector<128x128xf32>
    %select_n3A_372 = arith.select %eq3A_368, %select_n3A_324, %select_n3A_322 : vector<128x128xi1>, vector<128x128xi32>
    %select_n3A_373 = arith.select %eq3A_368, %select_n3A_325, %select_n3A_323 : vector<128x128xi1>, vector<128x128xf32>
    %select_n3A_374 = arith.select %eq3A_368, %select_n3A_326, %select_n3A_324 : vector<128x128xi1>, vector<128x128xi32>
    %select_n3A_375 = arith.select %eq3A_368, %select_n3A_327, %select_n3A_325 : vector<128x128xi1>, vector<128x128xf32>
    %select_n3A_376 = arith.select %eq3A_368, %select_n3A_328, %select_n3A_326 : vector<128x128xi1>, vector<128x128xi32>
    %select_n3A_377 = arith.select %eq3A_368, %select_n3A_331, %select_n3A_327 : vector<128x128xi1>, vector<128x128xf32>
    %select_n3A_378 = arith.select %eq3A_368, %reduce_min3A_139, %select_n3A_328 : vector<128x128xi1>, vector<128x128xi32>
    %jit3A_379 = arith.constant 3.000000e+38 : f32
    %broadcast_in_dim3A_380 = vector.broadcast %jit3A_379 : f32 to vector<128x128xf32>
    %select_n3A_381 = arith.select %eq3A_368, %broadcast_in_dim3A_380, %select_n3A_331 : vector<128x128xi1>, vector<128x128xf32>
    %jit3A_382 = arith.constant 0.000000e+00 : f32
    %broadcast_in_dim3A_383 = vector.broadcast %jit3A_382 : f32 to vector<128x128xf32>
    %select_n3A_384 = arith.select %eq3A_368, %select_n3A_369, %broadcast_in_dim3A_383 : vector<128x128xi1>, vector<128x128xf32>
    %reduce_max3A_385 = arith.constant dense<0xFF800000> : vector<128xf32>
    %reduce_max3A_386 = vector.multi_reduction <maximumf>, %select_n3A_384, %reduce_max3A_385 [1] : vector<128x128xf32> to vector<128xf32>
    %broadcast_in_dim3A_387 = vector.shape_cast %reduce_max3A_386 : vector<128xf32> to vector<128x1xf32>
    %max3A_388 = arith.maximumf %max3A_338, %broadcast_in_dim3A_387 : vector<128x1xf32>
    %reduce_min3A_389 = arith.constant dense<0x7F800000> : vector<128xf32>
    %reduce_min3A_390 = vector.multi_reduction <minimumf>, %select_n3A_369, %reduce_min3A_389 [1] : vector<128x128xf32> to vector<128xf32>
    %broadcast_in_dim3A_391 = vector.shape_cast %reduce_min3A_390 : vector<128xf32> to vector<128x1xf32>
    %mul3A_392 = arith.constant 128 : i32
    %mul3A_393 = vector.broadcast %mul3A_392 : i32 to vector<128x128xi32>
    %mul3A_394 = arith.muli %select_n3A_370, %mul3A_393 : vector<128x128xi32>
    %add3A_395 = arith.addi %mul3A_394, %iota3A_140 : vector<128x128xi32>
    %eq3A_396 = vector.broadcast %broadcast_in_dim3A_391 : vector<128x1xf32> to vector<128x128xf32>
    %eq3A_397 = arith.cmpf oeq, %select_n3A_369, %eq3A_396 : vector<128x128xf32>
    %jit3A_398 = arith.constant 8192 : i32
    %broadcast_in_dim3A_399 = vector.broadcast %jit3A_398 : i32 to vector<128x128xi32>
    %select_n3A_400 = arith.select %eq3A_397, %add3A_395, %broadcast_in_dim3A_399 : vector<128x128xi1>, vector<128x128xi32>
    %reduce_min3A_401 = arith.constant dense<2147483647> : vector<128xi32>
    %reduce_min3A_402 = vector.multi_reduction <minsi>, %select_n3A_400, %reduce_min3A_401 [1] : vector<128x128xi32> to vector<128xi32>
    %broadcast_in_dim3A_403 = vector.shape_cast %reduce_min3A_402 : vector<128xi32> to vector<128x1xi32>
    %mul3A_404 = arith.constant 8192 : i32
    %mul3A_405 = arith.muli %arg0, %mul3A_404 : i32
    %add3A_406 = vector.broadcast %mul3A_405 : i32 to vector<128x1xi32>
    %add3A_407 = arith.addi %broadcast_in_dim3A_403, %add3A_406 : vector<128x1xi32>
    %swap3A_408 = arith.constant 0 : index
    %swap3A_409 = arith.constant 0 : index
    %swap3A_410 = arith.constant 5 : index
    %swap3A_411 = vector.load %arg4[%swap3A_408, %swap3A_409, %swap3A_410] : memref<1x128x32xi32, #tpu.memory_space<vmem>>, vector<1x128x1xi32>
    %swap3A_412 = vector.shape_cast %swap3A_411 : vector<1x128x1xi32> to vector<128x1xi32>
    %swap3A_413 = vector.shape_cast %add3A_407 : vector<128x1xi32> to vector<1x128x1xi32>
    tpu.vector_store %arg4[%swap3A_408, %swap3A_409, %swap3A_410], %swap3A_413 {strides = array<i32>} : memref<1x128x32xi32, #tpu.memory_space<vmem>>, vector<1x128x1xi32>,
    %rem3A_414 = arith.constant 128 : i32
    %rem3A_415 = vector.broadcast %rem3A_414 : i32 to vector<128x1xi32>
    %rem3A_416 = arith.remsi %broadcast_in_dim3A_403, %rem3A_415 : vector<128x1xi32>
    %eq3A_417 = vector.broadcast %rem3A_416 : vector<128x1xi32> to vector<128x128xi32>
    %eq3A_418 = arith.cmpi eq, %iota3A_140, %eq3A_417 : vector<128x128xi32>
    %select_n3A_419 = arith.select %eq3A_418, %select_n3A_371, %select_n3A_369 : vector<128x128xi1>, vector<128x128xf32>
    %select_n3A_420 = arith.select %eq3A_418, %select_n3A_372, %select_n3A_370 : vector<128x128xi1>, vector<128x128xi32>
    %select_n3A_421 = arith.select %eq3A_418, %select_n3A_373, %select_n3A_371 : vector<128x128xi1>, vector<128x128xf32>
    %select_n3A_422 = arith.select %eq3A_418, %select_n3A_374, %select_n3A_372 : vector<128x128xi1>, vector<128x128xi32>
    %select_n3A_423 = arith.select %eq3A_418, %select_n3A_375, %select_n3A_373 : vector<128x128xi1>, vector<128x128xf32>
    %select_n3A_424 = arith.select %eq3A_418, %select_n3A_376, %select_n3A_374 : vector<128x128xi1>, vector<128x128xi32>
    %select_n3A_425 = arith.select %eq3A_418, %select_n3A_377, %select_n3A_375 : vector<128x128xi1>, vector<128x128xf32>
    %select_n3A_426 = arith.select %eq3A_418, %select_n3A_378, %select_n3A_376 : vector<128x128xi1>, vector<128x128xi32>
    %select_n3A_427 = arith.select %eq3A_418, %select_n3A_381, %select_n3A_377 : vector<128x128xi1>, vector<128x128xf32>
    %select_n3A_428 = arith.select %eq3A_418, %reduce_min3A_139, %select_n3A_378 : vector<128x128xi1>, vector<128x128xi32>
    %jit3A_429 = arith.constant 3.000000e+38 : f32
    %broadcast_in_dim3A_430 = vector.broadcast %jit3A_429 : f32 to vector<128x128xf32>
    %select_n3A_431 = arith.select %eq3A_418, %broadcast_in_dim3A_430, %select_n3A_381 : vector<128x128xi1>, vector<128x128xf32>
    %jit3A_432 = arith.constant 0.000000e+00 : f32
    %broadcast_in_dim3A_433 = vector.broadcast %jit3A_432 : f32 to vector<128x128xf32>
    %select_n3A_434 = arith.select %eq3A_418, %select_n3A_419, %broadcast_in_dim3A_433 : vector<128x128xi1>, vector<128x128xf32>
    %reduce_max3A_435 = arith.constant dense<0xFF800000> : vector<128xf32>
    %reduce_max3A_436 = vector.multi_reduction <maximumf>, %select_n3A_434, %reduce_max3A_435 [1] : vector<128x128xf32> to vector<128xf32>
    %broadcast_in_dim3A_437 = vector.shape_cast %reduce_max3A_436 : vector<128xf32> to vector<128x1xf32>
    %max3A_438 = arith.maximumf %max3A_388, %broadcast_in_dim3A_437 : vector<128x1xf32>
    %reduce_min3A_439 = arith.constant dense<0x7F800000> : vector<128xf32>
    %reduce_min3A_440 = vector.multi_reduction <minimumf>, %select_n3A_419, %reduce_min3A_439 [1] : vector<128x128xf32> to vector<128xf32>
    %broadcast_in_dim3A_441 = vector.shape_cast %reduce_min3A_440 : vector<128xf32> to vector<128x1xf32>
    %mul3A_442 = arith.constant 128 : i32
    %mul3A_443 = vector.broadcast %mul3A_442 : i32 to vector<128x128xi32>
    %mul3A_444 = arith.muli %select_n3A_420, %mul3A_443 : vector<128x128xi32>
    %add3A_445 = arith.addi %mul3A_444, %iota3A_140 : vector<128x128xi32>
    %eq3A_446 = vector.broadcast %broadcast_in_dim3A_441 : vector<128x1xf32> to vector<128x128xf32>
    %eq3A_447 = arith.cmpf oeq, %select_n3A_419, %eq3A_446 : vector<128x128xf32>
    %jit3A_448 = arith.constant 8192 : i32
    %broadcast_in_dim3A_449 = vector.broadcast %jit3A_448 : i32 to vector<128x128xi32>
    %select_n3A_450 = arith.select %eq3A_447, %add3A_445, %broadcast_in_dim3A_449 : vector<128x128xi1>, vector<128x128xi32>
    %reduce_min3A_451 = arith.constant dense<2147483647> : vector<128xi32>
    %reduce_min3A_452 = vector.multi_reduction <minsi>, %select_n3A_450, %reduce_min3A_451 [1] : vector<128x128xi32> to vector<128xi32>
    %broadcast_in_dim3A_453 = vector.shape_cast %reduce_min3A_452 : vector<128xi32> to vector<128x1xi32>
    %mul3A_454 = arith.constant 8192 : i32
    %mul3A_455 = arith.muli %arg0, %mul3A_454 : i32
    %add3A_456 = vector.broadcast %mul3A_455 : i32 to vector<128x1xi32>
    %add3A_457 = arith.addi %broadcast_in_dim3A_453, %add3A_456 : vector<128x1xi32>
    %swap3A_458 = arith.constant 0 : index
    %swap3A_459 = arith.constant 0 : index
    %swap3A_460 = arith.constant 6 : index
    %swap3A_461 = vector.load %arg4[%swap3A_458, %swap3A_459, %swap3A_460] : memref<1x128x32xi32, #tpu.memory_space<vmem>>, vector<1x128x1xi32>
    %swap3A_462 = vector.shape_cast %swap3A_461 : vector<1x128x1xi32> to vector<128x1xi32>
    %swap3A_463 = vector.shape_cast %add3A_457 : vector<128x1xi32> to vector<1x128x1xi32>
    tpu.vector_store %arg4[%swap3A_458, %swap3A_459, %swap3A_460], %swap3A_463 {strides = array<i32>} : memref<1x128x32xi32, #tpu.memory_space<vmem>>, vector<1x128x1xi32>,
    %rem3A_464 = arith.constant 128 : i32
    %rem3A_465 = vector.broadcast %rem3A_464 : i32 to vector<128x1xi32>
    %rem3A_466 = arith.remsi %broadcast_in_dim3A_453, %rem3A_465 : vector<128x1xi32>
    %eq3A_467 = vector.broadcast %rem3A_466 : vector<128x1xi32> to vector<128x128xi32>
    %eq3A_468 = arith.cmpi eq, %iota3A_140, %eq3A_467 : vector<128x128xi32>
    %select_n3A_469 = arith.select %eq3A_468, %select_n3A_421, %select_n3A_419 : vector<128x128xi1>, vector<128x128xf32>
    %select_n3A_470 = arith.select %eq3A_468, %select_n3A_422, %select_n3A_420 : vector<128x128xi1>, vector<128x128xi32>
    %select_n3A_471 = arith.select %eq3A_468, %select_n3A_423, %select_n3A_421 : vector<128x128xi1>, vector<128x128xf32>
    %select_n3A_472 = arith.select %eq3A_468, %select_n3A_424, %select_n3A_422 : vector<128x128xi1>, vector<128x128xi32>
    %select_n3A_473 = arith.select %eq3A_468, %select_n3A_425, %select_n3A_423 : vector<128x128xi1>, vector<128x128xf32>
    %select_n3A_474 = arith.select %eq3A_468, %select_n3A_426, %select_n3A_424 : vector<128x128xi1>, vector<128x128xi32>
    %select_n3A_475 = arith.select %eq3A_468, %select_n3A_427, %select_n3A_425 : vector<128x128xi1>, vector<128x128xf32>
    %select_n3A_476 = arith.select %eq3A_468, %select_n3A_428, %select_n3A_426 : vector<128x128xi1>, vector<128x128xi32>
    %select_n3A_477 = arith.select %eq3A_468, %select_n3A_431, %select_n3A_427 : vector<128x128xi1>, vector<128x128xf32>
    %select_n3A_478 = arith.select %eq3A_468, %reduce_min3A_139, %select_n3A_428 : vector<128x128xi1>, vector<128x128xi32>
    %jit3A_479 = arith.constant 3.000000e+38 : f32
    %broadcast_in_dim3A_480 = vector.broadcast %jit3A_479 : f32 to vector<128x128xf32>
    %select_n3A_481 = arith.select %eq3A_468, %broadcast_in_dim3A_480, %select_n3A_431 : vector<128x128xi1>, vector<128x128xf32>
    %jit3A_482 = arith.constant 0.000000e+00 : f32
    %broadcast_in_dim3A_483 = vector.broadcast %jit3A_482 : f32 to vector<128x128xf32>
    %select_n3A_484 = arith.select %eq3A_468, %select_n3A_469, %broadcast_in_dim3A_483 : vector<128x128xi1>, vector<128x128xf32>
    %reduce_max3A_485 = arith.constant dense<0xFF800000> : vector<128xf32>
    %reduce_max3A_486 = vector.multi_reduction <maximumf>, %select_n3A_484, %reduce_max3A_485 [1] : vector<128x128xf32> to vector<128xf32>
    %broadcast_in_dim3A_487 = vector.shape_cast %reduce_max3A_486 : vector<128xf32> to vector<128x1xf32>
    %max3A_488 = arith.maximumf %max3A_438, %broadcast_in_dim3A_487 : vector<128x1xf32>
    %reduce_min3A_489 = arith.constant dense<0x7F800000> : vector<128xf32>
    %reduce_min3A_490 = vector.multi_reduction <minimumf>, %select_n3A_469, %reduce_min3A_489 [1] : vector<128x128xf32> to vector<128xf32>
    %broadcast_in_dim3A_491 = vector.shape_cast %reduce_min3A_490 : vector<128xf32> to vector<128x1xf32>
    %mul3A_492 = arith.constant 128 : i32
    %mul3A_493 = vector.broadcast %mul3A_492 : i32 to vector<128x128xi32>
    %mul3A_494 = arith.muli %select_n3A_470, %mul3A_493 : vector<128x128xi32>
    %add3A_495 = arith.addi %mul3A_494, %iota3A_140 : vector<128x128xi32>
    %eq3A_496 = vector.broadcast %broadcast_in_dim3A_491 : vector<128x1xf32> to vector<128x128xf32>
    %eq3A_497 = arith.cmpf oeq, %select_n3A_469, %eq3A_496 : vector<128x128xf32>
    %jit3A_498 = arith.constant 8192 : i32
    %broadcast_in_dim3A_499 = vector.broadcast %jit3A_498 : i32 to vector<128x128xi32>
    %select_n3A_500 = arith.select %eq3A_497, %add3A_495, %broadcast_in_dim3A_499 : vector<128x128xi1>, vector<128x128xi32>
    %reduce_min3A_501 = arith.constant dense<2147483647> : vector<128xi32>
    %reduce_min3A_502 = vector.multi_reduction <minsi>, %select_n3A_500, %reduce_min3A_501 [1] : vector<128x128xi32> to vector<128xi32>
    %broadcast_in_dim3A_503 = vector.shape_cast %reduce_min3A_502 : vector<128xi32> to vector<128x1xi32>
    %mul3A_504 = arith.constant 8192 : i32
    %mul3A_505 = arith.muli %arg0, %mul3A_504 : i32
    %add3A_506 = vector.broadcast %mul3A_505 : i32 to vector<128x1xi32>
    %add3A_507 = arith.addi %broadcast_in_dim3A_503, %add3A_506 : vector<128x1xi32>
    %swap3A_508 = arith.constant 0 : index
    %swap3A_509 = arith.constant 0 : index
    %swap3A_510 = arith.constant 7 : index
    %swap3A_511 = vector.load %arg4[%swap3A_508, %swap3A_509, %swap3A_510] : memref<1x128x32xi32, #tpu.memory_space<vmem>>, vector<1x128x1xi32>
    %swap3A_512 = vector.shape_cast %swap3A_511 : vector<1x128x1xi32> to vector<128x1xi32>
    %swap3A_513 = vector.shape_cast %add3A_507 : vector<128x1xi32> to vector<1x128x1xi32>
    tpu.vector_store %arg4[%swap3A_508, %swap3A_509, %swap3A_510], %swap3A_513 {strides = array<i32>} : memref<1x128x32xi32, #tpu.memory_space<vmem>>, vector<1x128x1xi32>,
    %rem3A_514 = arith.constant 128 : i32
    %rem3A_515 = vector.broadcast %rem3A_514 : i32 to vector<128x1xi32>
    %rem3A_516 = arith.remsi %broadcast_in_dim3A_503, %rem3A_515 : vector<128x1xi32>
    %eq3A_517 = vector.broadcast %rem3A_516 : vector<128x1xi32> to vector<128x128xi32>
    %eq3A_518 = arith.cmpi eq, %iota3A_140, %eq3A_517 : vector<128x128xi32>
    %select_n3A_519 = arith.select %eq3A_518, %select_n3A_471, %select_n3A_469 : vector<128x128xi1>, vector<128x128xf32>
    %select_n3A_520 = arith.select %eq3A_518, %select_n3A_472, %select_n3A_470 : vector<128x128xi1>, vector<128x128xi32>
    %select_n3A_521 = arith.select %eq3A_518, %select_n3A_473, %select_n3A_471 : vector<128x128xi1>, vector<128x128xf32>
    %select_n3A_522 = arith.select %eq3A_518, %select_n3A_474, %select_n3A_472 : vector<128x128xi1>, vector<128x128xi32>
    %select_n3A_523 = arith.select %eq3A_518, %select_n3A_475, %select_n3A_473 : vector<128x128xi1>, vector<128x128xf32>
    %select_n3A_524 = arith.select %eq3A_518, %select_n3A_476, %select_n3A_474 : vector<128x128xi1>, vector<128x128xi32>
    %select_n3A_525 = arith.select %eq3A_518, %select_n3A_477, %select_n3A_475 : vector<128x128xi1>, vector<128x128xf32>
    %select_n3A_526 = arith.select %eq3A_518, %select_n3A_478, %select_n3A_476 : vector<128x128xi1>, vector<128x128xi32>
    %select_n3A_527 = arith.select %eq3A_518, %select_n3A_481, %select_n3A_477 : vector<128x128xi1>, vector<128x128xf32>
    %select_n3A_528 = arith.select %eq3A_518, %reduce_min3A_139, %select_n3A_478 : vector<128x128xi1>, vector<128x128xi32>
    %jit3A_529 = arith.constant 3.000000e+38 : f32
    %broadcast_in_dim3A_530 = vector.broadcast %jit3A_529 : f32 to vector<128x128xf32>
    %select_n3A_531 = arith.select %eq3A_518, %broadcast_in_dim3A_530, %select_n3A_481 : vector<128x128xi1>, vector<128x128xf32>
    %jit3A_532 = arith.constant 0.000000e+00 : f32
    %broadcast_in_dim3A_533 = vector.broadcast %jit3A_532 : f32 to vector<128x128xf32>
    %select_n3A_534 = arith.select %eq3A_518, %select_n3A_519, %broadcast_in_dim3A_533 : vector<128x128xi1>, vector<128x128xf32>
    %reduce_max3A_535 = arith.constant dense<0xFF800000> : vector<128xf32>
    %reduce_max3A_536 = vector.multi_reduction <maximumf>, %select_n3A_534, %reduce_max3A_535 [1] : vector<128x128xf32> to vector<128xf32>
    %broadcast_in_dim3A_537 = vector.shape_cast %reduce_max3A_536 : vector<128xf32> to vector<128x1xf32>
    %max3A_538 = arith.maximumf %max3A_488, %broadcast_in_dim3A_537 : vector<128x1xf32>
    %reduce_min3A_539 = arith.constant dense<0x7F800000> : vector<128xf32>
    %reduce_min3A_540 = vector.multi_reduction <minimumf>, %select_n3A_519, %reduce_min3A_539 [1] : vector<128x128xf32> to vector<128xf32>
    %broadcast_in_dim3A_541 = vector.shape_cast %reduce_min3A_540 : vector<128xf32> to vector<128x1xf32>
    %mul3A_542 = arith.constant 128 : i32
    %mul3A_543 = vector.broadcast %mul3A_542 : i32 to vector<128x128xi32>
    %mul3A_544 = arith.muli %select_n3A_520, %mul3A_543 : vector<128x128xi32>
    %add3A_545 = arith.addi %mul3A_544, %iota3A_140 : vector<128x128xi32>
    %eq3A_546 = vector.broadcast %broadcast_in_dim3A_541 : vector<128x1xf32> to vector<128x128xf32>
    %eq3A_547 = arith.cmpf oeq, %select_n3A_519, %eq3A_546 : vector<128x128xf32>
    %jit3A_548 = arith.constant 8192 : i32
    %broadcast_in_dim3A_549 = vector.broadcast %jit3A_548 : i32 to vector<128x128xi32>
    %select_n3A_550 = arith.select %eq3A_547, %add3A_545, %broadcast_in_dim3A_549 : vector<128x128xi1>, vector<128x128xi32>
    %reduce_min3A_551 = arith.constant dense<2147483647> : vector<128xi32>
    %reduce_min3A_552 = vector.multi_reduction <minsi>, %select_n3A_550, %reduce_min3A_551 [1] : vector<128x128xi32> to vector<128xi32>
    %broadcast_in_dim3A_553 = vector.shape_cast %reduce_min3A_552 : vector<128xi32> to vector<128x1xi32>
    %mul3A_554 = arith.constant 8192 : i32
    %mul3A_555 = arith.muli %arg0, %mul3A_554 : i32
    %add3A_556 = vector.broadcast %mul3A_555 : i32 to vector<128x1xi32>
    %add3A_557 = arith.addi %broadcast_in_dim3A_553, %add3A_556 : vector<128x1xi32>
    %swap3A_558 = arith.constant 0 : index
    %swap3A_559 = arith.constant 0 : index
    %swap3A_560 = arith.constant 8 : index
    %swap3A_561 = vector.load %arg4[%swap3A_558, %swap3A_559, %swap3A_560] : memref<1x128x32xi32, #tpu.memory_space<vmem>>, vector<1x128x1xi32>
    %swap3A_562 = vector.shape_cast %swap3A_561 : vector<1x128x1xi32> to vector<128x1xi32>
    %swap3A_563 = vector.shape_cast %add3A_557 : vector<128x1xi32> to vector<1x128x1xi32>
    tpu.vector_store %arg4[%swap3A_558, %swap3A_559, %swap3A_560], %swap3A_563 {strides = array<i32>} : memref<1x128x32xi32, #tpu.memory_space<vmem>>, vector<1x128x1xi32>,
    %rem3A_564 = arith.constant 128 : i32
    %rem3A_565 = vector.broadcast %rem3A_564 : i32 to vector<128x1xi32>
    %rem3A_566 = arith.remsi %broadcast_in_dim3A_553, %rem3A_565 : vector<128x1xi32>
    %eq3A_567 = vector.broadcast %rem3A_566 : vector<128x1xi32> to vector<128x128xi32>
    %eq3A_568 = arith.cmpi eq, %iota3A_140, %eq3A_567 : vector<128x128xi32>
    %select_n3A_569 = arith.select %eq3A_568, %select_n3A_521, %select_n3A_519 : vector<128x128xi1>, vector<128x128xf32>
    %select_n3A_570 = arith.select %eq3A_568, %select_n3A_522, %select_n3A_520 : vector<128x128xi1>, vector<128x128xi32>
    %select_n3A_571 = arith.select %eq3A_568, %select_n3A_523, %select_n3A_521 : vector<128x128xi1>, vector<128x128xf32>
    %select_n3A_572 = arith.select %eq3A_568, %select_n3A_524, %select_n3A_522 : vector<128x128xi1>, vector<128x128xi32>
    %select_n3A_573 = arith.select %eq3A_568, %select_n3A_525, %select_n3A_523 : vector<128x128xi1>, vector<128x128xf32>
    %select_n3A_574 = arith.select %eq3A_568, %select_n3A_526, %select_n3A_524 : vector<128x128xi1>, vector<128x128xi32>
    %select_n3A_575 = arith.select %eq3A_568, %select_n3A_527, %select_n3A_525 : vector<128x128xi1>, vector<128x128xf32>
    %select_n3A_576 = arith.select %eq3A_568, %select_n3A_528, %select_n3A_526 : vector<128x128xi1>, vector<128x128xi32>
    %select_n3A_577 = arith.select %eq3A_568, %select_n3A_531, %select_n3A_527 : vector<128x128xi1>, vector<128x128xf32>
    %select_n3A_578 = arith.select %eq3A_568, %reduce_min3A_139, %select_n3A_528 : vector<128x128xi1>, vector<128x128xi32>
    %jit3A_579 = arith.constant 3.000000e+38 : f32
    %broadcast_in_dim3A_580 = vector.broadcast %jit3A_579 : f32 to vector<128x128xf32>
    %select_n3A_581 = arith.select %eq3A_568, %broadcast_in_dim3A_580, %select_n3A_531 : vector<128x128xi1>, vector<128x128xf32>
    %jit3A_582 = arith.constant 0.000000e+00 : f32
    %broadcast_in_dim3A_583 = vector.broadcast %jit3A_582 : f32 to vector<128x128xf32>
    %select_n3A_584 = arith.select %eq3A_568, %select_n3A_569, %broadcast_in_dim3A_583 : vector<128x128xi1>, vector<128x128xf32>
    %reduce_max3A_585 = arith.constant dense<0xFF800000> : vector<128xf32>
    %reduce_max3A_586 = vector.multi_reduction <maximumf>, %select_n3A_584, %reduce_max3A_585 [1] : vector<128x128xf32> to vector<128xf32>
    %broadcast_in_dim3A_587 = vector.shape_cast %reduce_max3A_586 : vector<128xf32> to vector<128x1xf32>
    %max3A_588 = arith.maximumf %max3A_538, %broadcast_in_dim3A_587 : vector<128x1xf32>
    %reduce_min3A_589 = arith.constant dense<0x7F800000> : vector<128xf32>
    %reduce_min3A_590 = vector.multi_reduction <minimumf>, %select_n3A_569, %reduce_min3A_589 [1] : vector<128x128xf32> to vector<128xf32>
    %broadcast_in_dim3A_591 = vector.shape_cast %reduce_min3A_590 : vector<128xf32> to vector<128x1xf32>
    %mul3A_592 = arith.constant 128 : i32
    %mul3A_593 = vector.broadcast %mul3A_592 : i32 to vector<128x128xi32>
    %mul3A_594 = arith.muli %select_n3A_570, %mul3A_593 : vector<128x128xi32>
    %add3A_595 = arith.addi %mul3A_594, %iota3A_140 : vector<128x128xi32>
    %eq3A_596 = vector.broadcast %broadcast_in_dim3A_591 : vector<128x1xf32> to vector<128x128xf32>
    %eq3A_597 = arith.cmpf oeq, %select_n3A_569, %eq3A_596 : vector<128x128xf32>
    %jit3A_598 = arith.constant 8192 : i32
    %broadcast_in_dim3A_599 = vector.broadcast %jit3A_598 : i32 to vector<128x128xi32>
    %select_n3A_600 = arith.select %eq3A_597, %add3A_595, %broadcast_in_dim3A_599 : vector<128x128xi1>, vector<128x128xi32>
    %reduce_min3A_601 = arith.constant dense<2147483647> : vector<128xi32>
    %reduce_min3A_602 = vector.multi_reduction <minsi>, %select_n3A_600, %reduce_min3A_601 [1] : vector<128x128xi32> to vector<128xi32>
    %broadcast_in_dim3A_603 = vector.shape_cast %reduce_min3A_602 : vector<128xi32> to vector<128x1xi32>
    %mul3A_604 = arith.constant 8192 : i32
    %mul3A_605 = arith.muli %arg0, %mul3A_604 : i32
    %add3A_606 = vector.broadcast %mul3A_605 : i32 to vector<128x1xi32>
    %add3A_607 = arith.addi %broadcast_in_dim3A_603, %add3A_606 : vector<128x1xi32>
    %swap3A_608 = arith.constant 0 : index
    %swap3A_609 = arith.constant 0 : index
    %swap3A_610 = arith.constant 9 : index
    %swap3A_611 = vector.load %arg4[%swap3A_608, %swap3A_609, %swap3A_610] : memref<1x128x32xi32, #tpu.memory_space<vmem>>, vector<1x128x1xi32>
    %swap3A_612 = vector.shape_cast %swap3A_611 : vector<1x128x1xi32> to vector<128x1xi32>
    %swap3A_613 = vector.shape_cast %add3A_607 : vector<128x1xi32> to vector<1x128x1xi32>
    tpu.vector_store %arg4[%swap3A_608, %swap3A_609, %swap3A_610], %swap3A_613 {strides = array<i32>} : memref<1x128x32xi32, #tpu.memory_space<vmem>>, vector<1x128x1xi32>,
    %rem3A_614 = arith.constant 128 : i32
    %rem3A_615 = vector.broadcast %rem3A_614 : i32 to vector<128x1xi32>
    %rem3A_616 = arith.remsi %broadcast_in_dim3A_603, %rem3A_615 : vector<128x1xi32>
    %eq3A_617 = vector.broadcast %rem3A_616 : vector<128x1xi32> to vector<128x128xi32>
    %eq3A_618 = arith.cmpi eq, %iota3A_140, %eq3A_617 : vector<128x128xi32>
    %select_n3A_619 = arith.select %eq3A_618, %select_n3A_571, %select_n3A_569 : vector<128x128xi1>, vector<128x128xf32>
    %select_n3A_620 = arith.select %eq3A_618, %select_n3A_572, %select_n3A_570 : vector<128x128xi1>, vector<128x128xi32>
    %select_n3A_621 = arith.select %eq3A_618, %select_n3A_573, %select_n3A_571 : vector<128x128xi1>, vector<128x128xf32>
    %select_n3A_622 = arith.select %eq3A_618, %select_n3A_574, %select_n3A_572 : vector<128x128xi1>, vector<128x128xi32>
    %select_n3A_623 = arith.select %eq3A_618, %select_n3A_575, %select_n3A_573 : vector<128x128xi1>, vector<128x128xf32>
    %select_n3A_624 = arith.select %eq3A_618, %select_n3A_576, %select_n3A_574 : vector<128x128xi1>, vector<128x128xi32>
    %select_n3A_625 = arith.select %eq3A_618, %select_n3A_577, %select_n3A_575 : vector<128x128xi1>, vector<128x128xf32>
    %select_n3A_626 = arith.select %eq3A_618, %select_n3A_578, %select_n3A_576 : vector<128x128xi1>, vector<128x128xi32>
    %select_n3A_627 = arith.select %eq3A_618, %select_n3A_581, %select_n3A_577 : vector<128x128xi1>, vector<128x128xf32>
    %select_n3A_628 = arith.select %eq3A_618, %reduce_min3A_139, %select_n3A_578 : vector<128x128xi1>, vector<128x128xi32>
    %jit3A_629 = arith.constant 3.000000e+38 : f32
    %broadcast_in_dim3A_630 = vector.broadcast %jit3A_629 : f32 to vector<128x128xf32>
    %select_n3A_631 = arith.select %eq3A_618, %broadcast_in_dim3A_630, %select_n3A_581 : vector<128x128xi1>, vector<128x128xf32>
    %jit3A_632 = arith.constant 0.000000e+00 : f32
    %broadcast_in_dim3A_633 = vector.broadcast %jit3A_632 : f32 to vector<128x128xf32>
    %select_n3A_634 = arith.select %eq3A_618, %select_n3A_619, %broadcast_in_dim3A_633 : vector<128x128xi1>, vector<128x128xf32>
    %reduce_max3A_635 = arith.constant dense<0xFF800000> : vector<128xf32>
    %reduce_max3A_636 = vector.multi_reduction <maximumf>, %select_n3A_634, %reduce_max3A_635 [1] : vector<128x128xf32> to vector<128xf32>
    %broadcast_in_dim3A_637 = vector.shape_cast %reduce_max3A_636 : vector<128xf32> to vector<128x1xf32>
    %max3A_638 = arith.maximumf %max3A_588, %broadcast_in_dim3A_637 : vector<128x1xf32>
    %reduce_min3A_639 = arith.constant dense<0x7F800000> : vector<128xf32>
    %reduce_min3A_640 = vector.multi_reduction <minimumf>, %select_n3A_619, %reduce_min3A_639 [1] : vector<128x128xf32> to vector<128xf32>
    %broadcast_in_dim3A_641 = vector.shape_cast %reduce_min3A_640 : vector<128xf32> to vector<128x1xf32>
    %mul3A_642 = arith.constant 128 : i32
    %mul3A_643 = vector.broadcast %mul3A_642 : i32 to vector<128x128xi32>
    %mul3A_644 = arith.muli %select_n3A_620, %mul3A_643 : vector<128x128xi32>
    %add3A_645 = arith.addi %mul3A_644, %iota3A_140 : vector<128x128xi32>
    %eq3A_646 = vector.broadcast %broadcast_in_dim3A_641 : vector<128x1xf32> to vector<128x128xf32>
    %eq3A_647 = arith.cmpf oeq, %select_n3A_619, %eq3A_646 : vector<128x128xf32>
    %jit3A_648 = arith.constant 8192 : i32
    %broadcast_in_dim3A_649 = vector.broadcast %jit3A_648 : i32 to vector<128x128xi32>
    %select_n3A_650 = arith.select %eq3A_647, %add3A_645, %broadcast_in_dim3A_649 : vector<128x128xi1>, vector<128x128xi32>
    %reduce_min3A_651 = arith.constant dense<2147483647> : vector<128xi32>
    %reduce_min3A_652 = vector.multi_reduction <minsi>, %select_n3A_650, %reduce_min3A_651 [1] : vector<128x128xi32> to vector<128xi32>
    %broadcast_in_dim3A_653 = vector.shape_cast %reduce_min3A_652 : vector<128xi32> to vector<128x1xi32>
    %mul3A_654 = arith.constant 8192 : i32
    %mul3A_655 = arith.muli %arg0, %mul3A_654 : i32
    %add3A_656 = vector.broadcast %mul3A_655 : i32 to vector<128x1xi32>
    %add3A_657 = arith.addi %broadcast_in_dim3A_653, %add3A_656 : vector<128x1xi32>
    %swap3A_658 = arith.constant 0 : index
    %swap3A_659 = arith.constant 0 : index
    %swap3A_660 = arith.constant 10 : index
    %swap3A_661 = vector.load %arg4[%swap3A_658, %swap3A_659, %swap3A_660] : memref<1x128x32xi32, #tpu.memory_space<vmem>>, vector<1x128x1xi32>
    %swap3A_662 = vector.shape_cast %swap3A_661 : vector<1x128x1xi32> to vector<128x1xi32>
    %swap3A_663 = vector.shape_cast %add3A_657 : vector<128x1xi32> to vector<1x128x1xi32>
    tpu.vector_store %arg4[%swap3A_658, %swap3A_659, %swap3A_660], %swap3A_663 {strides = array<i32>} : memref<1x128x32xi32, #tpu.memory_space<vmem>>, vector<1x128x1xi32>,
    %rem3A_664 = arith.constant 128 : i32
    %rem3A_665 = vector.broadcast %rem3A_664 : i32 to vector<128x1xi32>
    %rem3A_666 = arith.remsi %broadcast_in_dim3A_653, %rem3A_665 : vector<128x1xi32>
    %eq3A_667 = vector.broadcast %rem3A_666 : vector<128x1xi32> to vector<128x128xi32>
    %eq3A_668 = arith.cmpi eq, %iota3A_140, %eq3A_667 : vector<128x128xi32>
    %select_n3A_669 = arith.select %eq3A_668, %select_n3A_621, %select_n3A_619 : vector<128x128xi1>, vector<128x128xf32>
    %select_n3A_670 = arith.select %eq3A_668, %select_n3A_622, %select_n3A_620 : vector<128x128xi1>, vector<128x128xi32>
    %select_n3A_671 = arith.select %eq3A_668, %select_n3A_623, %select_n3A_621 : vector<128x128xi1>, vector<128x128xf32>
    %select_n3A_672 = arith.select %eq3A_668, %select_n3A_624, %select_n3A_622 : vector<128x128xi1>, vector<128x128xi32>
    %select_n3A_673 = arith.select %eq3A_668, %select_n3A_625, %select_n3A_623 : vector<128x128xi1>, vector<128x128xf32>
    %select_n3A_674 = arith.select %eq3A_668, %select_n3A_626, %select_n3A_624 : vector<128x128xi1>, vector<128x128xi32>
    %select_n3A_675 = arith.select %eq3A_668, %select_n3A_627, %select_n3A_625 : vector<128x128xi1>, vector<128x128xf32>
    %select_n3A_676 = arith.select %eq3A_668, %select_n3A_628, %select_n3A_626 : vector<128x128xi1>, vector<128x128xi32>
    %select_n3A_677 = arith.select %eq3A_668, %select_n3A_631, %select_n3A_627 : vector<128x128xi1>, vector<128x128xf32>
    %select_n3A_678 = arith.select %eq3A_668, %reduce_min3A_139, %select_n3A_628 : vector<128x128xi1>, vector<128x128xi32>
    %jit3A_679 = arith.constant 3.000000e+38 : f32
    %broadcast_in_dim3A_680 = vector.broadcast %jit3A_679 : f32 to vector<128x128xf32>
    %select_n3A_681 = arith.select %eq3A_668, %broadcast_in_dim3A_680, %select_n3A_631 : vector<128x128xi1>, vector<128x128xf32>
    %jit3A_682 = arith.constant 0.000000e+00 : f32
    %broadcast_in_dim3A_683 = vector.broadcast %jit3A_682 : f32 to vector<128x128xf32>
    %select_n3A_684 = arith.select %eq3A_668, %select_n3A_669, %broadcast_in_dim3A_683 : vector<128x128xi1>, vector<128x128xf32>
    %reduce_max3A_685 = arith.constant dense<0xFF800000> : vector<128xf32>
    %reduce_max3A_686 = vector.multi_reduction <maximumf>, %select_n3A_684, %reduce_max3A_685 [1] : vector<128x128xf32> to vector<128xf32>
    %broadcast_in_dim3A_687 = vector.shape_cast %reduce_max3A_686 : vector<128xf32> to vector<128x1xf32>
    %max3A_688 = arith.maximumf %max3A_638, %broadcast_in_dim3A_687 : vector<128x1xf32>
    %reduce_min3A_689 = arith.constant dense<0x7F800000> : vector<128xf32>
    %reduce_min3A_690 = vector.multi_reduction <minimumf>, %select_n3A_669, %reduce_min3A_689 [1] : vector<128x128xf32> to vector<128xf32>
    %broadcast_in_dim3A_691 = vector.shape_cast %reduce_min3A_690 : vector<128xf32> to vector<128x1xf32>
    %mul3A_692 = arith.constant 128 : i32
    %mul3A_693 = vector.broadcast %mul3A_692 : i32 to vector<128x128xi32>
    %mul3A_694 = arith.muli %select_n3A_670, %mul3A_693 : vector<128x128xi32>
    %add3A_695 = arith.addi %mul3A_694, %iota3A_140 : vector<128x128xi32>
    %eq3A_696 = vector.broadcast %broadcast_in_dim3A_691 : vector<128x1xf32> to vector<128x128xf32>
    %eq3A_697 = arith.cmpf oeq, %select_n3A_669, %eq3A_696 : vector<128x128xf32>
    %jit3A_698 = arith.constant 8192 : i32
    %broadcast_in_dim3A_699 = vector.broadcast %jit3A_698 : i32 to vector<128x128xi32>
    %select_n3A_700 = arith.select %eq3A_697, %add3A_695, %broadcast_in_dim3A_699 : vector<128x128xi1>, vector<128x128xi32>
    %reduce_min3A_701 = arith.constant dense<2147483647> : vector<128xi32>
    %reduce_min3A_702 = vector.multi_reduction <minsi>, %select_n3A_700, %reduce_min3A_701 [1] : vector<128x128xi32> to vector<128xi32>
    %broadcast_in_dim3A_703 = vector.shape_cast %reduce_min3A_702 : vector<128xi32> to vector<128x1xi32>
    %mul3A_704 = arith.constant 8192 : i32
    %mul3A_705 = arith.muli %arg0, %mul3A_704 : i32
    %add3A_706 = vector.broadcast %mul3A_705 : i32 to vector<128x1xi32>
    %add3A_707 = arith.addi %broadcast_in_dim3A_703, %add3A_706 : vector<128x1xi32>
    %swap3A_708 = arith.constant 0 : index
    %swap3A_709 = arith.constant 0 : index
    %swap3A_710 = arith.constant 11 : index
    %swap3A_711 = vector.load %arg4[%swap3A_708, %swap3A_709, %swap3A_710] : memref<1x128x32xi32, #tpu.memory_space<vmem>>, vector<1x128x1xi32>
    %swap3A_712 = vector.shape_cast %swap3A_711 : vector<1x128x1xi32> to vector<128x1xi32>
    %swap3A_713 = vector.shape_cast %add3A_707 : vector<128x1xi32> to vector<1x128x1xi32>
    tpu.vector_store %arg4[%swap3A_708, %swap3A_709, %swap3A_710], %swap3A_713 {strides = array<i32>} : memref<1x128x32xi32, #tpu.memory_space<vmem>>, vector<1x128x1xi32>,
    %rem3A_714 = arith.constant 128 : i32
    %rem3A_715 = vector.broadcast %rem3A_714 : i32 to vector<128x1xi32>
    %rem3A_716 = arith.remsi %broadcast_in_dim3A_703, %rem3A_715 : vector<128x1xi32>
    %eq3A_717 = vector.broadcast %rem3A_716 : vector<128x1xi32> to vector<128x128xi32>
    %eq3A_718 = arith.cmpi eq, %iota3A_140, %eq3A_717 : vector<128x128xi32>
    %select_n3A_719 = arith.select %eq3A_718, %select_n3A_671, %select_n3A_669 : vector<128x128xi1>, vector<128x128xf32>
    %select_n3A_720 = arith.select %eq3A_718, %select_n3A_672, %select_n3A_670 : vector<128x128xi1>, vector<128x128xi32>
    %select_n3A_721 = arith.select %eq3A_718, %select_n3A_673, %select_n3A_671 : vector<128x128xi1>, vector<128x128xf32>
    %select_n3A_722 = arith.select %eq3A_718, %select_n3A_674, %select_n3A_672 : vector<128x128xi1>, vector<128x128xi32>
    %select_n3A_723 = arith.select %eq3A_718, %select_n3A_675, %select_n3A_673 : vector<128x128xi1>, vector<128x128xf32>
    %select_n3A_724 = arith.select %eq3A_718, %select_n3A_676, %select_n3A_674 : vector<128x128xi1>, vector<128x128xi32>
    %select_n3A_725 = arith.select %eq3A_718, %select_n3A_677, %select_n3A_675 : vector<128x128xi1>, vector<128x128xf32>
    %select_n3A_726 = arith.select %eq3A_718, %select_n3A_678, %select_n3A_676 : vector<128x128xi1>, vector<128x128xi32>
    %select_n3A_727 = arith.select %eq3A_718, %select_n3A_681, %select_n3A_677 : vector<128x128xi1>, vector<128x128xf32>
    %select_n3A_728 = arith.select %eq3A_718, %reduce_min3A_139, %select_n3A_678 : vector<128x128xi1>, vector<128x128xi32>
    %jit3A_729 = arith.constant 3.000000e+38 : f32
    %broadcast_in_dim3A_730 = vector.broadcast %jit3A_729 : f32 to vector<128x128xf32>
    %select_n3A_731 = arith.select %eq3A_718, %broadcast_in_dim3A_730, %select_n3A_681 : vector<128x128xi1>, vector<128x128xf32>
    %jit3A_732 = arith.constant 0.000000e+00 : f32
    %broadcast_in_dim3A_733 = vector.broadcast %jit3A_732 : f32 to vector<128x128xf32>
    %select_n3A_734 = arith.select %eq3A_718, %select_n3A_719, %broadcast_in_dim3A_733 : vector<128x128xi1>, vector<128x128xf32>
    %reduce_max3A_735 = arith.constant dense<0xFF800000> : vector<128xf32>
    %reduce_max3A_736 = vector.multi_reduction <maximumf>, %select_n3A_734, %reduce_max3A_735 [1] : vector<128x128xf32> to vector<128xf32>
    %broadcast_in_dim3A_737 = vector.shape_cast %reduce_max3A_736 : vector<128xf32> to vector<128x1xf32>
    %max3A_738 = arith.maximumf %max3A_688, %broadcast_in_dim3A_737 : vector<128x1xf32>
    %reduce_min3A_739 = arith.constant dense<0x7F800000> : vector<128xf32>
    %reduce_min3A_740 = vector.multi_reduction <minimumf>, %select_n3A_719, %reduce_min3A_739 [1] : vector<128x128xf32> to vector<128xf32>
    %broadcast_in_dim3A_741 = vector.shape_cast %reduce_min3A_740 : vector<128xf32> to vector<128x1xf32>
    %mul3A_742 = arith.constant 128 : i32
    %mul3A_743 = vector.broadcast %mul3A_742 : i32 to vector<128x128xi32>
    %mul3A_744 = arith.muli %select_n3A_720, %mul3A_743 : vector<128x128xi32>
    %add3A_745 = arith.addi %mul3A_744, %iota3A_140 : vector<128x128xi32>
    %eq3A_746 = vector.broadcast %broadcast_in_dim3A_741 : vector<128x1xf32> to vector<128x128xf32>
    %eq3A_747 = arith.cmpf oeq, %select_n3A_719, %eq3A_746 : vector<128x128xf32>
    %jit3A_748 = arith.constant 8192 : i32
    %broadcast_in_dim3A_749 = vector.broadcast %jit3A_748 : i32 to vector<128x128xi32>
    %select_n3A_750 = arith.select %eq3A_747, %add3A_745, %broadcast_in_dim3A_749 : vector<128x128xi1>, vector<128x128xi32>
    %reduce_min3A_751 = arith.constant dense<2147483647> : vector<128xi32>
    %reduce_min3A_752 = vector.multi_reduction <minsi>, %select_n3A_750, %reduce_min3A_751 [1] : vector<128x128xi32> to vector<128xi32>
    %broadcast_in_dim3A_753 = vector.shape_cast %reduce_min3A_752 : vector<128xi32> to vector<128x1xi32>
    %mul3A_754 = arith.constant 8192 : i32
    %mul3A_755 = arith.muli %arg0, %mul3A_754 : i32
    %add3A_756 = vector.broadcast %mul3A_755 : i32 to vector<128x1xi32>
    %add3A_757 = arith.addi %broadcast_in_dim3A_753, %add3A_756 : vector<128x1xi32>
    %swap3A_758 = arith.constant 0 : index
    %swap3A_759 = arith.constant 0 : index
    %swap3A_760 = arith.constant 12 : index
    %swap3A_761 = vector.load %arg4[%swap3A_758, %swap3A_759, %swap3A_760] : memref<1x128x32xi32, #tpu.memory_space<vmem>>, vector<1x128x1xi32>
    %swap3A_762 = vector.shape_cast %swap3A_761 : vector<1x128x1xi32> to vector<128x1xi32>
    %swap3A_763 = vector.shape_cast %add3A_757 : vector<128x1xi32> to vector<1x128x1xi32>
    tpu.vector_store %arg4[%swap3A_758, %swap3A_759, %swap3A_760], %swap3A_763 {strides = array<i32>} : memref<1x128x32xi32, #tpu.memory_space<vmem>>, vector<1x128x1xi32>,
    %rem3A_764 = arith.constant 128 : i32
    %rem3A_765 = vector.broadcast %rem3A_764 : i32 to vector<128x1xi32>
    %rem3A_766 = arith.remsi %broadcast_in_dim3A_753, %rem3A_765 : vector<128x1xi32>
    %eq3A_767 = vector.broadcast %rem3A_766 : vector<128x1xi32> to vector<128x128xi32>
    %eq3A_768 = arith.cmpi eq, %iota3A_140, %eq3A_767 : vector<128x128xi32>
    %select_n3A_769 = arith.select %eq3A_768, %select_n3A_721, %select_n3A_719 : vector<128x128xi1>, vector<128x128xf32>
    %select_n3A_770 = arith.select %eq3A_768, %select_n3A_722, %select_n3A_720 : vector<128x128xi1>, vector<128x128xi32>
    %select_n3A_771 = arith.select %eq3A_768, %select_n3A_723, %select_n3A_721 : vector<128x128xi1>, vector<128x128xf32>
    %select_n3A_772 = arith.select %eq3A_768, %select_n3A_724, %select_n3A_722 : vector<128x128xi1>, vector<128x128xi32>
    %select_n3A_773 = arith.select %eq3A_768, %select_n3A_725, %select_n3A_723 : vector<128x128xi1>, vector<128x128xf32>
    %select_n3A_774 = arith.select %eq3A_768, %select_n3A_726, %select_n3A_724 : vector<128x128xi1>, vector<128x128xi32>
    %select_n3A_775 = arith.select %eq3A_768, %select_n3A_727, %select_n3A_725 : vector<128x128xi1>, vector<128x128xf32>
    %select_n3A_776 = arith.select %eq3A_768, %select_n3A_728, %select_n3A_726 : vector<128x128xi1>, vector<128x128xi32>
    %select_n3A_777 = arith.select %eq3A_768, %select_n3A_731, %select_n3A_727 : vector<128x128xi1>, vector<128x128xf32>
    %select_n3A_778 = arith.select %eq3A_768, %reduce_min3A_139, %select_n3A_728 : vector<128x128xi1>, vector<128x128xi32>
    %jit3A_779 = arith.constant 3.000000e+38 : f32
    %broadcast_in_dim3A_780 = vector.broadcast %jit3A_779 : f32 to vector<128x128xf32>
    %select_n3A_781 = arith.select %eq3A_768, %broadcast_in_dim3A_780, %select_n3A_731 : vector<128x128xi1>, vector<128x128xf32>
    %jit3A_782 = arith.constant 0.000000e+00 : f32
    %broadcast_in_dim3A_783 = vector.broadcast %jit3A_782 : f32 to vector<128x128xf32>
    %select_n3A_784 = arith.select %eq3A_768, %select_n3A_769, %broadcast_in_dim3A_783 : vector<128x128xi1>, vector<128x128xf32>
    %reduce_max3A_785 = arith.constant dense<0xFF800000> : vector<128xf32>
    %reduce_max3A_786 = vector.multi_reduction <maximumf>, %select_n3A_784, %reduce_max3A_785 [1] : vector<128x128xf32> to vector<128xf32>
    %broadcast_in_dim3A_787 = vector.shape_cast %reduce_max3A_786 : vector<128xf32> to vector<128x1xf32>
    %max3A_788 = arith.maximumf %max3A_738, %broadcast_in_dim3A_787 : vector<128x1xf32>
    %reduce_min3A_789 = arith.constant dense<0x7F800000> : vector<128xf32>
    %reduce_min3A_790 = vector.multi_reduction <minimumf>, %select_n3A_769, %reduce_min3A_789 [1] : vector<128x128xf32> to vector<128xf32>
    %broadcast_in_dim3A_791 = vector.shape_cast %reduce_min3A_790 : vector<128xf32> to vector<128x1xf32>
    %mul3A_792 = arith.constant 128 : i32
    %mul3A_793 = vector.broadcast %mul3A_792 : i32 to vector<128x128xi32>
    %mul3A_794 = arith.muli %select_n3A_770, %mul3A_793 : vector<128x128xi32>
    %add3A_795 = arith.addi %mul3A_794, %iota3A_140 : vector<128x128xi32>
    %eq3A_796 = vector.broadcast %broadcast_in_dim3A_791 : vector<128x1xf32> to vector<128x128xf32>
    %eq3A_797 = arith.cmpf oeq, %select_n3A_769, %eq3A_796 : vector<128x128xf32>
    %jit3A_798 = arith.constant 8192 : i32
    %broadcast_in_dim3A_799 = vector.broadcast %jit3A_798 : i32 to vector<128x128xi32>
    %select_n3A_800 = arith.select %eq3A_797, %add3A_795, %broadcast_in_dim3A_799 : vector<128x128xi1>, vector<128x128xi32>
    %reduce_min3A_801 = arith.constant dense<2147483647> : vector<128xi32>
    %reduce_min3A_802 = vector.multi_reduction <minsi>, %select_n3A_800, %reduce_min3A_801 [1] : vector<128x128xi32> to vector<128xi32>
    %broadcast_in_dim3A_803 = vector.shape_cast %reduce_min3A_802 : vector<128xi32> to vector<128x1xi32>
    %mul3A_804 = arith.constant 8192 : i32
    %mul3A_805 = arith.muli %arg0, %mul3A_804 : i32
    %add3A_806 = vector.broadcast %mul3A_805 : i32 to vector<128x1xi32>
    %add3A_807 = arith.addi %broadcast_in_dim3A_803, %add3A_806 : vector<128x1xi32>
    %swap3A_808 = arith.constant 0 : index
    %swap3A_809 = arith.constant 0 : index
    %swap3A_810 = arith.constant 13 : index
    %swap3A_811 = vector.load %arg4[%swap3A_808, %swap3A_809, %swap3A_810] : memref<1x128x32xi32, #tpu.memory_space<vmem>>, vector<1x128x1xi32>
    %swap3A_812 = vector.shape_cast %swap3A_811 : vector<1x128x1xi32> to vector<128x1xi32>
    %swap3A_813 = vector.shape_cast %add3A_807 : vector<128x1xi32> to vector<1x128x1xi32>
    tpu.vector_store %arg4[%swap3A_808, %swap3A_809, %swap3A_810], %swap3A_813 {strides = array<i32>} : memref<1x128x32xi32, #tpu.memory_space<vmem>>, vector<1x128x1xi32>,
    %rem3A_814 = arith.constant 128 : i32
    %rem3A_815 = vector.broadcast %rem3A_814 : i32 to vector<128x1xi32>
    %rem3A_816 = arith.remsi %broadcast_in_dim3A_803, %rem3A_815 : vector<128x1xi32>
    %eq3A_817 = vector.broadcast %rem3A_816 : vector<128x1xi32> to vector<128x128xi32>
    %eq3A_818 = arith.cmpi eq, %iota3A_140, %eq3A_817 : vector<128x128xi32>
    %select_n3A_819 = arith.select %eq3A_818, %select_n3A_771, %select_n3A_769 : vector<128x128xi1>, vector<128x128xf32>
    %select_n3A_820 = arith.select %eq3A_818, %select_n3A_772, %select_n3A_770 : vector<128x128xi1>, vector<128x128xi32>
    %select_n3A_821 = arith.select %eq3A_818, %select_n3A_773, %select_n3A_771 : vector<128x128xi1>, vector<128x128xf32>
    %select_n3A_822 = arith.select %eq3A_818, %select_n3A_774, %select_n3A_772 : vector<128x128xi1>, vector<128x128xi32>
    %select_n3A_823 = arith.select %eq3A_818, %select_n3A_775, %select_n3A_773 : vector<128x128xi1>, vector<128x128xf32>
    %select_n3A_824 = arith.select %eq3A_818, %select_n3A_776, %select_n3A_774 : vector<128x128xi1>, vector<128x128xi32>
    %select_n3A_825 = arith.select %eq3A_818, %select_n3A_777, %select_n3A_775 : vector<128x128xi1>, vector<128x128xf32>
    %select_n3A_826 = arith.select %eq3A_818, %select_n3A_778, %select_n3A_776 : vector<128x128xi1>, vector<128x128xi32>
    %select_n3A_827 = arith.select %eq3A_818, %select_n3A_781, %select_n3A_777 : vector<128x128xi1>, vector<128x128xf32>
    %select_n3A_828 = arith.select %eq3A_818, %reduce_min3A_139, %select_n3A_778 : vector<128x128xi1>, vector<128x128xi32>
    %jit3A_829 = arith.constant 3.000000e+38 : f32
    %broadcast_in_dim3A_830 = vector.broadcast %jit3A_829 : f32 to vector<128x128xf32>
    %select_n3A_831 = arith.select %eq3A_818, %broadcast_in_dim3A_830, %select_n3A_781 : vector<128x128xi1>, vector<128x128xf32>
    %jit3A_832 = arith.constant 0.000000e+00 : f32
    %broadcast_in_dim3A_833 = vector.broadcast %jit3A_832 : f32 to vector<128x128xf32>
    %select_n3A_834 = arith.select %eq3A_818, %select_n3A_819, %broadcast_in_dim3A_833 : vector<128x128xi1>, vector<128x128xf32>
    %reduce_max3A_835 = arith.constant dense<0xFF800000> : vector<128xf32>
    %reduce_max3A_836 = vector.multi_reduction <maximumf>, %select_n3A_834, %reduce_max3A_835 [1] : vector<128x128xf32> to vector<128xf32>
    %broadcast_in_dim3A_837 = vector.shape_cast %reduce_max3A_836 : vector<128xf32> to vector<128x1xf32>
    %max3A_838 = arith.maximumf %max3A_788, %broadcast_in_dim3A_837 : vector<128x1xf32>
    %reduce_min3A_839 = arith.constant dense<0x7F800000> : vector<128xf32>
    %reduce_min3A_840 = vector.multi_reduction <minimumf>, %select_n3A_819, %reduce_min3A_839 [1] : vector<128x128xf32> to vector<128xf32>
    %broadcast_in_dim3A_841 = vector.shape_cast %reduce_min3A_840 : vector<128xf32> to vector<128x1xf32>
    %mul3A_842 = arith.constant 128 : i32
    %mul3A_843 = vector.broadcast %mul3A_842 : i32 to vector<128x128xi32>
    %mul3A_844 = arith.muli %select_n3A_820, %mul3A_843 : vector<128x128xi32>
    %add3A_845 = arith.addi %mul3A_844, %iota3A_140 : vector<128x128xi32>
    %eq3A_846 = vector.broadcast %broadcast_in_dim3A_841 : vector<128x1xf32> to vector<128x128xf32>
    %eq3A_847 = arith.cmpf oeq, %select_n3A_819, %eq3A_846 : vector<128x128xf32>
    %jit3A_848 = arith.constant 8192 : i32
    %broadcast_in_dim3A_849 = vector.broadcast %jit3A_848 : i32 to vector<128x128xi32>
    %select_n3A_850 = arith.select %eq3A_847, %add3A_845, %broadcast_in_dim3A_849 : vector<128x128xi1>, vector<128x128xi32>
    %reduce_min3A_851 = arith.constant dense<2147483647> : vector<128xi32>
    %reduce_min3A_852 = vector.multi_reduction <minsi>, %select_n3A_850, %reduce_min3A_851 [1] : vector<128x128xi32> to vector<128xi32>
    %broadcast_in_dim3A_853 = vector.shape_cast %reduce_min3A_852 : vector<128xi32> to vector<128x1xi32>
    %mul3A_854 = arith.constant 8192 : i32
    %mul3A_855 = arith.muli %arg0, %mul3A_854 : i32
    %add3A_856 = vector.broadcast %mul3A_855 : i32 to vector<128x1xi32>
    %add3A_857 = arith.addi %broadcast_in_dim3A_853, %add3A_856 : vector<128x1xi32>
    %swap3A_858 = arith.constant 0 : index
    %swap3A_859 = arith.constant 0 : index
    %swap3A_860 = arith.constant 14 : index
    %swap3A_861 = vector.load %arg4[%swap3A_858, %swap3A_859, %swap3A_860] : memref<1x128x32xi32, #tpu.memory_space<vmem>>, vector<1x128x1xi32>
    %swap3A_862 = vector.shape_cast %swap3A_861 : vector<1x128x1xi32> to vector<128x1xi32>
    %swap3A_863 = vector.shape_cast %add3A_857 : vector<128x1xi32> to vector<1x128x1xi32>
    tpu.vector_store %arg4[%swap3A_858, %swap3A_859, %swap3A_860], %swap3A_863 {strides = array<i32>} : memref<1x128x32xi32, #tpu.memory_space<vmem>>, vector<1x128x1xi32>,
    %rem3A_864 = arith.constant 128 : i32
    %rem3A_865 = vector.broadcast %rem3A_864 : i32 to vector<128x1xi32>
    %rem3A_866 = arith.remsi %broadcast_in_dim3A_853, %rem3A_865 : vector<128x1xi32>
    %eq3A_867 = vector.broadcast %rem3A_866 : vector<128x1xi32> to vector<128x128xi32>
    %eq3A_868 = arith.cmpi eq, %iota3A_140, %eq3A_867 : vector<128x128xi32>
    %select_n3A_869 = arith.select %eq3A_868, %select_n3A_821, %select_n3A_819 : vector<128x128xi1>, vector<128x128xf32>
    %select_n3A_870 = arith.select %eq3A_868, %select_n3A_822, %select_n3A_820 : vector<128x128xi1>, vector<128x128xi32>
    %select_n3A_871 = arith.select %eq3A_868, %select_n3A_823, %select_n3A_821 : vector<128x128xi1>, vector<128x128xf32>
    %select_n3A_872 = arith.select %eq3A_868, %select_n3A_824, %select_n3A_822 : vector<128x128xi1>, vector<128x128xi32>
    %select_n3A_873 = arith.select %eq3A_868, %select_n3A_825, %select_n3A_823 : vector<128x128xi1>, vector<128x128xf32>
    %select_n3A_874 = arith.select %eq3A_868, %select_n3A_826, %select_n3A_824 : vector<128x128xi1>, vector<128x128xi32>
    %select_n3A_875 = arith.select %eq3A_868, %select_n3A_827, %select_n3A_825 : vector<128x128xi1>, vector<128x128xf32>
    %select_n3A_876 = arith.select %eq3A_868, %select_n3A_828, %select_n3A_826 : vector<128x128xi1>, vector<128x128xi32>
    %select_n3A_877 = arith.select %eq3A_868, %select_n3A_831, %select_n3A_827 : vector<128x128xi1>, vector<128x128xf32>
    %select_n3A_878 = arith.select %eq3A_868, %reduce_min3A_139, %select_n3A_828 : vector<128x128xi1>, vector<128x128xi32>
    %jit3A_879 = arith.constant 3.000000e+38 : f32
    %broadcast_in_dim3A_880 = vector.broadcast %jit3A_879 : f32 to vector<128x128xf32>
    %select_n3A_881 = arith.select %eq3A_868, %broadcast_in_dim3A_880, %select_n3A_831 : vector<128x128xi1>, vector<128x128xf32>
    %jit3A_882 = arith.constant 0.000000e+00 : f32
    %broadcast_in_dim3A_883 = vector.broadcast %jit3A_882 : f32 to vector<128x128xf32>
    %select_n3A_884 = arith.select %eq3A_868, %select_n3A_869, %broadcast_in_dim3A_883 : vector<128x128xi1>, vector<128x128xf32>
    %reduce_max3A_885 = arith.constant dense<0xFF800000> : vector<128xf32>
    %reduce_max3A_886 = vector.multi_reduction <maximumf>, %select_n3A_884, %reduce_max3A_885 [1] : vector<128x128xf32> to vector<128xf32>
    %broadcast_in_dim3A_887 = vector.shape_cast %reduce_max3A_886 : vector<128xf32> to vector<128x1xf32>
    %max3A_888 = arith.maximumf %max3A_838, %broadcast_in_dim3A_887 : vector<128x1xf32>
    %reduce_min3A_889 = arith.constant dense<0x7F800000> : vector<128xf32>
    %reduce_min3A_890 = vector.multi_reduction <minimumf>, %select_n3A_869, %reduce_min3A_889 [1] : vector<128x128xf32> to vector<128xf32>
    %broadcast_in_dim3A_891 = vector.shape_cast %reduce_min3A_890 : vector<128xf32> to vector<128x1xf32>
    %mul3A_892 = arith.constant 128 : i32
    %mul3A_893 = vector.broadcast %mul3A_892 : i32 to vector<128x128xi32>
    %mul3A_894 = arith.muli %select_n3A_870, %mul3A_893 : vector<128x128xi32>
    %add3A_895 = arith.addi %mul3A_894, %iota3A_140 : vector<128x128xi32>
    %eq3A_896 = vector.broadcast %broadcast_in_dim3A_891 : vector<128x1xf32> to vector<128x128xf32>
    %eq3A_897 = arith.cmpf oeq, %select_n3A_869, %eq3A_896 : vector<128x128xf32>
    %jit3A_898 = arith.constant 8192 : i32
    %broadcast_in_dim3A_899 = vector.broadcast %jit3A_898 : i32 to vector<128x128xi32>
    %select_n3A_900 = arith.select %eq3A_897, %add3A_895, %broadcast_in_dim3A_899 : vector<128x128xi1>, vector<128x128xi32>
    %reduce_min3A_901 = arith.constant dense<2147483647> : vector<128xi32>
    %reduce_min3A_902 = vector.multi_reduction <minsi>, %select_n3A_900, %reduce_min3A_901 [1] : vector<128x128xi32> to vector<128xi32>
    %broadcast_in_dim3A_903 = vector.shape_cast %reduce_min3A_902 : vector<128xi32> to vector<128x1xi32>
    %mul3A_904 = arith.constant 8192 : i32
    %mul3A_905 = arith.muli %arg0, %mul3A_904 : i32
    %add3A_906 = vector.broadcast %mul3A_905 : i32 to vector<128x1xi32>
    %add3A_907 = arith.addi %broadcast_in_dim3A_903, %add3A_906 : vector<128x1xi32>
    %swap3A_908 = arith.constant 0 : index
    %swap3A_909 = arith.constant 0 : index
    %swap3A_910 = arith.constant 15 : index
    %swap3A_911 = vector.load %arg4[%swap3A_908, %swap3A_909, %swap3A_910] : memref<1x128x32xi32, #tpu.memory_space<vmem>>, vector<1x128x1xi32>
    %swap3A_912 = vector.shape_cast %swap3A_911 : vector<1x128x1xi32> to vector<128x1xi32>
    %swap3A_913 = vector.shape_cast %add3A_907 : vector<128x1xi32> to vector<1x128x1xi32>
    tpu.vector_store %arg4[%swap3A_908, %swap3A_909, %swap3A_910], %swap3A_913 {strides = array<i32>} : memref<1x128x32xi32, #tpu.memory_space<vmem>>, vector<1x128x1xi32>,
    %rem3A_914 = arith.constant 128 : i32
    %rem3A_915 = vector.broadcast %rem3A_914 : i32 to vector<128x1xi32>
    %rem3A_916 = arith.remsi %broadcast_in_dim3A_903, %rem3A_915 : vector<128x1xi32>
    %eq3A_917 = vector.broadcast %rem3A_916 : vector<128x1xi32> to vector<128x128xi32>
    %eq3A_918 = arith.cmpi eq, %iota3A_140, %eq3A_917 : vector<128x128xi32>
    %select_n3A_919 = arith.select %eq3A_918, %select_n3A_871, %select_n3A_869 : vector<128x128xi1>, vector<128x128xf32>
    %select_n3A_920 = arith.select %eq3A_918, %select_n3A_872, %select_n3A_870 : vector<128x128xi1>, vector<128x128xi32>
    %select_n3A_921 = arith.select %eq3A_918, %select_n3A_873, %select_n3A_871 : vector<128x128xi1>, vector<128x128xf32>
    %select_n3A_922 = arith.select %eq3A_918, %select_n3A_874, %select_n3A_872 : vector<128x128xi1>, vector<128x128xi32>
    %select_n3A_923 = arith.select %eq3A_918, %select_n3A_875, %select_n3A_873 : vector<128x128xi1>, vector<128x128xf32>
    %select_n3A_924 = arith.select %eq3A_918, %select_n3A_876, %select_n3A_874 : vector<128x128xi1>, vector<128x128xi32>
    %select_n3A_925 = arith.select %eq3A_918, %select_n3A_877, %select_n3A_875 : vector<128x128xi1>, vector<128x128xf32>
    %select_n3A_926 = arith.select %eq3A_918, %select_n3A_878, %select_n3A_876 : vector<128x128xi1>, vector<128x128xi32>
    %select_n3A_927 = arith.select %eq3A_918, %select_n3A_881, %select_n3A_877 : vector<128x128xi1>, vector<128x128xf32>
    %select_n3A_928 = arith.select %eq3A_918, %reduce_min3A_139, %select_n3A_878 : vector<128x128xi1>, vector<128x128xi32>
    %jit3A_929 = arith.constant 3.000000e+38 : f32
    %broadcast_in_dim3A_930 = vector.broadcast %jit3A_929 : f32 to vector<128x128xf32>
    %select_n3A_931 = arith.select %eq3A_918, %broadcast_in_dim3A_930, %select_n3A_881 : vector<128x128xi1>, vector<128x128xf32>
    %jit3A_932 = arith.constant 0.000000e+00 : f32
    %broadcast_in_dim3A_933 = vector.broadcast %jit3A_932 : f32 to vector<128x128xf32>
    %select_n3A_934 = arith.select %eq3A_918, %select_n3A_919, %broadcast_in_dim3A_933 : vector<128x128xi1>, vector<128x128xf32>
    %reduce_max3A_935 = arith.constant dense<0xFF800000> : vector<128xf32>
    %reduce_max3A_936 = vector.multi_reduction <maximumf>, %select_n3A_934, %reduce_max3A_935 [1] : vector<128x128xf32> to vector<128xf32>
    %broadcast_in_dim3A_937 = vector.shape_cast %reduce_max3A_936 : vector<128xf32> to vector<128x1xf32>
    %max3A_938 = arith.maximumf %max3A_888, %broadcast_in_dim3A_937 : vector<128x1xf32>
    %reduce_min3A_939 = arith.constant dense<0x7F800000> : vector<128xf32>
    %reduce_min3A_940 = vector.multi_reduction <minimumf>, %select_n3A_919, %reduce_min3A_939 [1] : vector<128x128xf32> to vector<128xf32>
    %broadcast_in_dim3A_941 = vector.shape_cast %reduce_min3A_940 : vector<128xf32> to vector<128x1xf32>
    %mul3A_942 = arith.constant 128 : i32
    %mul3A_943 = vector.broadcast %mul3A_942 : i32 to vector<128x128xi32>
    %mul3A_944 = arith.muli %select_n3A_920, %mul3A_943 : vector<128x128xi32>
    %add3A_945 = arith.addi %mul3A_944, %iota3A_140 : vector<128x128xi32>
    %eq3A_946 = vector.broadcast %broadcast_in_dim3A_941 : vector<128x1xf32> to vector<128x128xf32>
    %eq3A_947 = arith.cmpf oeq, %select_n3A_919, %eq3A_946 : vector<128x128xf32>
    %jit3A_948 = arith.constant 8192 : i32
    %broadcast_in_dim3A_949 = vector.broadcast %jit3A_948 : i32 to vector<128x128xi32>
    %select_n3A_950 = arith.select %eq3A_947, %add3A_945, %broadcast_in_dim3A_949 : vector<128x128xi1>, vector<128x128xi32>
    %reduce_min3A_951 = arith.constant dense<2147483647> : vector<128xi32>
    %reduce_min3A_952 = vector.multi_reduction <minsi>, %select_n3A_950, %reduce_min3A_951 [1] : vector<128x128xi32> to vector<128xi32>
    %broadcast_in_dim3A_953 = vector.shape_cast %reduce_min3A_952 : vector<128xi32> to vector<128x1xi32>
    %mul3A_954 = arith.constant 8192 : i32
    %mul3A_955 = arith.muli %arg0, %mul3A_954 : i32
    %add3A_956 = vector.broadcast %mul3A_955 : i32 to vector<128x1xi32>
    %add3A_957 = arith.addi %broadcast_in_dim3A_953, %add3A_956 : vector<128x1xi32>
    %swap3A_958 = arith.constant 0 : index
    %swap3A_959 = arith.constant 0 : index
    %swap3A_960 = arith.constant 16 : index
    %swap3A_961 = vector.load %arg4[%swap3A_958, %swap3A_959, %swap3A_960] : memref<1x128x32xi32, #tpu.memory_space<vmem>>, vector<1x128x1xi32>
    %swap3A_962 = vector.shape_cast %swap3A_961 : vector<1x128x1xi32> to vector<128x1xi32>
    %swap3A_963 = vector.shape_cast %add3A_957 : vector<128x1xi32> to vector<1x128x1xi32>
    tpu.vector_store %arg4[%swap3A_958, %swap3A_959, %swap3A_960], %swap3A_963 {strides = array<i32>} : memref<1x128x32xi32, #tpu.memory_space<vmem>>, vector<1x128x1xi32>,
    %rem3A_964 = arith.constant 128 : i32
    %rem3A_965 = vector.broadcast %rem3A_964 : i32 to vector<128x1xi32>
    %rem3A_966 = arith.remsi %broadcast_in_dim3A_953, %rem3A_965 : vector<128x1xi32>
    %eq3A_967 = vector.broadcast %rem3A_966 : vector<128x1xi32> to vector<128x128xi32>
    %eq3A_968 = arith.cmpi eq, %iota3A_140, %eq3A_967 : vector<128x128xi32>
    %select_n3A_969 = arith.select %eq3A_968, %select_n3A_921, %select_n3A_919 : vector<128x128xi1>, vector<128x128xf32>
    %select_n3A_970 = arith.select %eq3A_968, %select_n3A_922, %select_n3A_920 : vector<128x128xi1>, vector<128x128xi32>
    %select_n3A_971 = arith.select %eq3A_968, %select_n3A_923, %select_n3A_921 : vector<128x128xi1>, vector<128x128xf32>
    %select_n3A_972 = arith.select %eq3A_968, %select_n3A_924, %select_n3A_922 : vector<128x128xi1>, vector<128x128xi32>
    %select_n3A_973 = arith.select %eq3A_968, %select_n3A_925, %select_n3A_923 : vector<128x128xi1>, vector<128x128xf32>
    %select_n3A_974 = arith.select %eq3A_968, %select_n3A_926, %select_n3A_924 : vector<128x128xi1>, vector<128x128xi32>
    %select_n3A_975 = arith.select %eq3A_968, %select_n3A_927, %select_n3A_925 : vector<128x128xi1>, vector<128x128xf32>
    %select_n3A_976 = arith.select %eq3A_968, %select_n3A_928, %select_n3A_926 : vector<128x128xi1>, vector<128x128xi32>
    %select_n3A_977 = arith.select %eq3A_968, %select_n3A_931, %select_n3A_927 : vector<128x128xi1>, vector<128x128xf32>
    %select_n3A_978 = arith.select %eq3A_968, %reduce_min3A_139, %select_n3A_928 : vector<128x128xi1>, vector<128x128xi32>
    %jit3A_979 = arith.constant 3.000000e+38 : f32
    %broadcast_in_dim3A_980 = vector.broadcast %jit3A_979 : f32 to vector<128x128xf32>
    %select_n3A_981 = arith.select %eq3A_968, %broadcast_in_dim3A_980, %select_n3A_931 : vector<128x128xi1>, vector<128x128xf32>
    %jit3A_982 = arith.constant 0.000000e+00 : f32
    %broadcast_in_dim3A_983 = vector.broadcast %jit3A_982 : f32 to vector<128x128xf32>
    %select_n3A_984 = arith.select %eq3A_968, %select_n3A_969, %broadcast_in_dim3A_983 : vector<128x128xi1>, vector<128x128xf32>
    %reduce_max3A_985 = arith.constant dense<0xFF800000> : vector<128xf32>
    %reduce_max3A_986 = vector.multi_reduction <maximumf>, %select_n3A_984, %reduce_max3A_985 [1] : vector<128x128xf32> to vector<128xf32>
    %broadcast_in_dim3A_987 = vector.shape_cast %reduce_max3A_986 : vector<128xf32> to vector<128x1xf32>
    %max3A_988 = arith.maximumf %max3A_938, %broadcast_in_dim3A_987 : vector<128x1xf32>
    %reduce_min3A_989 = arith.constant dense<0x7F800000> : vector<128xf32>
    %reduce_min3A_990 = vector.multi_reduction <minimumf>, %select_n3A_969, %reduce_min3A_989 [1] : vector<128x128xf32> to vector<128xf32>
    %broadcast_in_dim3A_991 = vector.shape_cast %reduce_min3A_990 : vector<128xf32> to vector<128x1xf32>
    %mul3A_992 = arith.constant 128 : i32
    %mul3A_993 = vector.broadcast %mul3A_992 : i32 to vector<128x128xi32>
    %mul3A_994 = arith.muli %select_n3A_970, %mul3A_993 : vector<128x128xi32>
    %add3A_995 = arith.addi %mul3A_994, %iota3A_140 : vector<128x128xi32>
    %eq3A_996 = vector.broadcast %broadcast_in_dim3A_991 : vector<128x1xf32> to vector<128x128xf32>
    %eq3A_997 = arith.cmpf oeq, %select_n3A_969, %eq3A_996 : vector<128x128xf32>
    %jit3A_998 = arith.constant 8192 : i32
    %broadcast_in_dim3A_999 = vector.broadcast %jit3A_998 : i32 to vector<128x128xi32>
    %select_n3A_1000 = arith.select %eq3A_997, %add3A_995, %broadcast_in_dim3A_999 : vector<128x128xi1>, vector<128x128xi32>
    %reduce_min3A_1001 = arith.constant dense<2147483647> : vector<128xi32>
    %reduce_min3A_1002 = vector.multi_reduction <minsi>, %select_n3A_1000, %reduce_min3A_1001 [1] : vector<128x128xi32> to vector<128xi32>
    %broadcast_in_dim3A_1003 = vector.shape_cast %reduce_min3A_1002 : vector<128xi32> to vector<128x1xi32>
    %mul3A_1004 = arith.constant 8192 : i32
    %mul3A_1005 = arith.muli %arg0, %mul3A_1004 : i32
    %add3A_1006 = vector.broadcast %mul3A_1005 : i32 to vector<128x1xi32>
    %add3A_1007 = arith.addi %broadcast_in_dim3A_1003, %add3A_1006 : vector<128x1xi32>
    %swap3A_1008 = arith.constant 0 : index
    %swap3A_1009 = arith.constant 0 : index
    %swap3A_1010 = arith.constant 17 : index
    %swap3A_1011 = vector.load %arg4[%swap3A_1008, %swap3A_1009, %swap3A_1010] : memref<1x128x32xi32, #tpu.memory_space<vmem>>, vector<1x128x1xi32>
    %swap3A_1012 = vector.shape_cast %swap3A_1011 : vector<1x128x1xi32> to vector<128x1xi32>
    %swap3A_1013 = vector.shape_cast %add3A_1007 : vector<128x1xi32> to vector<1x128x1xi32>
    tpu.vector_store %arg4[%swap3A_1008, %swap3A_1009, %swap3A_1010], %swap3A_1013 {strides = array<i32>} : memref<1x128x32xi32, #tpu.memory_space<vmem>>, vector<1x128x1xi32>,
    %rem3A_1014 = arith.constant 128 : i32
    %rem3A_1015 = vector.broadcast %rem3A_1014 : i32 to vector<128x1xi32>
    %rem3A_1016 = arith.remsi %broadcast_in_dim3A_1003, %rem3A_1015 : vector<128x1xi32>
    %eq3A_1017 = vector.broadcast %rem3A_1016 : vector<128x1xi32> to vector<128x128xi32>
    %eq3A_1018 = arith.cmpi eq, %iota3A_140, %eq3A_1017 : vector<128x128xi32>
    %select_n3A_1019 = arith.select %eq3A_1018, %select_n3A_971, %select_n3A_969 : vector<128x128xi1>, vector<128x128xf32>
    %select_n3A_1020 = arith.select %eq3A_1018, %select_n3A_972, %select_n3A_970 : vector<128x128xi1>, vector<128x128xi32>
    %select_n3A_1021 = arith.select %eq3A_1018, %select_n3A_973, %select_n3A_971 : vector<128x128xi1>, vector<128x128xf32>
    %select_n3A_1022 = arith.select %eq3A_1018, %select_n3A_974, %select_n3A_972 : vector<128x128xi1>, vector<128x128xi32>
    %select_n3A_1023 = arith.select %eq3A_1018, %select_n3A_975, %select_n3A_973 : vector<128x128xi1>, vector<128x128xf32>
    %select_n3A_1024 = arith.select %eq3A_1018, %select_n3A_976, %select_n3A_974 : vector<128x128xi1>, vector<128x128xi32>
    %select_n3A_1025 = arith.select %eq3A_1018, %select_n3A_977, %select_n3A_975 : vector<128x128xi1>, vector<128x128xf32>
    %select_n3A_1026 = arith.select %eq3A_1018, %select_n3A_978, %select_n3A_976 : vector<128x128xi1>, vector<128x128xi32>
    %select_n3A_1027 = arith.select %eq3A_1018, %select_n3A_981, %select_n3A_977 : vector<128x128xi1>, vector<128x128xf32>
    %select_n3A_1028 = arith.select %eq3A_1018, %reduce_min3A_139, %select_n3A_978 : vector<128x128xi1>, vector<128x128xi32>
    %jit3A_1029 = arith.constant 3.000000e+38 : f32
    %broadcast_in_dim3A_1030 = vector.broadcast %jit3A_1029 : f32 to vector<128x128xf32>
    %select_n3A_1031 = arith.select %eq3A_1018, %broadcast_in_dim3A_1030, %select_n3A_981 : vector<128x128xi1>, vector<128x128xf32>
    %jit3A_1032 = arith.constant 0.000000e+00 : f32
    %broadcast_in_dim3A_1033 = vector.broadcast %jit3A_1032 : f32 to vector<128x128xf32>
    %select_n3A_1034 = arith.select %eq3A_1018, %select_n3A_1019, %broadcast_in_dim3A_1033 : vector<128x128xi1>, vector<128x128xf32>
    %reduce_max3A_1035 = arith.constant dense<0xFF800000> : vector<128xf32>
    %reduce_max3A_1036 = vector.multi_reduction <maximumf>, %select_n3A_1034, %reduce_max3A_1035 [1] : vector<128x128xf32> to vector<128xf32>
    %broadcast_in_dim3A_1037 = vector.shape_cast %reduce_max3A_1036 : vector<128xf32> to vector<128x1xf32>
    %max3A_1038 = arith.maximumf %max3A_988, %broadcast_in_dim3A_1037 : vector<128x1xf32>
    %reduce_min3A_1039 = arith.constant dense<0x7F800000> : vector<128xf32>
    %reduce_min3A_1040 = vector.multi_reduction <minimumf>, %select_n3A_1019, %reduce_min3A_1039 [1] : vector<128x128xf32> to vector<128xf32>
    %broadcast_in_dim3A_1041 = vector.shape_cast %reduce_min3A_1040 : vector<128xf32> to vector<128x1xf32>
    %mul3A_1042 = arith.constant 128 : i32
    %mul3A_1043 = vector.broadcast %mul3A_1042 : i32 to vector<128x128xi32>
    %mul3A_1044 = arith.muli %select_n3A_1020, %mul3A_1043 : vector<128x128xi32>
    %add3A_1045 = arith.addi %mul3A_1044, %iota3A_140 : vector<128x128xi32>
    %eq3A_1046 = vector.broadcast %broadcast_in_dim3A_1041 : vector<128x1xf32> to vector<128x128xf32>
    %eq3A_1047 = arith.cmpf oeq, %select_n3A_1019, %eq3A_1046 : vector<128x128xf32>
    %jit3A_1048 = arith.constant 8192 : i32
    %broadcast_in_dim3A_1049 = vector.broadcast %jit3A_1048 : i32 to vector<128x128xi32>
    %select_n3A_1050 = arith.select %eq3A_1047, %add3A_1045, %broadcast_in_dim3A_1049 : vector<128x128xi1>, vector<128x128xi32>
    %reduce_min3A_1051 = arith.constant dense<2147483647> : vector<128xi32>
    %reduce_min3A_1052 = vector.multi_reduction <minsi>, %select_n3A_1050, %reduce_min3A_1051 [1] : vector<128x128xi32> to vector<128xi32>
    %broadcast_in_dim3A_1053 = vector.shape_cast %reduce_min3A_1052 : vector<128xi32> to vector<128x1xi32>
    %mul3A_1054 = arith.constant 8192 : i32
    %mul3A_1055 = arith.muli %arg0, %mul3A_1054 : i32
    %add3A_1056 = vector.broadcast %mul3A_1055 : i32 to vector<128x1xi32>
    %add3A_1057 = arith.addi %broadcast_in_dim3A_1053, %add3A_1056 : vector<128x1xi32>
    %swap3A_1058 = arith.constant 0 : index
    %swap3A_1059 = arith.constant 0 : index
    %swap3A_1060 = arith.constant 18 : index
    %swap3A_1061 = vector.load %arg4[%swap3A_1058, %swap3A_1059, %swap3A_1060] : memref<1x128x32xi32, #tpu.memory_space<vmem>>, vector<1x128x1xi32>
    %swap3A_1062 = vector.shape_cast %swap3A_1061 : vector<1x128x1xi32> to vector<128x1xi32>
    %swap3A_1063 = vector.shape_cast %add3A_1057 : vector<128x1xi32> to vector<1x128x1xi32>
    tpu.vector_store %arg4[%swap3A_1058, %swap3A_1059, %swap3A_1060], %swap3A_1063 {strides = array<i32>} : memref<1x128x32xi32, #tpu.memory_space<vmem>>, vector<1x128x1xi32>,
    %rem3A_1064 = arith.constant 128 : i32
    %rem3A_1065 = vector.broadcast %rem3A_1064 : i32 to vector<128x1xi32>
    %rem3A_1066 = arith.remsi %broadcast_in_dim3A_1053, %rem3A_1065 : vector<128x1xi32>
    %eq3A_1067 = vector.broadcast %rem3A_1066 : vector<128x1xi32> to vector<128x128xi32>
    %eq3A_1068 = arith.cmpi eq, %iota3A_140, %eq3A_1067 : vector<128x128xi32>
    %select_n3A_1069 = arith.select %eq3A_1068, %select_n3A_1021, %select_n3A_1019 : vector<128x128xi1>, vector<128x128xf32>
    %select_n3A_1070 = arith.select %eq3A_1068, %select_n3A_1022, %select_n3A_1020 : vector<128x128xi1>, vector<128x128xi32>
    %select_n3A_1071 = arith.select %eq3A_1068, %select_n3A_1023, %select_n3A_1021 : vector<128x128xi1>, vector<128x128xf32>
    %select_n3A_1072 = arith.select %eq3A_1068, %select_n3A_1024, %select_n3A_1022 : vector<128x128xi1>, vector<128x128xi32>
    %select_n3A_1073 = arith.select %eq3A_1068, %select_n3A_1025, %select_n3A_1023 : vector<128x128xi1>, vector<128x128xf32>
    %select_n3A_1074 = arith.select %eq3A_1068, %select_n3A_1026, %select_n3A_1024 : vector<128x128xi1>, vector<128x128xi32>
    %select_n3A_1075 = arith.select %eq3A_1068, %select_n3A_1027, %select_n3A_1025 : vector<128x128xi1>, vector<128x128xf32>
    %select_n3A_1076 = arith.select %eq3A_1068, %select_n3A_1028, %select_n3A_1026 : vector<128x128xi1>, vector<128x128xi32>
    %select_n3A_1077 = arith.select %eq3A_1068, %select_n3A_1031, %select_n3A_1027 : vector<128x128xi1>, vector<128x128xf32>
    %select_n3A_1078 = arith.select %eq3A_1068, %reduce_min3A_139, %select_n3A_1028 : vector<128x128xi1>, vector<128x128xi32>
    %jit3A_1079 = arith.constant 3.000000e+38 : f32
    %broadcast_in_dim3A_1080 = vector.broadcast %jit3A_1079 : f32 to vector<128x128xf32>
    %select_n3A_1081 = arith.select %eq3A_1068, %broadcast_in_dim3A_1080, %select_n3A_1031 : vector<128x128xi1>, vector<128x128xf32>
    %jit3A_1082 = arith.constant 0.000000e+00 : f32
    %broadcast_in_dim3A_1083 = vector.broadcast %jit3A_1082 : f32 to vector<128x128xf32>
    %select_n3A_1084 = arith.select %eq3A_1068, %select_n3A_1069, %broadcast_in_dim3A_1083 : vector<128x128xi1>, vector<128x128xf32>
    %reduce_max3A_1085 = arith.constant dense<0xFF800000> : vector<128xf32>
    %reduce_max3A_1086 = vector.multi_reduction <maximumf>, %select_n3A_1084, %reduce_max3A_1085 [1] : vector<128x128xf32> to vector<128xf32>
    %broadcast_in_dim3A_1087 = vector.shape_cast %reduce_max3A_1086 : vector<128xf32> to vector<128x1xf32>
    %max3A_1088 = arith.maximumf %max3A_1038, %broadcast_in_dim3A_1087 : vector<128x1xf32>
    %reduce_min3A_1089 = arith.constant dense<0x7F800000> : vector<128xf32>
    %reduce_min3A_1090 = vector.multi_reduction <minimumf>, %select_n3A_1069, %reduce_min3A_1089 [1] : vector<128x128xf32> to vector<128xf32>
    %broadcast_in_dim3A_1091 = vector.shape_cast %reduce_min3A_1090 : vector<128xf32> to vector<128x1xf32>
    %mul3A_1092 = arith.constant 128 : i32
    %mul3A_1093 = vector.broadcast %mul3A_1092 : i32 to vector<128x128xi32>
    %mul3A_1094 = arith.muli %select_n3A_1070, %mul3A_1093 : vector<128x128xi32>
    %add3A_1095 = arith.addi %mul3A_1094, %iota3A_140 : vector<128x128xi32>
    %eq3A_1096 = vector.broadcast %broadcast_in_dim3A_1091 : vector<128x1xf32> to vector<128x128xf32>
    %eq3A_1097 = arith.cmpf oeq, %select_n3A_1069, %eq3A_1096 : vector<128x128xf32>
    %jit3A_1098 = arith.constant 8192 : i32
    %broadcast_in_dim3A_1099 = vector.broadcast %jit3A_1098 : i32 to vector<128x128xi32>
    %select_n3A_1100 = arith.select %eq3A_1097, %add3A_1095, %broadcast_in_dim3A_1099 : vector<128x128xi1>, vector<128x128xi32>
    %reduce_min3A_1101 = arith.constant dense<2147483647> : vector<128xi32>
    %reduce_min3A_1102 = vector.multi_reduction <minsi>, %select_n3A_1100, %reduce_min3A_1101 [1] : vector<128x128xi32> to vector<128xi32>
    %broadcast_in_dim3A_1103 = vector.shape_cast %reduce_min3A_1102 : vector<128xi32> to vector<128x1xi32>
    %mul3A_1104 = arith.constant 8192 : i32
    %mul3A_1105 = arith.muli %arg0, %mul3A_1104 : i32
    %add3A_1106 = vector.broadcast %mul3A_1105 : i32 to vector<128x1xi32>
    %add3A_1107 = arith.addi %broadcast_in_dim3A_1103, %add3A_1106 : vector<128x1xi32>
    %swap3A_1108 = arith.constant 0 : index
    %swap3A_1109 = arith.constant 0 : index
    %swap3A_1110 = arith.constant 19 : index
    %swap3A_1111 = vector.load %arg4[%swap3A_1108, %swap3A_1109, %swap3A_1110] : memref<1x128x32xi32, #tpu.memory_space<vmem>>, vector<1x128x1xi32>
    %swap3A_1112 = vector.shape_cast %swap3A_1111 : vector<1x128x1xi32> to vector<128x1xi32>
    %swap3A_1113 = vector.shape_cast %add3A_1107 : vector<128x1xi32> to vector<1x128x1xi32>
    tpu.vector_store %arg4[%swap3A_1108, %swap3A_1109, %swap3A_1110], %swap3A_1113 {strides = array<i32>} : memref<1x128x32xi32, #tpu.memory_space<vmem>>, vector<1x128x1xi32>,
    %rem3A_1114 = arith.constant 128 : i32
    %rem3A_1115 = vector.broadcast %rem3A_1114 : i32 to vector<128x1xi32>
    %rem3A_1116 = arith.remsi %broadcast_in_dim3A_1103, %rem3A_1115 : vector<128x1xi32>
    %eq3A_1117 = vector.broadcast %rem3A_1116 : vector<128x1xi32> to vector<128x128xi32>
    %eq3A_1118 = arith.cmpi eq, %iota3A_140, %eq3A_1117 : vector<128x128xi32>
    %select_n3A_1119 = arith.select %eq3A_1118, %select_n3A_1071, %select_n3A_1069 : vector<128x128xi1>, vector<128x128xf32>
    %select_n3A_1120 = arith.select %eq3A_1118, %select_n3A_1072, %select_n3A_1070 : vector<128x128xi1>, vector<128x128xi32>
    %select_n3A_1121 = arith.select %eq3A_1118, %select_n3A_1073, %select_n3A_1071 : vector<128x128xi1>, vector<128x128xf32>
    %select_n3A_1122 = arith.select %eq3A_1118, %select_n3A_1074, %select_n3A_1072 : vector<128x128xi1>, vector<128x128xi32>
    %select_n3A_1123 = arith.select %eq3A_1118, %select_n3A_1075, %select_n3A_1073 : vector<128x128xi1>, vector<128x128xf32>
    %select_n3A_1124 = arith.select %eq3A_1118, %select_n3A_1076, %select_n3A_1074 : vector<128x128xi1>, vector<128x128xi32>
    %select_n3A_1125 = arith.select %eq3A_1118, %select_n3A_1077, %select_n3A_1075 : vector<128x128xi1>, vector<128x128xf32>
    %select_n3A_1126 = arith.select %eq3A_1118, %select_n3A_1078, %select_n3A_1076 : vector<128x128xi1>, vector<128x128xi32>
    %select_n3A_1127 = arith.select %eq3A_1118, %select_n3A_1081, %select_n3A_1077 : vector<128x128xi1>, vector<128x128xf32>
    %select_n3A_1128 = arith.select %eq3A_1118, %reduce_min3A_139, %select_n3A_1078 : vector<128x128xi1>, vector<128x128xi32>
    %jit3A_1129 = arith.constant 3.000000e+38 : f32
    %broadcast_in_dim3A_1130 = vector.broadcast %jit3A_1129 : f32 to vector<128x128xf32>
    %select_n3A_1131 = arith.select %eq3A_1118, %broadcast_in_dim3A_1130, %select_n3A_1081 : vector<128x128xi1>, vector<128x128xf32>
    %jit3A_1132 = arith.constant 0.000000e+00 : f32
    %broadcast_in_dim3A_1133 = vector.broadcast %jit3A_1132 : f32 to vector<128x128xf32>
    %select_n3A_1134 = arith.select %eq3A_1118, %select_n3A_1119, %broadcast_in_dim3A_1133 : vector<128x128xi1>, vector<128x128xf32>
    %reduce_max3A_1135 = arith.constant dense<0xFF800000> : vector<128xf32>
    %reduce_max3A_1136 = vector.multi_reduction <maximumf>, %select_n3A_1134, %reduce_max3A_1135 [1] : vector<128x128xf32> to vector<128xf32>
    %broadcast_in_dim3A_1137 = vector.shape_cast %reduce_max3A_1136 : vector<128xf32> to vector<128x1xf32>
    %max3A_1138 = arith.maximumf %max3A_1088, %broadcast_in_dim3A_1137 : vector<128x1xf32>
    %reduce_min3A_1139 = arith.constant dense<0x7F800000> : vector<128xf32>
    %reduce_min3A_1140 = vector.multi_reduction <minimumf>, %select_n3A_1119, %reduce_min3A_1139 [1] : vector<128x128xf32> to vector<128xf32>
    %broadcast_in_dim3A_1141 = vector.shape_cast %reduce_min3A_1140 : vector<128xf32> to vector<128x1xf32>
    %mul3A_1142 = arith.constant 128 : i32
    %mul3A_1143 = vector.broadcast %mul3A_1142 : i32 to vector<128x128xi32>
    %mul3A_1144 = arith.muli %select_n3A_1120, %mul3A_1143 : vector<128x128xi32>
    %add3A_1145 = arith.addi %mul3A_1144, %iota3A_140 : vector<128x128xi32>
    %eq3A_1146 = vector.broadcast %broadcast_in_dim3A_1141 : vector<128x1xf32> to vector<128x128xf32>
    %eq3A_1147 = arith.cmpf oeq, %select_n3A_1119, %eq3A_1146 : vector<128x128xf32>
    %jit3A_1148 = arith.constant 8192 : i32
    %broadcast_in_dim3A_1149 = vector.broadcast %jit3A_1148 : i32 to vector<128x128xi32>
    %select_n3A_1150 = arith.select %eq3A_1147, %add3A_1145, %broadcast_in_dim3A_1149 : vector<128x128xi1>, vector<128x128xi32>
    %reduce_min3A_1151 = arith.constant dense<2147483647> : vector<128xi32>
    %reduce_min3A_1152 = vector.multi_reduction <minsi>, %select_n3A_1150, %reduce_min3A_1151 [1] : vector<128x128xi32> to vector<128xi32>
    %broadcast_in_dim3A_1153 = vector.shape_cast %reduce_min3A_1152 : vector<128xi32> to vector<128x1xi32>
    %mul3A_1154 = arith.constant 8192 : i32
    %mul3A_1155 = arith.muli %arg0, %mul3A_1154 : i32
    %add3A_1156 = vector.broadcast %mul3A_1155 : i32 to vector<128x1xi32>
    %add3A_1157 = arith.addi %broadcast_in_dim3A_1153, %add3A_1156 : vector<128x1xi32>
    %swap3A_1158 = arith.constant 0 : index
    %swap3A_1159 = arith.constant 0 : index
    %swap3A_1160 = arith.constant 20 : index
    %swap3A_1161 = vector.load %arg4[%swap3A_1158, %swap3A_1159, %swap3A_1160] : memref<1x128x32xi32, #tpu.memory_space<vmem>>, vector<1x128x1xi32>
    %swap3A_1162 = vector.shape_cast %swap3A_1161 : vector<1x128x1xi32> to vector<128x1xi32>
    %swap3A_1163 = vector.shape_cast %add3A_1157 : vector<128x1xi32> to vector<1x128x1xi32>
    tpu.vector_store %arg4[%swap3A_1158, %swap3A_1159, %swap3A_1160], %swap3A_1163 {strides = array<i32>} : memref<1x128x32xi32, #tpu.memory_space<vmem>>, vector<1x128x1xi32>,
    %rem3A_1164 = arith.constant 128 : i32
    %rem3A_1165 = vector.broadcast %rem3A_1164 : i32 to vector<128x1xi32>
    %rem3A_1166 = arith.remsi %broadcast_in_dim3A_1153, %rem3A_1165 : vector<128x1xi32>
    %eq3A_1167 = vector.broadcast %rem3A_1166 : vector<128x1xi32> to vector<128x128xi32>
    %eq3A_1168 = arith.cmpi eq, %iota3A_140, %eq3A_1167 : vector<128x128xi32>
    %select_n3A_1169 = arith.select %eq3A_1168, %select_n3A_1121, %select_n3A_1119 : vector<128x128xi1>, vector<128x128xf32>
    %select_n3A_1170 = arith.select %eq3A_1168, %select_n3A_1122, %select_n3A_1120 : vector<128x128xi1>, vector<128x128xi32>
    %select_n3A_1171 = arith.select %eq3A_1168, %select_n3A_1123, %select_n3A_1121 : vector<128x128xi1>, vector<128x128xf32>
    %select_n3A_1172 = arith.select %eq3A_1168, %select_n3A_1124, %select_n3A_1122 : vector<128x128xi1>, vector<128x128xi32>
    %select_n3A_1173 = arith.select %eq3A_1168, %select_n3A_1125, %select_n3A_1123 : vector<128x128xi1>, vector<128x128xf32>
    %select_n3A_1174 = arith.select %eq3A_1168, %select_n3A_1126, %select_n3A_1124 : vector<128x128xi1>, vector<128x128xi32>
    %select_n3A_1175 = arith.select %eq3A_1168, %select_n3A_1127, %select_n3A_1125 : vector<128x128xi1>, vector<128x128xf32>
    %select_n3A_1176 = arith.select %eq3A_1168, %select_n3A_1128, %select_n3A_1126 : vector<128x128xi1>, vector<128x128xi32>
    %select_n3A_1177 = arith.select %eq3A_1168, %select_n3A_1131, %select_n3A_1127 : vector<128x128xi1>, vector<128x128xf32>
    %select_n3A_1178 = arith.select %eq3A_1168, %reduce_min3A_139, %select_n3A_1128 : vector<128x128xi1>, vector<128x128xi32>
    %jit3A_1179 = arith.constant 3.000000e+38 : f32
    %broadcast_in_dim3A_1180 = vector.broadcast %jit3A_1179 : f32 to vector<128x128xf32>
    %select_n3A_1181 = arith.select %eq3A_1168, %broadcast_in_dim3A_1180, %select_n3A_1131 : vector<128x128xi1>, vector<128x128xf32>
    %jit3A_1182 = arith.constant 0.000000e+00 : f32
    %broadcast_in_dim3A_1183 = vector.broadcast %jit3A_1182 : f32 to vector<128x128xf32>
    %select_n3A_1184 = arith.select %eq3A_1168, %select_n3A_1169, %broadcast_in_dim3A_1183 : vector<128x128xi1>, vector<128x128xf32>
    %reduce_max3A_1185 = arith.constant dense<0xFF800000> : vector<128xf32>
    %reduce_max3A_1186 = vector.multi_reduction <maximumf>, %select_n3A_1184, %reduce_max3A_1185 [1] : vector<128x128xf32> to vector<128xf32>
    %broadcast_in_dim3A_1187 = vector.shape_cast %reduce_max3A_1186 : vector<128xf32> to vector<128x1xf32>
    %max3A_1188 = arith.maximumf %max3A_1138, %broadcast_in_dim3A_1187 : vector<128x1xf32>
    %reduce_min3A_1189 = arith.constant dense<0x7F800000> : vector<128xf32>
    %reduce_min3A_1190 = vector.multi_reduction <minimumf>, %select_n3A_1169, %reduce_min3A_1189 [1] : vector<128x128xf32> to vector<128xf32>
    %broadcast_in_dim3A_1191 = vector.shape_cast %reduce_min3A_1190 : vector<128xf32> to vector<128x1xf32>
    %mul3A_1192 = arith.constant 128 : i32
    %mul3A_1193 = vector.broadcast %mul3A_1192 : i32 to vector<128x128xi32>
    %mul3A_1194 = arith.muli %select_n3A_1170, %mul3A_1193 : vector<128x128xi32>
    %add3A_1195 = arith.addi %mul3A_1194, %iota3A_140 : vector<128x128xi32>
    %eq3A_1196 = vector.broadcast %broadcast_in_dim3A_1191 : vector<128x1xf32> to vector<128x128xf32>
    %eq3A_1197 = arith.cmpf oeq, %select_n3A_1169, %eq3A_1196 : vector<128x128xf32>
    %jit3A_1198 = arith.constant 8192 : i32
    %broadcast_in_dim3A_1199 = vector.broadcast %jit3A_1198 : i32 to vector<128x128xi32>
    %select_n3A_1200 = arith.select %eq3A_1197, %add3A_1195, %broadcast_in_dim3A_1199 : vector<128x128xi1>, vector<128x128xi32>
    %reduce_min3A_1201 = arith.constant dense<2147483647> : vector<128xi32>
    %reduce_min3A_1202 = vector.multi_reduction <minsi>, %select_n3A_1200, %reduce_min3A_1201 [1] : vector<128x128xi32> to vector<128xi32>
    %broadcast_in_dim3A_1203 = vector.shape_cast %reduce_min3A_1202 : vector<128xi32> to vector<128x1xi32>
    %mul3A_1204 = arith.constant 8192 : i32
    %mul3A_1205 = arith.muli %arg0, %mul3A_1204 : i32
    %add3A_1206 = vector.broadcast %mul3A_1205 : i32 to vector<128x1xi32>
    %add3A_1207 = arith.addi %broadcast_in_dim3A_1203, %add3A_1206 : vector<128x1xi32>
    %swap3A_1208 = arith.constant 0 : index
    %swap3A_1209 = arith.constant 0 : index
    %swap3A_1210 = arith.constant 21 : index
    %swap3A_1211 = vector.load %arg4[%swap3A_1208, %swap3A_1209, %swap3A_1210] : memref<1x128x32xi32, #tpu.memory_space<vmem>>, vector<1x128x1xi32>
    %swap3A_1212 = vector.shape_cast %swap3A_1211 : vector<1x128x1xi32> to vector<128x1xi32>
    %swap3A_1213 = vector.shape_cast %add3A_1207 : vector<128x1xi32> to vector<1x128x1xi32>
    tpu.vector_store %arg4[%swap3A_1208, %swap3A_1209, %swap3A_1210], %swap3A_1213 {strides = array<i32>} : memref<1x128x32xi32, #tpu.memory_space<vmem>>, vector<1x128x1xi32>,
    %rem3A_1214 = arith.constant 128 : i32
    %rem3A_1215 = vector.broadcast %rem3A_1214 : i32 to vector<128x1xi32>
    %rem3A_1216 = arith.remsi %broadcast_in_dim3A_1203, %rem3A_1215 : vector<128x1xi32>
    %eq3A_1217 = vector.broadcast %rem3A_1216 : vector<128x1xi32> to vector<128x128xi32>
    %eq3A_1218 = arith.cmpi eq, %iota3A_140, %eq3A_1217 : vector<128x128xi32>
    %select_n3A_1219 = arith.select %eq3A_1218, %select_n3A_1171, %select_n3A_1169 : vector<128x128xi1>, vector<128x128xf32>
    %select_n3A_1220 = arith.select %eq3A_1218, %select_n3A_1172, %select_n3A_1170 : vector<128x128xi1>, vector<128x128xi32>
    %select_n3A_1221 = arith.select %eq3A_1218, %select_n3A_1173, %select_n3A_1171 : vector<128x128xi1>, vector<128x128xf32>
    %select_n3A_1222 = arith.select %eq3A_1218, %select_n3A_1174, %select_n3A_1172 : vector<128x128xi1>, vector<128x128xi32>
    %select_n3A_1223 = arith.select %eq3A_1218, %select_n3A_1175, %select_n3A_1173 : vector<128x128xi1>, vector<128x128xf32>
    %select_n3A_1224 = arith.select %eq3A_1218, %select_n3A_1176, %select_n3A_1174 : vector<128x128xi1>, vector<128x128xi32>
    %select_n3A_1225 = arith.select %eq3A_1218, %select_n3A_1177, %select_n3A_1175 : vector<128x128xi1>, vector<128x128xf32>
    %select_n3A_1226 = arith.select %eq3A_1218, %select_n3A_1178, %select_n3A_1176 : vector<128x128xi1>, vector<128x128xi32>
    %select_n3A_1227 = arith.select %eq3A_1218, %select_n3A_1181, %select_n3A_1177 : vector<128x128xi1>, vector<128x128xf32>
    %select_n3A_1228 = arith.select %eq3A_1218, %reduce_min3A_139, %select_n3A_1178 : vector<128x128xi1>, vector<128x128xi32>
    %jit3A_1229 = arith.constant 3.000000e+38 : f32
    %broadcast_in_dim3A_1230 = vector.broadcast %jit3A_1229 : f32 to vector<128x128xf32>
    %select_n3A_1231 = arith.select %eq3A_1218, %broadcast_in_dim3A_1230, %select_n3A_1181 : vector<128x128xi1>, vector<128x128xf32>
    %jit3A_1232 = arith.constant 0.000000e+00 : f32
    %broadcast_in_dim3A_1233 = vector.broadcast %jit3A_1232 : f32 to vector<128x128xf32>
    %select_n3A_1234 = arith.select %eq3A_1218, %select_n3A_1219, %broadcast_in_dim3A_1233 : vector<128x128xi1>, vector<128x128xf32>
    %reduce_max3A_1235 = arith.constant dense<0xFF800000> : vector<128xf32>
    %reduce_max3A_1236 = vector.multi_reduction <maximumf>, %select_n3A_1234, %reduce_max3A_1235 [1] : vector<128x128xf32> to vector<128xf32>
    %broadcast_in_dim3A_1237 = vector.shape_cast %reduce_max3A_1236 : vector<128xf32> to vector<128x1xf32>
    %max3A_1238 = arith.maximumf %max3A_1188, %broadcast_in_dim3A_1237 : vector<128x1xf32>
    %reduce_min3A_1239 = arith.constant dense<0x7F800000> : vector<128xf32>
    %reduce_min3A_1240 = vector.multi_reduction <minimumf>, %select_n3A_1219, %reduce_min3A_1239 [1] : vector<128x128xf32> to vector<128xf32>
    %broadcast_in_dim3A_1241 = vector.shape_cast %reduce_min3A_1240 : vector<128xf32> to vector<128x1xf32>
    %mul3A_1242 = arith.constant 128 : i32
    %mul3A_1243 = vector.broadcast %mul3A_1242 : i32 to vector<128x128xi32>
    %mul3A_1244 = arith.muli %select_n3A_1220, %mul3A_1243 : vector<128x128xi32>
    %add3A_1245 = arith.addi %mul3A_1244, %iota3A_140 : vector<128x128xi32>
    %eq3A_1246 = vector.broadcast %broadcast_in_dim3A_1241 : vector<128x1xf32> to vector<128x128xf32>
    %eq3A_1247 = arith.cmpf oeq, %select_n3A_1219, %eq3A_1246 : vector<128x128xf32>
    %jit3A_1248 = arith.constant 8192 : i32
    %broadcast_in_dim3A_1249 = vector.broadcast %jit3A_1248 : i32 to vector<128x128xi32>
    %select_n3A_1250 = arith.select %eq3A_1247, %add3A_1245, %broadcast_in_dim3A_1249 : vector<128x128xi1>, vector<128x128xi32>
    %reduce_min3A_1251 = arith.constant dense<2147483647> : vector<128xi32>
    %reduce_min3A_1252 = vector.multi_reduction <minsi>, %select_n3A_1250, %reduce_min3A_1251 [1] : vector<128x128xi32> to vector<128xi32>
    %broadcast_in_dim3A_1253 = vector.shape_cast %reduce_min3A_1252 : vector<128xi32> to vector<128x1xi32>
    %mul3A_1254 = arith.constant 8192 : i32
    %mul3A_1255 = arith.muli %arg0, %mul3A_1254 : i32
    %add3A_1256 = vector.broadcast %mul3A_1255 : i32 to vector<128x1xi32>
    %add3A_1257 = arith.addi %broadcast_in_dim3A_1253, %add3A_1256 : vector<128x1xi32>
    %swap3A_1258 = arith.constant 0 : index
    %swap3A_1259 = arith.constant 0 : index
    %swap3A_1260 = arith.constant 22 : index
    %swap3A_1261 = vector.load %arg4[%swap3A_1258, %swap3A_1259, %swap3A_1260] : memref<1x128x32xi32, #tpu.memory_space<vmem>>, vector<1x128x1xi32>
    %swap3A_1262 = vector.shape_cast %swap3A_1261 : vector<1x128x1xi32> to vector<128x1xi32>
    %swap3A_1263 = vector.shape_cast %add3A_1257 : vector<128x1xi32> to vector<1x128x1xi32>
    tpu.vector_store %arg4[%swap3A_1258, %swap3A_1259, %swap3A_1260], %swap3A_1263 {strides = array<i32>} : memref<1x128x32xi32, #tpu.memory_space<vmem>>, vector<1x128x1xi32>,
    %rem3A_1264 = arith.constant 128 : i32
    %rem3A_1265 = vector.broadcast %rem3A_1264 : i32 to vector<128x1xi32>
    %rem3A_1266 = arith.remsi %broadcast_in_dim3A_1253, %rem3A_1265 : vector<128x1xi32>
    %eq3A_1267 = vector.broadcast %rem3A_1266 : vector<128x1xi32> to vector<128x128xi32>
    %eq3A_1268 = arith.cmpi eq, %iota3A_140, %eq3A_1267 : vector<128x128xi32>
    %select_n3A_1269 = arith.select %eq3A_1268, %select_n3A_1221, %select_n3A_1219 : vector<128x128xi1>, vector<128x128xf32>
    %select_n3A_1270 = arith.select %eq3A_1268, %select_n3A_1222, %select_n3A_1220 : vector<128x128xi1>, vector<128x128xi32>
    %select_n3A_1271 = arith.select %eq3A_1268, %select_n3A_1223, %select_n3A_1221 : vector<128x128xi1>, vector<128x128xf32>
    %select_n3A_1272 = arith.select %eq3A_1268, %select_n3A_1224, %select_n3A_1222 : vector<128x128xi1>, vector<128x128xi32>
    %select_n3A_1273 = arith.select %eq3A_1268, %select_n3A_1225, %select_n3A_1223 : vector<128x128xi1>, vector<128x128xf32>
    %select_n3A_1274 = arith.select %eq3A_1268, %select_n3A_1226, %select_n3A_1224 : vector<128x128xi1>, vector<128x128xi32>
    %select_n3A_1275 = arith.select %eq3A_1268, %select_n3A_1227, %select_n3A_1225 : vector<128x128xi1>, vector<128x128xf32>
    %select_n3A_1276 = arith.select %eq3A_1268, %select_n3A_1228, %select_n3A_1226 : vector<128x128xi1>, vector<128x128xi32>
    %select_n3A_1277 = arith.select %eq3A_1268, %select_n3A_1231, %select_n3A_1227 : vector<128x128xi1>, vector<128x128xf32>
    %select_n3A_1278 = arith.select %eq3A_1268, %reduce_min3A_139, %select_n3A_1228 : vector<128x128xi1>, vector<128x128xi32>
    %jit3A_1279 = arith.constant 3.000000e+38 : f32
    %broadcast_in_dim3A_1280 = vector.broadcast %jit3A_1279 : f32 to vector<128x128xf32>
    %select_n3A_1281 = arith.select %eq3A_1268, %broadcast_in_dim3A_1280, %select_n3A_1231 : vector<128x128xi1>, vector<128x128xf32>
    %jit3A_1282 = arith.constant 0.000000e+00 : f32
    %broadcast_in_dim3A_1283 = vector.broadcast %jit3A_1282 : f32 to vector<128x128xf32>
    %select_n3A_1284 = arith.select %eq3A_1268, %select_n3A_1269, %broadcast_in_dim3A_1283 : vector<128x128xi1>, vector<128x128xf32>
    %reduce_max3A_1285 = arith.constant dense<0xFF800000> : vector<128xf32>
    %reduce_max3A_1286 = vector.multi_reduction <maximumf>, %select_n3A_1284, %reduce_max3A_1285 [1] : vector<128x128xf32> to vector<128xf32>
    %broadcast_in_dim3A_1287 = vector.shape_cast %reduce_max3A_1286 : vector<128xf32> to vector<128x1xf32>
    %max3A_1288 = arith.maximumf %max3A_1238, %broadcast_in_dim3A_1287 : vector<128x1xf32>
    %reduce_min3A_1289 = arith.constant dense<0x7F800000> : vector<128xf32>
    %reduce_min3A_1290 = vector.multi_reduction <minimumf>, %select_n3A_1269, %reduce_min3A_1289 [1] : vector<128x128xf32> to vector<128xf32>
    %broadcast_in_dim3A_1291 = vector.shape_cast %reduce_min3A_1290 : vector<128xf32> to vector<128x1xf32>
    %mul3A_1292 = arith.constant 128 : i32
    %mul3A_1293 = vector.broadcast %mul3A_1292 : i32 to vector<128x128xi32>
    %mul3A_1294 = arith.muli %select_n3A_1270, %mul3A_1293 : vector<128x128xi32>
    %add3A_1295 = arith.addi %mul3A_1294, %iota3A_140 : vector<128x128xi32>
    %eq3A_1296 = vector.broadcast %broadcast_in_dim3A_1291 : vector<128x1xf32> to vector<128x128xf32>
    %eq3A_1297 = arith.cmpf oeq, %select_n3A_1269, %eq3A_1296 : vector<128x128xf32>
    %jit3A_1298 = arith.constant 8192 : i32
    %broadcast_in_dim3A_1299 = vector.broadcast %jit3A_1298 : i32 to vector<128x128xi32>
    %select_n3A_1300 = arith.select %eq3A_1297, %add3A_1295, %broadcast_in_dim3A_1299 : vector<128x128xi1>, vector<128x128xi32>
    %reduce_min3A_1301 = arith.constant dense<2147483647> : vector<128xi32>
    %reduce_min3A_1302 = vector.multi_reduction <minsi>, %select_n3A_1300, %reduce_min3A_1301 [1] : vector<128x128xi32> to vector<128xi32>
    %broadcast_in_dim3A_1303 = vector.shape_cast %reduce_min3A_1302 : vector<128xi32> to vector<128x1xi32>
    %mul3A_1304 = arith.constant 8192 : i32
    %mul3A_1305 = arith.muli %arg0, %mul3A_1304 : i32
    %add3A_1306 = vector.broadcast %mul3A_1305 : i32 to vector<128x1xi32>
    %add3A_1307 = arith.addi %broadcast_in_dim3A_1303, %add3A_1306 : vector<128x1xi32>
    %swap3A_1308 = arith.constant 0 : index
    %swap3A_1309 = arith.constant 0 : index
    %swap3A_1310 = arith.constant 23 : index
    %swap3A_1311 = vector.load %arg4[%swap3A_1308, %swap3A_1309, %swap3A_1310] : memref<1x128x32xi32, #tpu.memory_space<vmem>>, vector<1x128x1xi32>
    %swap3A_1312 = vector.shape_cast %swap3A_1311 : vector<1x128x1xi32> to vector<128x1xi32>
    %swap3A_1313 = vector.shape_cast %add3A_1307 : vector<128x1xi32> to vector<1x128x1xi32>
    tpu.vector_store %arg4[%swap3A_1308, %swap3A_1309, %swap3A_1310], %swap3A_1313 {strides = array<i32>} : memref<1x128x32xi32, #tpu.memory_space<vmem>>, vector<1x128x1xi32>,
    %rem3A_1314 = arith.constant 128 : i32
    %rem3A_1315 = vector.broadcast %rem3A_1314 : i32 to vector<128x1xi32>
    %rem3A_1316 = arith.remsi %broadcast_in_dim3A_1303, %rem3A_1315 : vector<128x1xi32>
    %eq3A_1317 = vector.broadcast %rem3A_1316 : vector<128x1xi32> to vector<128x128xi32>
    %eq3A_1318 = arith.cmpi eq, %iota3A_140, %eq3A_1317 : vector<128x128xi32>
    %select_n3A_1319 = arith.select %eq3A_1318, %select_n3A_1271, %select_n3A_1269 : vector<128x128xi1>, vector<128x128xf32>
    %select_n3A_1320 = arith.select %eq3A_1318, %select_n3A_1272, %select_n3A_1270 : vector<128x128xi1>, vector<128x128xi32>
    %select_n3A_1321 = arith.select %eq3A_1318, %select_n3A_1273, %select_n3A_1271 : vector<128x128xi1>, vector<128x128xf32>
    %select_n3A_1322 = arith.select %eq3A_1318, %select_n3A_1274, %select_n3A_1272 : vector<128x128xi1>, vector<128x128xi32>
    %select_n3A_1323 = arith.select %eq3A_1318, %select_n3A_1275, %select_n3A_1273 : vector<128x128xi1>, vector<128x128xf32>
    %select_n3A_1324 = arith.select %eq3A_1318, %select_n3A_1276, %select_n3A_1274 : vector<128x128xi1>, vector<128x128xi32>
    %select_n3A_1325 = arith.select %eq3A_1318, %select_n3A_1277, %select_n3A_1275 : vector<128x128xi1>, vector<128x128xf32>
    %select_n3A_1326 = arith.select %eq3A_1318, %select_n3A_1278, %select_n3A_1276 : vector<128x128xi1>, vector<128x128xi32>
    %select_n3A_1327 = arith.select %eq3A_1318, %select_n3A_1281, %select_n3A_1277 : vector<128x128xi1>, vector<128x128xf32>
    %select_n3A_1328 = arith.select %eq3A_1318, %reduce_min3A_139, %select_n3A_1278 : vector<128x128xi1>, vector<128x128xi32>
    %jit3A_1329 = arith.constant 3.000000e+38 : f32
    %broadcast_in_dim3A_1330 = vector.broadcast %jit3A_1329 : f32 to vector<128x128xf32>
    %select_n3A_1331 = arith.select %eq3A_1318, %broadcast_in_dim3A_1330, %select_n3A_1281 : vector<128x128xi1>, vector<128x128xf32>
    %jit3A_1332 = arith.constant 0.000000e+00 : f32
    %broadcast_in_dim3A_1333 = vector.broadcast %jit3A_1332 : f32 to vector<128x128xf32>
    %select_n3A_1334 = arith.select %eq3A_1318, %select_n3A_1319, %broadcast_in_dim3A_1333 : vector<128x128xi1>, vector<128x128xf32>
    %reduce_max3A_1335 = arith.constant dense<0xFF800000> : vector<128xf32>
    %reduce_max3A_1336 = vector.multi_reduction <maximumf>, %select_n3A_1334, %reduce_max3A_1335 [1] : vector<128x128xf32> to vector<128xf32>
    %broadcast_in_dim3A_1337 = vector.shape_cast %reduce_max3A_1336 : vector<128xf32> to vector<128x1xf32>
    %max3A_1338 = arith.maximumf %max3A_1288, %broadcast_in_dim3A_1337 : vector<128x1xf32>
    %reduce_min3A_1339 = arith.constant dense<0x7F800000> : vector<128xf32>
    %reduce_min3A_1340 = vector.multi_reduction <minimumf>, %select_n3A_1319, %reduce_min3A_1339 [1] : vector<128x128xf32> to vector<128xf32>
    %broadcast_in_dim3A_1341 = vector.shape_cast %reduce_min3A_1340 : vector<128xf32> to vector<128x1xf32>
    %mul3A_1342 = arith.constant 128 : i32
    %mul3A_1343 = vector.broadcast %mul3A_1342 : i32 to vector<128x128xi32>
    %mul3A_1344 = arith.muli %select_n3A_1320, %mul3A_1343 : vector<128x128xi32>
    %add3A_1345 = arith.addi %mul3A_1344, %iota3A_140 : vector<128x128xi32>
    %eq3A_1346 = vector.broadcast %broadcast_in_dim3A_1341 : vector<128x1xf32> to vector<128x128xf32>
    %eq3A_1347 = arith.cmpf oeq, %select_n3A_1319, %eq3A_1346 : vector<128x128xf32>
    %jit3A_1348 = arith.constant 8192 : i32
    %broadcast_in_dim3A_1349 = vector.broadcast %jit3A_1348 : i32 to vector<128x128xi32>
    %select_n3A_1350 = arith.select %eq3A_1347, %add3A_1345, %broadcast_in_dim3A_1349 : vector<128x128xi1>, vector<128x128xi32>
    %reduce_min3A_1351 = arith.constant dense<2147483647> : vector<128xi32>
    %reduce_min3A_1352 = vector.multi_reduction <minsi>, %select_n3A_1350, %reduce_min3A_1351 [1] : vector<128x128xi32> to vector<128xi32>
    %broadcast_in_dim3A_1353 = vector.shape_cast %reduce_min3A_1352 : vector<128xi32> to vector<128x1xi32>
    %mul3A_1354 = arith.constant 8192 : i32
    %mul3A_1355 = arith.muli %arg0, %mul3A_1354 : i32
    %add3A_1356 = vector.broadcast %mul3A_1355 : i32 to vector<128x1xi32>
    %add3A_1357 = arith.addi %broadcast_in_dim3A_1353, %add3A_1356 : vector<128x1xi32>
    %swap3A_1358 = arith.constant 0 : index
    %swap3A_1359 = arith.constant 0 : index
    %swap3A_1360 = arith.constant 24 : index
    %swap3A_1361 = vector.load %arg4[%swap3A_1358, %swap3A_1359, %swap3A_1360] : memref<1x128x32xi32, #tpu.memory_space<vmem>>, vector<1x128x1xi32>
    %swap3A_1362 = vector.shape_cast %swap3A_1361 : vector<1x128x1xi32> to vector<128x1xi32>
    %swap3A_1363 = vector.shape_cast %add3A_1357 : vector<128x1xi32> to vector<1x128x1xi32>
    tpu.vector_store %arg4[%swap3A_1358, %swap3A_1359, %swap3A_1360], %swap3A_1363 {strides = array<i32>} : memref<1x128x32xi32, #tpu.memory_space<vmem>>, vector<1x128x1xi32>,
    %rem3A_1364 = arith.constant 128 : i32
    %rem3A_1365 = vector.broadcast %rem3A_1364 : i32 to vector<128x1xi32>
    %rem3A_1366 = arith.remsi %broadcast_in_dim3A_1353, %rem3A_1365 : vector<128x1xi32>
    %eq3A_1367 = vector.broadcast %rem3A_1366 : vector<128x1xi32> to vector<128x128xi32>
    %eq3A_1368 = arith.cmpi eq, %iota3A_140, %eq3A_1367 : vector<128x128xi32>
    %select_n3A_1369 = arith.select %eq3A_1368, %select_n3A_1321, %select_n3A_1319 : vector<128x128xi1>, vector<128x128xf32>
    %select_n3A_1370 = arith.select %eq3A_1368, %select_n3A_1322, %select_n3A_1320 : vector<128x128xi1>, vector<128x128xi32>
    %select_n3A_1371 = arith.select %eq3A_1368, %select_n3A_1323, %select_n3A_1321 : vector<128x128xi1>, vector<128x128xf32>
    %select_n3A_1372 = arith.select %eq3A_1368, %select_n3A_1324, %select_n3A_1322 : vector<128x128xi1>, vector<128x128xi32>
    %select_n3A_1373 = arith.select %eq3A_1368, %select_n3A_1325, %select_n3A_1323 : vector<128x128xi1>, vector<128x128xf32>
    %select_n3A_1374 = arith.select %eq3A_1368, %select_n3A_1326, %select_n3A_1324 : vector<128x128xi1>, vector<128x128xi32>
    %select_n3A_1375 = arith.select %eq3A_1368, %select_n3A_1327, %select_n3A_1325 : vector<128x128xi1>, vector<128x128xf32>
    %select_n3A_1376 = arith.select %eq3A_1368, %select_n3A_1328, %select_n3A_1326 : vector<128x128xi1>, vector<128x128xi32>
    %select_n3A_1377 = arith.select %eq3A_1368, %select_n3A_1331, %select_n3A_1327 : vector<128x128xi1>, vector<128x128xf32>
    %select_n3A_1378 = arith.select %eq3A_1368, %reduce_min3A_139, %select_n3A_1328 : vector<128x128xi1>, vector<128x128xi32>
    %jit3A_1379 = arith.constant 3.000000e+38 : f32
    %broadcast_in_dim3A_1380 = vector.broadcast %jit3A_1379 : f32 to vector<128x128xf32>
    %select_n3A_1381 = arith.select %eq3A_1368, %broadcast_in_dim3A_1380, %select_n3A_1331 : vector<128x128xi1>, vector<128x128xf32>
    %jit3A_1382 = arith.constant 0.000000e+00 : f32
    %broadcast_in_dim3A_1383 = vector.broadcast %jit3A_1382 : f32 to vector<128x128xf32>
    %select_n3A_1384 = arith.select %eq3A_1368, %select_n3A_1369, %broadcast_in_dim3A_1383 : vector<128x128xi1>, vector<128x128xf32>
    %reduce_max3A_1385 = arith.constant dense<0xFF800000> : vector<128xf32>
    %reduce_max3A_1386 = vector.multi_reduction <maximumf>, %select_n3A_1384, %reduce_max3A_1385 [1] : vector<128x128xf32> to vector<128xf32>
    %broadcast_in_dim3A_1387 = vector.shape_cast %reduce_max3A_1386 : vector<128xf32> to vector<128x1xf32>
    %max3A_1388 = arith.maximumf %max3A_1338, %broadcast_in_dim3A_1387 : vector<128x1xf32>
    %reduce_min3A_1389 = arith.constant dense<0x7F800000> : vector<128xf32>
    %reduce_min3A_1390 = vector.multi_reduction <minimumf>, %select_n3A_1369, %reduce_min3A_1389 [1] : vector<128x128xf32> to vector<128xf32>
    %broadcast_in_dim3A_1391 = vector.shape_cast %reduce_min3A_1390 : vector<128xf32> to vector<128x1xf32>
    %mul3A_1392 = arith.constant 128 : i32
    %mul3A_1393 = vector.broadcast %mul3A_1392 : i32 to vector<128x128xi32>
    %mul3A_1394 = arith.muli %select_n3A_1370, %mul3A_1393 : vector<128x128xi32>
    %add3A_1395 = arith.addi %mul3A_1394, %iota3A_140 : vector<128x128xi32>
    %eq3A_1396 = vector.broadcast %broadcast_in_dim3A_1391 : vector<128x1xf32> to vector<128x128xf32>
    %eq3A_1397 = arith.cmpf oeq, %select_n3A_1369, %eq3A_1396 : vector<128x128xf32>
    %jit3A_1398 = arith.constant 8192 : i32
    %broadcast_in_dim3A_1399 = vector.broadcast %jit3A_1398 : i32 to vector<128x128xi32>
    %select_n3A_1400 = arith.select %eq3A_1397, %add3A_1395, %broadcast_in_dim3A_1399 : vector<128x128xi1>, vector<128x128xi32>
    %reduce_min3A_1401 = arith.constant dense<2147483647> : vector<128xi32>
    %reduce_min3A_1402 = vector.multi_reduction <minsi>, %select_n3A_1400, %reduce_min3A_1401 [1] : vector<128x128xi32> to vector<128xi32>
    %broadcast_in_dim3A_1403 = vector.shape_cast %reduce_min3A_1402 : vector<128xi32> to vector<128x1xi32>
    %mul3A_1404 = arith.constant 8192 : i32
    %mul3A_1405 = arith.muli %arg0, %mul3A_1404 : i32
    %add3A_1406 = vector.broadcast %mul3A_1405 : i32 to vector<128x1xi32>
    %add3A_1407 = arith.addi %broadcast_in_dim3A_1403, %add3A_1406 : vector<128x1xi32>
    %swap3A_1408 = arith.constant 0 : index
    %swap3A_1409 = arith.constant 0 : index
    %swap3A_1410 = arith.constant 25 : index
    %swap3A_1411 = vector.load %arg4[%swap3A_1408, %swap3A_1409, %swap3A_1410] : memref<1x128x32xi32, #tpu.memory_space<vmem>>, vector<1x128x1xi32>
    %swap3A_1412 = vector.shape_cast %swap3A_1411 : vector<1x128x1xi32> to vector<128x1xi32>
    %swap3A_1413 = vector.shape_cast %add3A_1407 : vector<128x1xi32> to vector<1x128x1xi32>
    tpu.vector_store %arg4[%swap3A_1408, %swap3A_1409, %swap3A_1410], %swap3A_1413 {strides = array<i32>} : memref<1x128x32xi32, #tpu.memory_space<vmem>>, vector<1x128x1xi32>,
    %rem3A_1414 = arith.constant 128 : i32
    %rem3A_1415 = vector.broadcast %rem3A_1414 : i32 to vector<128x1xi32>
    %rem3A_1416 = arith.remsi %broadcast_in_dim3A_1403, %rem3A_1415 : vector<128x1xi32>
    %eq3A_1417 = vector.broadcast %rem3A_1416 : vector<128x1xi32> to vector<128x128xi32>
    %eq3A_1418 = arith.cmpi eq, %iota3A_140, %eq3A_1417 : vector<128x128xi32>
    %select_n3A_1419 = arith.select %eq3A_1418, %select_n3A_1371, %select_n3A_1369 : vector<128x128xi1>, vector<128x128xf32>
    %select_n3A_1420 = arith.select %eq3A_1418, %select_n3A_1372, %select_n3A_1370 : vector<128x128xi1>, vector<128x128xi32>
    %select_n3A_1421 = arith.select %eq3A_1418, %select_n3A_1373, %select_n3A_1371 : vector<128x128xi1>, vector<128x128xf32>
    %select_n3A_1422 = arith.select %eq3A_1418, %select_n3A_1374, %select_n3A_1372 : vector<128x128xi1>, vector<128x128xi32>
    %select_n3A_1423 = arith.select %eq3A_1418, %select_n3A_1375, %select_n3A_1373 : vector<128x128xi1>, vector<128x128xf32>
    %select_n3A_1424 = arith.select %eq3A_1418, %select_n3A_1376, %select_n3A_1374 : vector<128x128xi1>, vector<128x128xi32>
    %select_n3A_1425 = arith.select %eq3A_1418, %select_n3A_1377, %select_n3A_1375 : vector<128x128xi1>, vector<128x128xf32>
    %select_n3A_1426 = arith.select %eq3A_1418, %select_n3A_1378, %select_n3A_1376 : vector<128x128xi1>, vector<128x128xi32>
    %select_n3A_1427 = arith.select %eq3A_1418, %select_n3A_1381, %select_n3A_1377 : vector<128x128xi1>, vector<128x128xf32>
    %select_n3A_1428 = arith.select %eq3A_1418, %reduce_min3A_139, %select_n3A_1378 : vector<128x128xi1>, vector<128x128xi32>
    %jit3A_1429 = arith.constant 3.000000e+38 : f32
    %broadcast_in_dim3A_1430 = vector.broadcast %jit3A_1429 : f32 to vector<128x128xf32>
    %select_n3A_1431 = arith.select %eq3A_1418, %broadcast_in_dim3A_1430, %select_n3A_1381 : vector<128x128xi1>, vector<128x128xf32>
    %jit3A_1432 = arith.constant 0.000000e+00 : f32
    %broadcast_in_dim3A_1433 = vector.broadcast %jit3A_1432 : f32 to vector<128x128xf32>
    %select_n3A_1434 = arith.select %eq3A_1418, %select_n3A_1419, %broadcast_in_dim3A_1433 : vector<128x128xi1>, vector<128x128xf32>
    %reduce_max3A_1435 = arith.constant dense<0xFF800000> : vector<128xf32>
    %reduce_max3A_1436 = vector.multi_reduction <maximumf>, %select_n3A_1434, %reduce_max3A_1435 [1] : vector<128x128xf32> to vector<128xf32>
    %broadcast_in_dim3A_1437 = vector.shape_cast %reduce_max3A_1436 : vector<128xf32> to vector<128x1xf32>
    %max3A_1438 = arith.maximumf %max3A_1388, %broadcast_in_dim3A_1437 : vector<128x1xf32>
    %reduce_min3A_1439 = arith.constant dense<0x7F800000> : vector<128xf32>
    %reduce_min3A_1440 = vector.multi_reduction <minimumf>, %select_n3A_1419, %reduce_min3A_1439 [1] : vector<128x128xf32> to vector<128xf32>
    %broadcast_in_dim3A_1441 = vector.shape_cast %reduce_min3A_1440 : vector<128xf32> to vector<128x1xf32>
    %mul3A_1442 = arith.constant 128 : i32
    %mul3A_1443 = vector.broadcast %mul3A_1442 : i32 to vector<128x128xi32>
    %mul3A_1444 = arith.muli %select_n3A_1420, %mul3A_1443 : vector<128x128xi32>
    %add3A_1445 = arith.addi %mul3A_1444, %iota3A_140 : vector<128x128xi32>
    %eq3A_1446 = vector.broadcast %broadcast_in_dim3A_1441 : vector<128x1xf32> to vector<128x128xf32>
    %eq3A_1447 = arith.cmpf oeq, %select_n3A_1419, %eq3A_1446 : vector<128x128xf32>
    %jit3A_1448 = arith.constant 8192 : i32
    %broadcast_in_dim3A_1449 = vector.broadcast %jit3A_1448 : i32 to vector<128x128xi32>
    %select_n3A_1450 = arith.select %eq3A_1447, %add3A_1445, %broadcast_in_dim3A_1449 : vector<128x128xi1>, vector<128x128xi32>
    %reduce_min3A_1451 = arith.constant dense<2147483647> : vector<128xi32>
    %reduce_min3A_1452 = vector.multi_reduction <minsi>, %select_n3A_1450, %reduce_min3A_1451 [1] : vector<128x128xi32> to vector<128xi32>
    %broadcast_in_dim3A_1453 = vector.shape_cast %reduce_min3A_1452 : vector<128xi32> to vector<128x1xi32>
    %mul3A_1454 = arith.constant 8192 : i32
    %mul3A_1455 = arith.muli %arg0, %mul3A_1454 : i32
    %add3A_1456 = vector.broadcast %mul3A_1455 : i32 to vector<128x1xi32>
    %add3A_1457 = arith.addi %broadcast_in_dim3A_1453, %add3A_1456 : vector<128x1xi32>
    %swap3A_1458 = arith.constant 0 : index
    %swap3A_1459 = arith.constant 0 : index
    %swap3A_1460 = arith.constant 26 : index
    %swap3A_1461 = vector.load %arg4[%swap3A_1458, %swap3A_1459, %swap3A_1460] : memref<1x128x32xi32, #tpu.memory_space<vmem>>, vector<1x128x1xi32>
    %swap3A_1462 = vector.shape_cast %swap3A_1461 : vector<1x128x1xi32> to vector<128x1xi32>
    %swap3A_1463 = vector.shape_cast %add3A_1457 : vector<128x1xi32> to vector<1x128x1xi32>
    tpu.vector_store %arg4[%swap3A_1458, %swap3A_1459, %swap3A_1460], %swap3A_1463 {strides = array<i32>} : memref<1x128x32xi32, #tpu.memory_space<vmem>>, vector<1x128x1xi32>,
    %rem3A_1464 = arith.constant 128 : i32
    %rem3A_1465 = vector.broadcast %rem3A_1464 : i32 to vector<128x1xi32>
    %rem3A_1466 = arith.remsi %broadcast_in_dim3A_1453, %rem3A_1465 : vector<128x1xi32>
    %eq3A_1467 = vector.broadcast %rem3A_1466 : vector<128x1xi32> to vector<128x128xi32>
    %eq3A_1468 = arith.cmpi eq, %iota3A_140, %eq3A_1467 : vector<128x128xi32>
    %select_n3A_1469 = arith.select %eq3A_1468, %select_n3A_1421, %select_n3A_1419 : vector<128x128xi1>, vector<128x128xf32>
    %select_n3A_1470 = arith.select %eq3A_1468, %select_n3A_1422, %select_n3A_1420 : vector<128x128xi1>, vector<128x128xi32>
    %select_n3A_1471 = arith.select %eq3A_1468, %select_n3A_1423, %select_n3A_1421 : vector<128x128xi1>, vector<128x128xf32>
    %select_n3A_1472 = arith.select %eq3A_1468, %select_n3A_1424, %select_n3A_1422 : vector<128x128xi1>, vector<128x128xi32>
    %select_n3A_1473 = arith.select %eq3A_1468, %select_n3A_1425, %select_n3A_1423 : vector<128x128xi1>, vector<128x128xf32>
    %select_n3A_1474 = arith.select %eq3A_1468, %select_n3A_1426, %select_n3A_1424 : vector<128x128xi1>, vector<128x128xi32>
    %select_n3A_1475 = arith.select %eq3A_1468, %select_n3A_1427, %select_n3A_1425 : vector<128x128xi1>, vector<128x128xf32>
    %select_n3A_1476 = arith.select %eq3A_1468, %select_n3A_1428, %select_n3A_1426 : vector<128x128xi1>, vector<128x128xi32>
    %select_n3A_1477 = arith.select %eq3A_1468, %select_n3A_1431, %select_n3A_1427 : vector<128x128xi1>, vector<128x128xf32>
    %select_n3A_1478 = arith.select %eq3A_1468, %reduce_min3A_139, %select_n3A_1428 : vector<128x128xi1>, vector<128x128xi32>
    %jit3A_1479 = arith.constant 0.000000e+00 : f32
    %broadcast_in_dim3A_1480 = vector.broadcast %jit3A_1479 : f32 to vector<128x128xf32>
    %select_n3A_1481 = arith.select %eq3A_1468, %select_n3A_1469, %broadcast_in_dim3A_1480 : vector<128x128xi1>, vector<128x128xf32>
    %reduce_max3A_1482 = arith.constant dense<0xFF800000> : vector<128xf32>
    %reduce_max3A_1483 = vector.multi_reduction <maximumf>, %select_n3A_1481, %reduce_max3A_1482 [1] : vector<128x128xf32> to vector<128xf32>
    %broadcast_in_dim3A_1484 = vector.shape_cast %reduce_max3A_1483 : vector<128xf32> to vector<128x1xf32>
    %max3A_1485 = arith.maximumf %max3A_1438, %broadcast_in_dim3A_1484 : vector<128x1xf32>
    %reduce_min3A_1486 = arith.constant dense<0x7F800000> : vector<128xf32>
    %reduce_min3A_1487 = vector.multi_reduction <minimumf>, %select_n3A_1469, %reduce_min3A_1486 [1] : vector<128x128xf32> to vector<128xf32>
    %broadcast_in_dim3A_1488 = vector.shape_cast %reduce_min3A_1487 : vector<128xf32> to vector<128x1xf32>
    %mul3A_1489 = arith.constant 128 : i32
    %mul3A_1490 = vector.broadcast %mul3A_1489 : i32 to vector<128x128xi32>
    %mul3A_1491 = arith.muli %select_n3A_1470, %mul3A_1490 : vector<128x128xi32>
    %add3A_1492 = arith.addi %mul3A_1491, %iota3A_140 : vector<128x128xi32>
    %eq3A_1493 = vector.broadcast %broadcast_in_dim3A_1488 : vector<128x1xf32> to vector<128x128xf32>
    %eq3A_1494 = arith.cmpf oeq, %select_n3A_1469, %eq3A_1493 : vector<128x128xf32>
    %jit3A_1495 = arith.constant 8192 : i32
    %broadcast_in_dim3A_1496 = vector.broadcast %jit3A_1495 : i32 to vector<128x128xi32>
    %select_n3A_1497 = arith.select %eq3A_1494, %add3A_1492, %broadcast_in_dim3A_1496 : vector<128x128xi1>, vector<128x128xi32>
    %reduce_min3A_1498 = arith.constant dense<2147483647> : vector<128xi32>
    %reduce_min3A_1499 = vector.multi_reduction <minsi>, %select_n3A_1497, %reduce_min3A_1498 [1] : vector<128x128xi32> to vector<128xi32>
    %broadcast_in_dim3A_1500 = vector.shape_cast %reduce_min3A_1499 : vector<128xi32> to vector<128x1xi32>
    %mul3A_1501 = arith.constant 8192 : i32
    %mul3A_1502 = arith.muli %arg0, %mul3A_1501 : i32
    %add3A_1503 = vector.broadcast %mul3A_1502 : i32 to vector<128x1xi32>
    %add3A_1504 = arith.addi %broadcast_in_dim3A_1500, %add3A_1503 : vector<128x1xi32>
    %swap3A_1505 = arith.constant 0 : index
    %swap3A_1506 = arith.constant 0 : index
    %swap3A_1507 = arith.constant 27 : index
    %swap3A_1508 = vector.load %arg4[%swap3A_1505, %swap3A_1506, %swap3A_1507] : memref<1x128x32xi32, #tpu.memory_space<vmem>>, vector<1x128x1xi32>
    %swap3A_1509 = vector.shape_cast %swap3A_1508 : vector<1x128x1xi32> to vector<128x1xi32>
    %swap3A_1510 = vector.shape_cast %add3A_1504 : vector<128x1xi32> to vector<1x128x1xi32>
    tpu.vector_store %arg4[%swap3A_1505, %swap3A_1506, %swap3A_1507], %swap3A_1510 {strides = array<i32>} : memref<1x128x32xi32, #tpu.memory_space<vmem>>, vector<1x128x1xi32>,
    %rem3A_1511 = arith.constant 128 : i32
    %rem3A_1512 = vector.broadcast %rem3A_1511 : i32 to vector<128x1xi32>
    %rem3A_1513 = arith.remsi %broadcast_in_dim3A_1500, %rem3A_1512 : vector<128x1xi32>
    %eq3A_1514 = vector.broadcast %rem3A_1513 : vector<128x1xi32> to vector<128x128xi32>
    %eq3A_1515 = arith.cmpi eq, %iota3A_140, %eq3A_1514 : vector<128x128xi32>
    %select_n3A_1516 = arith.select %eq3A_1515, %select_n3A_1471, %select_n3A_1469 : vector<128x128xi1>, vector<128x128xf32>
    %select_n3A_1517 = arith.select %eq3A_1515, %select_n3A_1472, %select_n3A_1470 : vector<128x128xi1>, vector<128x128xi32>
    %select_n3A_1518 = arith.select %eq3A_1515, %select_n3A_1473, %select_n3A_1471 : vector<128x128xi1>, vector<128x128xf32>
    %select_n3A_1519 = arith.select %eq3A_1515, %select_n3A_1474, %select_n3A_1472 : vector<128x128xi1>, vector<128x128xi32>
    %select_n3A_1520 = arith.select %eq3A_1515, %select_n3A_1475, %select_n3A_1473 : vector<128x128xi1>, vector<128x128xf32>
    %select_n3A_1521 = arith.select %eq3A_1515, %select_n3A_1476, %select_n3A_1474 : vector<128x128xi1>, vector<128x128xi32>
    %select_n3A_1522 = arith.select %eq3A_1515, %select_n3A_1477, %select_n3A_1475 : vector<128x128xi1>, vector<128x128xf32>
    %select_n3A_1523 = arith.select %eq3A_1515, %select_n3A_1478, %select_n3A_1476 : vector<128x128xi1>, vector<128x128xi32>
    %jit3A_1524 = arith.constant 0.000000e+00 : f32
    %broadcast_in_dim3A_1525 = vector.broadcast %jit3A_1524 : f32 to vector<128x128xf32>
    %select_n3A_1526 = arith.select %eq3A_1515, %select_n3A_1516, %broadcast_in_dim3A_1525 : vector<128x128xi1>, vector<128x128xf32>
    %reduce_max3A_1527 = arith.constant dense<0xFF800000> : vector<128xf32>
    %reduce_max3A_1528 = vector.multi_reduction <maximumf>, %select_n3A_1526, %reduce_max3A_1527 [1] : vector<128x128xf32> to vector<128xf32>
    %broadcast_in_dim3A_1529 = vector.shape_cast %reduce_max3A_1528 : vector<128xf32> to vector<128x1xf32>
    %max3A_1530 = arith.maximumf %max3A_1485, %broadcast_in_dim3A_1529 : vector<128x1xf32>
    %reduce_min3A_1531 = arith.constant dense<0x7F800000> : vector<128xf32>
    %reduce_min3A_1532 = vector.multi_reduction <minimumf>, %select_n3A_1516, %reduce_min3A_1531 [1] : vector<128x128xf32> to vector<128xf32>
    %broadcast_in_dim3A_1533 = vector.shape_cast %reduce_min3A_1532 : vector<128xf32> to vector<128x1xf32>
    %mul3A_1534 = arith.constant 128 : i32
    %mul3A_1535 = vector.broadcast %mul3A_1534 : i32 to vector<128x128xi32>
    %mul3A_1536 = arith.muli %select_n3A_1517, %mul3A_1535 : vector<128x128xi32>
    %add3A_1537 = arith.addi %mul3A_1536, %iota3A_140 : vector<128x128xi32>
    %eq3A_1538 = vector.broadcast %broadcast_in_dim3A_1533 : vector<128x1xf32> to vector<128x128xf32>
    %eq3A_1539 = arith.cmpf oeq, %select_n3A_1516, %eq3A_1538 : vector<128x128xf32>
    %jit3A_1540 = arith.constant 8192 : i32
    %broadcast_in_dim3A_1541 = vector.broadcast %jit3A_1540 : i32 to vector<128x128xi32>
    %select_n3A_1542 = arith.select %eq3A_1539, %add3A_1537, %broadcast_in_dim3A_1541 : vector<128x128xi1>, vector<128x128xi32>
    %reduce_min3A_1543 = arith.constant dense<2147483647> : vector<128xi32>
    %reduce_min3A_1544 = vector.multi_reduction <minsi>, %select_n3A_1542, %reduce_min3A_1543 [1] : vector<128x128xi32> to vector<128xi32>
    %broadcast_in_dim3A_1545 = vector.shape_cast %reduce_min3A_1544 : vector<128xi32> to vector<128x1xi32>
    %mul3A_1546 = arith.constant 8192 : i32
    %mul3A_1547 = arith.muli %arg0, %mul3A_1546 : i32
    %add3A_1548 = vector.broadcast %mul3A_1547 : i32 to vector<128x1xi32>
    %add3A_1549 = arith.addi %broadcast_in_dim3A_1545, %add3A_1548 : vector<128x1xi32>
    %swap3A_1550 = arith.constant 0 : index
    %swap3A_1551 = arith.constant 0 : index
    %swap3A_1552 = arith.constant 28 : index
    %swap3A_1553 = vector.load %arg4[%swap3A_1550, %swap3A_1551, %swap3A_1552] : memref<1x128x32xi32, #tpu.memory_space<vmem>>, vector<1x128x1xi32>
    %swap3A_1554 = vector.shape_cast %swap3A_1553 : vector<1x128x1xi32> to vector<128x1xi32>
    %swap3A_1555 = vector.shape_cast %add3A_1549 : vector<128x1xi32> to vector<1x128x1xi32>
    tpu.vector_store %arg4[%swap3A_1550, %swap3A_1551, %swap3A_1552], %swap3A_1555 {strides = array<i32>} : memref<1x128x32xi32, #tpu.memory_space<vmem>>, vector<1x128x1xi32>,
    %rem3A_1556 = arith.constant 128 : i32
    %rem3A_1557 = vector.broadcast %rem3A_1556 : i32 to vector<128x1xi32>
    %rem3A_1558 = arith.remsi %broadcast_in_dim3A_1545, %rem3A_1557 : vector<128x1xi32>
    %eq3A_1559 = vector.broadcast %rem3A_1558 : vector<128x1xi32> to vector<128x128xi32>
    %eq3A_1560 = arith.cmpi eq, %iota3A_140, %eq3A_1559 : vector<128x128xi32>
    %select_n3A_1561 = arith.select %eq3A_1560, %select_n3A_1518, %select_n3A_1516 : vector<128x128xi1>, vector<128x128xf32>
    %select_n3A_1562 = arith.select %eq3A_1560, %select_n3A_1519, %select_n3A_1517 : vector<128x128xi1>, vector<128x128xi32>
    %select_n3A_1563 = arith.select %eq3A_1560, %select_n3A_1520, %select_n3A_1518 : vector<128x128xi1>, vector<128x128xf32>
    %select_n3A_1564 = arith.select %eq3A_1560, %select_n3A_1521, %select_n3A_1519 : vector<128x128xi1>, vector<128x128xi32>
    %select_n3A_1565 = arith.select %eq3A_1560, %select_n3A_1522, %select_n3A_1520 : vector<128x128xi1>, vector<128x128xf32>
    %select_n3A_1566 = arith.select %eq3A_1560, %select_n3A_1523, %select_n3A_1521 : vector<128x128xi1>, vector<128x128xi32>
    %jit3A_1567 = arith.constant 0.000000e+00 : f32
    %broadcast_in_dim3A_1568 = vector.broadcast %jit3A_1567 : f32 to vector<128x128xf32>
    %select_n3A_1569 = arith.select %eq3A_1560, %select_n3A_1561, %broadcast_in_dim3A_1568 : vector<128x128xi1>, vector<128x128xf32>
    %reduce_max3A_1570 = arith.constant dense<0xFF800000> : vector<128xf32>
    %reduce_max3A_1571 = vector.multi_reduction <maximumf>, %select_n3A_1569, %reduce_max3A_1570 [1] : vector<128x128xf32> to vector<128xf32>
    %broadcast_in_dim3A_1572 = vector.shape_cast %reduce_max3A_1571 : vector<128xf32> to vector<128x1xf32>
    %max3A_1573 = arith.maximumf %max3A_1530, %broadcast_in_dim3A_1572 : vector<128x1xf32>
    %reduce_min3A_1574 = arith.constant dense<0x7F800000> : vector<128xf32>
    %reduce_min3A_1575 = vector.multi_reduction <minimumf>, %select_n3A_1561, %reduce_min3A_1574 [1] : vector<128x128xf32> to vector<128xf32>
    %broadcast_in_dim3A_1576 = vector.shape_cast %reduce_min3A_1575 : vector<128xf32> to vector<128x1xf32>
    %mul3A_1577 = arith.constant 128 : i32
    %mul3A_1578 = vector.broadcast %mul3A_1577 : i32 to vector<128x128xi32>
    %mul3A_1579 = arith.muli %select_n3A_1562, %mul3A_1578 : vector<128x128xi32>
    %add3A_1580 = arith.addi %mul3A_1579, %iota3A_140 : vector<128x128xi32>
    %eq3A_1581 = vector.broadcast %broadcast_in_dim3A_1576 : vector<128x1xf32> to vector<128x128xf32>
    %eq3A_1582 = arith.cmpf oeq, %select_n3A_1561, %eq3A_1581 : vector<128x128xf32>
    %jit3A_1583 = arith.constant 8192 : i32
    %broadcast_in_dim3A_1584 = vector.broadcast %jit3A_1583 : i32 to vector<128x128xi32>
    %select_n3A_1585 = arith.select %eq3A_1582, %add3A_1580, %broadcast_in_dim3A_1584 : vector<128x128xi1>, vector<128x128xi32>
    %reduce_min3A_1586 = arith.constant dense<2147483647> : vector<128xi32>
    %reduce_min3A_1587 = vector.multi_reduction <minsi>, %select_n3A_1585, %reduce_min3A_1586 [1] : vector<128x128xi32> to vector<128xi32>
    %broadcast_in_dim3A_1588 = vector.shape_cast %reduce_min3A_1587 : vector<128xi32> to vector<128x1xi32>
    %mul3A_1589 = arith.constant 8192 : i32
    %mul3A_1590 = arith.muli %arg0, %mul3A_1589 : i32
    %add3A_1591 = vector.broadcast %mul3A_1590 : i32 to vector<128x1xi32>
    %add3A_1592 = arith.addi %broadcast_in_dim3A_1588, %add3A_1591 : vector<128x1xi32>
    %swap3A_1593 = arith.constant 0 : index
    %swap3A_1594 = arith.constant 0 : index
    %swap3A_1595 = arith.constant 29 : index
    %swap3A_1596 = vector.load %arg4[%swap3A_1593, %swap3A_1594, %swap3A_1595] : memref<1x128x32xi32, #tpu.memory_space<vmem>>, vector<1x128x1xi32>
    %swap3A_1597 = vector.shape_cast %swap3A_1596 : vector<1x128x1xi32> to vector<128x1xi32>
    %swap3A_1598 = vector.shape_cast %add3A_1592 : vector<128x1xi32> to vector<1x128x1xi32>
    tpu.vector_store %arg4[%swap3A_1593, %swap3A_1594, %swap3A_1595], %swap3A_1598 {strides = array<i32>} : memref<1x128x32xi32, #tpu.memory_space<vmem>>, vector<1x128x1xi32>,
    %rem3A_1599 = arith.constant 128 : i32
    %rem3A_1600 = vector.broadcast %rem3A_1599 : i32 to vector<128x1xi32>
    %rem3A_1601 = arith.remsi %broadcast_in_dim3A_1588, %rem3A_1600 : vector<128x1xi32>
    %eq3A_1602 = vector.broadcast %rem3A_1601 : vector<128x1xi32> to vector<128x128xi32>
    %eq3A_1603 = arith.cmpi eq, %iota3A_140, %eq3A_1602 : vector<128x128xi32>
    %select_n3A_1604 = arith.select %eq3A_1603, %select_n3A_1563, %select_n3A_1561 : vector<128x128xi1>, vector<128x128xf32>
    %select_n3A_1605 = arith.select %eq3A_1603, %select_n3A_1564, %select_n3A_1562 : vector<128x128xi1>, vector<128x128xi32>
    %select_n3A_1606 = arith.select %eq3A_1603, %select_n3A_1565, %select_n3A_1563 : vector<128x128xi1>, vector<128x128xf32>
    %select_n3A_1607 = arith.select %eq3A_1603, %select_n3A_1566, %select_n3A_1564 : vector<128x128xi1>, vector<128x128xi32>
    %jit3A_1608 = arith.constant 0.000000e+00 : f32
    %broadcast_in_dim3A_1609 = vector.broadcast %jit3A_1608 : f32 to vector<128x128xf32>
    %select_n3A_1610 = arith.select %eq3A_1603, %select_n3A_1604, %broadcast_in_dim3A_1609 : vector<128x128xi1>, vector<128x128xf32>
    %reduce_max3A_1611 = arith.constant dense<0xFF800000> : vector<128xf32>
    %reduce_max3A_1612 = vector.multi_reduction <maximumf>, %select_n3A_1610, %reduce_max3A_1611 [1] : vector<128x128xf32> to vector<128xf32>
    %broadcast_in_dim3A_1613 = vector.shape_cast %reduce_max3A_1612 : vector<128xf32> to vector<128x1xf32>
    %max3A_1614 = arith.maximumf %max3A_1573, %broadcast_in_dim3A_1613 : vector<128x1xf32>
    %reduce_min3A_1615 = arith.constant dense<0x7F800000> : vector<128xf32>
    %reduce_min3A_1616 = vector.multi_reduction <minimumf>, %select_n3A_1604, %reduce_min3A_1615 [1] : vector<128x128xf32> to vector<128xf32>
    %broadcast_in_dim3A_1617 = vector.shape_cast %reduce_min3A_1616 : vector<128xf32> to vector<128x1xf32>
    %mul3A_1618 = arith.constant 128 : i32
    %mul3A_1619 = vector.broadcast %mul3A_1618 : i32 to vector<128x128xi32>
    %mul3A_1620 = arith.muli %select_n3A_1605, %mul3A_1619 : vector<128x128xi32>
    %add3A_1621 = arith.addi %mul3A_1620, %iota3A_140 : vector<128x128xi32>
    %eq3A_1622 = vector.broadcast %broadcast_in_dim3A_1617 : vector<128x1xf32> to vector<128x128xf32>
    %eq3A_1623 = arith.cmpf oeq, %select_n3A_1604, %eq3A_1622 : vector<128x128xf32>
    %jit3A_1624 = arith.constant 8192 : i32
    %broadcast_in_dim3A_1625 = vector.broadcast %jit3A_1624 : i32 to vector<128x128xi32>
    %select_n3A_1626 = arith.select %eq3A_1623, %add3A_1621, %broadcast_in_dim3A_1625 : vector<128x128xi1>, vector<128x128xi32>
    %reduce_min3A_1627 = arith.constant dense<2147483647> : vector<128xi32>
    %reduce_min3A_1628 = vector.multi_reduction <minsi>, %select_n3A_1626, %reduce_min3A_1627 [1] : vector<128x128xi32> to vector<128xi32>
    %broadcast_in_dim3A_1629 = vector.shape_cast %reduce_min3A_1628 : vector<128xi32> to vector<128x1xi32>
    %mul3A_1630 = arith.constant 8192 : i32
    %mul3A_1631 = arith.muli %arg0, %mul3A_1630 : i32
    %add3A_1632 = vector.broadcast %mul3A_1631 : i32 to vector<128x1xi32>
    %add3A_1633 = arith.addi %broadcast_in_dim3A_1629, %add3A_1632 : vector<128x1xi32>
    %swap3A_1634 = arith.constant 0 : index
    %swap3A_1635 = arith.constant 0 : index
    %swap3A_1636 = arith.constant 30 : index
    %swap3A_1637 = vector.load %arg4[%swap3A_1634, %swap3A_1635, %swap3A_1636] : memref<1x128x32xi32, #tpu.memory_space<vmem>>, vector<1x128x1xi32>
    %swap3A_1638 = vector.shape_cast %swap3A_1637 : vector<1x128x1xi32> to vector<128x1xi32>
    %swap3A_1639 = vector.shape_cast %add3A_1633 : vector<128x1xi32> to vector<1x128x1xi32>
    tpu.vector_store %arg4[%swap3A_1634, %swap3A_1635, %swap3A_1636], %swap3A_1639 {strides = array<i32>} : memref<1x128x32xi32, #tpu.memory_space<vmem>>, vector<1x128x1xi32>,
    %rem3A_1640 = arith.constant 128 : i32
    %rem3A_1641 = vector.broadcast %rem3A_1640 : i32 to vector<128x1xi32>
    %rem3A_1642 = arith.remsi %broadcast_in_dim3A_1629, %rem3A_1641 : vector<128x1xi32>
    %eq3A_1643 = vector.broadcast %rem3A_1642 : vector<128x1xi32> to vector<128x128xi32>
    %eq3A_1644 = arith.cmpi eq, %iota3A_140, %eq3A_1643 : vector<128x128xi32>
    %select_n3A_1645 = arith.select %eq3A_1644, %select_n3A_1606, %select_n3A_1604 : vector<128x128xi1>, vector<128x128xf32>
    %select_n3A_1646 = arith.select %eq3A_1644, %select_n3A_1607, %select_n3A_1605 : vector<128x128xi1>, vector<128x128xi32>
    %jit3A_1647 = arith.constant 0.000000e+00 : f32
    %broadcast_in_dim3A_1648 = vector.broadcast %jit3A_1647 : f32 to vector<128x128xf32>
    %select_n3A_1649 = arith.select %eq3A_1644, %select_n3A_1645, %broadcast_in_dim3A_1648 : vector<128x128xi1>, vector<128x128xf32>
    %reduce_max3A_1650 = arith.constant dense<0xFF800000> : vector<128xf32>
    %reduce_max3A_1651 = vector.multi_reduction <maximumf>, %select_n3A_1649, %reduce_max3A_1650 [1] : vector<128x128xf32> to vector<128xf32>
    %broadcast_in_dim3A_1652 = vector.shape_cast %reduce_max3A_1651 : vector<128xf32> to vector<128x1xf32>
    %max3A_1653 = arith.maximumf %max3A_1614, %broadcast_in_dim3A_1652 : vector<128x1xf32>
    %reduce_min3A_1654 = arith.constant dense<0x7F800000> : vector<128xf32>
    %reduce_min3A_1655 = vector.multi_reduction <minimumf>, %select_n3A_1645, %reduce_min3A_1654 [1] : vector<128x128xf32> to vector<128xf32>
    %broadcast_in_dim3A_1656 = vector.shape_cast %reduce_min3A_1655 : vector<128xf32> to vector<128x1xf32>
    %mul3A_1657 = arith.constant 128 : i32
    %mul3A_1658 = vector.broadcast %mul3A_1657 : i32 to vector<128x128xi32>
    %mul3A_1659 = arith.muli %select_n3A_1646, %mul3A_1658 : vector<128x128xi32>
    %add3A_1660 = arith.addi %mul3A_1659, %iota3A_140 : vector<128x128xi32>
    %eq3A_1661 = vector.broadcast %broadcast_in_dim3A_1656 : vector<128x1xf32> to vector<128x128xf32>
    %eq3A_1662 = arith.cmpf oeq, %select_n3A_1645, %eq3A_1661 : vector<128x128xf32>
    %jit3A_1663 = arith.constant 8192 : i32
    %broadcast_in_dim3A_1664 = vector.broadcast %jit3A_1663 : i32 to vector<128x128xi32>
    %select_n3A_1665 = arith.select %eq3A_1662, %add3A_1660, %broadcast_in_dim3A_1664 : vector<128x128xi1>, vector<128x128xi32>
    %reduce_min3A_1666 = arith.constant dense<2147483647> : vector<128xi32>
    %reduce_min3A_1667 = vector.multi_reduction <minsi>, %select_n3A_1665, %reduce_min3A_1666 [1] : vector<128x128xi32> to vector<128xi32>
    %broadcast_in_dim3A_1668 = vector.shape_cast %reduce_min3A_1667 : vector<128xi32> to vector<128x1xi32>
    %mul3A_1669 = arith.constant 8192 : i32
    %mul3A_1670 = arith.muli %arg0, %mul3A_1669 : i32
    %add3A_1671 = vector.broadcast %mul3A_1670 : i32 to vector<128x1xi32>
    %add3A_1672 = arith.addi %broadcast_in_dim3A_1668, %add3A_1671 : vector<128x1xi32>
    %swap3A_1673 = arith.constant 0 : index
    %swap3A_1674 = arith.constant 0 : index
    %swap3A_1675 = arith.constant 31 : index
    %swap3A_1676 = vector.load %arg4[%swap3A_1673, %swap3A_1674, %swap3A_1675] : memref<1x128x32xi32, #tpu.memory_space<vmem>>, vector<1x128x1xi32>
    %swap3A_1677 = vector.shape_cast %swap3A_1676 : vector<1x128x1xi32> to vector<128x1xi32>
    %swap3A_1678 = vector.shape_cast %add3A_1672 : vector<128x1xi32> to vector<1x128x1xi32>
    tpu.vector_store %arg4[%swap3A_1673, %swap3A_1674, %swap3A_1675], %swap3A_1678 {strides = array<i32>} : memref<1x128x32xi32, #tpu.memory_space<vmem>>, vector<1x128x1xi32>,
    %reduce_max3A_1679 = vector.shape_cast %max3A_1653 : vector<128x1xf32> to vector<1x128x1xf32>
    %reduce_max3A_1680 = arith.constant dense<0xFF800000> : vector<1xf32>
    %reduce_max3A_1681 = vector.multi_reduction <maximumf>, %reduce_max3A_1679, %reduce_max3A_1680 [1, 2] : vector<1x128x1xf32> to vector<1xf32>
    %reduce_max3A_1682 = vector.shape_cast %reduce_max3A_1681 : vector<1xf32> to vector<1x1x1xf32>
    %reduce_max3A_1683 = vector.extract %reduce_max3A_1682[0, 0, 0] : f32 from vector<1x1x1xf32>
    %ge3A = arith.constant 3.000000e+38 : f32
    %ge3A_1684 = arith.cmpf oge, %reduce_max3A_1683, %ge3A : f32
    %convert_element_type3A_1685 = arith.extui %ge3A_1684 : i1 to i32
    %cond3A = arith.constant 3.000000e+38 : f32
    %cond3A_1686 = arith.constant 0 : i32
    %cond3A_1687 = arith.cmpi ne, %convert_element_type3A_1685, %cond3A_1686 : i32
    scf.if %cond3A_1687 {
      %get3A_1688 = arith.constant 0 : index
      %get3A_1689 = arith.constant 0 : index
      %get3A_1690 = arith.constant 0 : index
      %get3A_1691 = vector.load %arg2[%get3A_1688, %get3A_1689, %get3A_1690] : memref<1x128x128xf32, #tpu.memory_space<vmem>>, vector<1x128x1xf32>
      %get3A_1692 = vector.shape_cast %get3A_1691 : vector<1x128x1xf32> to vector<128x1xf32>
      %get3A_1693 = arith.constant 0 : index
      %get3A_1694 = arith.constant 0 : index
      %get3A_1695 = arith.constant 1 : index
      %get3A_1696 = vector.load %arg2[%get3A_1693, %get3A_1694, %get3A_1695] : memref<1x128x128xf32, #tpu.memory_space<vmem>>, vector<1x128x1xf32>
      %get3A_1697 = vector.shape_cast %get3A_1696 : vector<1x128x1xf32> to vector<128x1xf32>
      %get3A_1698 = arith.constant 0 : index
      %get3A_1699 = arith.constant 0 : index
      %get3A_1700 = arith.constant 2 : index
      %get3A_1701 = vector.load %arg2[%get3A_1698, %get3A_1699, %get3A_1700] : memref<1x128x128xf32, #tpu.memory_space<vmem>>, vector<1x128x1xf32>
      %get3A_1702 = vector.shape_cast %get3A_1701 : vector<1x128x1xf32> to vector<128x1xf32>
      %get3A_1703 = arith.constant 0 : index
      %get3A_1704 = arith.constant 0 : index
      %get3A_1705 = arith.constant 0 : index
      %get3A_1706 = vector.load %arg3[%get3A_1703, %get3A_1704, %get3A_1705] : memref<1x8x8192xf32, #tpu.memory_space<vmem>>, vector<1x1x8192xf32>
      %get3A_1707 = vector.shape_cast %get3A_1706 : vector<1x1x8192xf32> to vector<1x8192xf32>
      %get3A_1708 = arith.constant 0 : index
      %get3A_1709 = arith.constant 1 : index
      %get3A_1710 = arith.constant 0 : index
      %get3A_1711 = vector.load %arg3[%get3A_1708, %get3A_1709, %get3A_1710] : memref<1x8x8192xf32, #tpu.memory_space<vmem>>, vector<1x1x8192xf32>
      %get3A_1712 = vector.shape_cast %get3A_1711 : vector<1x1x8192xf32> to vector<1x8192xf32>
      %get3A_1713 = arith.constant 0 : index
      %get3A_1714 = arith.constant 2 : index
      %get3A_1715 = arith.constant 0 : index
      %get3A_1716 = vector.load %arg3[%get3A_1713, %get3A_1714, %get3A_1715] : memref<1x8x8192xf32, #tpu.memory_space<vmem>>, vector<1x1x8192xf32>
      %get3A_1717 = vector.shape_cast %get3A_1716 : vector<1x1x8192xf32> to vector<1x8192xf32>
      %mul3A_1718 = arith.mulf %get3A_1707, %get3A_1707 : vector<1x8192xf32>
      %mul3A_1719 = arith.mulf %get3A_1712, %get3A_1712 : vector<1x8192xf32>
      %add3A_1720 = arith.addf %mul3A_1718, %mul3A_1719 : vector<1x8192xf32>
      %mul3A_1721 = arith.mulf %get3A_1717, %get3A_1717 : vector<1x8192xf32>
      %add3A_1722 = arith.addf %add3A_1720, %mul3A_1721 : vector<1x8192xf32>
      %mul3A_1723 = arith.mulf %get3A_1692, %get3A_1692 : vector<128x1xf32>
      %mul3A_1724 = arith.mulf %get3A_1697, %get3A_1697 : vector<128x1xf32>
      %add3A_1725 = arith.addf %mul3A_1723, %mul3A_1724 : vector<128x1xf32>
      %mul3A_1726 = arith.mulf %get3A_1702, %get3A_1702 : vector<128x1xf32>
      %add3A_1727 = arith.addf %add3A_1725, %mul3A_1726 : vector<128x1xf32>
      %get3A_1728 = arith.constant 0 : index
      %get3A_1729 = arith.constant 0 : index
      %get3A_1730 = arith.constant 0 : index
      %get3A_1731 = vector.load %arg2[%get3A_1728, %get3A_1729, %get3A_1730] : memref<1x128x128xf32, #tpu.memory_space<vmem>>, vector<1x128x3xf32>
      %get3A_1732 = vector.shape_cast %get3A_1731 : vector<1x128x3xf32> to vector<128x3xf32>
      %convert_element_type3A_1733 = arith.truncf %get3A_1732 : vector<128x3xf32> to vector<128x3xbf16>
      %get3A_1734 = arith.constant 0 : index
      %get3A_1735 = arith.constant 0 : index
      %get3A_1736 = arith.constant 0 : index
      %get3A_1737 = vector.load %arg3[%get3A_1734, %get3A_1735, %get3A_1736] : memref<1x8x8192xf32, #tpu.memory_space<vmem>>, vector<1x3x8192xf32>
      %get3A_1738 = vector.shape_cast %get3A_1737 : vector<1x3x8192xf32> to vector<3x8192xf32>
      %convert_element_type3A_1739 = arith.truncf %get3A_1738 : vector<3x8192xf32> to vector<3x8192xbf16>
      %dot_general3A_1740 = arith.constant dense<0.000000e+00> : vector<128x8192xf32>
      %dot_general3A_1741 = tpu.matmul %convert_element_type3A_1733, %convert_element_type3A_1739, %dot_general3A_1740 {dimension_numbers = #tpu.dot_dimension_numbers<[1], [0], [0], [1], [0, 0, 1, 1], [], []>, transpose_lhs_hint = false} : vector<128x3xbf16>, vector<3x8192xbf16>, vector<128x8192xf32> -> vector<128x8192xf32>
      %mul3A_1742 = arith.constant 2.000000e+00 : f32
      %mul3A_1743 = vector.broadcast %mul3A_1742 : f32 to vector<128x8192xf32>
      %mul3A_1744 = arith.mulf %mul3A_1743, %dot_general3A_1741 : vector<128x8192xf32>
      %sub3A_1745 = vector.broadcast %add3A_1727 : vector<128x1xf32> to vector<128x8192xf32>
      %sub3A_1746 = arith.subf %sub3A_1745, %mul3A_1744 : vector<128x8192xf32>
      %add3A_1747 = vector.broadcast %add3A_1722 : vector<1x8192xf32> to vector<128x8192xf32>
      %add3A_1748 = arith.addf %sub3A_1746, %add3A_1747 : vector<128x8192xf32>
      %iota3A_1749 = tpu.iota {dimensions = array<i32: 1>} : vector<128x8192xi32>
      %reduce_min3A_1750 = arith.constant dense<0x7F800000> : vector<128xf32>
      %reduce_min3A_1751 = vector.multi_reduction <minimumf>, %add3A_1748, %reduce_min3A_1750 [1] : vector<128x8192xf32> to vector<128xf32>
      %broadcast_in_dim3A_1752 = vector.shape_cast %reduce_min3A_1751 : vector<128xf32> to vector<128x1xf32>
      %eq3A_1753 = vector.broadcast %broadcast_in_dim3A_1752 : vector<128x1xf32> to vector<128x8192xf32>
      %eq3A_1754 = arith.cmpf oeq, %add3A_1748, %eq3A_1753 : vector<128x8192xf32>
      %jit3A_1755 = arith.constant 8192 : i32
      %broadcast_in_dim3A_1756 = vector.broadcast %jit3A_1755 : i32 to vector<128x8192xi32>
      %select_n3A_1757 = arith.select %eq3A_1754, %iota3A_1749, %broadcast_in_dim3A_1756 : vector<128x8192xi1>, vector<128x8192xi32>
      %reduce_min3A_1758 = arith.constant dense<2147483647> : vector<128xi32>
      %reduce_min3A_1759 = vector.multi_reduction <minsi>, %select_n3A_1757, %reduce_min3A_1758 [1] : vector<128x8192xi32> to vector<128xi32>
      %broadcast_in_dim3A_1760 = vector.shape_cast %reduce_min3A_1759 : vector<128xi32> to vector<128x1xi32>
      %mul3A_1761 = arith.constant 8192 : i32
      %mul3A_1762 = arith.muli %arg0, %mul3A_1761 : i32
      %add3A_1763 = vector.broadcast %mul3A_1762 : i32 to vector<128x1xi32>
      %add3A_1764 = arith.addi %broadcast_in_dim3A_1760, %add3A_1763 : vector<128x1xi32>
      %swap3A_1765 = arith.constant 0 : index
      %swap3A_1766 = arith.constant 0 : index
      %swap3A_1767 = arith.constant 0 : index
      %swap3A_1768 = vector.load %arg4[%swap3A_1765, %swap3A_1766, %swap3A_1767] : memref<1x128x32xi32, #tpu.memory_space<vmem>>, vector<1x128x1xi32>
      %swap3A_1769 = vector.shape_cast %swap3A_1768 : vector<1x128x1xi32> to vector<128x1xi32>
      %swap3A_1770 = vector.shape_cast %add3A_1764 : vector<128x1xi32> to vector<1x128x1xi32>
      tpu.vector_store %arg4[%swap3A_1765, %swap3A_1766, %swap3A_1767], %swap3A_1770 {strides = array<i32>} : memref<1x128x32xi32, #tpu.memory_space<vmem>>, vector<1x128x1xi32>,
      %eq3A_1771 = vector.broadcast %broadcast_in_dim3A_1760 : vector<128x1xi32> to vector<128x8192xi32>
      %eq3A_1772 = arith.cmpi eq, %iota3A_1749, %eq3A_1771 : vector<128x8192xi32>
      %broadcast_in_dim3A_1773 = vector.broadcast %cond3A : f32 to vector<128x8192xf32>
      %select_n3A_1774 = arith.select %eq3A_1772, %broadcast_in_dim3A_1773, %add3A_1748 : vector<128x8192xi1>, vector<128x8192xf32>
      %reduce_min3A_1775 = arith.constant dense<0x7F800000> : vector<128xf32>
      %reduce_min3A_1776 = vector.multi_reduction <minimumf>, %select_n3A_1774, %reduce_min3A_1775 [1] : vector<128x8192xf32> to vector<128xf32>
      %broadcast_in_dim3A_1777 = vector.shape_cast %reduce_min3A_1776 : vector<128xf32> to vector<128x1xf32>
      %eq3A_1778 = vector.broadcast %broadcast_in_dim3A_1777 : vector<128x1xf32> to vector<128x8192xf32>
      %eq3A_1779 = arith.cmpf oeq, %select_n3A_1774, %eq3A_1778 : vector<128x8192xf32>
      %jit3A_1780 = arith.constant 8192 : i32
      %broadcast_in_dim3A_1781 = vector.broadcast %jit3A_1780 : i32 to vector<128x8192xi32>
      %select_n3A_1782 = arith.select %eq3A_1779, %iota3A_1749, %broadcast_in_dim3A_1781 : vector<128x8192xi1>, vector<128x8192xi32>
      %reduce_min3A_1783 = arith.constant dense<2147483647> : vector<128xi32>
      %reduce_min3A_1784 = vector.multi_reduction <minsi>, %select_n3A_1782, %reduce_min3A_1783 [1] : vector<128x8192xi32> to vector<128xi32>
      %broadcast_in_dim3A_1785 = vector.shape_cast %reduce_min3A_1784 : vector<128xi32> to vector<128x1xi32>
      %mul3A_1786 = arith.constant 8192 : i32
      %mul3A_1787 = arith.muli %arg0, %mul3A_1786 : i32
      %add3A_1788 = vector.broadcast %mul3A_1787 : i32 to vector<128x1xi32>
      %add3A_1789 = arith.addi %broadcast_in_dim3A_1785, %add3A_1788 : vector<128x1xi32>
      %swap3A_1790 = arith.constant 0 : index
      %swap3A_1791 = arith.constant 0 : index
      %swap3A_1792 = arith.constant 1 : index
      %swap3A_1793 = vector.load %arg4[%swap3A_1790, %swap3A_1791, %swap3A_1792] : memref<1x128x32xi32, #tpu.memory_space<vmem>>, vector<1x128x1xi32>
      %swap3A_1794 = vector.shape_cast %swap3A_1793 : vector<1x128x1xi32> to vector<128x1xi32>
      %swap3A_1795 = vector.shape_cast %add3A_1789 : vector<128x1xi32> to vector<1x128x1xi32>
      tpu.vector_store %arg4[%swap3A_1790, %swap3A_1791, %swap3A_1792], %swap3A_1795 {strides = array<i32>} : memref<1x128x32xi32, #tpu.memory_space<vmem>>, vector<1x128x1xi32>,
      %eq3A_1796 = vector.broadcast %broadcast_in_dim3A_1785 : vector<128x1xi32> to vector<128x8192xi32>
      %eq3A_1797 = arith.cmpi eq, %iota3A_1749, %eq3A_1796 : vector<128x8192xi32>
      %broadcast_in_dim3A_1798 = vector.broadcast %cond3A : f32 to vector<128x8192xf32>
      %select_n3A_1799 = arith.select %eq3A_1797, %broadcast_in_dim3A_1798, %select_n3A_1774 : vector<128x8192xi1>, vector<128x8192xf32>
      %reduce_min3A_1800 = arith.constant dense<0x7F800000> : vector<128xf32>
      %reduce_min3A_1801 = vector.multi_reduction <minimumf>, %select_n3A_1799, %reduce_min3A_1800 [1] : vector<128x8192xf32> to vector<128xf32>
      %broadcast_in_dim3A_1802 = vector.shape_cast %reduce_min3A_1801 : vector<128xf32> to vector<128x1xf32>
      %eq3A_1803 = vector.broadcast %broadcast_in_dim3A_1802 : vector<128x1xf32> to vector<128x8192xf32>
      %eq3A_1804 = arith.cmpf oeq, %select_n3A_1799, %eq3A_1803 : vector<128x8192xf32>
      %jit3A_1805 = arith.constant 8192 : i32
      %broadcast_in_dim3A_1806 = vector.broadcast %jit3A_1805 : i32 to vector<128x8192xi32>
      %select_n3A_1807 = arith.select %eq3A_1804, %iota3A_1749, %broadcast_in_dim3A_1806 : vector<128x8192xi1>, vector<128x8192xi32>
      %reduce_min3A_1808 = arith.constant dense<2147483647> : vector<128xi32>
      %reduce_min3A_1809 = vector.multi_reduction <minsi>, %select_n3A_1807, %reduce_min3A_1808 [1] : vector<128x8192xi32> to vector<128xi32>
      %broadcast_in_dim3A_1810 = vector.shape_cast %reduce_min3A_1809 : vector<128xi32> to vector<128x1xi32>
      %mul3A_1811 = arith.constant 8192 : i32
      %mul3A_1812 = arith.muli %arg0, %mul3A_1811 : i32
      %add3A_1813 = vector.broadcast %mul3A_1812 : i32 to vector<128x1xi32>
      %add3A_1814 = arith.addi %broadcast_in_dim3A_1810, %add3A_1813 : vector<128x1xi32>
      %swap3A_1815 = arith.constant 0 : index
      %swap3A_1816 = arith.constant 0 : index
      %swap3A_1817 = arith.constant 2 : index
      %swap3A_1818 = vector.load %arg4[%swap3A_1815, %swap3A_1816, %swap3A_1817] : memref<1x128x32xi32, #tpu.memory_space<vmem>>, vector<1x128x1xi32>
      %swap3A_1819 = vector.shape_cast %swap3A_1818 : vector<1x128x1xi32> to vector<128x1xi32>
      %swap3A_1820 = vector.shape_cast %add3A_1814 : vector<128x1xi32> to vector<1x128x1xi32>
      tpu.vector_store %arg4[%swap3A_1815, %swap3A_1816, %swap3A_1817], %swap3A_1820 {strides = array<i32>} : memref<1x128x32xi32, #tpu.memory_space<vmem>>, vector<1x128x1xi32>,
      %eq3A_1821 = vector.broadcast %broadcast_in_dim3A_1810 : vector<128x1xi32> to vector<128x8192xi32>
      %eq3A_1822 = arith.cmpi eq, %iota3A_1749, %eq3A_1821 : vector<128x8192xi32>
      %broadcast_in_dim3A_1823 = vector.broadcast %cond3A : f32 to vector<128x8192xf32>
      %select_n3A_1824 = arith.select %eq3A_1822, %broadcast_in_dim3A_1823, %select_n3A_1799 : vector<128x8192xi1>, vector<128x8192xf32>
      %reduce_min3A_1825 = arith.constant dense<0x7F800000> : vector<128xf32>
      %reduce_min3A_1826 = vector.multi_reduction <minimumf>, %select_n3A_1824, %reduce_min3A_1825 [1] : vector<128x8192xf32> to vector<128xf32>
      %broadcast_in_dim3A_1827 = vector.shape_cast %reduce_min3A_1826 : vector<128xf32> to vector<128x1xf32>
      %eq3A_1828 = vector.broadcast %broadcast_in_dim3A_1827 : vector<128x1xf32> to vector<128x8192xf32>
      %eq3A_1829 = arith.cmpf oeq, %select_n3A_1824, %eq3A_1828 : vector<128x8192xf32>
      %jit3A_1830 = arith.constant 8192 : i32
      %broadcast_in_dim3A_1831 = vector.broadcast %jit3A_1830 : i32 to vector<128x8192xi32>
      %select_n3A_1832 = arith.select %eq3A_1829, %iota3A_1749, %broadcast_in_dim3A_1831 : vector<128x8192xi1>, vector<128x8192xi32>
      %reduce_min3A_1833 = arith.constant dense<2147483647> : vector<128xi32>
      %reduce_min3A_1834 = vector.multi_reduction <minsi>, %select_n3A_1832, %reduce_min3A_1833 [1] : vector<128x8192xi32> to vector<128xi32>
      %broadcast_in_dim3A_1835 = vector.shape_cast %reduce_min3A_1834 : vector<128xi32> to vector<128x1xi32>
      %mul3A_1836 = arith.constant 8192 : i32
      %mul3A_1837 = arith.muli %arg0, %mul3A_1836 : i32
      %add3A_1838 = vector.broadcast %mul3A_1837 : i32 to vector<128x1xi32>
      %add3A_1839 = arith.addi %broadcast_in_dim3A_1835, %add3A_1838 : vector<128x1xi32>
      %swap3A_1840 = arith.constant 0 : index
      %swap3A_1841 = arith.constant 0 : index
      %swap3A_1842 = arith.constant 3 : index
      %swap3A_1843 = vector.load %arg4[%swap3A_1840, %swap3A_1841, %swap3A_1842] : memref<1x128x32xi32, #tpu.memory_space<vmem>>, vector<1x128x1xi32>
      %swap3A_1844 = vector.shape_cast %swap3A_1843 : vector<1x128x1xi32> to vector<128x1xi32>
      %swap3A_1845 = vector.shape_cast %add3A_1839 : vector<128x1xi32> to vector<1x128x1xi32>
      tpu.vector_store %arg4[%swap3A_1840, %swap3A_1841, %swap3A_1842], %swap3A_1845 {strides = array<i32>} : memref<1x128x32xi32, #tpu.memory_space<vmem>>, vector<1x128x1xi32>,
      %eq3A_1846 = vector.broadcast %broadcast_in_dim3A_1835 : vector<128x1xi32> to vector<128x8192xi32>
      %eq3A_1847 = arith.cmpi eq, %iota3A_1749, %eq3A_1846 : vector<128x8192xi32>
      %broadcast_in_dim3A_1848 = vector.broadcast %cond3A : f32 to vector<128x8192xf32>
      %select_n3A_1849 = arith.select %eq3A_1847, %broadcast_in_dim3A_1848, %select_n3A_1824 : vector<128x8192xi1>, vector<128x8192xf32>
      %reduce_min3A_1850 = arith.constant dense<0x7F800000> : vector<128xf32>
      %reduce_min3A_1851 = vector.multi_reduction <minimumf>, %select_n3A_1849, %reduce_min3A_1850 [1] : vector<128x8192xf32> to vector<128xf32>
      %broadcast_in_dim3A_1852 = vector.shape_cast %reduce_min3A_1851 : vector<128xf32> to vector<128x1xf32>
      %eq3A_1853 = vector.broadcast %broadcast_in_dim3A_1852 : vector<128x1xf32> to vector<128x8192xf32>
      %eq3A_1854 = arith.cmpf oeq, %select_n3A_1849, %eq3A_1853 : vector<128x8192xf32>
      %jit3A_1855 = arith.constant 8192 : i32
      %broadcast_in_dim3A_1856 = vector.broadcast %jit3A_1855 : i32 to vector<128x8192xi32>
      %select_n3A_1857 = arith.select %eq3A_1854, %iota3A_1749, %broadcast_in_dim3A_1856 : vector<128x8192xi1>, vector<128x8192xi32>
      %reduce_min3A_1858 = arith.constant dense<2147483647> : vector<128xi32>
      %reduce_min3A_1859 = vector.multi_reduction <minsi>, %select_n3A_1857, %reduce_min3A_1858 [1] : vector<128x8192xi32> to vector<128xi32>
      %broadcast_in_dim3A_1860 = vector.shape_cast %reduce_min3A_1859 : vector<128xi32> to vector<128x1xi32>
      %mul3A_1861 = arith.constant 8192 : i32
      %mul3A_1862 = arith.muli %arg0, %mul3A_1861 : i32
      %add3A_1863 = vector.broadcast %mul3A_1862 : i32 to vector<128x1xi32>
      %add3A_1864 = arith.addi %broadcast_in_dim3A_1860, %add3A_1863 : vector<128x1xi32>
      %swap3A_1865 = arith.constant 0 : index
      %swap3A_1866 = arith.constant 0 : index
      %swap3A_1867 = arith.constant 4 : index
      %swap3A_1868 = vector.load %arg4[%swap3A_1865, %swap3A_1866, %swap3A_1867] : memref<1x128x32xi32, #tpu.memory_space<vmem>>, vector<1x128x1xi32>
      %swap3A_1869 = vector.shape_cast %swap3A_1868 : vector<1x128x1xi32> to vector<128x1xi32>
      %swap3A_1870 = vector.shape_cast %add3A_1864 : vector<128x1xi32> to vector<1x128x1xi32>
      tpu.vector_store %arg4[%swap3A_1865, %swap3A_1866, %swap3A_1867], %swap3A_1870 {strides = array<i32>} : memref<1x128x32xi32, #tpu.memory_space<vmem>>, vector<1x128x1xi32>,
      %eq3A_1871 = vector.broadcast %broadcast_in_dim3A_1860 : vector<128x1xi32> to vector<128x8192xi32>
      %eq3A_1872 = arith.cmpi eq, %iota3A_1749, %eq3A_1871 : vector<128x8192xi32>
      %broadcast_in_dim3A_1873 = vector.broadcast %cond3A : f32 to vector<128x8192xf32>
      %select_n3A_1874 = arith.select %eq3A_1872, %broadcast_in_dim3A_1873, %select_n3A_1849 : vector<128x8192xi1>, vector<128x8192xf32>
      %reduce_min3A_1875 = arith.constant dense<0x7F800000> : vector<128xf32>
      %reduce_min3A_1876 = vector.multi_reduction <minimumf>, %select_n3A_1874, %reduce_min3A_1875 [1] : vector<128x8192xf32> to vector<128xf32>
      %broadcast_in_dim3A_1877 = vector.shape_cast %reduce_min3A_1876 : vector<128xf32> to vector<128x1xf32>
      %eq3A_1878 = vector.broadcast %broadcast_in_dim3A_1877 : vector<128x1xf32> to vector<128x8192xf32>
      %eq3A_1879 = arith.cmpf oeq, %select_n3A_1874, %eq3A_1878 : vector<128x8192xf32>
      %jit3A_1880 = arith.constant 8192 : i32
      %broadcast_in_dim3A_1881 = vector.broadcast %jit3A_1880 : i32 to vector<128x8192xi32>
      %select_n3A_1882 = arith.select %eq3A_1879, %iota3A_1749, %broadcast_in_dim3A_1881 : vector<128x8192xi1>, vector<128x8192xi32>
      %reduce_min3A_1883 = arith.constant dense<2147483647> : vector<128xi32>
      %reduce_min3A_1884 = vector.multi_reduction <minsi>, %select_n3A_1882, %reduce_min3A_1883 [1] : vector<128x8192xi32> to vector<128xi32>
      %broadcast_in_dim3A_1885 = vector.shape_cast %reduce_min3A_1884 : vector<128xi32> to vector<128x1xi32>
      %mul3A_1886 = arith.constant 8192 : i32
      %mul3A_1887 = arith.muli %arg0, %mul3A_1886 : i32
      %add3A_1888 = vector.broadcast %mul3A_1887 : i32 to vector<128x1xi32>
      %add3A_1889 = arith.addi %broadcast_in_dim3A_1885, %add3A_1888 : vector<128x1xi32>
      %swap3A_1890 = arith.constant 0 : index
      %swap3A_1891 = arith.constant 0 : index
      %swap3A_1892 = arith.constant 5 : index
      %swap3A_1893 = vector.load %arg4[%swap3A_1890, %swap3A_1891, %swap3A_1892] : memref<1x128x32xi32, #tpu.memory_space<vmem>>, vector<1x128x1xi32>
      %swap3A_1894 = vector.shape_cast %swap3A_1893 : vector<1x128x1xi32> to vector<128x1xi32>
      %swap3A_1895 = vector.shape_cast %add3A_1889 : vector<128x1xi32> to vector<1x128x1xi32>
      tpu.vector_store %arg4[%swap3A_1890, %swap3A_1891, %swap3A_1892], %swap3A_1895 {strides = array<i32>} : memref<1x128x32xi32, #tpu.memory_space<vmem>>, vector<1x128x1xi32>,
      %eq3A_1896 = vector.broadcast %broadcast_in_dim3A_1885 : vector<128x1xi32> to vector<128x8192xi32>
      %eq3A_1897 = arith.cmpi eq, %iota3A_1749, %eq3A_1896 : vector<128x8192xi32>
      %broadcast_in_dim3A_1898 = vector.broadcast %cond3A : f32 to vector<128x8192xf32>
      %select_n3A_1899 = arith.select %eq3A_1897, %broadcast_in_dim3A_1898, %select_n3A_1874 : vector<128x8192xi1>, vector<128x8192xf32>
      %reduce_min3A_1900 = arith.constant dense<0x7F800000> : vector<128xf32>
      %reduce_min3A_1901 = vector.multi_reduction <minimumf>, %select_n3A_1899, %reduce_min3A_1900 [1] : vector<128x8192xf32> to vector<128xf32>
      %broadcast_in_dim3A_1902 = vector.shape_cast %reduce_min3A_1901 : vector<128xf32> to vector<128x1xf32>
      %eq3A_1903 = vector.broadcast %broadcast_in_dim3A_1902 : vector<128x1xf32> to vector<128x8192xf32>
      %eq3A_1904 = arith.cmpf oeq, %select_n3A_1899, %eq3A_1903 : vector<128x8192xf32>
      %jit3A_1905 = arith.constant 8192 : i32
      %broadcast_in_dim3A_1906 = vector.broadcast %jit3A_1905 : i32 to vector<128x8192xi32>
      %select_n3A_1907 = arith.select %eq3A_1904, %iota3A_1749, %broadcast_in_dim3A_1906 : vector<128x8192xi1>, vector<128x8192xi32>
      %reduce_min3A_1908 = arith.constant dense<2147483647> : vector<128xi32>
      %reduce_min3A_1909 = vector.multi_reduction <minsi>, %select_n3A_1907, %reduce_min3A_1908 [1] : vector<128x8192xi32> to vector<128xi32>
      %broadcast_in_dim3A_1910 = vector.shape_cast %reduce_min3A_1909 : vector<128xi32> to vector<128x1xi32>
      %mul3A_1911 = arith.constant 8192 : i32
      %mul3A_1912 = arith.muli %arg0, %mul3A_1911 : i32
      %add3A_1913 = vector.broadcast %mul3A_1912 : i32 to vector<128x1xi32>
      %add3A_1914 = arith.addi %broadcast_in_dim3A_1910, %add3A_1913 : vector<128x1xi32>
      %swap3A_1915 = arith.constant 0 : index
      %swap3A_1916 = arith.constant 0 : index
      %swap3A_1917 = arith.constant 6 : index
      %swap3A_1918 = vector.load %arg4[%swap3A_1915, %swap3A_1916, %swap3A_1917] : memref<1x128x32xi32, #tpu.memory_space<vmem>>, vector<1x128x1xi32>
      %swap3A_1919 = vector.shape_cast %swap3A_1918 : vector<1x128x1xi32> to vector<128x1xi32>
      %swap3A_1920 = vector.shape_cast %add3A_1914 : vector<128x1xi32> to vector<1x128x1xi32>
      tpu.vector_store %arg4[%swap3A_1915, %swap3A_1916, %swap3A_1917], %swap3A_1920 {strides = array<i32>} : memref<1x128x32xi32, #tpu.memory_space<vmem>>, vector<1x128x1xi32>,
      %eq3A_1921 = vector.broadcast %broadcast_in_dim3A_1910 : vector<128x1xi32> to vector<128x8192xi32>
      %eq3A_1922 = arith.cmpi eq, %iota3A_1749, %eq3A_1921 : vector<128x8192xi32>
      %broadcast_in_dim3A_1923 = vector.broadcast %cond3A : f32 to vector<128x8192xf32>
      %select_n3A_1924 = arith.select %eq3A_1922, %broadcast_in_dim3A_1923, %select_n3A_1899 : vector<128x8192xi1>, vector<128x8192xf32>
      %reduce_min3A_1925 = arith.constant dense<0x7F800000> : vector<128xf32>
      %reduce_min3A_1926 = vector.multi_reduction <minimumf>, %select_n3A_1924, %reduce_min3A_1925 [1] : vector<128x8192xf32> to vector<128xf32>
      %broadcast_in_dim3A_1927 = vector.shape_cast %reduce_min3A_1926 : vector<128xf32> to vector<128x1xf32>
      %eq3A_1928 = vector.broadcast %broadcast_in_dim3A_1927 : vector<128x1xf32> to vector<128x8192xf32>
      %eq3A_1929 = arith.cmpf oeq, %select_n3A_1924, %eq3A_1928 : vector<128x8192xf32>
      %jit3A_1930 = arith.constant 8192 : i32
      %broadcast_in_dim3A_1931 = vector.broadcast %jit3A_1930 : i32 to vector<128x8192xi32>
      %select_n3A_1932 = arith.select %eq3A_1929, %iota3A_1749, %broadcast_in_dim3A_1931 : vector<128x8192xi1>, vector<128x8192xi32>
      %reduce_min3A_1933 = arith.constant dense<2147483647> : vector<128xi32>
      %reduce_min3A_1934 = vector.multi_reduction <minsi>, %select_n3A_1932, %reduce_min3A_1933 [1] : vector<128x8192xi32> to vector<128xi32>
      %broadcast_in_dim3A_1935 = vector.shape_cast %reduce_min3A_1934 : vector<128xi32> to vector<128x1xi32>
      %mul3A_1936 = arith.constant 8192 : i32
      %mul3A_1937 = arith.muli %arg0, %mul3A_1936 : i32
      %add3A_1938 = vector.broadcast %mul3A_1937 : i32 to vector<128x1xi32>
      %add3A_1939 = arith.addi %broadcast_in_dim3A_1935, %add3A_1938 : vector<128x1xi32>
      %swap3A_1940 = arith.constant 0 : index
      %swap3A_1941 = arith.constant 0 : index
      %swap3A_1942 = arith.constant 7 : index
      %swap3A_1943 = vector.load %arg4[%swap3A_1940, %swap3A_1941, %swap3A_1942] : memref<1x128x32xi32, #tpu.memory_space<vmem>>, vector<1x128x1xi32>
      %swap3A_1944 = vector.shape_cast %swap3A_1943 : vector<1x128x1xi32> to vector<128x1xi32>
      %swap3A_1945 = vector.shape_cast %add3A_1939 : vector<128x1xi32> to vector<1x128x1xi32>
      tpu.vector_store %arg4[%swap3A_1940, %swap3A_1941, %swap3A_1942], %swap3A_1945 {strides = array<i32>} : memref<1x128x32xi32, #tpu.memory_space<vmem>>, vector<1x128x1xi32>,
      %eq3A_1946 = vector.broadcast %broadcast_in_dim3A_1935 : vector<128x1xi32> to vector<128x8192xi32>
      %eq3A_1947 = arith.cmpi eq, %iota3A_1749, %eq3A_1946 : vector<128x8192xi32>
      %broadcast_in_dim3A_1948 = vector.broadcast %cond3A : f32 to vector<128x8192xf32>
      %select_n3A_1949 = arith.select %eq3A_1947, %broadcast_in_dim3A_1948, %select_n3A_1924 : vector<128x8192xi1>, vector<128x8192xf32>
      %reduce_min3A_1950 = arith.constant dense<0x7F800000> : vector<128xf32>
      %reduce_min3A_1951 = vector.multi_reduction <minimumf>, %select_n3A_1949, %reduce_min3A_1950 [1] : vector<128x8192xf32> to vector<128xf32>
      %broadcast_in_dim3A_1952 = vector.shape_cast %reduce_min3A_1951 : vector<128xf32> to vector<128x1xf32>
      %eq3A_1953 = vector.broadcast %broadcast_in_dim3A_1952 : vector<128x1xf32> to vector<128x8192xf32>
      %eq3A_1954 = arith.cmpf oeq, %select_n3A_1949, %eq3A_1953 : vector<128x8192xf32>
      %jit3A_1955 = arith.constant 8192 : i32
      %broadcast_in_dim3A_1956 = vector.broadcast %jit3A_1955 : i32 to vector<128x8192xi32>
      %select_n3A_1957 = arith.select %eq3A_1954, %iota3A_1749, %broadcast_in_dim3A_1956 : vector<128x8192xi1>, vector<128x8192xi32>
      %reduce_min3A_1958 = arith.constant dense<2147483647> : vector<128xi32>
      %reduce_min3A_1959 = vector.multi_reduction <minsi>, %select_n3A_1957, %reduce_min3A_1958 [1] : vector<128x8192xi32> to vector<128xi32>
      %broadcast_in_dim3A_1960 = vector.shape_cast %reduce_min3A_1959 : vector<128xi32> to vector<128x1xi32>
      %mul3A_1961 = arith.constant 8192 : i32
      %mul3A_1962 = arith.muli %arg0, %mul3A_1961 : i32
      %add3A_1963 = vector.broadcast %mul3A_1962 : i32 to vector<128x1xi32>
      %add3A_1964 = arith.addi %broadcast_in_dim3A_1960, %add3A_1963 : vector<128x1xi32>
      %swap3A_1965 = arith.constant 0 : index
      %swap3A_1966 = arith.constant 0 : index
      %swap3A_1967 = arith.constant 8 : index
      %swap3A_1968 = vector.load %arg4[%swap3A_1965, %swap3A_1966, %swap3A_1967] : memref<1x128x32xi32, #tpu.memory_space<vmem>>, vector<1x128x1xi32>
      %swap3A_1969 = vector.shape_cast %swap3A_1968 : vector<1x128x1xi32> to vector<128x1xi32>
      %swap3A_1970 = vector.shape_cast %add3A_1964 : vector<128x1xi32> to vector<1x128x1xi32>
      tpu.vector_store %arg4[%swap3A_1965, %swap3A_1966, %swap3A_1967], %swap3A_1970 {strides = array<i32>} : memref<1x128x32xi32, #tpu.memory_space<vmem>>, vector<1x128x1xi32>,
      %eq3A_1971 = vector.broadcast %broadcast_in_dim3A_1960 : vector<128x1xi32> to vector<128x8192xi32>
      %eq3A_1972 = arith.cmpi eq, %iota3A_1749, %eq3A_1971 : vector<128x8192xi32>
      %broadcast_in_dim3A_1973 = vector.broadcast %cond3A : f32 to vector<128x8192xf32>
      %select_n3A_1974 = arith.select %eq3A_1972, %broadcast_in_dim3A_1973, %select_n3A_1949 : vector<128x8192xi1>, vector<128x8192xf32>
      %reduce_min3A_1975 = arith.constant dense<0x7F800000> : vector<128xf32>
      %reduce_min3A_1976 = vector.multi_reduction <minimumf>, %select_n3A_1974, %reduce_min3A_1975 [1] : vector<128x8192xf32> to vector<128xf32>
      %broadcast_in_dim3A_1977 = vector.shape_cast %reduce_min3A_1976 : vector<128xf32> to vector<128x1xf32>
      %eq3A_1978 = vector.broadcast %broadcast_in_dim3A_1977 : vector<128x1xf32> to vector<128x8192xf32>
      %eq3A_1979 = arith.cmpf oeq, %select_n3A_1974, %eq3A_1978 : vector<128x8192xf32>
      %jit3A_1980 = arith.constant 8192 : i32
      %broadcast_in_dim3A_1981 = vector.broadcast %jit3A_1980 : i32 to vector<128x8192xi32>
      %select_n3A_1982 = arith.select %eq3A_1979, %iota3A_1749, %broadcast_in_dim3A_1981 : vector<128x8192xi1>, vector<128x8192xi32>
      %reduce_min3A_1983 = arith.constant dense<2147483647> : vector<128xi32>
      %reduce_min3A_1984 = vector.multi_reduction <minsi>, %select_n3A_1982, %reduce_min3A_1983 [1] : vector<128x8192xi32> to vector<128xi32>
      %broadcast_in_dim3A_1985 = vector.shape_cast %reduce_min3A_1984 : vector<128xi32> to vector<128x1xi32>
      %mul3A_1986 = arith.constant 8192 : i32
      %mul3A_1987 = arith.muli %arg0, %mul3A_1986 : i32
      %add3A_1988 = vector.broadcast %mul3A_1987 : i32 to vector<128x1xi32>
      %add3A_1989 = arith.addi %broadcast_in_dim3A_1985, %add3A_1988 : vector<128x1xi32>
      %swap3A_1990 = arith.constant 0 : index
      %swap3A_1991 = arith.constant 0 : index
      %swap3A_1992 = arith.constant 9 : index
      %swap3A_1993 = vector.load %arg4[%swap3A_1990, %swap3A_1991, %swap3A_1992] : memref<1x128x32xi32, #tpu.memory_space<vmem>>, vector<1x128x1xi32>
      %swap3A_1994 = vector.shape_cast %swap3A_1993 : vector<1x128x1xi32> to vector<128x1xi32>
      %swap3A_1995 = vector.shape_cast %add3A_1989 : vector<128x1xi32> to vector<1x128x1xi32>
      tpu.vector_store %arg4[%swap3A_1990, %swap3A_1991, %swap3A_1992], %swap3A_1995 {strides = array<i32>} : memref<1x128x32xi32, #tpu.memory_space<vmem>>, vector<1x128x1xi32>,
      %eq3A_1996 = vector.broadcast %broadcast_in_dim3A_1985 : vector<128x1xi32> to vector<128x8192xi32>
      %eq3A_1997 = arith.cmpi eq, %iota3A_1749, %eq3A_1996 : vector<128x8192xi32>
      %broadcast_in_dim3A_1998 = vector.broadcast %cond3A : f32 to vector<128x8192xf32>
      %select_n3A_1999 = arith.select %eq3A_1997, %broadcast_in_dim3A_1998, %select_n3A_1974 : vector<128x8192xi1>, vector<128x8192xf32>
      %reduce_min3A_2000 = arith.constant dense<0x7F800000> : vector<128xf32>
      %reduce_min3A_2001 = vector.multi_reduction <minimumf>, %select_n3A_1999, %reduce_min3A_2000 [1] : vector<128x8192xf32> to vector<128xf32>
      %broadcast_in_dim3A_2002 = vector.shape_cast %reduce_min3A_2001 : vector<128xf32> to vector<128x1xf32>
      %eq3A_2003 = vector.broadcast %broadcast_in_dim3A_2002 : vector<128x1xf32> to vector<128x8192xf32>
      %eq3A_2004 = arith.cmpf oeq, %select_n3A_1999, %eq3A_2003 : vector<128x8192xf32>
      %jit3A_2005 = arith.constant 8192 : i32
      %broadcast_in_dim3A_2006 = vector.broadcast %jit3A_2005 : i32 to vector<128x8192xi32>
      %select_n3A_2007 = arith.select %eq3A_2004, %iota3A_1749, %broadcast_in_dim3A_2006 : vector<128x8192xi1>, vector<128x8192xi32>
      %reduce_min3A_2008 = arith.constant dense<2147483647> : vector<128xi32>
      %reduce_min3A_2009 = vector.multi_reduction <minsi>, %select_n3A_2007, %reduce_min3A_2008 [1] : vector<128x8192xi32> to vector<128xi32>
      %broadcast_in_dim3A_2010 = vector.shape_cast %reduce_min3A_2009 : vector<128xi32> to vector<128x1xi32>
      %mul3A_2011 = arith.constant 8192 : i32
      %mul3A_2012 = arith.muli %arg0, %mul3A_2011 : i32
      %add3A_2013 = vector.broadcast %mul3A_2012 : i32 to vector<128x1xi32>
      %add3A_2014 = arith.addi %broadcast_in_dim3A_2010, %add3A_2013 : vector<128x1xi32>
      %swap3A_2015 = arith.constant 0 : index
      %swap3A_2016 = arith.constant 0 : index
      %swap3A_2017 = arith.constant 10 : index
      %swap3A_2018 = vector.load %arg4[%swap3A_2015, %swap3A_2016, %swap3A_2017] : memref<1x128x32xi32, #tpu.memory_space<vmem>>, vector<1x128x1xi32>
      %swap3A_2019 = vector.shape_cast %swap3A_2018 : vector<1x128x1xi32> to vector<128x1xi32>
      %swap3A_2020 = vector.shape_cast %add3A_2014 : vector<128x1xi32> to vector<1x128x1xi32>
      tpu.vector_store %arg4[%swap3A_2015, %swap3A_2016, %swap3A_2017], %swap3A_2020 {strides = array<i32>} : memref<1x128x32xi32, #tpu.memory_space<vmem>>, vector<1x128x1xi32>,
      %eq3A_2021 = vector.broadcast %broadcast_in_dim3A_2010 : vector<128x1xi32> to vector<128x8192xi32>
      %eq3A_2022 = arith.cmpi eq, %iota3A_1749, %eq3A_2021 : vector<128x8192xi32>
      %broadcast_in_dim3A_2023 = vector.broadcast %cond3A : f32 to vector<128x8192xf32>
      %select_n3A_2024 = arith.select %eq3A_2022, %broadcast_in_dim3A_2023, %select_n3A_1999 : vector<128x8192xi1>, vector<128x8192xf32>
      %reduce_min3A_2025 = arith.constant dense<0x7F800000> : vector<128xf32>
      %reduce_min3A_2026 = vector.multi_reduction <minimumf>, %select_n3A_2024, %reduce_min3A_2025 [1] : vector<128x8192xf32> to vector<128xf32>
      %broadcast_in_dim3A_2027 = vector.shape_cast %reduce_min3A_2026 : vector<128xf32> to vector<128x1xf32>
      %eq3A_2028 = vector.broadcast %broadcast_in_dim3A_2027 : vector<128x1xf32> to vector<128x8192xf32>
      %eq3A_2029 = arith.cmpf oeq, %select_n3A_2024, %eq3A_2028 : vector<128x8192xf32>
      %jit3A_2030 = arith.constant 8192 : i32
      %broadcast_in_dim3A_2031 = vector.broadcast %jit3A_2030 : i32 to vector<128x8192xi32>
      %select_n3A_2032 = arith.select %eq3A_2029, %iota3A_1749, %broadcast_in_dim3A_2031 : vector<128x8192xi1>, vector<128x8192xi32>
      %reduce_min3A_2033 = arith.constant dense<2147483647> : vector<128xi32>
      %reduce_min3A_2034 = vector.multi_reduction <minsi>, %select_n3A_2032, %reduce_min3A_2033 [1] : vector<128x8192xi32> to vector<128xi32>
      %broadcast_in_dim3A_2035 = vector.shape_cast %reduce_min3A_2034 : vector<128xi32> to vector<128x1xi32>
      %mul3A_2036 = arith.constant 8192 : i32
      %mul3A_2037 = arith.muli %arg0, %mul3A_2036 : i32
      %add3A_2038 = vector.broadcast %mul3A_2037 : i32 to vector<128x1xi32>
      %add3A_2039 = arith.addi %broadcast_in_dim3A_2035, %add3A_2038 : vector<128x1xi32>
      %swap3A_2040 = arith.constant 0 : index
      %swap3A_2041 = arith.constant 0 : index
      %swap3A_2042 = arith.constant 11 : index
      %swap3A_2043 = vector.load %arg4[%swap3A_2040, %swap3A_2041, %swap3A_2042] : memref<1x128x32xi32, #tpu.memory_space<vmem>>, vector<1x128x1xi32>
      %swap3A_2044 = vector.shape_cast %swap3A_2043 : vector<1x128x1xi32> to vector<128x1xi32>
      %swap3A_2045 = vector.shape_cast %add3A_2039 : vector<128x1xi32> to vector<1x128x1xi32>
      tpu.vector_store %arg4[%swap3A_2040, %swap3A_2041, %swap3A_2042], %swap3A_2045 {strides = array<i32>} : memref<1x128x32xi32, #tpu.memory_space<vmem>>, vector<1x128x1xi32>,
      %eq3A_2046 = vector.broadcast %broadcast_in_dim3A_2035 : vector<128x1xi32> to vector<128x8192xi32>
      %eq3A_2047 = arith.cmpi eq, %iota3A_1749, %eq3A_2046 : vector<128x8192xi32>
      %broadcast_in_dim3A_2048 = vector.broadcast %cond3A : f32 to vector<128x8192xf32>
      %select_n3A_2049 = arith.select %eq3A_2047, %broadcast_in_dim3A_2048, %select_n3A_2024 : vector<128x8192xi1>, vector<128x8192xf32>
      %reduce_min3A_2050 = arith.constant dense<0x7F800000> : vector<128xf32>
      %reduce_min3A_2051 = vector.multi_reduction <minimumf>, %select_n3A_2049, %reduce_min3A_2050 [1] : vector<128x8192xf32> to vector<128xf32>
      %broadcast_in_dim3A_2052 = vector.shape_cast %reduce_min3A_2051 : vector<128xf32> to vector<128x1xf32>
      %eq3A_2053 = vector.broadcast %broadcast_in_dim3A_2052 : vector<128x1xf32> to vector<128x8192xf32>
      %eq3A_2054 = arith.cmpf oeq, %select_n3A_2049, %eq3A_2053 : vector<128x8192xf32>
      %jit3A_2055 = arith.constant 8192 : i32
      %broadcast_in_dim3A_2056 = vector.broadcast %jit3A_2055 : i32 to vector<128x8192xi32>
      %select_n3A_2057 = arith.select %eq3A_2054, %iota3A_1749, %broadcast_in_dim3A_2056 : vector<128x8192xi1>, vector<128x8192xi32>
      %reduce_min3A_2058 = arith.constant dense<2147483647> : vector<128xi32>
      %reduce_min3A_2059 = vector.multi_reduction <minsi>, %select_n3A_2057, %reduce_min3A_2058 [1] : vector<128x8192xi32> to vector<128xi32>
      %broadcast_in_dim3A_2060 = vector.shape_cast %reduce_min3A_2059 : vector<128xi32> to vector<128x1xi32>
      %mul3A_2061 = arith.constant 8192 : i32
      %mul3A_2062 = arith.muli %arg0, %mul3A_2061 : i32
      %add3A_2063 = vector.broadcast %mul3A_2062 : i32 to vector<128x1xi32>
      %add3A_2064 = arith.addi %broadcast_in_dim3A_2060, %add3A_2063 : vector<128x1xi32>
      %swap3A_2065 = arith.constant 0 : index
      %swap3A_2066 = arith.constant 0 : index
      %swap3A_2067 = arith.constant 12 : index
      %swap3A_2068 = vector.load %arg4[%swap3A_2065, %swap3A_2066, %swap3A_2067] : memref<1x128x32xi32, #tpu.memory_space<vmem>>, vector<1x128x1xi32>
      %swap3A_2069 = vector.shape_cast %swap3A_2068 : vector<1x128x1xi32> to vector<128x1xi32>
      %swap3A_2070 = vector.shape_cast %add3A_2064 : vector<128x1xi32> to vector<1x128x1xi32>
      tpu.vector_store %arg4[%swap3A_2065, %swap3A_2066, %swap3A_2067], %swap3A_2070 {strides = array<i32>} : memref<1x128x32xi32, #tpu.memory_space<vmem>>, vector<1x128x1xi32>,
      %eq3A_2071 = vector.broadcast %broadcast_in_dim3A_2060 : vector<128x1xi32> to vector<128x8192xi32>
      %eq3A_2072 = arith.cmpi eq, %iota3A_1749, %eq3A_2071 : vector<128x8192xi32>
      %broadcast_in_dim3A_2073 = vector.broadcast %cond3A : f32 to vector<128x8192xf32>
      %select_n3A_2074 = arith.select %eq3A_2072, %broadcast_in_dim3A_2073, %select_n3A_2049 : vector<128x8192xi1>, vector<128x8192xf32>
      %reduce_min3A_2075 = arith.constant dense<0x7F800000> : vector<128xf32>
      %reduce_min3A_2076 = vector.multi_reduction <minimumf>, %select_n3A_2074, %reduce_min3A_2075 [1] : vector<128x8192xf32> to vector<128xf32>
      %broadcast_in_dim3A_2077 = vector.shape_cast %reduce_min3A_2076 : vector<128xf32> to vector<128x1xf32>
      %eq3A_2078 = vector.broadcast %broadcast_in_dim3A_2077 : vector<128x1xf32> to vector<128x8192xf32>
      %eq3A_2079 = arith.cmpf oeq, %select_n3A_2074, %eq3A_2078 : vector<128x8192xf32>
      %jit3A_2080 = arith.constant 8192 : i32
      %broadcast_in_dim3A_2081 = vector.broadcast %jit3A_2080 : i32 to vector<128x8192xi32>
      %select_n3A_2082 = arith.select %eq3A_2079, %iota3A_1749, %broadcast_in_dim3A_2081 : vector<128x8192xi1>, vector<128x8192xi32>
      %reduce_min3A_2083 = arith.constant dense<2147483647> : vector<128xi32>
      %reduce_min3A_2084 = vector.multi_reduction <minsi>, %select_n3A_2082, %reduce_min3A_2083 [1] : vector<128x8192xi32> to vector<128xi32>
      %broadcast_in_dim3A_2085 = vector.shape_cast %reduce_min3A_2084 : vector<128xi32> to vector<128x1xi32>
      %mul3A_2086 = arith.constant 8192 : i32
      %mul3A_2087 = arith.muli %arg0, %mul3A_2086 : i32
      %add3A_2088 = vector.broadcast %mul3A_2087 : i32 to vector<128x1xi32>
      %add3A_2089 = arith.addi %broadcast_in_dim3A_2085, %add3A_2088 : vector<128x1xi32>
      %swap3A_2090 = arith.constant 0 : index
      %swap3A_2091 = arith.constant 0 : index
      %swap3A_2092 = arith.constant 13 : index
      %swap3A_2093 = vector.load %arg4[%swap3A_2090, %swap3A_2091, %swap3A_2092] : memref<1x128x32xi32, #tpu.memory_space<vmem>>, vector<1x128x1xi32>
      %swap3A_2094 = vector.shape_cast %swap3A_2093 : vector<1x128x1xi32> to vector<128x1xi32>
      %swap3A_2095 = vector.shape_cast %add3A_2089 : vector<128x1xi32> to vector<1x128x1xi32>
      tpu.vector_store %arg4[%swap3A_2090, %swap3A_2091, %swap3A_2092], %swap3A_2095 {strides = array<i32>} : memref<1x128x32xi32, #tpu.memory_space<vmem>>, vector<1x128x1xi32>,
      %eq3A_2096 = vector.broadcast %broadcast_in_dim3A_2085 : vector<128x1xi32> to vector<128x8192xi32>
      %eq3A_2097 = arith.cmpi eq, %iota3A_1749, %eq3A_2096 : vector<128x8192xi32>
      %broadcast_in_dim3A_2098 = vector.broadcast %cond3A : f32 to vector<128x8192xf32>
      %select_n3A_2099 = arith.select %eq3A_2097, %broadcast_in_dim3A_2098, %select_n3A_2074 : vector<128x8192xi1>, vector<128x8192xf32>
      %reduce_min3A_2100 = arith.constant dense<0x7F800000> : vector<128xf32>
      %reduce_min3A_2101 = vector.multi_reduction <minimumf>, %select_n3A_2099, %reduce_min3A_2100 [1] : vector<128x8192xf32> to vector<128xf32>
      %broadcast_in_dim3A_2102 = vector.shape_cast %reduce_min3A_2101 : vector<128xf32> to vector<128x1xf32>
      %eq3A_2103 = vector.broadcast %broadcast_in_dim3A_2102 : vector<128x1xf32> to vector<128x8192xf32>
      %eq3A_2104 = arith.cmpf oeq, %select_n3A_2099, %eq3A_2103 : vector<128x8192xf32>
      %jit3A_2105 = arith.constant 8192 : i32
      %broadcast_in_dim3A_2106 = vector.broadcast %jit3A_2105 : i32 to vector<128x8192xi32>
      %select_n3A_2107 = arith.select %eq3A_2104, %iota3A_1749, %broadcast_in_dim3A_2106 : vector<128x8192xi1>, vector<128x8192xi32>
      %reduce_min3A_2108 = arith.constant dense<2147483647> : vector<128xi32>
      %reduce_min3A_2109 = vector.multi_reduction <minsi>, %select_n3A_2107, %reduce_min3A_2108 [1] : vector<128x8192xi32> to vector<128xi32>
      %broadcast_in_dim3A_2110 = vector.shape_cast %reduce_min3A_2109 : vector<128xi32> to vector<128x1xi32>
      %mul3A_2111 = arith.constant 8192 : i32
      %mul3A_2112 = arith.muli %arg0, %mul3A_2111 : i32
      %add3A_2113 = vector.broadcast %mul3A_2112 : i32 to vector<128x1xi32>
      %add3A_2114 = arith.addi %broadcast_in_dim3A_2110, %add3A_2113 : vector<128x1xi32>
      %swap3A_2115 = arith.constant 0 : index
      %swap3A_2116 = arith.constant 0 : index
      %swap3A_2117 = arith.constant 14 : index
      %swap3A_2118 = vector.load %arg4[%swap3A_2115, %swap3A_2116, %swap3A_2117] : memref<1x128x32xi32, #tpu.memory_space<vmem>>, vector<1x128x1xi32>
      %swap3A_2119 = vector.shape_cast %swap3A_2118 : vector<1x128x1xi32> to vector<128x1xi32>
      %swap3A_2120 = vector.shape_cast %add3A_2114 : vector<128x1xi32> to vector<1x128x1xi32>
      tpu.vector_store %arg4[%swap3A_2115, %swap3A_2116, %swap3A_2117], %swap3A_2120 {strides = array<i32>} : memref<1x128x32xi32, #tpu.memory_space<vmem>>, vector<1x128x1xi32>,
      %eq3A_2121 = vector.broadcast %broadcast_in_dim3A_2110 : vector<128x1xi32> to vector<128x8192xi32>
      %eq3A_2122 = arith.cmpi eq, %iota3A_1749, %eq3A_2121 : vector<128x8192xi32>
      %broadcast_in_dim3A_2123 = vector.broadcast %cond3A : f32 to vector<128x8192xf32>
      %select_n3A_2124 = arith.select %eq3A_2122, %broadcast_in_dim3A_2123, %select_n3A_2099 : vector<128x8192xi1>, vector<128x8192xf32>
      %reduce_min3A_2125 = arith.constant dense<0x7F800000> : vector<128xf32>
      %reduce_min3A_2126 = vector.multi_reduction <minimumf>, %select_n3A_2124, %reduce_min3A_2125 [1] : vector<128x8192xf32> to vector<128xf32>
      %broadcast_in_dim3A_2127 = vector.shape_cast %reduce_min3A_2126 : vector<128xf32> to vector<128x1xf32>
      %eq3A_2128 = vector.broadcast %broadcast_in_dim3A_2127 : vector<128x1xf32> to vector<128x8192xf32>
      %eq3A_2129 = arith.cmpf oeq, %select_n3A_2124, %eq3A_2128 : vector<128x8192xf32>
      %jit3A_2130 = arith.constant 8192 : i32
      %broadcast_in_dim3A_2131 = vector.broadcast %jit3A_2130 : i32 to vector<128x8192xi32>
      %select_n3A_2132 = arith.select %eq3A_2129, %iota3A_1749, %broadcast_in_dim3A_2131 : vector<128x8192xi1>, vector<128x8192xi32>
      %reduce_min3A_2133 = arith.constant dense<2147483647> : vector<128xi32>
      %reduce_min3A_2134 = vector.multi_reduction <minsi>, %select_n3A_2132, %reduce_min3A_2133 [1] : vector<128x8192xi32> to vector<128xi32>
      %broadcast_in_dim3A_2135 = vector.shape_cast %reduce_min3A_2134 : vector<128xi32> to vector<128x1xi32>
      %mul3A_2136 = arith.constant 8192 : i32
      %mul3A_2137 = arith.muli %arg0, %mul3A_2136 : i32
      %add3A_2138 = vector.broadcast %mul3A_2137 : i32 to vector<128x1xi32>
      %add3A_2139 = arith.addi %broadcast_in_dim3A_2135, %add3A_2138 : vector<128x1xi32>
      %swap3A_2140 = arith.constant 0 : index
      %swap3A_2141 = arith.constant 0 : index
      %swap3A_2142 = arith.constant 15 : index
      %swap3A_2143 = vector.load %arg4[%swap3A_2140, %swap3A_2141, %swap3A_2142] : memref<1x128x32xi32, #tpu.memory_space<vmem>>, vector<1x128x1xi32>
      %swap3A_2144 = vector.shape_cast %swap3A_2143 : vector<1x128x1xi32> to vector<128x1xi32>
      %swap3A_2145 = vector.shape_cast %add3A_2139 : vector<128x1xi32> to vector<1x128x1xi32>
      tpu.vector_store %arg4[%swap3A_2140, %swap3A_2141, %swap3A_2142], %swap3A_2145 {strides = array<i32>} : memref<1x128x32xi32, #tpu.memory_space<vmem>>, vector<1x128x1xi32>,
      %eq3A_2146 = vector.broadcast %broadcast_in_dim3A_2135 : vector<128x1xi32> to vector<128x8192xi32>
      %eq3A_2147 = arith.cmpi eq, %iota3A_1749, %eq3A_2146 : vector<128x8192xi32>
      %broadcast_in_dim3A_2148 = vector.broadcast %cond3A : f32 to vector<128x8192xf32>
      %select_n3A_2149 = arith.select %eq3A_2147, %broadcast_in_dim3A_2148, %select_n3A_2124 : vector<128x8192xi1>, vector<128x8192xf32>
      %reduce_min3A_2150 = arith.constant dense<0x7F800000> : vector<128xf32>
      %reduce_min3A_2151 = vector.multi_reduction <minimumf>, %select_n3A_2149, %reduce_min3A_2150 [1] : vector<128x8192xf32> to vector<128xf32>
      %broadcast_in_dim3A_2152 = vector.shape_cast %reduce_min3A_2151 : vector<128xf32> to vector<128x1xf32>
      %eq3A_2153 = vector.broadcast %broadcast_in_dim3A_2152 : vector<128x1xf32> to vector<128x8192xf32>
      %eq3A_2154 = arith.cmpf oeq, %select_n3A_2149, %eq3A_2153 : vector<128x8192xf32>
      %jit3A_2155 = arith.constant 8192 : i32
      %broadcast_in_dim3A_2156 = vector.broadcast %jit3A_2155 : i32 to vector<128x8192xi32>
      %select_n3A_2157 = arith.select %eq3A_2154, %iota3A_1749, %broadcast_in_dim3A_2156 : vector<128x8192xi1>, vector<128x8192xi32>
      %reduce_min3A_2158 = arith.constant dense<2147483647> : vector<128xi32>
      %reduce_min3A_2159 = vector.multi_reduction <minsi>, %select_n3A_2157, %reduce_min3A_2158 [1] : vector<128x8192xi32> to vector<128xi32>
      %broadcast_in_dim3A_2160 = vector.shape_cast %reduce_min3A_2159 : vector<128xi32> to vector<128x1xi32>
      %mul3A_2161 = arith.constant 8192 : i32
      %mul3A_2162 = arith.muli %arg0, %mul3A_2161 : i32
      %add3A_2163 = vector.broadcast %mul3A_2162 : i32 to vector<128x1xi32>
      %add3A_2164 = arith.addi %broadcast_in_dim3A_2160, %add3A_2163 : vector<128x1xi32>
      %swap3A_2165 = arith.constant 0 : index
      %swap3A_2166 = arith.constant 0 : index
      %swap3A_2167 = arith.constant 16 : index
      %swap3A_2168 = vector.load %arg4[%swap3A_2165, %swap3A_2166, %swap3A_2167] : memref<1x128x32xi32, #tpu.memory_space<vmem>>, vector<1x128x1xi32>
      %swap3A_2169 = vector.shape_cast %swap3A_2168 : vector<1x128x1xi32> to vector<128x1xi32>
      %swap3A_2170 = vector.shape_cast %add3A_2164 : vector<128x1xi32> to vector<1x128x1xi32>
      tpu.vector_store %arg4[%swap3A_2165, %swap3A_2166, %swap3A_2167], %swap3A_2170 {strides = array<i32>} : memref<1x128x32xi32, #tpu.memory_space<vmem>>, vector<1x128x1xi32>,
      %eq3A_2171 = vector.broadcast %broadcast_in_dim3A_2160 : vector<128x1xi32> to vector<128x8192xi32>
      %eq3A_2172 = arith.cmpi eq, %iota3A_1749, %eq3A_2171 : vector<128x8192xi32>
      %broadcast_in_dim3A_2173 = vector.broadcast %cond3A : f32 to vector<128x8192xf32>
      %select_n3A_2174 = arith.select %eq3A_2172, %broadcast_in_dim3A_2173, %select_n3A_2149 : vector<128x8192xi1>, vector<128x8192xf32>
      %reduce_min3A_2175 = arith.constant dense<0x7F800000> : vector<128xf32>
      %reduce_min3A_2176 = vector.multi_reduction <minimumf>, %select_n3A_2174, %reduce_min3A_2175 [1] : vector<128x8192xf32> to vector<128xf32>
      %broadcast_in_dim3A_2177 = vector.shape_cast %reduce_min3A_2176 : vector<128xf32> to vector<128x1xf32>
      %eq3A_2178 = vector.broadcast %broadcast_in_dim3A_2177 : vector<128x1xf32> to vector<128x8192xf32>
      %eq3A_2179 = arith.cmpf oeq, %select_n3A_2174, %eq3A_2178 : vector<128x8192xf32>
      %jit3A_2180 = arith.constant 8192 : i32
      %broadcast_in_dim3A_2181 = vector.broadcast %jit3A_2180 : i32 to vector<128x8192xi32>
      %select_n3A_2182 = arith.select %eq3A_2179, %iota3A_1749, %broadcast_in_dim3A_2181 : vector<128x8192xi1>, vector<128x8192xi32>
      %reduce_min3A_2183 = arith.constant dense<2147483647> : vector<128xi32>
      %reduce_min3A_2184 = vector.multi_reduction <minsi>, %select_n3A_2182, %reduce_min3A_2183 [1] : vector<128x8192xi32> to vector<128xi32>
      %broadcast_in_dim3A_2185 = vector.shape_cast %reduce_min3A_2184 : vector<128xi32> to vector<128x1xi32>
      %mul3A_2186 = arith.constant 8192 : i32
      %mul3A_2187 = arith.muli %arg0, %mul3A_2186 : i32
      %add3A_2188 = vector.broadcast %mul3A_2187 : i32 to vector<128x1xi32>
      %add3A_2189 = arith.addi %broadcast_in_dim3A_2185, %add3A_2188 : vector<128x1xi32>
      %swap3A_2190 = arith.constant 0 : index
      %swap3A_2191 = arith.constant 0 : index
      %swap3A_2192 = arith.constant 17 : index
      %swap3A_2193 = vector.load %arg4[%swap3A_2190, %swap3A_2191, %swap3A_2192] : memref<1x128x32xi32, #tpu.memory_space<vmem>>, vector<1x128x1xi32>
      %swap3A_2194 = vector.shape_cast %swap3A_2193 : vector<1x128x1xi32> to vector<128x1xi32>
      %swap3A_2195 = vector.shape_cast %add3A_2189 : vector<128x1xi32> to vector<1x128x1xi32>
      tpu.vector_store %arg4[%swap3A_2190, %swap3A_2191, %swap3A_2192], %swap3A_2195 {strides = array<i32>} : memref<1x128x32xi32, #tpu.memory_space<vmem>>, vector<1x128x1xi32>,
      %eq3A_2196 = vector.broadcast %broadcast_in_dim3A_2185 : vector<128x1xi32> to vector<128x8192xi32>
      %eq3A_2197 = arith.cmpi eq, %iota3A_1749, %eq3A_2196 : vector<128x8192xi32>
      %broadcast_in_dim3A_2198 = vector.broadcast %cond3A : f32 to vector<128x8192xf32>
      %select_n3A_2199 = arith.select %eq3A_2197, %broadcast_in_dim3A_2198, %select_n3A_2174 : vector<128x8192xi1>, vector<128x8192xf32>
      %reduce_min3A_2200 = arith.constant dense<0x7F800000> : vector<128xf32>
      %reduce_min3A_2201 = vector.multi_reduction <minimumf>, %select_n3A_2199, %reduce_min3A_2200 [1] : vector<128x8192xf32> to vector<128xf32>
      %broadcast_in_dim3A_2202 = vector.shape_cast %reduce_min3A_2201 : vector<128xf32> to vector<128x1xf32>
      %eq3A_2203 = vector.broadcast %broadcast_in_dim3A_2202 : vector<128x1xf32> to vector<128x8192xf32>
      %eq3A_2204 = arith.cmpf oeq, %select_n3A_2199, %eq3A_2203 : vector<128x8192xf32>
      %jit3A_2205 = arith.constant 8192 : i32
      %broadcast_in_dim3A_2206 = vector.broadcast %jit3A_2205 : i32 to vector<128x8192xi32>
      %select_n3A_2207 = arith.select %eq3A_2204, %iota3A_1749, %broadcast_in_dim3A_2206 : vector<128x8192xi1>, vector<128x8192xi32>
      %reduce_min3A_2208 = arith.constant dense<2147483647> : vector<128xi32>
      %reduce_min3A_2209 = vector.multi_reduction <minsi>, %select_n3A_2207, %reduce_min3A_2208 [1] : vector<128x8192xi32> to vector<128xi32>
      %broadcast_in_dim3A_2210 = vector.shape_cast %reduce_min3A_2209 : vector<128xi32> to vector<128x1xi32>
      %mul3A_2211 = arith.constant 8192 : i32
      %mul3A_2212 = arith.muli %arg0, %mul3A_2211 : i32
      %add3A_2213 = vector.broadcast %mul3A_2212 : i32 to vector<128x1xi32>
      %add3A_2214 = arith.addi %broadcast_in_dim3A_2210, %add3A_2213 : vector<128x1xi32>
      %swap3A_2215 = arith.constant 0 : index
      %swap3A_2216 = arith.constant 0 : index
      %swap3A_2217 = arith.constant 18 : index
      %swap3A_2218 = vector.load %arg4[%swap3A_2215, %swap3A_2216, %swap3A_2217] : memref<1x128x32xi32, #tpu.memory_space<vmem>>, vector<1x128x1xi32>
      %swap3A_2219 = vector.shape_cast %swap3A_2218 : vector<1x128x1xi32> to vector<128x1xi32>
      %swap3A_2220 = vector.shape_cast %add3A_2214 : vector<128x1xi32> to vector<1x128x1xi32>
      tpu.vector_store %arg4[%swap3A_2215, %swap3A_2216, %swap3A_2217], %swap3A_2220 {strides = array<i32>} : memref<1x128x32xi32, #tpu.memory_space<vmem>>, vector<1x128x1xi32>,
      %eq3A_2221 = vector.broadcast %broadcast_in_dim3A_2210 : vector<128x1xi32> to vector<128x8192xi32>
      %eq3A_2222 = arith.cmpi eq, %iota3A_1749, %eq3A_2221 : vector<128x8192xi32>
      %broadcast_in_dim3A_2223 = vector.broadcast %cond3A : f32 to vector<128x8192xf32>
      %select_n3A_2224 = arith.select %eq3A_2222, %broadcast_in_dim3A_2223, %select_n3A_2199 : vector<128x8192xi1>, vector<128x8192xf32>
      %reduce_min3A_2225 = arith.constant dense<0x7F800000> : vector<128xf32>
      %reduce_min3A_2226 = vector.multi_reduction <minimumf>, %select_n3A_2224, %reduce_min3A_2225 [1] : vector<128x8192xf32> to vector<128xf32>
      %broadcast_in_dim3A_2227 = vector.shape_cast %reduce_min3A_2226 : vector<128xf32> to vector<128x1xf32>
      %eq3A_2228 = vector.broadcast %broadcast_in_dim3A_2227 : vector<128x1xf32> to vector<128x8192xf32>
      %eq3A_2229 = arith.cmpf oeq, %select_n3A_2224, %eq3A_2228 : vector<128x8192xf32>
      %jit3A_2230 = arith.constant 8192 : i32
      %broadcast_in_dim3A_2231 = vector.broadcast %jit3A_2230 : i32 to vector<128x8192xi32>
      %select_n3A_2232 = arith.select %eq3A_2229, %iota3A_1749, %broadcast_in_dim3A_2231 : vector<128x8192xi1>, vector<128x8192xi32>
      %reduce_min3A_2233 = arith.constant dense<2147483647> : vector<128xi32>
      %reduce_min3A_2234 = vector.multi_reduction <minsi>, %select_n3A_2232, %reduce_min3A_2233 [1] : vector<128x8192xi32> to vector<128xi32>
      %broadcast_in_dim3A_2235 = vector.shape_cast %reduce_min3A_2234 : vector<128xi32> to vector<128x1xi32>
      %mul3A_2236 = arith.constant 8192 : i32
      %mul3A_2237 = arith.muli %arg0, %mul3A_2236 : i32
      %add3A_2238 = vector.broadcast %mul3A_2237 : i32 to vector<128x1xi32>
      %add3A_2239 = arith.addi %broadcast_in_dim3A_2235, %add3A_2238 : vector<128x1xi32>
      %swap3A_2240 = arith.constant 0 : index
      %swap3A_2241 = arith.constant 0 : index
      %swap3A_2242 = arith.constant 19 : index
      %swap3A_2243 = vector.load %arg4[%swap3A_2240, %swap3A_2241, %swap3A_2242] : memref<1x128x32xi32, #tpu.memory_space<vmem>>, vector<1x128x1xi32>
      %swap3A_2244 = vector.shape_cast %swap3A_2243 : vector<1x128x1xi32> to vector<128x1xi32>
      %swap3A_2245 = vector.shape_cast %add3A_2239 : vector<128x1xi32> to vector<1x128x1xi32>
      tpu.vector_store %arg4[%swap3A_2240, %swap3A_2241, %swap3A_2242], %swap3A_2245 {strides = array<i32>} : memref<1x128x32xi32, #tpu.memory_space<vmem>>, vector<1x128x1xi32>,
      %eq3A_2246 = vector.broadcast %broadcast_in_dim3A_2235 : vector<128x1xi32> to vector<128x8192xi32>
      %eq3A_2247 = arith.cmpi eq, %iota3A_1749, %eq3A_2246 : vector<128x8192xi32>
      %broadcast_in_dim3A_2248 = vector.broadcast %cond3A : f32 to vector<128x8192xf32>
      %select_n3A_2249 = arith.select %eq3A_2247, %broadcast_in_dim3A_2248, %select_n3A_2224 : vector<128x8192xi1>, vector<128x8192xf32>
      %reduce_min3A_2250 = arith.constant dense<0x7F800000> : vector<128xf32>
      %reduce_min3A_2251 = vector.multi_reduction <minimumf>, %select_n3A_2249, %reduce_min3A_2250 [1] : vector<128x8192xf32> to vector<128xf32>
      %broadcast_in_dim3A_2252 = vector.shape_cast %reduce_min3A_2251 : vector<128xf32> to vector<128x1xf32>
      %eq3A_2253 = vector.broadcast %broadcast_in_dim3A_2252 : vector<128x1xf32> to vector<128x8192xf32>
      %eq3A_2254 = arith.cmpf oeq, %select_n3A_2249, %eq3A_2253 : vector<128x8192xf32>
      %jit3A_2255 = arith.constant 8192 : i32
      %broadcast_in_dim3A_2256 = vector.broadcast %jit3A_2255 : i32 to vector<128x8192xi32>
      %select_n3A_2257 = arith.select %eq3A_2254, %iota3A_1749, %broadcast_in_dim3A_2256 : vector<128x8192xi1>, vector<128x8192xi32>
      %reduce_min3A_2258 = arith.constant dense<2147483647> : vector<128xi32>
      %reduce_min3A_2259 = vector.multi_reduction <minsi>, %select_n3A_2257, %reduce_min3A_2258 [1] : vector<128x8192xi32> to vector<128xi32>
      %broadcast_in_dim3A_2260 = vector.shape_cast %reduce_min3A_2259 : vector<128xi32> to vector<128x1xi32>
      %mul3A_2261 = arith.constant 8192 : i32
      %mul3A_2262 = arith.muli %arg0, %mul3A_2261 : i32
      %add3A_2263 = vector.broadcast %mul3A_2262 : i32 to vector<128x1xi32>
      %add3A_2264 = arith.addi %broadcast_in_dim3A_2260, %add3A_2263 : vector<128x1xi32>
      %swap3A_2265 = arith.constant 0 : index
      %swap3A_2266 = arith.constant 0 : index
      %swap3A_2267 = arith.constant 20 : index
      %swap3A_2268 = vector.load %arg4[%swap3A_2265, %swap3A_2266, %swap3A_2267] : memref<1x128x32xi32, #tpu.memory_space<vmem>>, vector<1x128x1xi32>
      %swap3A_2269 = vector.shape_cast %swap3A_2268 : vector<1x128x1xi32> to vector<128x1xi32>
      %swap3A_2270 = vector.shape_cast %add3A_2264 : vector<128x1xi32> to vector<1x128x1xi32>
      tpu.vector_store %arg4[%swap3A_2265, %swap3A_2266, %swap3A_2267], %swap3A_2270 {strides = array<i32>} : memref<1x128x32xi32, #tpu.memory_space<vmem>>, vector<1x128x1xi32>,
      %eq3A_2271 = vector.broadcast %broadcast_in_dim3A_2260 : vector<128x1xi32> to vector<128x8192xi32>
      %eq3A_2272 = arith.cmpi eq, %iota3A_1749, %eq3A_2271 : vector<128x8192xi32>
      %broadcast_in_dim3A_2273 = vector.broadcast %cond3A : f32 to vector<128x8192xf32>
      %select_n3A_2274 = arith.select %eq3A_2272, %broadcast_in_dim3A_2273, %select_n3A_2249 : vector<128x8192xi1>, vector<128x8192xf32>
      %reduce_min3A_2275 = arith.constant dense<0x7F800000> : vector<128xf32>
      %reduce_min3A_2276 = vector.multi_reduction <minimumf>, %select_n3A_2274, %reduce_min3A_2275 [1] : vector<128x8192xf32> to vector<128xf32>
      %broadcast_in_dim3A_2277 = vector.shape_cast %reduce_min3A_2276 : vector<128xf32> to vector<128x1xf32>
      %eq3A_2278 = vector.broadcast %broadcast_in_dim3A_2277 : vector<128x1xf32> to vector<128x8192xf32>
      %eq3A_2279 = arith.cmpf oeq, %select_n3A_2274, %eq3A_2278 : vector<128x8192xf32>
      %jit3A_2280 = arith.constant 8192 : i32
      %broadcast_in_dim3A_2281 = vector.broadcast %jit3A_2280 : i32 to vector<128x8192xi32>
      %select_n3A_2282 = arith.select %eq3A_2279, %iota3A_1749, %broadcast_in_dim3A_2281 : vector<128x8192xi1>, vector<128x8192xi32>
      %reduce_min3A_2283 = arith.constant dense<2147483647> : vector<128xi32>
      %reduce_min3A_2284 = vector.multi_reduction <minsi>, %select_n3A_2282, %reduce_min3A_2283 [1] : vector<128x8192xi32> to vector<128xi32>
      %broadcast_in_dim3A_2285 = vector.shape_cast %reduce_min3A_2284 : vector<128xi32> to vector<128x1xi32>
      %mul3A_2286 = arith.constant 8192 : i32
      %mul3A_2287 = arith.muli %arg0, %mul3A_2286 : i32
      %add3A_2288 = vector.broadcast %mul3A_2287 : i32 to vector<128x1xi32>
      %add3A_2289 = arith.addi %broadcast_in_dim3A_2285, %add3A_2288 : vector<128x1xi32>
      %swap3A_2290 = arith.constant 0 : index
      %swap3A_2291 = arith.constant 0 : index
      %swap3A_2292 = arith.constant 21 : index
      %swap3A_2293 = vector.load %arg4[%swap3A_2290, %swap3A_2291, %swap3A_2292] : memref<1x128x32xi32, #tpu.memory_space<vmem>>, vector<1x128x1xi32>
      %swap3A_2294 = vector.shape_cast %swap3A_2293 : vector<1x128x1xi32> to vector<128x1xi32>
      %swap3A_2295 = vector.shape_cast %add3A_2289 : vector<128x1xi32> to vector<1x128x1xi32>
      tpu.vector_store %arg4[%swap3A_2290, %swap3A_2291, %swap3A_2292], %swap3A_2295 {strides = array<i32>} : memref<1x128x32xi32, #tpu.memory_space<vmem>>, vector<1x128x1xi32>,
      %eq3A_2296 = vector.broadcast %broadcast_in_dim3A_2285 : vector<128x1xi32> to vector<128x8192xi32>
      %eq3A_2297 = arith.cmpi eq, %iota3A_1749, %eq3A_2296 : vector<128x8192xi32>
      %broadcast_in_dim3A_2298 = vector.broadcast %cond3A : f32 to vector<128x8192xf32>
      %select_n3A_2299 = arith.select %eq3A_2297, %broadcast_in_dim3A_2298, %select_n3A_2274 : vector<128x8192xi1>, vector<128x8192xf32>
      %reduce_min3A_2300 = arith.constant dense<0x7F800000> : vector<128xf32>
      %reduce_min3A_2301 = vector.multi_reduction <minimumf>, %select_n3A_2299, %reduce_min3A_2300 [1] : vector<128x8192xf32> to vector<128xf32>
      %broadcast_in_dim3A_2302 = vector.shape_cast %reduce_min3A_2301 : vector<128xf32> to vector<128x1xf32>
      %eq3A_2303 = vector.broadcast %broadcast_in_dim3A_2302 : vector<128x1xf32> to vector<128x8192xf32>
      %eq3A_2304 = arith.cmpf oeq, %select_n3A_2299, %eq3A_2303 : vector<128x8192xf32>
      %jit3A_2305 = arith.constant 8192 : i32
      %broadcast_in_dim3A_2306 = vector.broadcast %jit3A_2305 : i32 to vector<128x8192xi32>
      %select_n3A_2307 = arith.select %eq3A_2304, %iota3A_1749, %broadcast_in_dim3A_2306 : vector<128x8192xi1>, vector<128x8192xi32>
      %reduce_min3A_2308 = arith.constant dense<2147483647> : vector<128xi32>
      %reduce_min3A_2309 = vector.multi_reduction <minsi>, %select_n3A_2307, %reduce_min3A_2308 [1] : vector<128x8192xi32> to vector<128xi32>
      %broadcast_in_dim3A_2310 = vector.shape_cast %reduce_min3A_2309 : vector<128xi32> to vector<128x1xi32>
      %mul3A_2311 = arith.constant 8192 : i32
      %mul3A_2312 = arith.muli %arg0, %mul3A_2311 : i32
      %add3A_2313 = vector.broadcast %mul3A_2312 : i32 to vector<128x1xi32>
      %add3A_2314 = arith.addi %broadcast_in_dim3A_2310, %add3A_2313 : vector<128x1xi32>
      %swap3A_2315 = arith.constant 0 : index
      %swap3A_2316 = arith.constant 0 : index
      %swap3A_2317 = arith.constant 22 : index
      %swap3A_2318 = vector.load %arg4[%swap3A_2315, %swap3A_2316, %swap3A_2317] : memref<1x128x32xi32, #tpu.memory_space<vmem>>, vector<1x128x1xi32>
      %swap3A_2319 = vector.shape_cast %swap3A_2318 : vector<1x128x1xi32> to vector<128x1xi32>
      %swap3A_2320 = vector.shape_cast %add3A_2314 : vector<128x1xi32> to vector<1x128x1xi32>
      tpu.vector_store %arg4[%swap3A_2315, %swap3A_2316, %swap3A_2317], %swap3A_2320 {strides = array<i32>} : memref<1x128x32xi32, #tpu.memory_space<vmem>>, vector<1x128x1xi32>,
      %eq3A_2321 = vector.broadcast %broadcast_in_dim3A_2310 : vector<128x1xi32> to vector<128x8192xi32>
      %eq3A_2322 = arith.cmpi eq, %iota3A_1749, %eq3A_2321 : vector<128x8192xi32>
      %broadcast_in_dim3A_2323 = vector.broadcast %cond3A : f32 to vector<128x8192xf32>
      %select_n3A_2324 = arith.select %eq3A_2322, %broadcast_in_dim3A_2323, %select_n3A_2299 : vector<128x8192xi1>, vector<128x8192xf32>
      %reduce_min3A_2325 = arith.constant dense<0x7F800000> : vector<128xf32>
      %reduce_min3A_2326 = vector.multi_reduction <minimumf>, %select_n3A_2324, %reduce_min3A_2325 [1] : vector<128x8192xf32> to vector<128xf32>
      %broadcast_in_dim3A_2327 = vector.shape_cast %reduce_min3A_2326 : vector<128xf32> to vector<128x1xf32>
      %eq3A_2328 = vector.broadcast %broadcast_in_dim3A_2327 : vector<128x1xf32> to vector<128x8192xf32>
      %eq3A_2329 = arith.cmpf oeq, %select_n3A_2324, %eq3A_2328 : vector<128x8192xf32>
      %jit3A_2330 = arith.constant 8192 : i32
      %broadcast_in_dim3A_2331 = vector.broadcast %jit3A_2330 : i32 to vector<128x8192xi32>
      %select_n3A_2332 = arith.select %eq3A_2329, %iota3A_1749, %broadcast_in_dim3A_2331 : vector<128x8192xi1>, vector<128x8192xi32>
      %reduce_min3A_2333 = arith.constant dense<2147483647> : vector<128xi32>
      %reduce_min3A_2334 = vector.multi_reduction <minsi>, %select_n3A_2332, %reduce_min3A_2333 [1] : vector<128x8192xi32> to vector<128xi32>
      %broadcast_in_dim3A_2335 = vector.shape_cast %reduce_min3A_2334 : vector<128xi32> to vector<128x1xi32>
      %mul3A_2336 = arith.constant 8192 : i32
      %mul3A_2337 = arith.muli %arg0, %mul3A_2336 : i32
      %add3A_2338 = vector.broadcast %mul3A_2337 : i32 to vector<128x1xi32>
      %add3A_2339 = arith.addi %broadcast_in_dim3A_2335, %add3A_2338 : vector<128x1xi32>
      %swap3A_2340 = arith.constant 0 : index
      %swap3A_2341 = arith.constant 0 : index
      %swap3A_2342 = arith.constant 23 : index
      %swap3A_2343 = vector.load %arg4[%swap3A_2340, %swap3A_2341, %swap3A_2342] : memref<1x128x32xi32, #tpu.memory_space<vmem>>, vector<1x128x1xi32>
      %swap3A_2344 = vector.shape_cast %swap3A_2343 : vector<1x128x1xi32> to vector<128x1xi32>
      %swap3A_2345 = vector.shape_cast %add3A_2339 : vector<128x1xi32> to vector<1x128x1xi32>
      tpu.vector_store %arg4[%swap3A_2340, %swap3A_2341, %swap3A_2342], %swap3A_2345 {strides = array<i32>} : memref<1x128x32xi32, #tpu.memory_space<vmem>>, vector<1x128x1xi32>,
      %eq3A_2346 = vector.broadcast %broadcast_in_dim3A_2335 : vector<128x1xi32> to vector<128x8192xi32>
      %eq3A_2347 = arith.cmpi eq, %iota3A_1749, %eq3A_2346 : vector<128x8192xi32>
      %broadcast_in_dim3A_2348 = vector.broadcast %cond3A : f32 to vector<128x8192xf32>
      %select_n3A_2349 = arith.select %eq3A_2347, %broadcast_in_dim3A_2348, %select_n3A_2324 : vector<128x8192xi1>, vector<128x8192xf32>
      %reduce_min3A_2350 = arith.constant dense<0x7F800000> : vector<128xf32>
      %reduce_min3A_2351 = vector.multi_reduction <minimumf>, %select_n3A_2349, %reduce_min3A_2350 [1] : vector<128x8192xf32> to vector<128xf32>
      %broadcast_in_dim3A_2352 = vector.shape_cast %reduce_min3A_2351 : vector<128xf32> to vector<128x1xf32>
      %eq3A_2353 = vector.broadcast %broadcast_in_dim3A_2352 : vector<128x1xf32> to vector<128x8192xf32>
      %eq3A_2354 = arith.cmpf oeq, %select_n3A_2349, %eq3A_2353 : vector<128x8192xf32>
      %jit3A_2355 = arith.constant 8192 : i32
      %broadcast_in_dim3A_2356 = vector.broadcast %jit3A_2355 : i32 to vector<128x8192xi32>
      %select_n3A_2357 = arith.select %eq3A_2354, %iota3A_1749, %broadcast_in_dim3A_2356 : vector<128x8192xi1>, vector<128x8192xi32>
      %reduce_min3A_2358 = arith.constant dense<2147483647> : vector<128xi32>
      %reduce_min3A_2359 = vector.multi_reduction <minsi>, %select_n3A_2357, %reduce_min3A_2358 [1] : vector<128x8192xi32> to vector<128xi32>
      %broadcast_in_dim3A_2360 = vector.shape_cast %reduce_min3A_2359 : vector<128xi32> to vector<128x1xi32>
      %mul3A_2361 = arith.constant 8192 : i32
      %mul3A_2362 = arith.muli %arg0, %mul3A_2361 : i32
      %add3A_2363 = vector.broadcast %mul3A_2362 : i32 to vector<128x1xi32>
      %add3A_2364 = arith.addi %broadcast_in_dim3A_2360, %add3A_2363 : vector<128x1xi32>
      %swap3A_2365 = arith.constant 0 : index
      %swap3A_2366 = arith.constant 0 : index
      %swap3A_2367 = arith.constant 24 : index
      %swap3A_2368 = vector.load %arg4[%swap3A_2365, %swap3A_2366, %swap3A_2367] : memref<1x128x32xi32, #tpu.memory_space<vmem>>, vector<1x128x1xi32>
      %swap3A_2369 = vector.shape_cast %swap3A_2368 : vector<1x128x1xi32> to vector<128x1xi32>
      %swap3A_2370 = vector.shape_cast %add3A_2364 : vector<128x1xi32> to vector<1x128x1xi32>
      tpu.vector_store %arg4[%swap3A_2365, %swap3A_2366, %swap3A_2367], %swap3A_2370 {strides = array<i32>} : memref<1x128x32xi32, #tpu.memory_space<vmem>>, vector<1x128x1xi32>,
      %eq3A_2371 = vector.broadcast %broadcast_in_dim3A_2360 : vector<128x1xi32> to vector<128x8192xi32>
      %eq3A_2372 = arith.cmpi eq, %iota3A_1749, %eq3A_2371 : vector<128x8192xi32>
      %broadcast_in_dim3A_2373 = vector.broadcast %cond3A : f32 to vector<128x8192xf32>
      %select_n3A_2374 = arith.select %eq3A_2372, %broadcast_in_dim3A_2373, %select_n3A_2349 : vector<128x8192xi1>, vector<128x8192xf32>
      %reduce_min3A_2375 = arith.constant dense<0x7F800000> : vector<128xf32>
      %reduce_min3A_2376 = vector.multi_reduction <minimumf>, %select_n3A_2374, %reduce_min3A_2375 [1] : vector<128x8192xf32> to vector<128xf32>
      %broadcast_in_dim3A_2377 = vector.shape_cast %reduce_min3A_2376 : vector<128xf32> to vector<128x1xf32>
      %eq3A_2378 = vector.broadcast %broadcast_in_dim3A_2377 : vector<128x1xf32> to vector<128x8192xf32>
      %eq3A_2379 = arith.cmpf oeq, %select_n3A_2374, %eq3A_2378 : vector<128x8192xf32>
      %jit3A_2380 = arith.constant 8192 : i32
      %broadcast_in_dim3A_2381 = vector.broadcast %jit3A_2380 : i32 to vector<128x8192xi32>
      %select_n3A_2382 = arith.select %eq3A_2379, %iota3A_1749, %broadcast_in_dim3A_2381 : vector<128x8192xi1>, vector<128x8192xi32>
      %reduce_min3A_2383 = arith.constant dense<2147483647> : vector<128xi32>
      %reduce_min3A_2384 = vector.multi_reduction <minsi>, %select_n3A_2382, %reduce_min3A_2383 [1] : vector<128x8192xi32> to vector<128xi32>
      %broadcast_in_dim3A_2385 = vector.shape_cast %reduce_min3A_2384 : vector<128xi32> to vector<128x1xi32>
      %mul3A_2386 = arith.constant 8192 : i32
      %mul3A_2387 = arith.muli %arg0, %mul3A_2386 : i32
      %add3A_2388 = vector.broadcast %mul3A_2387 : i32 to vector<128x1xi32>
      %add3A_2389 = arith.addi %broadcast_in_dim3A_2385, %add3A_2388 : vector<128x1xi32>
      %swap3A_2390 = arith.constant 0 : index
      %swap3A_2391 = arith.constant 0 : index
      %swap3A_2392 = arith.constant 25 : index
      %swap3A_2393 = vector.load %arg4[%swap3A_2390, %swap3A_2391, %swap3A_2392] : memref<1x128x32xi32, #tpu.memory_space<vmem>>, vector<1x128x1xi32>
      %swap3A_2394 = vector.shape_cast %swap3A_2393 : vector<1x128x1xi32> to vector<128x1xi32>
      %swap3A_2395 = vector.shape_cast %add3A_2389 : vector<128x1xi32> to vector<1x128x1xi32>
      tpu.vector_store %arg4[%swap3A_2390, %swap3A_2391, %swap3A_2392], %swap3A_2395 {strides = array<i32>} : memref<1x128x32xi32, #tpu.memory_space<vmem>>, vector<1x128x1xi32>,
      %eq3A_2396 = vector.broadcast %broadcast_in_dim3A_2385 : vector<128x1xi32> to vector<128x8192xi32>
      %eq3A_2397 = arith.cmpi eq, %iota3A_1749, %eq3A_2396 : vector<128x8192xi32>
      %broadcast_in_dim3A_2398 = vector.broadcast %cond3A : f32 to vector<128x8192xf32>
      %select_n3A_2399 = arith.select %eq3A_2397, %broadcast_in_dim3A_2398, %select_n3A_2374 : vector<128x8192xi1>, vector<128x8192xf32>
      %reduce_min3A_2400 = arith.constant dense<0x7F800000> : vector<128xf32>
      %reduce_min3A_2401 = vector.multi_reduction <minimumf>, %select_n3A_2399, %reduce_min3A_2400 [1] : vector<128x8192xf32> to vector<128xf32>
      %broadcast_in_dim3A_2402 = vector.shape_cast %reduce_min3A_2401 : vector<128xf32> to vector<128x1xf32>
      %eq3A_2403 = vector.broadcast %broadcast_in_dim3A_2402 : vector<128x1xf32> to vector<128x8192xf32>
      %eq3A_2404 = arith.cmpf oeq, %select_n3A_2399, %eq3A_2403 : vector<128x8192xf32>
      %jit3A_2405 = arith.constant 8192 : i32
      %broadcast_in_dim3A_2406 = vector.broadcast %jit3A_2405 : i32 to vector<128x8192xi32>
      %select_n3A_2407 = arith.select %eq3A_2404, %iota3A_1749, %broadcast_in_dim3A_2406 : vector<128x8192xi1>, vector<128x8192xi32>
      %reduce_min3A_2408 = arith.constant dense<2147483647> : vector<128xi32>
      %reduce_min3A_2409 = vector.multi_reduction <minsi>, %select_n3A_2407, %reduce_min3A_2408 [1] : vector<128x8192xi32> to vector<128xi32>
      %broadcast_in_dim3A_2410 = vector.shape_cast %reduce_min3A_2409 : vector<128xi32> to vector<128x1xi32>
      %mul3A_2411 = arith.constant 8192 : i32
      %mul3A_2412 = arith.muli %arg0, %mul3A_2411 : i32
      %add3A_2413 = vector.broadcast %mul3A_2412 : i32 to vector<128x1xi32>
      %add3A_2414 = arith.addi %broadcast_in_dim3A_2410, %add3A_2413 : vector<128x1xi32>
      %swap3A_2415 = arith.constant 0 : index
      %swap3A_2416 = arith.constant 0 : index
      %swap3A_2417 = arith.constant 26 : index
      %swap3A_2418 = vector.load %arg4[%swap3A_2415, %swap3A_2416, %swap3A_2417] : memref<1x128x32xi32, #tpu.memory_space<vmem>>, vector<1x128x1xi32>
      %swap3A_2419 = vector.shape_cast %swap3A_2418 : vector<1x128x1xi32> to vector<128x1xi32>
      %swap3A_2420 = vector.shape_cast %add3A_2414 : vector<128x1xi32> to vector<1x128x1xi32>
      tpu.vector_store %arg4[%swap3A_2415, %swap3A_2416, %swap3A_2417], %swap3A_2420 {strides = array<i32>} : memref<1x128x32xi32, #tpu.memory_space<vmem>>, vector<1x128x1xi32>,
      %eq3A_2421 = vector.broadcast %broadcast_in_dim3A_2410 : vector<128x1xi32> to vector<128x8192xi32>
      %eq3A_2422 = arith.cmpi eq, %iota3A_1749, %eq3A_2421 : vector<128x8192xi32>
      %broadcast_in_dim3A_2423 = vector.broadcast %cond3A : f32 to vector<128x8192xf32>
      %select_n3A_2424 = arith.select %eq3A_2422, %broadcast_in_dim3A_2423, %select_n3A_2399 : vector<128x8192xi1>, vector<128x8192xf32>
      %reduce_min3A_2425 = arith.constant dense<0x7F800000> : vector<128xf32>
      %reduce_min3A_2426 = vector.multi_reduction <minimumf>, %select_n3A_2424, %reduce_min3A_2425 [1] : vector<128x8192xf32> to vector<128xf32>
      %broadcast_in_dim3A_2427 = vector.shape_cast %reduce_min3A_2426 : vector<128xf32> to vector<128x1xf32>
      %eq3A_2428 = vector.broadcast %broadcast_in_dim3A_2427 : vector<128x1xf32> to vector<128x8192xf32>
      %eq3A_2429 = arith.cmpf oeq, %select_n3A_2424, %eq3A_2428 : vector<128x8192xf32>
      %jit3A_2430 = arith.constant 8192 : i32
      %broadcast_in_dim3A_2431 = vector.broadcast %jit3A_2430 : i32 to vector<128x8192xi32>
      %select_n3A_2432 = arith.select %eq3A_2429, %iota3A_1749, %broadcast_in_dim3A_2431 : vector<128x8192xi1>, vector<128x8192xi32>
      %reduce_min3A_2433 = arith.constant dense<2147483647> : vector<128xi32>
      %reduce_min3A_2434 = vector.multi_reduction <minsi>, %select_n3A_2432, %reduce_min3A_2433 [1] : vector<128x8192xi32> to vector<128xi32>
      %broadcast_in_dim3A_2435 = vector.shape_cast %reduce_min3A_2434 : vector<128xi32> to vector<128x1xi32>
      %mul3A_2436 = arith.constant 8192 : i32
      %mul3A_2437 = arith.muli %arg0, %mul3A_2436 : i32
      %add3A_2438 = vector.broadcast %mul3A_2437 : i32 to vector<128x1xi32>
      %add3A_2439 = arith.addi %broadcast_in_dim3A_2435, %add3A_2438 : vector<128x1xi32>
      %swap3A_2440 = arith.constant 0 : index
      %swap3A_2441 = arith.constant 0 : index
      %swap3A_2442 = arith.constant 27 : index
      %swap3A_2443 = vector.load %arg4[%swap3A_2440, %swap3A_2441, %swap3A_2442] : memref<1x128x32xi32, #tpu.memory_space<vmem>>, vector<1x128x1xi32>
      %swap3A_2444 = vector.shape_cast %swap3A_2443 : vector<1x128x1xi32> to vector<128x1xi32>
      %swap3A_2445 = vector.shape_cast %add3A_2439 : vector<128x1xi32> to vector<1x128x1xi32>
      tpu.vector_store %arg4[%swap3A_2440, %swap3A_2441, %swap3A_2442], %swap3A_2445 {strides = array<i32>} : memref<1x128x32xi32, #tpu.memory_space<vmem>>, vector<1x128x1xi32>,
      %eq3A_2446 = vector.broadcast %broadcast_in_dim3A_2435 : vector<128x1xi32> to vector<128x8192xi32>
      %eq3A_2447 = arith.cmpi eq, %iota3A_1749, %eq3A_2446 : vector<128x8192xi32>
      %broadcast_in_dim3A_2448 = vector.broadcast %cond3A : f32 to vector<128x8192xf32>
      %select_n3A_2449 = arith.select %eq3A_2447, %broadcast_in_dim3A_2448, %select_n3A_2424 : vector<128x8192xi1>, vector<128x8192xf32>
      %reduce_min3A_2450 = arith.constant dense<0x7F800000> : vector<128xf32>
      %reduce_min3A_2451 = vector.multi_reduction <minimumf>, %select_n3A_2449, %reduce_min3A_2450 [1] : vector<128x8192xf32> to vector<128xf32>
      %broadcast_in_dim3A_2452 = vector.shape_cast %reduce_min3A_2451 : vector<128xf32> to vector<128x1xf32>
      %eq3A_2453 = vector.broadcast %broadcast_in_dim3A_2452 : vector<128x1xf32> to vector<128x8192xf32>
      %eq3A_2454 = arith.cmpf oeq, %select_n3A_2449, %eq3A_2453 : vector<128x8192xf32>
      %jit3A_2455 = arith.constant 8192 : i32
      %broadcast_in_dim3A_2456 = vector.broadcast %jit3A_2455 : i32 to vector<128x8192xi32>
      %select_n3A_2457 = arith.select %eq3A_2454, %iota3A_1749, %broadcast_in_dim3A_2456 : vector<128x8192xi1>, vector<128x8192xi32>
      %reduce_min3A_2458 = arith.constant dense<2147483647> : vector<128xi32>
      %reduce_min3A_2459 = vector.multi_reduction <minsi>, %select_n3A_2457, %reduce_min3A_2458 [1] : vector<128x8192xi32> to vector<128xi32>
      %broadcast_in_dim3A_2460 = vector.shape_cast %reduce_min3A_2459 : vector<128xi32> to vector<128x1xi32>
      %mul3A_2461 = arith.constant 8192 : i32
      %mul3A_2462 = arith.muli %arg0, %mul3A_2461 : i32
      %add3A_2463 = vector.broadcast %mul3A_2462 : i32 to vector<128x1xi32>
      %add3A_2464 = arith.addi %broadcast_in_dim3A_2460, %add3A_2463 : vector<128x1xi32>
      %swap3A_2465 = arith.constant 0 : index
      %swap3A_2466 = arith.constant 0 : index
      %swap3A_2467 = arith.constant 28 : index
      %swap3A_2468 = vector.load %arg4[%swap3A_2465, %swap3A_2466, %swap3A_2467] : memref<1x128x32xi32, #tpu.memory_space<vmem>>, vector<1x128x1xi32>
      %swap3A_2469 = vector.shape_cast %swap3A_2468 : vector<1x128x1xi32> to vector<128x1xi32>
      %swap3A_2470 = vector.shape_cast %add3A_2464 : vector<128x1xi32> to vector<1x128x1xi32>
      tpu.vector_store %arg4[%swap3A_2465, %swap3A_2466, %swap3A_2467], %swap3A_2470 {strides = array<i32>} : memref<1x128x32xi32, #tpu.memory_space<vmem>>, vector<1x128x1xi32>,
      %eq3A_2471 = vector.broadcast %broadcast_in_dim3A_2460 : vector<128x1xi32> to vector<128x8192xi32>
      %eq3A_2472 = arith.cmpi eq, %iota3A_1749, %eq3A_2471 : vector<128x8192xi32>
      %broadcast_in_dim3A_2473 = vector.broadcast %cond3A : f32 to vector<128x8192xf32>
      %select_n3A_2474 = arith.select %eq3A_2472, %broadcast_in_dim3A_2473, %select_n3A_2449 : vector<128x8192xi1>, vector<128x8192xf32>
      %reduce_min3A_2475 = arith.constant dense<0x7F800000> : vector<128xf32>
      %reduce_min3A_2476 = vector.multi_reduction <minimumf>, %select_n3A_2474, %reduce_min3A_2475 [1] : vector<128x8192xf32> to vector<128xf32>
      %broadcast_in_dim3A_2477 = vector.shape_cast %reduce_min3A_2476 : vector<128xf32> to vector<128x1xf32>
      %eq3A_2478 = vector.broadcast %broadcast_in_dim3A_2477 : vector<128x1xf32> to vector<128x8192xf32>
      %eq3A_2479 = arith.cmpf oeq, %select_n3A_2474, %eq3A_2478 : vector<128x8192xf32>
      %jit3A_2480 = arith.constant 8192 : i32
      %broadcast_in_dim3A_2481 = vector.broadcast %jit3A_2480 : i32 to vector<128x8192xi32>
      %select_n3A_2482 = arith.select %eq3A_2479, %iota3A_1749, %broadcast_in_dim3A_2481 : vector<128x8192xi1>, vector<128x8192xi32>
      %reduce_min3A_2483 = arith.constant dense<2147483647> : vector<128xi32>
      %reduce_min3A_2484 = vector.multi_reduction <minsi>, %select_n3A_2482, %reduce_min3A_2483 [1] : vector<128x8192xi32> to vector<128xi32>
      %broadcast_in_dim3A_2485 = vector.shape_cast %reduce_min3A_2484 : vector<128xi32> to vector<128x1xi32>
      %mul3A_2486 = arith.constant 8192 : i32
      %mul3A_2487 = arith.muli %arg0, %mul3A_2486 : i32
      %add3A_2488 = vector.broadcast %mul3A_2487 : i32 to vector<128x1xi32>
      %add3A_2489 = arith.addi %broadcast_in_dim3A_2485, %add3A_2488 : vector<128x1xi32>
      %swap3A_2490 = arith.constant 0 : index
      %swap3A_2491 = arith.constant 0 : index
      %swap3A_2492 = arith.constant 29 : index
      %swap3A_2493 = vector.load %arg4[%swap3A_2490, %swap3A_2491, %swap3A_2492] : memref<1x128x32xi32, #tpu.memory_space<vmem>>, vector<1x128x1xi32>
      %swap3A_2494 = vector.shape_cast %swap3A_2493 : vector<1x128x1xi32> to vector<128x1xi32>
      %swap3A_2495 = vector.shape_cast %add3A_2489 : vector<128x1xi32> to vector<1x128x1xi32>
      tpu.vector_store %arg4[%swap3A_2490, %swap3A_2491, %swap3A_2492], %swap3A_2495 {strides = array<i32>} : memref<1x128x32xi32, #tpu.memory_space<vmem>>, vector<1x128x1xi32>,
      %eq3A_2496 = vector.broadcast %broadcast_in_dim3A_2485 : vector<128x1xi32> to vector<128x8192xi32>
      %eq3A_2497 = arith.cmpi eq, %iota3A_1749, %eq3A_2496 : vector<128x8192xi32>
      %broadcast_in_dim3A_2498 = vector.broadcast %cond3A : f32 to vector<128x8192xf32>
      %select_n3A_2499 = arith.select %eq3A_2497, %broadcast_in_dim3A_2498, %select_n3A_2474 : vector<128x8192xi1>, vector<128x8192xf32>
      %reduce_min3A_2500 = arith.constant dense<0x7F800000> : vector<128xf32>
      %reduce_min3A_2501 = vector.multi_reduction <minimumf>, %select_n3A_2499, %reduce_min3A_2500 [1] : vector<128x8192xf32> to vector<128xf32>
      %broadcast_in_dim3A_2502 = vector.shape_cast %reduce_min3A_2501 : vector<128xf32> to vector<128x1xf32>
      %eq3A_2503 = vector.broadcast %broadcast_in_dim3A_2502 : vector<128x1xf32> to vector<128x8192xf32>
      %eq3A_2504 = arith.cmpf oeq, %select_n3A_2499, %eq3A_2503 : vector<128x8192xf32>
      %jit3A_2505 = arith.constant 8192 : i32
      %broadcast_in_dim3A_2506 = vector.broadcast %jit3A_2505 : i32 to vector<128x8192xi32>
      %select_n3A_2507 = arith.select %eq3A_2504, %iota3A_1749, %broadcast_in_dim3A_2506 : vector<128x8192xi1>, vector<128x8192xi32>
      %reduce_min3A_2508 = arith.constant dense<2147483647> : vector<128xi32>
      %reduce_min3A_2509 = vector.multi_reduction <minsi>, %select_n3A_2507, %reduce_min3A_2508 [1] : vector<128x8192xi32> to vector<128xi32>
      %broadcast_in_dim3A_2510 = vector.shape_cast %reduce_min3A_2509 : vector<128xi32> to vector<128x1xi32>
      %mul3A_2511 = arith.constant 8192 : i32
      %mul3A_2512 = arith.muli %arg0, %mul3A_2511 : i32
      %add3A_2513 = vector.broadcast %mul3A_2512 : i32 to vector<128x1xi32>
      %add3A_2514 = arith.addi %broadcast_in_dim3A_2510, %add3A_2513 : vector<128x1xi32>
      %swap3A_2515 = arith.constant 0 : index
      %swap3A_2516 = arith.constant 0 : index
      %swap3A_2517 = arith.constant 30 : index
      %swap3A_2518 = vector.load %arg4[%swap3A_2515, %swap3A_2516, %swap3A_2517] : memref<1x128x32xi32, #tpu.memory_space<vmem>>, vector<1x128x1xi32>
      %swap3A_2519 = vector.shape_cast %swap3A_2518 : vector<1x128x1xi32> to vector<128x1xi32>
      %swap3A_2520 = vector.shape_cast %add3A_2514 : vector<128x1xi32> to vector<1x128x1xi32>
      tpu.vector_store %arg4[%swap3A_2515, %swap3A_2516, %swap3A_2517], %swap3A_2520 {strides = array<i32>} : memref<1x128x32xi32, #tpu.memory_space<vmem>>, vector<1x128x1xi32>,
      %eq3A_2521 = vector.broadcast %broadcast_in_dim3A_2510 : vector<128x1xi32> to vector<128x8192xi32>
      %eq3A_2522 = arith.cmpi eq, %iota3A_1749, %eq3A_2521 : vector<128x8192xi32>
      %broadcast_in_dim3A_2523 = vector.broadcast %cond3A : f32 to vector<128x8192xf32>
      %select_n3A_2524 = arith.select %eq3A_2522, %broadcast_in_dim3A_2523, %select_n3A_2499 : vector<128x8192xi1>, vector<128x8192xf32>
      %reduce_min3A_2525 = arith.constant dense<0x7F800000> : vector<128xf32>
      %reduce_min3A_2526 = vector.multi_reduction <minimumf>, %select_n3A_2524, %reduce_min3A_2525 [1] : vector<128x8192xf32> to vector<128xf32>
      %broadcast_in_dim3A_2527 = vector.shape_cast %reduce_min3A_2526 : vector<128xf32> to vector<128x1xf32>
      %eq3A_2528 = vector.broadcast %broadcast_in_dim3A_2527 : vector<128x1xf32> to vector<128x8192xf32>
      %eq3A_2529 = arith.cmpf oeq, %select_n3A_2524, %eq3A_2528 : vector<128x8192xf32>
      %jit3A_2530 = arith.constant 8192 : i32
      %broadcast_in_dim3A_2531 = vector.broadcast %jit3A_2530 : i32 to vector<128x8192xi32>
      %select_n3A_2532 = arith.select %eq3A_2529, %iota3A_1749, %broadcast_in_dim3A_2531 : vector<128x8192xi1>, vector<128x8192xi32>
      %reduce_min3A_2533 = arith.constant dense<2147483647> : vector<128xi32>
      %reduce_min3A_2534 = vector.multi_reduction <minsi>, %select_n3A_2532, %reduce_min3A_2533 [1] : vector<128x8192xi32> to vector<128xi32>
      %broadcast_in_dim3A_2535 = vector.shape_cast %reduce_min3A_2534 : vector<128xi32> to vector<128x1xi32>
      %mul3A_2536 = arith.constant 8192 : i32
      %mul3A_2537 = arith.muli %arg0, %mul3A_2536 : i32
      %add3A_2538 = vector.broadcast %mul3A_2537 : i32 to vector<128x1xi32>
      %add3A_2539 = arith.addi %broadcast_in_dim3A_2535, %add3A_2538 : vector<128x1xi32>
      %swap3A_2540 = arith.constant 0 : index
      %swap3A_2541 = arith.constant 0 : index
      %swap3A_2542 = arith.constant 31 : index
      %swap3A_2543 = vector.load %arg4[%swap3A_2540, %swap3A_2541, %swap3A_2542] : memref<1x128x32xi32, #tpu.memory_space<vmem>>, vector<1x128x1xi32>
      %swap3A_2544 = vector.shape_cast %swap3A_2543 : vector<1x128x1xi32> to vector<128x1xi32>
      %swap3A_2545 = vector.shape_cast %add3A_2539 : vector<128x1xi32> to vector<1x128x1xi32>
      tpu.vector_store %arg4[%swap3A_2540, %swap3A_2541, %swap3A_2542], %swap3A_2545 {strides = array<i32>} : memref<1x128x32xi32, #tpu.memory_space<vmem>>, vector<1x128x1xi32>,
    } else {
    }
    return
  }
  func.func @transform_0(%arg0: i32, %arg1: i32) -> (i32, i32, i32) {
    %c0_i32 = arith.constant 0 : i32
    %c0_i32_0 = arith.constant 0 : i32
    return %arg0, %arg1, %c0_i32 : i32, i32, i32
  }
  func.func @transform_1(%arg0: i32, %arg1: i32) -> (i32, i32, i32) {
    %c0_i32 = arith.constant 0 : i32
    %c0_i32_0 = arith.constant 0 : i32
    %c0_i32_1 = arith.constant 0 : i32
    return %arg0, %c0_i32, %c0_i32_0 : i32, i32, i32
  }
  func.func @transform_2(%arg0: i32, %arg1: i32) -> (i32, i32, i32) {
    %c0_i32 = arith.constant 0 : i32
    %c0_i32_0 = arith.constant 0 : i32
    return %arg0, %arg1, %c0_i32 : i32, i32, i32
  }
}

module attributes {stable_mosaic.version = 14 : i64} {
  func.func @_mlp_kernel(%arg0: i32, %arg1: i32, %arg2: memref<128x32x128xf32, #tpu.memory_space<vmem>>, %arg3: memref<128x128xf32, #tpu.memory_space<vmem>>, %arg4: memref<128x64xf32, #tpu.memory_space<vmem>>, %arg5: memref<64x64xf32, #tpu.memory_space<vmem>>, %arg6: memref<64x128xf32, #tpu.memory_space<vmem>>, %arg7: memref<8x64xf32, #tpu.memory_space<vmem>>, %arg8: memref<8x128xf32, #tpu.memory_space<vmem>>, %arg9: memref<128x128xf32, #tpu.memory_space<vmem>>, %arg10: memref<8x128xf32, #tpu.memory_space<vmem>>, %arg11: memref<8x128xf32, #tpu.memory_space<vmem>>) attributes {dimension_semantics = [#tpu.dimension_semantics<arbitrary>, #tpu.dimension_semantics<arbitrary>], iteration_bounds = array<i64: 4, 64>, scalar_prefetch = 0 : i64, scratch_operands = 2 : i64, tpu.core_type = #tpu.core_type<tc>, window_params = [{transform_indices = @transform_0, window_bounds = array<i64: 128, 32, 128>}, {transform_indices = @transform_1, window_bounds = array<i64: 128, 128>}, {pipeline_mode = #tpu.pipeline_mode<synchronous>, transform_indices = @transform_2, window_bounds = array<i64: 128, 64>}, {pipeline_mode = #tpu.pipeline_mode<synchronous>, transform_indices = @transform_3, window_bounds = array<i64: 64, 64>}, {pipeline_mode = #tpu.pipeline_mode<synchronous>, transform_indices = @transform_4, window_bounds = array<i64: 64, 128>}, {pipeline_mode = #tpu.pipeline_mode<synchronous>, transform_indices = @transform_5, window_bounds = array<i64: 8, 64>}, {pipeline_mode = #tpu.pipeline_mode<synchronous>, transform_indices = @transform_6, window_bounds = array<i64: 8, 128>}, {transform_indices = @transform_7, window_bounds = array<i64: 128, 128>}]} {
    %eq3A = arith.constant 0 : i32
    %eq3A_0 = arith.cmpi eq, %arg0, %eq3A : i32
    %eq3A_1 = arith.constant 0 : i32
    %eq3A_2 = arith.cmpi eq, %arg1, %eq3A_1 : i32
    %and3A = arith.andi %eq3A_0, %eq3A_2 : i1
    %convert_element_type3A = arith.extui %and3A : i1 to i32
    %cond3A = arith.constant 0 : i32
    %cond3A_3 = arith.cmpi ne, %convert_element_type3A, %cond3A : i32
    scf.if %cond3A_3 {
      %broadcast_in_dim3A_57 = arith.constant 0.000000e+00 : f32
      %broadcast_in_dim3A_58 = vector.broadcast %broadcast_in_dim3A_57 : f32 to vector<8x128xf32>
      %swap3A = arith.constant 0 : index
      %swap3A_59 = arith.constant 0 : index
      %swap3A_60 = vector.load %arg10[%swap3A, %swap3A_59] : memref<8x128xf32, #tpu.memory_space<vmem>>, vector<8x128xf32>
      tpu.vector_store %arg10[%swap3A, %swap3A_59], %broadcast_in_dim3A_58 {strides = array<i32>} : memref<8x128xf32, #tpu.memory_space<vmem>>, vector<8x128xf32>,
      %broadcast_in_dim3A_61 = arith.constant 0.000000e+00 : f32
      %broadcast_in_dim3A_62 = vector.broadcast %broadcast_in_dim3A_61 : f32 to vector<8x128xf32>
      %swap3A_63 = arith.constant 0 : index
      %swap3A_64 = arith.constant 0 : index
      %swap3A_65 = vector.load %arg11[%swap3A_63, %swap3A_64] : memref<8x128xf32, #tpu.memory_space<vmem>>, vector<8x128xf32>
      tpu.vector_store %arg11[%swap3A_63, %swap3A_64], %broadcast_in_dim3A_62 {strides = array<i32>} : memref<8x128xf32, #tpu.memory_space<vmem>>, vector<8x128xf32>,
    } else {
    }
    %get3A = arith.constant 0 : index
    %get3A_4 = arith.constant 0 : index
    %get3A_5 = arith.constant 0 : index
    %get3A_6 = vector.load %arg2[%get3A, %get3A_4, %get3A_5] : memref<128x32x128xf32, #tpu.memory_space<vmem>>, vector<128x32x128xf32>
    %reshape3A = vector.shape_cast %get3A_6 : vector<128x32x128xf32> to vector<4096x128xf32>
    %get3A_7 = arith.constant 0 : index
    %get3A_8 = arith.constant 0 : index
    %get3A_9 = vector.load %arg3[%get3A_7, %get3A_8] : memref<128x128xf32, #tpu.memory_space<vmem>>, vector<128x1xf32>
    %get3A_10 = arith.constant 0 : index
    %get3A_11 = arith.constant 1 : index
    %get3A_12 = vector.load %arg3[%get3A_10, %get3A_11] : memref<128x128xf32, #tpu.memory_space<vmem>>, vector<128x1xf32>
    %get3A_13 = arith.constant 0 : index
    %get3A_14 = arith.constant 2 : index
    %get3A_15 = vector.load %arg3[%get3A_13, %get3A_14] : memref<128x128xf32, #tpu.memory_space<vmem>>, vector<128x1xf32>
    %get3A_16 = arith.constant 0 : index
    %get3A_17 = arith.constant 0 : index
    %get3A_18 = vector.load %arg7[%get3A_16, %get3A_17] : memref<8x64xf32, #tpu.memory_space<vmem>>, vector<1x64xf32>
    %mul3A = vector.broadcast %get3A_9 : vector<128x1xf32> to vector<128x64xf32>
    %mul3A_19 = vector.broadcast %get3A_18 : vector<1x64xf32> to vector<128x64xf32>
    %mul3A_20 = arith.mulf %mul3A, %mul3A_19 : vector<128x64xf32>
    %get3A_21 = arith.constant 1 : index
    %get3A_22 = arith.constant 0 : index
    %get3A_23 = vector.load %arg7[%get3A_21, %get3A_22] : memref<8x64xf32, #tpu.memory_space<vmem>>, vector<1x64xf32>
    %mul3A_24 = vector.broadcast %get3A_12 : vector<128x1xf32> to vector<128x64xf32>
    %mul3A_25 = vector.broadcast %get3A_23 : vector<1x64xf32> to vector<128x64xf32>
    %mul3A_26 = arith.mulf %mul3A_24, %mul3A_25 : vector<128x64xf32>
    %add3A = arith.addf %mul3A_20, %mul3A_26 : vector<128x64xf32>
    %get3A_27 = arith.constant 2 : index
    %get3A_28 = arith.constant 0 : index
    %get3A_29 = vector.load %arg7[%get3A_27, %get3A_28] : memref<8x64xf32, #tpu.memory_space<vmem>>, vector<1x64xf32>
    %mul3A_30 = vector.broadcast %get3A_15 : vector<128x1xf32> to vector<128x64xf32>
    %mul3A_31 = vector.broadcast %get3A_29 : vector<1x64xf32> to vector<128x64xf32>
    %mul3A_32 = arith.mulf %mul3A_30, %mul3A_31 : vector<128x64xf32>
    %add3A_33 = arith.addf %add3A, %mul3A_32 : vector<128x64xf32>
    %broadcast_in_dim3A = vector.shape_cast %add3A_33 : vector<128x64xf32> to vector<128x1x64xf32>
    %broadcast_in_dim3A_34 = vector.shape_cast %broadcast_in_dim3A : vector<128x1x64xf32> to vector<128x1x64xf32>
    %broadcast_in_dim3A_35 = vector.broadcast %broadcast_in_dim3A_34 : vector<128x1x64xf32> to vector<128x32x64xf32>
    %reshape3A_36 = vector.shape_cast %broadcast_in_dim3A_35 : vector<128x32x64xf32> to vector<4096x64xf32>
    %eq3A_37 = arith.constant 0 : i32
    %eq3A_38 = arith.cmpi eq, %arg0, %eq3A_37 : i32
    %convert_element_type3A_39 = arith.extui %eq3A_38 : i1 to i32
    %cond3A_40 = arith.constant 0 : i32
    %cond3A_41 = arith.cmpi ne, %convert_element_type3A_39, %cond3A_40 : i32
    scf.if %cond3A_41 {
      %convert_element_type3A_57 = arith.truncf %reshape3A : vector<4096x128xf32> to vector<4096x128xbf16>
      %get3A_58 = arith.constant 0 : index
      %get3A_59 = arith.constant 0 : index
      %get3A_60 = vector.load %arg4[%get3A_58, %get3A_59] : memref<128x64xf32, #tpu.memory_space<vmem>>, vector<128x64xf32>
      %convert_element_type3A_61 = arith.truncf %get3A_60 : vector<128x64xf32> to vector<128x64xbf16>
      %dot_general3A = arith.constant dense<0.000000e+00> : vector<4096x64xf32>
      %dot_general3A_62 = tpu.matmul %convert_element_type3A_57, %convert_element_type3A_61, %dot_general3A {dimension_numbers = #tpu.dot_dimension_numbers<[1], [0], [0], [1], [0, 0, 1, 1], [], []>, transpose_lhs_hint = false} : vector<4096x128xbf16>, vector<128x64xbf16>, vector<4096x64xf32> -> vector<4096x64xf32>
      %sub3A = arith.subf %dot_general3A_62, %reshape3A_36 : vector<4096x64xf32>
      %get3A_63 = arith.constant 0 : index
      %get3A_64 = arith.constant 0 : index
      %get3A_65 = vector.load %arg10[%get3A_63, %get3A_64] : memref<8x128xf32, #tpu.memory_space<vmem>>, vector<1x64xf32>
      %get3A_66 = vector.shape_cast %get3A_65 : vector<1x64xf32> to vector<64xf32>
      %reduce_sum3A = arith.constant dense<0.000000e+00> : vector<64xf32>
      %reduce_sum3A_67 = vector.multi_reduction <add>, %sub3A, %reduce_sum3A [0] : vector<4096x64xf32> to vector<64xf32>
      %add3A_68 = arith.addf %get3A_66, %reduce_sum3A_67 : vector<64xf32>
      %swap3A = arith.constant 0 : index
      %swap3A_69 = arith.constant 0 : index
      %swap3A_70 = vector.load %arg10[%swap3A, %swap3A_69] : memref<8x128xf32, #tpu.memory_space<vmem>>, vector<1x64xf32>
      %swap3A_71 = vector.shape_cast %swap3A_70 : vector<1x64xf32> to vector<64xf32>
      %swap3A_72 = vector.shape_cast %add3A_68 : vector<64xf32> to vector<1x64xf32>
      tpu.vector_store %arg10[%swap3A, %swap3A_69], %swap3A_72 {strides = array<i32>} : memref<8x128xf32, #tpu.memory_space<vmem>>, vector<1x64xf32>,
      %get3A_73 = arith.constant 0 : index
      %get3A_74 = arith.constant 0 : index
      %get3A_75 = vector.load %arg11[%get3A_73, %get3A_74] : memref<8x128xf32, #tpu.memory_space<vmem>>, vector<1x64xf32>
      %get3A_76 = vector.shape_cast %get3A_75 : vector<1x64xf32> to vector<64xf32>
      %mul3A_77 = arith.mulf %sub3A, %sub3A : vector<4096x64xf32>
      %reduce_sum3A_78 = arith.constant dense<0.000000e+00> : vector<64xf32>
      %reduce_sum3A_79 = vector.multi_reduction <add>, %mul3A_77, %reduce_sum3A_78 [0] : vector<4096x64xf32> to vector<64xf32>
      %add3A_80 = arith.addf %get3A_76, %reduce_sum3A_79 : vector<64xf32>
      %swap3A_81 = arith.constant 0 : index
      %swap3A_82 = arith.constant 0 : index
      %swap3A_83 = vector.load %arg11[%swap3A_81, %swap3A_82] : memref<8x128xf32, #tpu.memory_space<vmem>>, vector<1x64xf32>
      %swap3A_84 = vector.shape_cast %swap3A_83 : vector<1x64xf32> to vector<64xf32>
      %swap3A_85 = vector.shape_cast %add3A_80 : vector<64xf32> to vector<1x64xf32>
      tpu.vector_store %arg11[%swap3A_81, %swap3A_82], %swap3A_85 {strides = array<i32>} : memref<8x128xf32, #tpu.memory_space<vmem>>, vector<1x64xf32>,
    } else {
    }
    %eq3A_42 = arith.constant 1 : i32
    %eq3A_43 = arith.cmpi eq, %arg0, %eq3A_42 : i32
    %convert_element_type3A_44 = arith.extui %eq3A_43 : i1 to i32
    %cond3A_45 = arith.constant 0 : i32
    %cond3A_46 = arith.cmpi ne, %convert_element_type3A_44, %cond3A_45 : i32
    scf.if %cond3A_46 {
      %convert_element_type3A_57 = arith.truncf %reshape3A : vector<4096x128xf32> to vector<4096x128xbf16>
      %get3A_58 = arith.constant 0 : index
      %get3A_59 = arith.constant 0 : index
      %get3A_60 = vector.load %arg4[%get3A_58, %get3A_59] : memref<128x64xf32, #tpu.memory_space<vmem>>, vector<128x64xf32>
      %convert_element_type3A_61 = arith.truncf %get3A_60 : vector<128x64xf32> to vector<128x64xbf16>
      %dot_general3A = arith.constant dense<0.000000e+00> : vector<4096x64xf32>
      %dot_general3A_62 = tpu.matmul %convert_element_type3A_57, %convert_element_type3A_61, %dot_general3A {dimension_numbers = #tpu.dot_dimension_numbers<[1], [0], [0], [1], [0, 0, 1, 1], [], []>, transpose_lhs_hint = false} : vector<4096x128xbf16>, vector<128x64xbf16>, vector<4096x64xf32> -> vector<4096x64xf32>
      %sub3A = arith.subf %dot_general3A_62, %reshape3A_36 : vector<4096x64xf32>
      %get3A_63 = arith.constant 0 : index
      %get3A_64 = arith.constant 0 : index
      %get3A_65 = vector.load %arg10[%get3A_63, %get3A_64] : memref<8x128xf32, #tpu.memory_space<vmem>>, vector<1x64xf32>
      %get3A_66 = vector.shape_cast %get3A_65 : vector<1x64xf32> to vector<64xf32>
      %mul3A_67 = arith.constant 3.81469727E-6 : f32
      %mul3A_68 = vector.broadcast %mul3A_67 : f32 to vector<64xf32>
      %mul3A_69 = arith.mulf %get3A_66, %mul3A_68 : vector<64xf32>
      %get3A_70 = arith.constant 0 : index
      %get3A_71 = arith.constant 0 : index
      %get3A_72 = vector.load %arg11[%get3A_70, %get3A_71] : memref<8x128xf32, #tpu.memory_space<vmem>>, vector<1x64xf32>
      %get3A_73 = vector.shape_cast %get3A_72 : vector<1x64xf32> to vector<64xf32>
      %mul3A_74 = arith.constant 3.81469727E-6 : f32
      %mul3A_75 = vector.broadcast %mul3A_74 : f32 to vector<64xf32>
      %mul3A_76 = arith.mulf %get3A_73, %mul3A_75 : vector<64xf32>
      %mul3A_77 = arith.mulf %mul3A_69, %mul3A_69 : vector<64xf32>
      %sub3A_78 = arith.subf %mul3A_76, %mul3A_77 : vector<64xf32>
      %max3A = arith.constant 0.000000e+00 : f32
      %max3A_79 = vector.broadcast %max3A : f32 to vector<64xf32>
      %max3A_80 = arith.maximumf %sub3A_78, %max3A_79 : vector<64xf32>
      %get3A_81 = arith.constant 0 : index
      %get3A_82 = arith.constant 0 : index
      %get3A_83 = vector.load %arg8[%get3A_81, %get3A_82] : memref<8x128xf32, #tpu.memory_space<vmem>>, vector<1x64xf32>
      %get3A_84 = vector.shape_cast %get3A_83 : vector<1x64xf32> to vector<64xf32>
      %get3A_85 = arith.constant 1 : index
      %get3A_86 = arith.constant 0 : index
      %get3A_87 = vector.load %arg8[%get3A_85, %get3A_86] : memref<8x128xf32, #tpu.memory_space<vmem>>, vector<1x64xf32>
      %get3A_88 = vector.shape_cast %get3A_87 : vector<1x64xf32> to vector<64xf32>
      %add3A_89 = arith.constant 9.99999974E-6 : f32
      %add3A_90 = vector.broadcast %add3A_89 : f32 to vector<64xf32>
      %add3A_91 = arith.addf %max3A_80, %add3A_90 : vector<64xf32>
      %rsqrt3A = math.rsqrt %add3A_91 : vector<64xf32>
      %mul3A_92 = arith.mulf %get3A_84, %rsqrt3A : vector<64xf32>
      %mul3A_93 = arith.mulf %mul3A_69, %mul3A_92 : vector<64xf32>
      %sub3A_94 = arith.subf %get3A_88, %mul3A_93 : vector<64xf32>
      %reshape3A_95 = vector.shape_cast %mul3A_92 : vector<64xf32> to vector<1x64xf32>
      %reshape3A_96 = vector.shape_cast %sub3A_94 : vector<64xf32> to vector<1x64xf32>
      %mul3A_97 = vector.broadcast %reshape3A_95 : vector<1x64xf32> to vector<4096x64xf32>
      %mul3A_98 = arith.mulf %sub3A, %mul3A_97 : vector<4096x64xf32>
      %add3A_99 = vector.broadcast %reshape3A_96 : vector<1x64xf32> to vector<4096x64xf32>
      %add3A_100 = arith.addf %mul3A_98, %add3A_99 : vector<4096x64xf32>
      %max3A_101 = arith.constant 0.000000e+00 : f32
      %max3A_102 = vector.broadcast %max3A_101 : f32 to vector<4096x64xf32>
      %max3A_103 = arith.maximumf %add3A_100, %max3A_102 : vector<4096x64xf32>
      %convert_element_type3A_104 = arith.truncf %max3A_103 : vector<4096x64xf32> to vector<4096x64xbf16>
      %get3A_105 = arith.constant 0 : index
      %get3A_106 = arith.constant 0 : index
      %get3A_107 = vector.load %arg5[%get3A_105, %get3A_106] : memref<64x64xf32, #tpu.memory_space<vmem>>, vector<64x64xf32>
      %convert_element_type3A_108 = arith.truncf %get3A_107 : vector<64x64xf32> to vector<64x64xbf16>
      %dot_general3A_109 = arith.constant dense<0.000000e+00> : vector<4096x64xf32>
      %dot_general3A_110 = tpu.matmul %convert_element_type3A_104, %convert_element_type3A_108, %dot_general3A_109 {dimension_numbers = #tpu.dot_dimension_numbers<[1], [0], [0], [1], [0, 0, 1, 1], [], []>, transpose_lhs_hint = false} : vector<4096x64xbf16>, vector<64x64xbf16>, vector<4096x64xf32> -> vector<4096x64xf32>
      %get3A_111 = arith.constant 1 : index
      %get3A_112 = arith.constant 0 : index
      %get3A_113 = vector.load %arg10[%get3A_111, %get3A_112] : memref<8x128xf32, #tpu.memory_space<vmem>>, vector<1x64xf32>
      %get3A_114 = vector.shape_cast %get3A_113 : vector<1x64xf32> to vector<64xf32>
      %reduce_sum3A = arith.constant dense<0.000000e+00> : vector<64xf32>
      %reduce_sum3A_115 = vector.multi_reduction <add>, %dot_general3A_110, %reduce_sum3A [0] : vector<4096x64xf32> to vector<64xf32>
      %add3A_116 = arith.addf %get3A_114, %reduce_sum3A_115 : vector<64xf32>
      %swap3A = arith.constant 1 : index
      %swap3A_117 = arith.constant 0 : index
      %swap3A_118 = vector.load %arg10[%swap3A, %swap3A_117] : memref<8x128xf32, #tpu.memory_space<vmem>>, vector<1x64xf32>
      %swap3A_119 = vector.shape_cast %swap3A_118 : vector<1x64xf32> to vector<64xf32>
      %swap3A_120 = vector.shape_cast %add3A_116 : vector<64xf32> to vector<1x64xf32>
      tpu.vector_store %arg10[%swap3A, %swap3A_117], %swap3A_120 {strides = array<i32>} : memref<8x128xf32, #tpu.memory_space<vmem>>, vector<1x64xf32>,
      %get3A_121 = arith.constant 1 : index
      %get3A_122 = arith.constant 0 : index
      %get3A_123 = vector.load %arg11[%get3A_121, %get3A_122] : memref<8x128xf32, #tpu.memory_space<vmem>>, vector<1x64xf32>
      %get3A_124 = vector.shape_cast %get3A_123 : vector<1x64xf32> to vector<64xf32>
      %mul3A_125 = arith.mulf %dot_general3A_110, %dot_general3A_110 : vector<4096x64xf32>
      %reduce_sum3A_126 = arith.constant dense<0.000000e+00> : vector<64xf32>
      %reduce_sum3A_127 = vector.multi_reduction <add>, %mul3A_125, %reduce_sum3A_126 [0] : vector<4096x64xf32> to vector<64xf32>
      %add3A_128 = arith.addf %get3A_124, %reduce_sum3A_127 : vector<64xf32>
      %swap3A_129 = arith.constant 1 : index
      %swap3A_130 = arith.constant 0 : index
      %swap3A_131 = vector.load %arg11[%swap3A_129, %swap3A_130] : memref<8x128xf32, #tpu.memory_space<vmem>>, vector<1x64xf32>
      %swap3A_132 = vector.shape_cast %swap3A_131 : vector<1x64xf32> to vector<64xf32>
      %swap3A_133 = vector.shape_cast %add3A_128 : vector<64xf32> to vector<1x64xf32>
      tpu.vector_store %arg11[%swap3A_129, %swap3A_130], %swap3A_133 {strides = array<i32>} : memref<8x128xf32, #tpu.memory_space<vmem>>, vector<1x64xf32>,
    } else {
    }
    %eq3A_47 = arith.constant 2 : i32
    %eq3A_48 = arith.cmpi eq, %arg0, %eq3A_47 : i32
    %convert_element_type3A_49 = arith.extui %eq3A_48 : i1 to i32
    %cond3A_50 = arith.constant 0 : i32
    %cond3A_51 = arith.cmpi ne, %convert_element_type3A_49, %cond3A_50 : i32
    scf.if %cond3A_51 {
      %convert_element_type3A_57 = arith.truncf %reshape3A : vector<4096x128xf32> to vector<4096x128xbf16>
      %get3A_58 = arith.constant 0 : index
      %get3A_59 = arith.constant 0 : index
      %get3A_60 = vector.load %arg4[%get3A_58, %get3A_59] : memref<128x64xf32, #tpu.memory_space<vmem>>, vector<128x64xf32>
      %convert_element_type3A_61 = arith.truncf %get3A_60 : vector<128x64xf32> to vector<128x64xbf16>
      %dot_general3A = arith.constant dense<0.000000e+00> : vector<4096x64xf32>
      %dot_general3A_62 = tpu.matmul %convert_element_type3A_57, %convert_element_type3A_61, %dot_general3A {dimension_numbers = #tpu.dot_dimension_numbers<[1], [0], [0], [1], [0, 0, 1, 1], [], []>, transpose_lhs_hint = false} : vector<4096x128xbf16>, vector<128x64xbf16>, vector<4096x64xf32> -> vector<4096x64xf32>
      %sub3A = arith.subf %dot_general3A_62, %reshape3A_36 : vector<4096x64xf32>
      %get3A_63 = arith.constant 0 : index
      %get3A_64 = arith.constant 0 : index
      %get3A_65 = vector.load %arg10[%get3A_63, %get3A_64] : memref<8x128xf32, #tpu.memory_space<vmem>>, vector<1x64xf32>
      %get3A_66 = vector.shape_cast %get3A_65 : vector<1x64xf32> to vector<64xf32>
      %mul3A_67 = arith.constant 3.81469727E-6 : f32
      %mul3A_68 = vector.broadcast %mul3A_67 : f32 to vector<64xf32>
      %mul3A_69 = arith.mulf %get3A_66, %mul3A_68 : vector<64xf32>
      %get3A_70 = arith.constant 0 : index
      %get3A_71 = arith.constant 0 : index
      %get3A_72 = vector.load %arg11[%get3A_70, %get3A_71] : memref<8x128xf32, #tpu.memory_space<vmem>>, vector<1x64xf32>
      %get3A_73 = vector.shape_cast %get3A_72 : vector<1x64xf32> to vector<64xf32>
      %mul3A_74 = arith.constant 3.81469727E-6 : f32
      %mul3A_75 = vector.broadcast %mul3A_74 : f32 to vector<64xf32>
      %mul3A_76 = arith.mulf %get3A_73, %mul3A_75 : vector<64xf32>
      %mul3A_77 = arith.mulf %mul3A_69, %mul3A_69 : vector<64xf32>
      %sub3A_78 = arith.subf %mul3A_76, %mul3A_77 : vector<64xf32>
      %max3A = arith.constant 0.000000e+00 : f32
      %max3A_79 = vector.broadcast %max3A : f32 to vector<64xf32>
      %max3A_80 = arith.maximumf %sub3A_78, %max3A_79 : vector<64xf32>
      %get3A_81 = arith.constant 0 : index
      %get3A_82 = arith.constant 0 : index
      %get3A_83 = vector.load %arg8[%get3A_81, %get3A_82] : memref<8x128xf32, #tpu.memory_space<vmem>>, vector<1x64xf32>
      %get3A_84 = vector.shape_cast %get3A_83 : vector<1x64xf32> to vector<64xf32>
      %get3A_85 = arith.constant 1 : index
      %get3A_86 = arith.constant 0 : index
      %get3A_87 = vector.load %arg8[%get3A_85, %get3A_86] : memref<8x128xf32, #tpu.memory_space<vmem>>, vector<1x64xf32>
      %get3A_88 = vector.shape_cast %get3A_87 : vector<1x64xf32> to vector<64xf32>
      %add3A_89 = arith.constant 9.99999974E-6 : f32
      %add3A_90 = vector.broadcast %add3A_89 : f32 to vector<64xf32>
      %add3A_91 = arith.addf %max3A_80, %add3A_90 : vector<64xf32>
      %rsqrt3A = math.rsqrt %add3A_91 : vector<64xf32>
      %mul3A_92 = arith.mulf %get3A_84, %rsqrt3A : vector<64xf32>
      %mul3A_93 = arith.mulf %mul3A_69, %mul3A_92 : vector<64xf32>
      %sub3A_94 = arith.subf %get3A_88, %mul3A_93 : vector<64xf32>
      %reshape3A_95 = vector.shape_cast %mul3A_92 : vector<64xf32> to vector<1x64xf32>
      %reshape3A_96 = vector.shape_cast %sub3A_94 : vector<64xf32> to vector<1x64xf32>
      %mul3A_97 = vector.broadcast %reshape3A_95 : vector<1x64xf32> to vector<4096x64xf32>
      %mul3A_98 = arith.mulf %sub3A, %mul3A_97 : vector<4096x64xf32>
      %add3A_99 = vector.broadcast %reshape3A_96 : vector<1x64xf32> to vector<4096x64xf32>
      %add3A_100 = arith.addf %mul3A_98, %add3A_99 : vector<4096x64xf32>
      %max3A_101 = arith.constant 0.000000e+00 : f32
      %max3A_102 = vector.broadcast %max3A_101 : f32 to vector<4096x64xf32>
      %max3A_103 = arith.maximumf %add3A_100, %max3A_102 : vector<4096x64xf32>
      %convert_element_type3A_104 = arith.truncf %max3A_103 : vector<4096x64xf32> to vector<4096x64xbf16>
      %get3A_105 = arith.constant 0 : index
      %get3A_106 = arith.constant 0 : index
      %get3A_107 = vector.load %arg5[%get3A_105, %get3A_106] : memref<64x64xf32, #tpu.memory_space<vmem>>, vector<64x64xf32>
      %convert_element_type3A_108 = arith.truncf %get3A_107 : vector<64x64xf32> to vector<64x64xbf16>
      %dot_general3A_109 = arith.constant dense<0.000000e+00> : vector<4096x64xf32>
      %dot_general3A_110 = tpu.matmul %convert_element_type3A_104, %convert_element_type3A_108, %dot_general3A_109 {dimension_numbers = #tpu.dot_dimension_numbers<[1], [0], [0], [1], [0, 0, 1, 1], [], []>, transpose_lhs_hint = false} : vector<4096x64xbf16>, vector<64x64xbf16>, vector<4096x64xf32> -> vector<4096x64xf32>
      %get3A_111 = arith.constant 1 : index
      %get3A_112 = arith.constant 0 : index
      %get3A_113 = vector.load %arg10[%get3A_111, %get3A_112] : memref<8x128xf32, #tpu.memory_space<vmem>>, vector<1x64xf32>
      %get3A_114 = vector.shape_cast %get3A_113 : vector<1x64xf32> to vector<64xf32>
      %mul3A_115 = arith.constant 3.81469727E-6 : f32
      %mul3A_116 = vector.broadcast %mul3A_115 : f32 to vector<64xf32>
      %mul3A_117 = arith.mulf %get3A_114, %mul3A_116 : vector<64xf32>
      %get3A_118 = arith.constant 1 : index
      %get3A_119 = arith.constant 0 : index
      %get3A_120 = vector.load %arg11[%get3A_118, %get3A_119] : memref<8x128xf32, #tpu.memory_space<vmem>>, vector<1x64xf32>
      %get3A_121 = vector.shape_cast %get3A_120 : vector<1x64xf32> to vector<64xf32>
      %mul3A_122 = arith.constant 3.81469727E-6 : f32
      %mul3A_123 = vector.broadcast %mul3A_122 : f32 to vector<64xf32>
      %mul3A_124 = arith.mulf %get3A_121, %mul3A_123 : vector<64xf32>
      %mul3A_125 = arith.mulf %mul3A_117, %mul3A_117 : vector<64xf32>
      %sub3A_126 = arith.subf %mul3A_124, %mul3A_125 : vector<64xf32>
      %max3A_127 = arith.constant 0.000000e+00 : f32
      %max3A_128 = vector.broadcast %max3A_127 : f32 to vector<64xf32>
      %max3A_129 = arith.maximumf %sub3A_126, %max3A_128 : vector<64xf32>
      %get3A_130 = arith.constant 2 : index
      %get3A_131 = arith.constant 0 : index
      %get3A_132 = vector.load %arg8[%get3A_130, %get3A_131] : memref<8x128xf32, #tpu.memory_space<vmem>>, vector<1x64xf32>
      %get3A_133 = vector.shape_cast %get3A_132 : vector<1x64xf32> to vector<64xf32>
      %get3A_134 = arith.constant 3 : index
      %get3A_135 = arith.constant 0 : index
      %get3A_136 = vector.load %arg8[%get3A_134, %get3A_135] : memref<8x128xf32, #tpu.memory_space<vmem>>, vector<1x64xf32>
      %get3A_137 = vector.shape_cast %get3A_136 : vector<1x64xf32> to vector<64xf32>
      %add3A_138 = arith.constant 9.99999974E-6 : f32
      %add3A_139 = vector.broadcast %add3A_138 : f32 to vector<64xf32>
      %add3A_140 = arith.addf %max3A_129, %add3A_139 : vector<64xf32>
      %rsqrt3A_141 = math.rsqrt %add3A_140 : vector<64xf32>
      %mul3A_142 = arith.mulf %get3A_133, %rsqrt3A_141 : vector<64xf32>
      %mul3A_143 = arith.mulf %mul3A_117, %mul3A_142 : vector<64xf32>
      %sub3A_144 = arith.subf %get3A_137, %mul3A_143 : vector<64xf32>
      %reshape3A_145 = vector.shape_cast %mul3A_142 : vector<64xf32> to vector<1x64xf32>
      %reshape3A_146 = vector.shape_cast %sub3A_144 : vector<64xf32> to vector<1x64xf32>
      %mul3A_147 = vector.broadcast %reshape3A_145 : vector<1x64xf32> to vector<4096x64xf32>
      %mul3A_148 = arith.mulf %dot_general3A_110, %mul3A_147 : vector<4096x64xf32>
      %add3A_149 = vector.broadcast %reshape3A_146 : vector<1x64xf32> to vector<4096x64xf32>
      %add3A_150 = arith.addf %mul3A_148, %add3A_149 : vector<4096x64xf32>
      %max3A_151 = arith.constant 0.000000e+00 : f32
      %max3A_152 = vector.broadcast %max3A_151 : f32 to vector<4096x64xf32>
      %max3A_153 = arith.maximumf %add3A_150, %max3A_152 : vector<4096x64xf32>
      %convert_element_type3A_154 = arith.truncf %max3A_153 : vector<4096x64xf32> to vector<4096x64xbf16>
      %get3A_155 = arith.constant 0 : index
      %get3A_156 = arith.constant 0 : index
      %get3A_157 = vector.load %arg6[%get3A_155, %get3A_156] : memref<64x128xf32, #tpu.memory_space<vmem>>, vector<64x128xf32>
      %convert_element_type3A_158 = arith.truncf %get3A_157 : vector<64x128xf32> to vector<64x128xbf16>
      %dot_general3A_159 = arith.constant dense<0.000000e+00> : vector<4096x128xf32>
      %dot_general3A_160 = tpu.matmul %convert_element_type3A_154, %convert_element_type3A_158, %dot_general3A_159 {dimension_numbers = #tpu.dot_dimension_numbers<[1], [0], [0], [1], [0, 0, 1, 1], [], []>, transpose_lhs_hint = false} : vector<4096x64xbf16>, vector<64x128xbf16>, vector<4096x128xf32> -> vector<4096x128xf32>
      %get3A_161 = arith.constant 2 : index
      %get3A_162 = arith.constant 0 : index
      %get3A_163 = vector.load %arg10[%get3A_161, %get3A_162] : memref<8x128xf32, #tpu.memory_space<vmem>>, vector<1x128xf32>
      %get3A_164 = vector.shape_cast %get3A_163 : vector<1x128xf32> to vector<128xf32>
      %reduce_sum3A = arith.constant dense<0.000000e+00> : vector<128xf32>
      %reduce_sum3A_165 = vector.multi_reduction <add>, %dot_general3A_160, %reduce_sum3A [0] : vector<4096x128xf32> to vector<128xf32>
      %add3A_166 = arith.addf %get3A_164, %reduce_sum3A_165 : vector<128xf32>
      %swap3A = arith.constant 2 : index
      %swap3A_167 = arith.constant 0 : index
      %swap3A_168 = vector.load %arg10[%swap3A, %swap3A_167] : memref<8x128xf32, #tpu.memory_space<vmem>>, vector<1x128xf32>
      %swap3A_169 = vector.shape_cast %swap3A_168 : vector<1x128xf32> to vector<128xf32>
      %swap3A_170 = vector.shape_cast %add3A_166 : vector<128xf32> to vector<1x128xf32>
      tpu.vector_store %arg10[%swap3A, %swap3A_167], %swap3A_170 {strides = array<i32>} : memref<8x128xf32, #tpu.memory_space<vmem>>, vector<1x128xf32>,
      %get3A_171 = arith.constant 2 : index
      %get3A_172 = arith.constant 0 : index
      %get3A_173 = vector.load %arg11[%get3A_171, %get3A_172] : memref<8x128xf32, #tpu.memory_space<vmem>>, vector<1x128xf32>
      %get3A_174 = vector.shape_cast %get3A_173 : vector<1x128xf32> to vector<128xf32>
      %mul3A_175 = arith.mulf %dot_general3A_160, %dot_general3A_160 : vector<4096x128xf32>
      %reduce_sum3A_176 = arith.constant dense<0.000000e+00> : vector<128xf32>
      %reduce_sum3A_177 = vector.multi_reduction <add>, %mul3A_175, %reduce_sum3A_176 [0] : vector<4096x128xf32> to vector<128xf32>
      %add3A_178 = arith.addf %get3A_174, %reduce_sum3A_177 : vector<128xf32>
      %swap3A_179 = arith.constant 2 : index
      %swap3A_180 = arith.constant 0 : index
      %swap3A_181 = vector.load %arg11[%swap3A_179, %swap3A_180] : memref<8x128xf32, #tpu.memory_space<vmem>>, vector<1x128xf32>
      %swap3A_182 = vector.shape_cast %swap3A_181 : vector<1x128xf32> to vector<128xf32>
      %swap3A_183 = vector.shape_cast %add3A_178 : vector<128xf32> to vector<1x128xf32>
      tpu.vector_store %arg11[%swap3A_179, %swap3A_180], %swap3A_183 {strides = array<i32>} : memref<8x128xf32, #tpu.memory_space<vmem>>, vector<1x128xf32>,
    } else {
    }
    %eq3A_52 = arith.constant 3 : i32
    %eq3A_53 = arith.cmpi eq, %arg0, %eq3A_52 : i32
    %convert_element_type3A_54 = arith.extui %eq3A_53 : i1 to i32
    %cond3A_55 = arith.constant 0 : i32
    %cond3A_56 = arith.cmpi ne, %convert_element_type3A_54, %cond3A_55 : i32
    scf.if %cond3A_56 {
      %convert_element_type3A_57 = arith.truncf %reshape3A : vector<4096x128xf32> to vector<4096x128xbf16>
      %get3A_58 = arith.constant 0 : index
      %get3A_59 = arith.constant 0 : index
      %get3A_60 = vector.load %arg4[%get3A_58, %get3A_59] : memref<128x64xf32, #tpu.memory_space<vmem>>, vector<128x64xf32>
      %convert_element_type3A_61 = arith.truncf %get3A_60 : vector<128x64xf32> to vector<128x64xbf16>
      %dot_general3A = arith.constant dense<0.000000e+00> : vector<4096x64xf32>
      %dot_general3A_62 = tpu.matmul %convert_element_type3A_57, %convert_element_type3A_61, %dot_general3A {dimension_numbers = #tpu.dot_dimension_numbers<[1], [0], [0], [1], [0, 0, 1, 1], [], []>, transpose_lhs_hint = false} : vector<4096x128xbf16>, vector<128x64xbf16>, vector<4096x64xf32> -> vector<4096x64xf32>
      %sub3A = arith.subf %dot_general3A_62, %reshape3A_36 : vector<4096x64xf32>
      %get3A_63 = arith.constant 0 : index
      %get3A_64 = arith.constant 0 : index
      %get3A_65 = vector.load %arg10[%get3A_63, %get3A_64] : memref<8x128xf32, #tpu.memory_space<vmem>>, vector<1x64xf32>
      %get3A_66 = vector.shape_cast %get3A_65 : vector<1x64xf32> to vector<64xf32>
      %mul3A_67 = arith.constant 3.81469727E-6 : f32
      %mul3A_68 = vector.broadcast %mul3A_67 : f32 to vector<64xf32>
      %mul3A_69 = arith.mulf %get3A_66, %mul3A_68 : vector<64xf32>
      %get3A_70 = arith.constant 0 : index
      %get3A_71 = arith.constant 0 : index
      %get3A_72 = vector.load %arg11[%get3A_70, %get3A_71] : memref<8x128xf32, #tpu.memory_space<vmem>>, vector<1x64xf32>
      %get3A_73 = vector.shape_cast %get3A_72 : vector<1x64xf32> to vector<64xf32>
      %mul3A_74 = arith.constant 3.81469727E-6 : f32
      %mul3A_75 = vector.broadcast %mul3A_74 : f32 to vector<64xf32>
      %mul3A_76 = arith.mulf %get3A_73, %mul3A_75 : vector<64xf32>
      %mul3A_77 = arith.mulf %mul3A_69, %mul3A_69 : vector<64xf32>
      %sub3A_78 = arith.subf %mul3A_76, %mul3A_77 : vector<64xf32>
      %max3A = arith.constant 0.000000e+00 : f32
      %max3A_79 = vector.broadcast %max3A : f32 to vector<64xf32>
      %max3A_80 = arith.maximumf %sub3A_78, %max3A_79 : vector<64xf32>
      %get3A_81 = arith.constant 0 : index
      %get3A_82 = arith.constant 0 : index
      %get3A_83 = vector.load %arg8[%get3A_81, %get3A_82] : memref<8x128xf32, #tpu.memory_space<vmem>>, vector<1x64xf32>
      %get3A_84 = vector.shape_cast %get3A_83 : vector<1x64xf32> to vector<64xf32>
      %get3A_85 = arith.constant 1 : index
      %get3A_86 = arith.constant 0 : index
      %get3A_87 = vector.load %arg8[%get3A_85, %get3A_86] : memref<8x128xf32, #tpu.memory_space<vmem>>, vector<1x64xf32>
      %get3A_88 = vector.shape_cast %get3A_87 : vector<1x64xf32> to vector<64xf32>
      %add3A_89 = arith.constant 9.99999974E-6 : f32
      %add3A_90 = vector.broadcast %add3A_89 : f32 to vector<64xf32>
      %add3A_91 = arith.addf %max3A_80, %add3A_90 : vector<64xf32>
      %rsqrt3A = math.rsqrt %add3A_91 : vector<64xf32>
      %mul3A_92 = arith.mulf %get3A_84, %rsqrt3A : vector<64xf32>
      %mul3A_93 = arith.mulf %mul3A_69, %mul3A_92 : vector<64xf32>
      %sub3A_94 = arith.subf %get3A_88, %mul3A_93 : vector<64xf32>
      %reshape3A_95 = vector.shape_cast %mul3A_92 : vector<64xf32> to vector<1x64xf32>
      %reshape3A_96 = vector.shape_cast %sub3A_94 : vector<64xf32> to vector<1x64xf32>
      %mul3A_97 = vector.broadcast %reshape3A_95 : vector<1x64xf32> to vector<4096x64xf32>
      %mul3A_98 = arith.mulf %sub3A, %mul3A_97 : vector<4096x64xf32>
      %add3A_99 = vector.broadcast %reshape3A_96 : vector<1x64xf32> to vector<4096x64xf32>
      %add3A_100 = arith.addf %mul3A_98, %add3A_99 : vector<4096x64xf32>
      %max3A_101 = arith.constant 0.000000e+00 : f32
      %max3A_102 = vector.broadcast %max3A_101 : f32 to vector<4096x64xf32>
      %max3A_103 = arith.maximumf %add3A_100, %max3A_102 : vector<4096x64xf32>
      %convert_element_type3A_104 = arith.truncf %max3A_103 : vector<4096x64xf32> to vector<4096x64xbf16>
      %get3A_105 = arith.constant 0 : index
      %get3A_106 = arith.constant 0 : index
      %get3A_107 = vector.load %arg5[%get3A_105, %get3A_106] : memref<64x64xf32, #tpu.memory_space<vmem>>, vector<64x64xf32>
      %convert_element_type3A_108 = arith.truncf %get3A_107 : vector<64x64xf32> to vector<64x64xbf16>
      %dot_general3A_109 = arith.constant dense<0.000000e+00> : vector<4096x64xf32>
      %dot_general3A_110 = tpu.matmul %convert_element_type3A_104, %convert_element_type3A_108, %dot_general3A_109 {dimension_numbers = #tpu.dot_dimension_numbers<[1], [0], [0], [1], [0, 0, 1, 1], [], []>, transpose_lhs_hint = false} : vector<4096x64xbf16>, vector<64x64xbf16>, vector<4096x64xf32> -> vector<4096x64xf32>
      %get3A_111 = arith.constant 1 : index
      %get3A_112 = arith.constant 0 : index
      %get3A_113 = vector.load %arg10[%get3A_111, %get3A_112] : memref<8x128xf32, #tpu.memory_space<vmem>>, vector<1x64xf32>
      %get3A_114 = vector.shape_cast %get3A_113 : vector<1x64xf32> to vector<64xf32>
      %mul3A_115 = arith.constant 3.81469727E-6 : f32
      %mul3A_116 = vector.broadcast %mul3A_115 : f32 to vector<64xf32>
      %mul3A_117 = arith.mulf %get3A_114, %mul3A_116 : vector<64xf32>
      %get3A_118 = arith.constant 1 : index
      %get3A_119 = arith.constant 0 : index
      %get3A_120 = vector.load %arg11[%get3A_118, %get3A_119] : memref<8x128xf32, #tpu.memory_space<vmem>>, vector<1x64xf32>
      %get3A_121 = vector.shape_cast %get3A_120 : vector<1x64xf32> to vector<64xf32>
      %mul3A_122 = arith.constant 3.81469727E-6 : f32
      %mul3A_123 = vector.broadcast %mul3A_122 : f32 to vector<64xf32>
      %mul3A_124 = arith.mulf %get3A_121, %mul3A_123 : vector<64xf32>
      %mul3A_125 = arith.mulf %mul3A_117, %mul3A_117 : vector<64xf32>
      %sub3A_126 = arith.subf %mul3A_124, %mul3A_125 : vector<64xf32>
      %max3A_127 = arith.constant 0.000000e+00 : f32
      %max3A_128 = vector.broadcast %max3A_127 : f32 to vector<64xf32>
      %max3A_129 = arith.maximumf %sub3A_126, %max3A_128 : vector<64xf32>
      %get3A_130 = arith.constant 2 : index
      %get3A_131 = arith.constant 0 : index
      %get3A_132 = vector.load %arg8[%get3A_130, %get3A_131] : memref<8x128xf32, #tpu.memory_space<vmem>>, vector<1x64xf32>
      %get3A_133 = vector.shape_cast %get3A_132 : vector<1x64xf32> to vector<64xf32>
      %get3A_134 = arith.constant 3 : index
      %get3A_135 = arith.constant 0 : index
      %get3A_136 = vector.load %arg8[%get3A_134, %get3A_135] : memref<8x128xf32, #tpu.memory_space<vmem>>, vector<1x64xf32>
      %get3A_137 = vector.shape_cast %get3A_136 : vector<1x64xf32> to vector<64xf32>
      %add3A_138 = arith.constant 9.99999974E-6 : f32
      %add3A_139 = vector.broadcast %add3A_138 : f32 to vector<64xf32>
      %add3A_140 = arith.addf %max3A_129, %add3A_139 : vector<64xf32>
      %rsqrt3A_141 = math.rsqrt %add3A_140 : vector<64xf32>
      %mul3A_142 = arith.mulf %get3A_133, %rsqrt3A_141 : vector<64xf32>
      %mul3A_143 = arith.mulf %mul3A_117, %mul3A_142 : vector<64xf32>
      %sub3A_144 = arith.subf %get3A_137, %mul3A_143 : vector<64xf32>
      %reshape3A_145 = vector.shape_cast %mul3A_142 : vector<64xf32> to vector<1x64xf32>
      %reshape3A_146 = vector.shape_cast %sub3A_144 : vector<64xf32> to vector<1x64xf32>
      %mul3A_147 = vector.broadcast %reshape3A_145 : vector<1x64xf32> to vector<4096x64xf32>
      %mul3A_148 = arith.mulf %dot_general3A_110, %mul3A_147 : vector<4096x64xf32>
      %add3A_149 = vector.broadcast %reshape3A_146 : vector<1x64xf32> to vector<4096x64xf32>
      %add3A_150 = arith.addf %mul3A_148, %add3A_149 : vector<4096x64xf32>
      %max3A_151 = arith.constant 0.000000e+00 : f32
      %max3A_152 = vector.broadcast %max3A_151 : f32 to vector<4096x64xf32>
      %max3A_153 = arith.maximumf %add3A_150, %max3A_152 : vector<4096x64xf32>
      %convert_element_type3A_154 = arith.truncf %max3A_153 : vector<4096x64xf32> to vector<4096x64xbf16>
      %get3A_155 = arith.constant 0 : index
      %get3A_156 = arith.constant 0 : index
      %get3A_157 = vector.load %arg6[%get3A_155, %get3A_156] : memref<64x128xf32, #tpu.memory_space<vmem>>, vector<64x128xf32>
      %convert_element_type3A_158 = arith.truncf %get3A_157 : vector<64x128xf32> to vector<64x128xbf16>
      %dot_general3A_159 = arith.constant dense<0.000000e+00> : vector<4096x128xf32>
      %dot_general3A_160 = tpu.matmul %convert_element_type3A_154, %convert_element_type3A_158, %dot_general3A_159 {dimension_numbers = #tpu.dot_dimension_numbers<[1], [0], [0], [1], [0, 0, 1, 1], [], []>, transpose_lhs_hint = false} : vector<4096x64xbf16>, vector<64x128xbf16>, vector<4096x128xf32> -> vector<4096x128xf32>
      %get3A_161 = arith.constant 2 : index
      %get3A_162 = arith.constant 0 : index
      %get3A_163 = vector.load %arg10[%get3A_161, %get3A_162] : memref<8x128xf32, #tpu.memory_space<vmem>>, vector<1x128xf32>
      %get3A_164 = vector.shape_cast %get3A_163 : vector<1x128xf32> to vector<128xf32>
      %mul3A_165 = arith.constant 3.81469727E-6 : f32
      %mul3A_166 = vector.broadcast %mul3A_165 : f32 to vector<128xf32>
      %mul3A_167 = arith.mulf %get3A_164, %mul3A_166 : vector<128xf32>
      %get3A_168 = arith.constant 2 : index
      %get3A_169 = arith.constant 0 : index
      %get3A_170 = vector.load %arg11[%get3A_168, %get3A_169] : memref<8x128xf32, #tpu.memory_space<vmem>>, vector<1x128xf32>
      %get3A_171 = vector.shape_cast %get3A_170 : vector<1x128xf32> to vector<128xf32>
      %mul3A_172 = arith.constant 3.81469727E-6 : f32
      %mul3A_173 = vector.broadcast %mul3A_172 : f32 to vector<128xf32>
      %mul3A_174 = arith.mulf %get3A_171, %mul3A_173 : vector<128xf32>
      %mul3A_175 = arith.mulf %mul3A_167, %mul3A_167 : vector<128xf32>
      %sub3A_176 = arith.subf %mul3A_174, %mul3A_175 : vector<128xf32>
      %max3A_177 = arith.constant 0.000000e+00 : f32
      %max3A_178 = vector.broadcast %max3A_177 : f32 to vector<128xf32>
      %max3A_179 = arith.maximumf %sub3A_176, %max3A_178 : vector<128xf32>
      %get3A_180 = arith.constant 4 : index
      %get3A_181 = arith.constant 0 : index
      %get3A_182 = vector.load %arg8[%get3A_180, %get3A_181] : memref<8x128xf32, #tpu.memory_space<vmem>>, vector<1x128xf32>
      %get3A_183 = vector.shape_cast %get3A_182 : vector<1x128xf32> to vector<128xf32>
      %get3A_184 = arith.constant 5 : index
      %get3A_185 = arith.constant 0 : index
      %get3A_186 = vector.load %arg8[%get3A_184, %get3A_185] : memref<8x128xf32, #tpu.memory_space<vmem>>, vector<1x128xf32>
      %get3A_187 = vector.shape_cast %get3A_186 : vector<1x128xf32> to vector<128xf32>
      %add3A_188 = arith.constant 9.99999974E-6 : f32
      %add3A_189 = vector.broadcast %add3A_188 : f32 to vector<128xf32>
      %add3A_190 = arith.addf %max3A_179, %add3A_189 : vector<128xf32>
      %rsqrt3A_191 = math.rsqrt %add3A_190 : vector<128xf32>
      %mul3A_192 = arith.mulf %get3A_183, %rsqrt3A_191 : vector<128xf32>
      %mul3A_193 = arith.mulf %mul3A_167, %mul3A_192 : vector<128xf32>
      %sub3A_194 = arith.subf %get3A_187, %mul3A_193 : vector<128xf32>
      %reshape3A_195 = vector.shape_cast %mul3A_192 : vector<128xf32> to vector<1x128xf32>
      %reshape3A_196 = vector.shape_cast %sub3A_194 : vector<128xf32> to vector<1x128xf32>
      %mul3A_197 = vector.broadcast %reshape3A_195 : vector<1x128xf32> to vector<4096x128xf32>
      %mul3A_198 = arith.mulf %dot_general3A_160, %mul3A_197 : vector<4096x128xf32>
      %add3A_199 = vector.broadcast %reshape3A_196 : vector<1x128xf32> to vector<4096x128xf32>
      %add3A_200 = arith.addf %mul3A_198, %add3A_199 : vector<4096x128xf32>
      %max3A_201 = arith.constant 0.000000e+00 : f32
      %max3A_202 = vector.broadcast %max3A_201 : f32 to vector<4096x128xf32>
      %max3A_203 = arith.maximumf %add3A_200, %max3A_202 : vector<4096x128xf32>
      %reshape3A_204 = vector.shape_cast %max3A_203 : vector<4096x128xf32> to vector<128x32x128xf32>
      %reduce_max3A = arith.constant dense<0xFF800000> : vector<128x128xf32>
      %reduce_max3A_205 = vector.multi_reduction <maximumf>, %reshape3A_204, %reduce_max3A [1] : vector<128x32x128xf32> to vector<128x128xf32>
      %swap3A = arith.constant 0 : index
      %swap3A_206 = arith.constant 0 : index
      %swap3A_207 = vector.load %arg9[%swap3A, %swap3A_206] : memref<128x128xf32, #tpu.memory_space<vmem>>, vector<128x128xf32>
      tpu.vector_store %arg9[%swap3A, %swap3A_206], %reduce_max3A_205 {strides = array<i32>} : memref<128x128xf32, #tpu.memory_space<vmem>>, vector<128x128xf32>,
    } else {
    }
    return
  }
  func.func @transform_0(%arg0: i32, %arg1: i32) -> (i32, i32, i32) {
    %c0_i32 = arith.constant 0 : i32
    %c0_i32_0 = arith.constant 0 : i32
    %c0_i32_1 = arith.constant 0 : i32
    return %arg1, %c0_i32, %c0_i32_0 : i32, i32, i32
  }
  func.func @transform_1(%arg0: i32, %arg1: i32) -> (i32, i32) {
    %c0_i32 = arith.constant 0 : i32
    %c0_i32_0 = arith.constant 0 : i32
    return %arg1, %c0_i32 : i32, i32
  }
  func.func @transform_2(%arg0: i32, %arg1: i32) -> (i32, i32) {
    %c0_i32 = arith.constant 0 : i32
    %c0_i32_0 = arith.constant 0 : i32
    %c0_i32_1 = arith.constant 0 : i32
    return %c0_i32, %c0_i32_0 : i32, i32
  }
  func.func @transform_3(%arg0: i32, %arg1: i32) -> (i32, i32) {
    %c0_i32 = arith.constant 0 : i32
    %c0_i32_0 = arith.constant 0 : i32
    %c0_i32_1 = arith.constant 0 : i32
    return %c0_i32, %c0_i32_0 : i32, i32
  }
  func.func @transform_4(%arg0: i32, %arg1: i32) -> (i32, i32) {
    %c0_i32 = arith.constant 0 : i32
    %c0_i32_0 = arith.constant 0 : i32
    %c0_i32_1 = arith.constant 0 : i32
    return %c0_i32, %c0_i32_0 : i32, i32
  }
  func.func @transform_5(%arg0: i32, %arg1: i32) -> (i32, i32) {
    %c0_i32 = arith.constant 0 : i32
    %c0_i32_0 = arith.constant 0 : i32
    %c0_i32_1 = arith.constant 0 : i32
    return %c0_i32, %c0_i32_0 : i32, i32
  }
  func.func @transform_6(%arg0: i32, %arg1: i32) -> (i32, i32) {
    %c0_i32 = arith.constant 0 : i32
    %c0_i32_0 = arith.constant 0 : i32
    %c0_i32_1 = arith.constant 0 : i32
    return %c0_i32, %c0_i32_0 : i32, i32
  }
  func.func @transform_7(%arg0: i32, %arg1: i32) -> (i32, i32) {
    %c0_i32 = arith.constant 0 : i32
    %c0_i32_0 = arith.constant 0 : i32
    return %arg1, %c0_i32 : i32, i32
  }
}

</mosaic_0001>

<sc_bundles>
// kernel: kernel.6.cloned.1.call-start
scs
__scs_entry_jumppad:
0x0: {  	(pc) =	sbr.rel $0x88, $3  }
0x1: {  	(tag) =	ssettag $0x0;
	lr =	simm.s32 $0x1  }
0x2: {  	[smem:$0x3F95] =	sst lr;
	_ =	strace $0xD0000000  }
0x3: {  	_ = 	snop  }
0x4: {  	_ = 	snop  }
0x5: {  	_ = 	snop  }
0x6: {  	_ = 	snop  }
0x7: {  	_ = 	snop  }
__scs_overlays_trampoline_lowered:
0x8: {  	[smem:$0x3FA4] =	sst s0  }
0x9: {  	[smem:$0x3FA5] =	sst s1  }
0xa: {  	[smem:$0x3FA6] =	sst s2  }
0xb: {  	[smem:$0x3FA7] =	sst s3  }
0xc: {  	[smem:$0x3FA8] =	sst s4  }
0xd: {  	[smem:$0x3FA9] =	sst s5  }
0xe: {  	[smem:$0x3FAA] =	sst s6  }
0xf: {  	[smem:$0x3FAB] =	sst s7  }
0x10: {  	[smem:$0x3FAC] =	sst s8  }
0x11: {  	[smem:$0x3FAD] =	sst s9;
	s0 =	simm.s32 @!p0 $0x0  }
0x12: {  	s1 =	sld [smem:$0x3F93];
	s0 =	simm.s32 @p0 $0x1  }
0x13: {  	[smem:$0x3FAE] =	sst s0;
	s0 =	simm.s32 @!p1 $0x0  }
0x14: {  	s2 =	sld [smem:$0x3F92];
	s0 =	simm.s32 @p1 $0x1  }
0x15: {  	[smem:$0x3FAF] =	sst s0;
	s0 =	simm.s32 @!p2 $0x0  }
0x16: {  	s3 =	sld [smem:$0x3FDB];
	s0 =	simm.s32 @p2 $0x1  }
0x17: {  	s4 =	simm.s32 $0x1BF5;
	[smem:$0x3FB1] =	sst s0  }
0x18: {  	s0 =	sld [smem:$0x3F94];
	_ =	swait.ge [sflag:s4], $0x0  }
0x19: {  	s7 =	sld [smem:$0x3F95]  }
0x1a: {  	s8 =	sadd.s32 $0xFFFFE003, lr  }
0x1b: {  	s9 =	sadd.s32 $0xFFFFFEF7, lr;
	s5 =	simm.s32 $0xFFFFFFFF;
	p2 =	slt.u32 s8, $0xFFFFF086  }
0x1c: {  	p1 =	slt.u32 s9, $0xF7A;
	s5 =	simm.s32 @!p2 $0x0  }
0x1d: {  	s5 =	simm.s32 @p1 $0x1;
	p0 =	seq.s32 s7, s2  }
0x1e: {  	s7 =	smul.u32 @!p0 $0xF7A, s2;
	p2 =	seq.s32 @!p0 s5, $0x0  }
0x1f: {  	s9 =	smul.u32 $0xF7A, s1;
	s8 =	simm.s32 @!p0 $0x1BF5;
	p2 =	por !p2, p0  }
0x20: {  	[sflag:s8] =	ssyncset.s32 @!p0 $0xFFFFF086;
	s6 =	sadd.s32 @!p0 s3, s7;
	s7 =	simm.s32 @!p0 $0x108  }
0x21: {  	s3 =	sadd.s32 s3, s9;
	s6 =	sadd.s32 @!p0 $0x88, s6;
	s7 =	simm.s32 @p2 $0x1082  }
0x22: {  	[simem:s7], [sflag:s8] =	dma.local @!p0 [hbm:s6], $0xF7A  }
0x23: {  	s9 =	sor.u32 $0xD0000000, s2;
	s6 =	simm.s32 $0x108;
	_ =	swait.ge @!p0 [sflag:s8], $0x0  }
0x24: {  	s3 =	sadd.s32 $0x88, s3;
	s6 =	simm.s32 @!p1 $0x1082;
	[sflag:s4] =	ssyncset.s32 $0xFFFFF086  }
0x25: {  	[simem:s6], [sflag:s4] =	dma.local [hbm:s3], $0xF7A  }
0x26: {  	[smem:$0x3F95] =	sst s1;
	(tag) =	ssettag s2;
	_ =	strace s9  }
0x27: {  	s1 =	sld [smem:$0x3FA5]  }
0x28: {  	s2 =	sld [smem:$0x3FA6]  }
0x29: {  	s4 =	sld [smem:$0x3FA8]  }
0x2a: {  	p0 =	seq.s32 s5, $0x0;
	s5 =	sld [smem:$0x3FA9]  }
0x2b: {  	s6 =	sld [smem:$0x3FAA]  }
0x2c: {  	s7 =	sld [smem:$0x3FAB]  }
0x2d: {  	s3 =	simm.s32 $0x108;
	s8 =	sld [smem:$0x3FAC]  }
0x2e: {  	s3 =	simm.s32 @!p0 $0x1082;
	s9 =	sld [smem:$0x3FAD]  }
0x2f: {  	lr =	sadd.s32 s0, s3;
	s0 =	sld [smem:$0x3FA4]  }
0x30: {  	s3 =	sld [smem:$0x3FA7]  }
0x31: {  	[smem:$0x3FB0] =	sst s10  }
0x32: {  	s10 =	sld [smem:$0x3FAE];
	_ =	sdelay $0x3  }
0x33: {  	p0 =	seq.s32 s10, $0x1;
	s10 =	sld [smem:$0x3FB0];
	_ =	sdelay $0x3  }
0x34: {  	[smem:$0x3FB0] =	sst s10  }
0x35: {  	s10 =	sld [smem:$0x3FAF];
	_ =	sdelay $0x3  }
0x36: {  	p1 =	seq.s32 s10, $0x1;
	s10 =	sld [smem:$0x3FB0];
	_ =	sdelay $0x3  }
0x37: {  	[smem:$0x3FB0] =	sst s10  }
0x38: {  	s10 =	sld [smem:$0x3FB1]  }
0x39: {  	_ = 	snop;
	(pc) =	sbr.ind lr, $3  }
0x3a: {  	_ = 	snop  }
0x3b: {  	_ = 	snop  }
0x3c: {  	p2 =	seq.s32 s10, $0x1;
	s10 =	sld [smem:$0x3FB0]  }
0x3d: {  	_ =	shalt  }
0x3e: {  	_ =	shalt  }
0x3f: {  	_ =	shalt  }
0x40: {  	_ =	shalt  }
0x41: {  	_ =	shalt  }
0x42: {  	_ =	shalt  }
0x43: {  	_ =	shalt  }
0x44: {  	_ =	shalt  }
0x45: {  	_ =	shalt  }
0x46: {  	_ =	shalt  }
0x47: {  	_ =	shalt  }
0x48: {  	_ =	shalt  }
0x49: {  	_ =	shalt  }
0x4a: {  	_ =	shalt  }
0x4b: {  	_ =	shalt  }
0x4c: {  	_ =	shalt  }
0x4d: {  	_ =	shalt  }
0x4e: {  	_ =	shalt  }
0x4f: {  	_ =	shalt  }
0x50: {  	_ =	shalt  }
0x51: {  	_ =	shalt  }
0x52: {  	_ =	shalt  }
0x53: {  	_ =	shalt  }
0x54: {  	_ =	shalt  }
0x55: {  	_ =	shalt  }
0x56: {  	_ =	shalt  }
0x57: {  	_ =	shalt  }
0x58: {  	_ =	shalt  }
0x59: {  	_ =	shalt  }
0x5a: {  	_ =	shalt  }
0x5b: {  	_ =	shalt  }
0x5c: {  	_ =	shalt  }
0x5d: {  	_ =	shalt  }
0x5e: {  	_ =	shalt  }
0x5f: {  	_ =	shalt  }
0x60: {  	_ =	shalt  }
0x61: {  	_ =	shalt  }
0x62: {  	_ =	shalt  }
0x63: {  	_ =	shalt  }
0x64: {  	_ =	shalt  }
0x65: {  	_ =	shalt  }
0x66: {  	_ =	shalt  }
0x67: {  	_ =	shalt  }
0x68: {  	_ =	shalt  }
0x69: {  	_ =	shalt  }
0x6a: {  	_ =	shalt  }
0x6b: {  	_ =	shalt  }
0x6c: {  	_ =	shalt  }
0x6d: {  	_ =	shalt  }
0x6e: {  	_ =	shalt  }
0x6f: {  	_ =	shalt  }
0x70: {  	_ =	shalt  }
0x71: {  	_ =	shalt  }
0x72: {  	_ =	shalt  }
0x73: {  	_ =	shalt  }
0x74: {  	_ =	shalt  }
0x75: {  	_ =	shalt  }
0x76: {  	_ =	shalt  }
0x77: {  	_ =	shalt  }
0x78: {  	_ =	shalt  }
0x79: {  	_ =	shalt  }
0x7a: {  	_ =	shalt  }
0x7b: {  	_ =	shalt  }
0x7c: {  	_ =	shalt  }
0x7d: {  	_ =	shalt  }
0x7e: {  	_ =	shalt  }
0x7f: {  	_ =	shalt  }
0x80: {  	_ =	shalt  }
0x81: {  	_ =	shalt  }
0x82: {  	_ =	shalt  }
0x83: {  	_ =	shalt  }
0x84: {  	_ =	shalt  }
0x85: {  	_ =	shalt  }
0x86: {  	_ =	shalt  }
0x87: {  	_ =	shalt  }
.Lfunc_end0:
.L_simem_size_0:
called_computation_lowered:
.L_overlay_start_0:
0x88: {  	s2 =	sld [smem:$0x3FD9]  }
0x89: {  	s3 =	sld [smem:$0x3FFE];
	_ =	sdelay $0x1  }
0x8a: {  	s1 =	srdreg.scid  }
0x8b: {  	s0 =	sand.u32 $0x1, s1  }
0x8c: {  	s14 =	sshll.u32 s0, $0xA;
	s2 =	sadd.s32 s3, s2  }
0x8d: {  	s2 =	sadd.s32 s2, s14  }
0x8e: {  	[smem:$0x3FBC] =	sst s2  }
0x8f: {  	_ = 	snop  }
0x90: {  	s2 =	sld [smem:$0x3FD0];
	_ =	sdelay $0x2  }
0x91: {  	s15 =	simm.s32 $0xA;
	s4 =	simm.s32 $0x10  }
0x92: {  	[smem:s4], [sflag:s15] =	dma.local [hbm:s2], $0x1  }
0x93: {  	_ =	swait.eq [sflag:s15], $0x1  }
0x94: {  	[sflag:s15] =	ssyncset.done $0x0  }
0x95: {  	s16 =	sld [smem:$0x11];
	[sflag:s15] =	ssyncadd.s32 $0xFFFFFFFF  }
0x96: {  	s17 =	sld [smem:$0x12];
	(tm) =	ssettm $0x1  }
0x97: {  	s18 =	sld [smem:$0x3FFB];
	_ =	sdelay $0x3  }
0x98: {  	_ =	strace s18  }
0x99: {  	s4 =	sld [smem:$0x3FFC];
	_ =	sdelay $0x3  }
0x9a: {  	_ =	strace s4  }
0x9b: {  	s4 =	sld [smem:$0x3FFD];
	_ =	sdelay $0x3  }
0x9c: {  	_ =	strace s4  }
0x9d: {  	_ =	strace $0x8FFFFFFF  }
0x9e: {  	s19 =	sld [smem:$0x3FDB];
	_ =	sdelay $0x1  }
0x9f: {  	s5 =	simm.s32 $_scs_section_size  }
0xa0: {  	s6 =	simm.s32 $_size__tile_overlayer_lowered;
	s7 =	simm.s32 $_tile_overlayer_lowered  }
0xa1: {  	s22 =	simm.s32 $0x1BFF;
	s21 =	sshll.u32 s7, $0x1;
	s4 =	sadd.s32 s5, s19  }
0xa2: {  	s8 =	simm.s32 $0x0;
	s20 =	sshll.u32 s6, $0x1;
	s6 =	sadd.s32 s21, s4  }
0xa3: {  	[timem:s8], [sflag:s22] =	dma.local [hbm:s6], s20  }
0xa4: {  	_ =	swait.ge [sflag:s22], s20  }
0xa5: {  	s5 =	ssub.s32 $0x0, s20;
	[sflag:s22] =	ssyncset.done $0x0  }
0xa6: {  	[sflag:s22] =	ssyncadd.s32 s5;
	_ =	sdelay $0x1  }
0xa7: {  	s23 =	simm.s32 $0x1B8B  }
0xa8: {  	_ =	swait.ge [sflag:s23], $0x1  }
0xa9: {  	[sflag:s23] =	ssyncset.done $0x0  }
0xaa: {  	s25 =	simm.s32 $0x1B8E;
	s24 =	sld [smem:$0x3FFE];
	[sflag:s23] =	ssyncadd.s32 $0xFFFFFFFF  }
0xab: {  	s26 =	simm.s32 $execute0_lowered;
	[smem:$0x3FD2] =	sst s25  }
0xac: {  	s6 =	sshll.u32 s26, $0x1;
	_ =	strace $0x80000046;
	[dreg:$0x1] =	wrdreg $0xFFFFFFFF  }
0xad: {  	s28 =	simm.s32 $_size_execute0_lowered;
	s4 =	sadd.s32 s4, s6;
	[dreg:$0x0] =	wrdreg $0x0  }
0xae: {  	s6 =	sshll.u32 s28, $0x1;
	[dreg:$0x2] =	wrdreg s4  }
0xaf: {  	[dreg:$0x3] =	wrdreg s6  }
0xb0: {  	[dreg:$0x4] =	wrdreg $0xC0  }
0xb1: {  	_ =	task [dreg:s8], $0x5FFFF  }
0xb2: {  	[dreg:$0x1] =	wrdreg $0xFFFFFFFF  }
0xb3: {  	[dreg:$0x0] =	wrdreg $0x60  }
0xb4: {  	[dreg:$0x2] =	wrdreg s24  }
0xb5: {  	[dreg:$0x3] =	wrdreg s17  }
0xb6: {  	[dreg:$0x4] =	wrdreg s16  }
0xb7: {  	[dreg:$0x5] =	wrdreg $0x9  }
0xb8: {  	_ =	task.clear_ibuf [dreg:s8], $0x6FFFF;
	_ =	strace $0x90000046  }
0xb9: {  	s29 =	simm.s32 $0x9;
	_ =	strace $0x80000048  }
0xba: {  	_ =	swait.ge [sflag:s29], $0x1  }
0xbb: {  	[sflag:s29] =	ssyncadd.s32 $0xFFFFFFFF  }
0xbc: {  	_ =	strace $0x90000048  }
0xbd: {  	_ =	sfence  }
0xbe: {  	s30 =	sld [smem:$0x0];
	_ =	sdelay $0x2  }
0xbf: {  	s31 =	sshll.u32 s1, $0xD;
	s1 =	sshrl.u32 s1, $0x2  }
0xc0: {  	s3 =	sand.u32 $0x4000, s31;
	s1 =	sadd.s32 s1, s30  }
0xc1: {  	s0 =	sor.u32 s3, s0;
	s1 =	sshll.u32 s1, $0x11  }
0xc2: {  	s0 =	sor.u32 s1, s0  }
0xc3: {  	s0 =	sadd.s32 $0x8F2B, s0  }
0xc4: {  	[sflag:s0] =	ssyncadd.remote.s32 $0x1  }
0xc5: {  	_ =	sfence.sel $0xFFFF  }
0xc6: {  	[dreg:$0x0] =	wrdreg $0xFFFFFFFF;
	(pc) =	sbr.abs _section_cstart, $3  }
0xc7: {  	[dreg:$0x1] =	wrdreg $0xFFFFFFFF  }
0xc8: {  	_ =	task.clear_ibuf [dreg:s8], $0x2FFFF;
	_ =	strace $0x9FFFFFFF  }
0xc9: {  	(tm) =	ssettm $0x7FFFFFFF  }
tec
execute0_lowered:
.L_overlay_start_1:
0x0: {  	(tag) =	ssettag $0x1  }
0x1: {  	s5 =	rddreg [dreg:$0x0]  }
0x2: {  	s1 =	srdreg.scid;
	s3 =	rddreg [dreg:$0x1]  }
0x3: {  	s0 =	stileid.u32;
	s8 =	rddreg [dreg:$0x2];
	s6 =	sand.u32 $0x1, s1  }
0x4: {  	s2 =	simm.s32 $0x0;
	s4 =	sshll.u32 s0, $0x9;
	s7 =	sshll.u32 s6, $0x8  }
0x5: {  	[smem:$0x7FF] =	sst s2;
	s9 =	sor.u32 s7, s4  }
0x6: {  	s1 =	rddreg [dreg:$0x3];
	_ =	strace $0x80000047;
	s4 =	sshrl.u32 s9, $0x3  }
0x7: {  	s10 =	ssub.s32 $0x2, s6;
	s4 =	sadd.s32 s3, s4;
	s3 =	simm.s32 $0x2  }
0x8: {  	[tilespmem:s2], [sflag:$0x2] =	stream.linear.gather [hbm4b:s4+s2], $0x100, $0x38;
	[tilespmem:$0x8100] =	vst v63  }
0x9: {  	s5 =	sadd.s32 $0x102200, s5;
	s11 =	sshrl.u32 s10, $0x1;
	_ =	swait.ge [sflag:s3], $0x100  }
0xa: {  	s6 =	simm.s32 $0x100;
	s10 =	ssub.s32 s10, s11;
	[sflag:s3] =	ssyncset.done $0x0  }
0xb: {  	s7 =	simm.s32 $0x1;
	s31 =	smax.u32 s10, $0x1;
	[sflag:s3] =	ssyncadd.s32 $0xFFFFFF00  }
0xc: {  	[tilespmem:s6], [sflag:$0x1] =	stream.indirect.gather [hbm4b:s5+s6], $0x80, s2, s6, $0xb8;
	[tilespmem:$0x8100] =	vst v63  }
0xd: {  	p0 =	sne.s32 s31, $0x1;
	_ =	swait.ge [sflag:s7], $0x8000  }
.Ltmp0:
0xe: {  	s9 =	sshll.u32 s9, $0x4;
	[sflag:s7] =	ssyncset.done $0x0;
	(pc) =	sbr.rel @!p0 .LBB2_2-.Ltmp0, $4  }
0xf: {  	s8 =	sadd.s32 s8, s9;
	[sflag:s7] =	ssyncadd.s32 $0xFFFF8000  }
0x10: {  	[hbm4b:s8+s2] =	stream.linear.scatter [tilespmem:s6], [sflag:$0x2], $0x8000, $0x38;
	[tilespmem:$0x8100] =	vst v63  }
0x11: {  	_ =	swait.ge [sflag:s3], $0x8000  }
0x12: {  	s9 =	sadd.s32 $0xFFFFFFFF, s31;
	[sflag:s3] =	ssyncset.done $0x0  }
.LBB2_1:
0x13: {  	p0 =	sne.s32 s9, $0x1;
	s9 =	sadd.s32 $0xFFFFFFFF, s9;
	[sflag:s3] =	ssyncadd.s32 $0xFFFF8000  }
0x14: {  	[tilespmem:s2], [sflag:$0x2] =	stream.linear.gather [hbm4b:s4+s2], $0x100, $0x38;
	[tilespmem:$0x8100] =	vst v63  }
0x15: {  	_ =	swait.ge [sflag:s3], $0x100  }
0x16: {  	[sflag:s3] =	ssyncset.done $0x0  }
0x17: {  	[sflag:s3] =	ssyncadd.s32 $0xFFFFFF00  }
0x18: {  	[tilespmem:s6], [sflag:$0x1] =	stream.indirect.gather [hbm4b:s5+s6], $0x80, s2, s6, $0xb8;
	[tilespmem:$0x8100] =	vst v63  }
0x19: {  	_ =	swait.ge [sflag:s7], $0x8000  }
.Ltmp1:
0x1a: {  	[sflag:s7] =	ssyncset.done $0x0;
	(pc) =	sbr.rel @p0 .LBB2_1-.Ltmp1, $4  }
0x1b: {  	[sflag:s7] =	ssyncadd.s32 $0xFFFF8000  }
0x1c: {  	[hbm4b:s8+s2] =	stream.linear.scatter [tilespmem:s6], [sflag:$0x2], $0x8000, $0x38;
	[tilespmem:$0x8100] =	vst v63  }
0x1d: {  	_ =	swait.ge [sflag:s3], $0x8000  }
0x1e: {  	[sflag:s3] =	ssyncset.done $0x0  }
.LBB2_2:
0x1f: {  	[sflag:s3] =	ssyncadd.s32 $0xFFFF8000  }
0x20: {  	_ =	sfence.sel $0x180000  }
0x21: {  	[bflag:$0x0] =	sbarrier.arrive $0xFFFF  }
0x22: {  	p0 =	sne.s32 s0, $0x0;
	_ =	strace $0x90000047  }
0x23: {  	s0 =	sadd.s32 @!p0 $0x100000, s1;
	[bflag:$0x2] =	sbarrier.arrive $0xFFFF  }
0x24: {  	[sflag:s0] =	ssyncadd.tile.s32 @!p0 $0x1;
	_ =	shalt  }
.Lfunc_end2:
_tile_overlayer_lowered:
.L_overlay_start_2:
0x25: {  	(tag) =	ssettag $0x2  }
0x26: {  	s0 =	rddreg [dreg:$0x0];
	s2 =	stileid.u32  }
0x27: {  	s1 =	rddreg [dreg:$0x1];
	p0 =	sne.s32 s2, $0x0  }
0x28: {  	s3 =	rddreg [dreg:$0x2];
	[bflag:$0x3] =	sbarrier.arrive $0xFFFF;
	s2 =	simm.s32 @!p0 $0x1C02  }
0x29: {  	[timem:s3], [sflag:s2] =	dma.local @!p0 [hbm:s0], s1  }
0x2a: {  	s0 =	simm.s32 @!p0 $0x2  }
0x2b: {  	_ =	swait.ge @!p0 [sflag:s0], s1  }
0x2c: {  	s1 =	ssub.s32 @!p0 $0x0, s1;
	[sflag:s0] =	ssyncset.done @!p0 $0x0  }
0x2d: {  	[sflag:s0] =	ssyncadd.s32 @!p0 s1  }
0x2e: {  	[bflag:$0x3] =	sbarrier.arrive $0xFFFF  }
0x2f: {  	_ =	shalt  }

// kernel: kernel.9.cloned.1.call-start
scs
__scs_entry_jumppad:
0x0: {  	(pc) =	sbr.rel $0x88, $3  }
0x1: {  	(tag) =	ssettag $0x0;
	lr =	simm.s32 $0x1  }
0x2: {  	[smem:$0x3F95] =	sst lr;
	_ =	strace $0xD0000000  }
0x3: {  	_ = 	snop  }
0x4: {  	_ = 	snop  }
0x5: {  	_ = 	snop  }
0x6: {  	_ = 	snop  }
0x7: {  	_ = 	snop  }
__scs_overlays_trampoline_lowered:
0x8: {  	[smem:$0x3FA4] =	sst s0  }
0x9: {  	[smem:$0x3FA5] =	sst s1  }
0xa: {  	[smem:$0x3FA6] =	sst s2  }
0xb: {  	[smem:$0x3FA7] =	sst s3  }
0xc: {  	[smem:$0x3FA8] =	sst s4  }
0xd: {  	[smem:$0x3FA9] =	sst s5  }
0xe: {  	[smem:$0x3FAA] =	sst s6  }
0xf: {  	[smem:$0x3FAB] =	sst s7  }
0x10: {  	[smem:$0x3FAC] =	sst s8  }
0x11: {  	[smem:$0x3FAD] =	sst s9;
	s0 =	simm.s32 @!p0 $0x0  }
0x12: {  	s1 =	sld [smem:$0x3F93];
	s0 =	simm.s32 @p0 $0x1  }
0x13: {  	[smem:$0x3FAE] =	sst s0;
	s0 =	simm.s32 @!p1 $0x0  }
0x14: {  	s2 =	sld [smem:$0x3F92];
	s0 =	simm.s32 @p1 $0x1  }
0x15: {  	[smem:$0x3FAF] =	sst s0;
	s0 =	simm.s32 @!p2 $0x0  }
0x16: {  	s3 =	sld [smem:$0x3FDB];
	s0 =	simm.s32 @p2 $0x1  }
0x17: {  	s4 =	simm.s32 $0x1BF5;
	[smem:$0x3FB1] =	sst s0  }
0x18: {  	s0 =	sld [smem:$0x3F94];
	_ =	swait.ge [sflag:s4], $0x0  }
0x19: {  	s7 =	sld [smem:$0x3F95]  }
0x1a: {  	s8 =	sadd.s32 $0xFFFFE003, lr  }
0x1b: {  	s9 =	sadd.s32 $0xFFFFFEF7, lr;
	s5 =	simm.s32 $0xFFFFFFFF;
	p2 =	slt.u32 s8, $0xFFFFF086  }
0x1c: {  	p1 =	slt.u32 s9, $0xF7A;
	s5 =	simm.s32 @!p2 $0x0  }
0x1d: {  	s5 =	simm.s32 @p1 $0x1;
	p0 =	seq.s32 s7, s2  }
0x1e: {  	s7 =	smul.u32 @!p0 $0xF7A, s2;
	p2 =	seq.s32 @!p0 s5, $0x0  }
0x1f: {  	s9 =	smul.u32 $0xF7A, s1;
	s8 =	simm.s32 @!p0 $0x1BF5;
	p2 =	por !p2, p0  }
0x20: {  	[sflag:s8] =	ssyncset.s32 @!p0 $0xFFFFF086;
	s6 =	sadd.s32 @!p0 s3, s7;
	s7 =	simm.s32 @!p0 $0x108  }
0x21: {  	s3 =	sadd.s32 s3, s9;
	s6 =	sadd.s32 @!p0 $0x88, s6;
	s7 =	simm.s32 @p2 $0x1082  }
0x22: {  	[simem:s7], [sflag:s8] =	dma.local @!p0 [hbm:s6], $0xF7A  }
0x23: {  	s9 =	sor.u32 $0xD0000000, s2;
	s6 =	simm.s32 $0x108;
	_ =	swait.ge @!p0 [sflag:s8], $0x0  }
0x24: {  	s3 =	sadd.s32 $0x88, s3;
	s6 =	simm.s32 @!p1 $0x1082;
	[sflag:s4] =	ssyncset.s32 $0xFFFFF086  }
0x25: {  	[simem:s6], [sflag:s4] =	dma.local [hbm:s3], $0xF7A  }
0x26: {  	[smem:$0x3F95] =	sst s1;
	(tag) =	ssettag s2;
	_ =	strace s9  }
0x27: {  	s1 =	sld [smem:$0x3FA5]  }
0x28: {  	s2 =	sld [smem:$0x3FA6]  }
0x29: {  	s4 =	sld [smem:$0x3FA8]  }
0x2a: {  	p0 =	seq.s32 s5, $0x0;
	s5 =	sld [smem:$0x3FA9]  }
0x2b: {  	s6 =	sld [smem:$0x3FAA]  }
0x2c: {  	s7 =	sld [smem:$0x3FAB]  }
0x2d: {  	s3 =	simm.s32 $0x108;
	s8 =	sld [smem:$0x3FAC]  }
0x2e: {  	s3 =	simm.s32 @!p0 $0x1082;
	s9 =	sld [smem:$0x3FAD]  }
0x2f: {  	lr =	sadd.s32 s0, s3;
	s0 =	sld [smem:$0x3FA4]  }
0x30: {  	s3 =	sld [smem:$0x3FA7]  }
0x31: {  	[smem:$0x3FB0] =	sst s10  }
0x32: {  	s10 =	sld [smem:$0x3FAE];
	_ =	sdelay $0x3  }
0x33: {  	p0 =	seq.s32 s10, $0x1;
	s10 =	sld [smem:$0x3FB0];
	_ =	sdelay $0x3  }
0x34: {  	[smem:$0x3FB0] =	sst s10  }
0x35: {  	s10 =	sld [smem:$0x3FAF];
	_ =	sdelay $0x3  }
0x36: {  	p1 =	seq.s32 s10, $0x1;
	s10 =	sld [smem:$0x3FB0];
	_ =	sdelay $0x3  }
0x37: {  	[smem:$0x3FB0] =	sst s10  }
0x38: {  	s10 =	sld [smem:$0x3FB1]  }
0x39: {  	_ = 	snop;
	(pc) =	sbr.ind lr, $3  }
0x3a: {  	_ = 	snop  }
0x3b: {  	_ = 	snop  }
0x3c: {  	p2 =	seq.s32 s10, $0x1;
	s10 =	sld [smem:$0x3FB0]  }
0x3d: {  	_ =	shalt  }
0x3e: {  	_ =	shalt  }
0x3f: {  	_ =	shalt  }
0x40: {  	_ =	shalt  }
0x41: {  	_ =	shalt  }
0x42: {  	_ =	shalt  }
0x43: {  	_ =	shalt  }
0x44: {  	_ =	shalt  }
0x45: {  	_ =	shalt  }
0x46: {  	_ =	shalt  }
0x47: {  	_ =	shalt  }
0x48: {  	_ =	shalt  }
0x49: {  	_ =	shalt  }
0x4a: {  	_ =	shalt  }
0x4b: {  	_ =	shalt  }
0x4c: {  	_ =	shalt  }
0x4d: {  	_ =	shalt  }
0x4e: {  	_ =	shalt  }
0x4f: {  	_ =	shalt  }
0x50: {  	_ =	shalt  }
0x51: {  	_ =	shalt  }
0x52: {  	_ =	shalt  }
0x53: {  	_ =	shalt  }
0x54: {  	_ =	shalt  }
0x55: {  	_ =	shalt  }
0x56: {  	_ =	shalt  }
0x57: {  	_ =	shalt  }
0x58: {  	_ =	shalt  }
0x59: {  	_ =	shalt  }
0x5a: {  	_ =	shalt  }
0x5b: {  	_ =	shalt  }
0x5c: {  	_ =	shalt  }
0x5d: {  	_ =	shalt  }
0x5e: {  	_ =	shalt  }
0x5f: {  	_ =	shalt  }
0x60: {  	_ =	shalt  }
0x61: {  	_ =	shalt  }
0x62: {  	_ =	shalt  }
0x63: {  	_ =	shalt  }
0x64: {  	_ =	shalt  }
0x65: {  	_ =	shalt  }
0x66: {  	_ =	shalt  }
0x67: {  	_ =	shalt  }
0x68: {  	_ =	shalt  }
0x69: {  	_ =	shalt  }
0x6a: {  	_ =	shalt  }
0x6b: {  	_ =	shalt  }
0x6c: {  	_ =	shalt  }
0x6d: {  	_ =	shalt  }
0x6e: {  	_ =	shalt  }
0x6f: {  	_ =	shalt  }
0x70: {  	_ =	shalt  }
0x71: {  	_ =	shalt  }
0x72: {  	_ =	shalt  }
0x73: {  	_ =	shalt  }
0x74: {  	_ =	shalt  }
0x75: {  	_ =	shalt  }
0x76: {  	_ =	shalt  }
0x77: {  	_ =	shalt  }
0x78: {  	_ =	shalt  }
0x79: {  	_ =	shalt  }
0x7a: {  	_ =	shalt  }
0x7b: {  	_ =	shalt  }
0x7c: {  	_ =	shalt  }
0x7d: {  	_ =	shalt  }
0x7e: {  	_ =	shalt  }
0x7f: {  	_ =	shalt  }
0x80: {  	_ =	shalt  }
0x81: {  	_ =	shalt  }
0x82: {  	_ =	shalt  }
0x83: {  	_ =	shalt  }
0x84: {  	_ =	shalt  }
0x85: {  	_ =	shalt  }
0x86: {  	_ =	shalt  }
0x87: {  	_ =	shalt  }
.Lfunc_end0:
.L_simem_size_0:
called_computation.1_lowered:
.L_overlay_start_0:
0x88: {  	s2 =	sld [smem:$0x3FD9]  }
0x89: {  	s3 =	sld [smem:$0x3FFE];
	_ =	sdelay $0x1  }
0x8a: {  	s1 =	srdreg.scid  }
0x8b: {  	s0 =	sand.u32 $0x1, s1  }
0x8c: {  	s16 =	sshll.u32 s0, $0xA;
	s2 =	sadd.s32 s3, s2  }
0x8d: {  	s2 =	sadd.s32 s2, s16  }
0x8e: {  	[smem:$0x3FBC] =	sst s2  }
0x8f: {  	_ = 	snop  }
0x90: {  	(tm) =	ssettm $0x1  }
0x91: {  	s17 =	sld [smem:$0x3FFB];
	_ =	sdelay $0x3  }
0x92: {  	_ =	strace s17  }
0x93: {  	s2 =	sld [smem:$0x3FFC];
	_ =	sdelay $0x3  }
0x94: {  	_ =	strace s2  }
0x95: {  	s2 =	sld [smem:$0x3FFD];
	_ =	sdelay $0x3  }
0x96: {  	_ =	strace s2  }
0x97: {  	_ =	strace $0x8FFFFFFF  }
0x98: {  	s18 =	sld [smem:$0x3FDB];
	_ =	sdelay $0x1  }
0x99: {  	s19 =	simm.s32 $_scs_section_size  }
0x9a: {  	s4 =	simm.s32 $_size__tile_overlayer_lowered;
	s5 =	simm.s32 $_tile_overlayer_lowered  }
0x9b: {  	s22 =	simm.s32 $0x1BFF;
	s21 =	sshll.u32 s5, $0x1;
	s2 =	sadd.s32 s19, s18  }
0x9c: {  	s6 =	simm.s32 $0x0;
	s20 =	sshll.u32 s4, $0x1;
	s4 =	sadd.s32 s21, s2  }
0x9d: {  	[timem:s6], [sflag:s22] =	dma.local [hbm:s4], s20  }
0x9e: {  	_ =	swait.ge [sflag:s22], s20  }
0x9f: {  	s3 =	ssub.s32 $0x0, s20;
	[sflag:s22] =	ssyncset.done $0x0  }
0xa0: {  	[sflag:s22] =	ssyncadd.s32 s3;
	_ =	sdelay $0x1  }
0xa1: {  	s23 =	simm.s32 $0x1B8B  }
0xa2: {  	_ =	swait.ge [sflag:s23], $0x1  }
0xa3: {  	[sflag:s23] =	ssyncset.done $0x0  }
0xa4: {  	s25 =	simm.s32 $0x1B8E;
	s24 =	sld [smem:$0x3FFE];
	[sflag:s23] =	ssyncadd.s32 $0xFFFFFFFF  }
0xa5: {  	s26 =	simm.s32 $execute0_lowered;
	[smem:$0x3FD2] =	sst s25  }
0xa6: {  	s4 =	sshll.u32 s26, $0x1;
	_ =	strace $0x80000049;
	[dreg:$0x1] =	wrdreg $0xFFFFFFFF  }
0xa7: {  	s28 =	simm.s32 $_size_execute0_lowered;
	s2 =	sadd.s32 s2, s4;
	[dreg:$0x0] =	wrdreg $0x0  }
0xa8: {  	s4 =	sshll.u32 s28, $0x1;
	[dreg:$0x2] =	wrdreg s2  }
0xa9: {  	[dreg:$0x3] =	wrdreg s4  }
0xaa: {  	[dreg:$0x4] =	wrdreg $0xC0  }
0xab: {  	_ =	task [dreg:s6], $0x5FFFF  }
0xac: {  	[dreg:$0x1] =	wrdreg $0xFFFFFFFF  }
0xad: {  	[dreg:$0x0] =	wrdreg $0x60  }
0xae: {  	[dreg:$0x2] =	wrdreg s24  }
0xaf: {  	[dreg:$0x3] =	wrdreg $0x9  }
0xb0: {  	_ =	task.clear_ibuf [dreg:s6], $0x4FFFF;
	_ =	strace $0x90000049  }
0xb1: {  	s29 =	simm.s32 $0x9;
	_ =	strace $0x8000004B  }
0xb2: {  	_ =	swait.ge [sflag:s29], $0x1  }
0xb3: {  	[sflag:s29] =	ssyncadd.s32 $0xFFFFFFFF  }
0xb4: {  	_ =	strace $0x9000004B  }
0xb5: {  	_ =	sfence  }
0xb6: {  	s30 =	sld [smem:$0x0];
	_ =	sdelay $0x2  }
0xb7: {  	s31 =	sshll.u32 s1, $0xD;
	s1 =	sshrl.u32 s1, $0x2  }
0xb8: {  	s3 =	sand.u32 $0x4000, s31;
	s1 =	sadd.s32 s1, s30  }
0xb9: {  	s0 =	sor.u32 s3, s0;
	s1 =	sshll.u32 s1, $0x11  }
0xba: {  	s0 =	sor.u32 s1, s0  }
0xbb: {  	s0 =	sadd.s32 $0x8F2B, s0  }
0xbc: {  	[sflag:s0] =	ssyncadd.remote.s32 $0x1  }
0xbd: {  	_ =	sfence.sel $0xFFFF  }
0xbe: {  	[dreg:$0x0] =	wrdreg $0xFFFFFFFF;
	(pc) =	sbr.abs _section_cstart, $3  }
0xbf: {  	[dreg:$0x1] =	wrdreg $0xFFFFFFFF  }
0xc0: {  	_ =	task.clear_ibuf [dreg:s6], $0x2FFFF;
	_ =	strace $0x9FFFFFFF  }
0xc1: {  	(tm) =	ssettm $0x7FFFFFFF  }
tec
execute0_lowered:
.L_overlay_start_1:
0x0: {  	(tag) =	ssettag $0x1  }
0x1: {  	s4 =	rddreg [dreg:$0x0];
	s0 =	srdreg.scid  }
0x2: {  	s1 =	stileid.u32;
	s2 =	simm.s32 $0x0;
	s31 =	sand.u32 $0x1, s0  }
0x3: {  	s1 =	sshll.u32 s1, $0xE;
	[smem:$0x7FF] =	sst s2;
	s3 =	sshll.u32 s31, $0xD  }
0x4: {  	s30 =	sadd.s32 $0x2200, s4;
	s0 =	sadd.s32 $0x202200, s4;
	s1 =	sor.u32 s3, s1  }
0x5: {  	_ =	strace $0x8000004A;
	s3 =	sshrl.u32 s1, $0x3;
	s5 =	sshll.u32 s1, $0x4  }
0x6: {  	s9 =	sor.u32 $0x200, s1;
	s6 =	sor.u32 $0x400, s1;
	s3 =	sadd.s32 s30, s3  }
0x7: {  	s8 =	sadd.s32 s0, s5;
	s10 =	sshrl.u32 s9, $0x3;
	[dreg:$0x2] =	wrdreg s3  }
0x8: {  	s5 =	sshll.u32 s9, $0x4;
	[dreg:$0x3] =	wrdreg s8;
	s3 =	sadd.s32 s30, s10  }
0x9: {  	s12 =	sshrl.u32 s6, $0x3;
	s11 =	sadd.s32 s0, s5;
	[dreg:$0x4] =	wrdreg s3  }
0xa: {  	s14 =	sshll.u32 s6, $0x4;
	s13 =	sadd.s32 s30, s12;
	[dreg:$0x5] =	wrdreg s11  }
0xb: {  	s16 =	sor.u32 $0x600, s1;
	s15 =	sadd.s32 s0, s14;
	[dreg:$0x6] =	wrdreg s13  }
0xc: {  	s17 =	sshrl.u32 s16, $0x3;
	[dreg:$0x7] =	wrdreg s15  }
0xd: {  	s5 =	sshll.u32 s16, $0x4;
	s3 =	sadd.s32 s30, s17;
	s18 =	rddreg [dreg:$0x2]  }
0xe: {  	s19 =	sadd.s32 s0, s5;
	[dreg:$0x8] =	wrdreg s3  }
0xf: {  	[dreg:$0x9] =	wrdreg s19;
	s3 =	simm.s32 $0x2  }
0x10: {  	[tilespmem:s2], [sflag:$0x2] =	stream.linear.gather [hbm4b:s18+s2], $0x200, $0x38;
	[tilespmem:$0x10200] =	vst v63  }
0x11: {  	_ =	swait.ge [sflag:s3], $0x200  }
0x12: {  	s4 =	sadd.s32 $0x102200, s4;
	[sflag:s3] =	ssyncset.done $0x0  }
0x13: {  	s6 =	simm.s32 $0x1;
	s5 =	simm.s32 $0x200;
	[sflag:s3] =	ssyncadd.s32 $0xFFFFFE00  }
0x14: {  	[tilespmem:s5], [sflag:$0x1] =	stream.indirect.gather [hbm4b:s4+s5], $0x80, s2, s5, $0xb8;
	[tilespmem:$0x10200] =	vst v63  }
0x15: {  	_ =	swait.ge [sflag:s6], $0x10000  }
0x16: {  	[sflag:s6] =	ssyncset.done $0x0  }
0x17: {  	s7 =	rddreg [dreg:$0x3];
	[sflag:s6] =	ssyncadd.s32 $0xFFFF0000  }
0x18: {  	[hbm4b:s7+s2] =	stream.linear.scatter [tilespmem:s5], [sflag:$0x2], $0x10000, $0x38;
	[tilespmem:$0x10200] =	vst v63  }
0x19: {  	_ =	swait.ge [sflag:s3], $0x10000  }
0x1a: {  	[sflag:s3] =	ssyncset.done $0x0  }
0x1b: {  	s20 =	rddreg [dreg:$0x4];
	[sflag:s3] =	ssyncadd.s32 $0xFFFF0000  }
0x1c: {  	[tilespmem:s2], [sflag:$0x2] =	stream.linear.gather [hbm4b:s20+s2], $0x200, $0x38;
	[tilespmem:$0x10200] =	vst v63  }
0x1d: {  	_ =	swait.ge [sflag:s3], $0x200  }
0x1e: {  	[sflag:s3] =	ssyncset.done $0x0  }
0x1f: {  	[sflag:s3] =	ssyncadd.s32 $0xFFFFFE00  }
0x20: {  	[tilespmem:s5], [sflag:$0x1] =	stream.indirect.gather [hbm4b:s4+s5], $0x80, s2, s5, $0xb8;
	[tilespmem:$0x10200] =	vst v63  }
0x21: {  	_ =	swait.ge [sflag:s6], $0x10000  }
0x22: {  	[sflag:s6] =	ssyncset.done $0x0  }
0x23: {  	s21 =	rddreg [dreg:$0x5];
	[sflag:s6] =	ssyncadd.s32 $0xFFFF0000  }
0x24: {  	[hbm4b:s21+s2] =	stream.linear.scatter [tilespmem:s5], [sflag:$0x2], $0x10000, $0x38;
	[tilespmem:$0x10200] =	vst v63  }
0x25: {  	_ =	swait.ge [sflag:s3], $0x10000  }
0x26: {  	[sflag:s3] =	ssyncset.done $0x0  }
0x27: {  	s22 =	rddreg [dreg:$0x6];
	[sflag:s3] =	ssyncadd.s32 $0xFFFF0000  }
0x28: {  	[tilespmem:s2], [sflag:$0x2] =	stream.linear.gather [hbm4b:s22+s2], $0x200, $0x38;
	[tilespmem:$0x10200] =	vst v63  }
0x29: {  	_ =	swait.ge [sflag:s3], $0x200  }
0x2a: {  	[sflag:s3] =	ssyncset.done $0x0  }
0x2b: {  	[sflag:s3] =	ssyncadd.s32 $0xFFFFFE00  }
0x2c: {  	[tilespmem:s5], [sflag:$0x1] =	stream.indirect.gather [hbm4b:s4+s5], $0x80, s2, s5, $0xb8;
	[tilespmem:$0x10200] =	vst v63  }
0x2d: {  	_ =	swait.ge [sflag:s6], $0x10000  }
0x2e: {  	[sflag:s6] =	ssyncset.done $0x0  }
0x2f: {  	s23 =	rddreg [dreg:$0x7];
	[sflag:s6] =	ssyncadd.s32 $0xFFFF0000  }
0x30: {  	[hbm4b:s23+s2] =	stream.linear.scatter [tilespmem:s5], [sflag:$0x2], $0x10000, $0x38;
	[tilespmem:$0x10200] =	vst v63  }
0x31: {  	_ =	swait.ge [sflag:s3], $0x10000  }
0x32: {  	[sflag:s3] =	ssyncset.done $0x0  }
0x33: {  	s24 =	rddreg [dreg:$0x8];
	[sflag:s3] =	ssyncadd.s32 $0xFFFF0000  }
0x34: {  	[tilespmem:s2], [sflag:$0x2] =	stream.linear.gather [hbm4b:s24+s2], $0x200, $0x38;
	[tilespmem:$0x10200] =	vst v63  }
0x35: {  	_ =	swait.ge [sflag:s3], $0x200  }
0x36: {  	[sflag:s3] =	ssyncset.done $0x0  }
0x37: {  	[sflag:s3] =	ssyncadd.s32 $0xFFFFFE00  }
0x38: {  	[tilespmem:s5], [sflag:$0x1] =	stream.indirect.gather [hbm4b:s4+s5], $0x80, s2, s5, $0xb8;
	[tilespmem:$0x10200] =	vst v63  }
0x39: {  	_ =	swait.ge [sflag:s6], $0x10000  }
0x3a: {  	[sflag:s6] =	ssyncset.done $0x0  }
0x3b: {  	s25 =	rddreg [dreg:$0x9];
	[sflag:s6] =	ssyncadd.s32 $0xFFFF0000  }
0x3c: {  	[hbm4b:s25+s2] =	stream.linear.scatter [tilespmem:s5], [sflag:$0x2], $0x10000, $0x38;
	[tilespmem:$0x10200] =	vst v63  }
0x3d: {  	s8 =	sor.u32 $0x800, s1;
	_ =	swait.ge [sflag:s3], $0x10000  }
0x3e: {  	s26 =	sshrl.u32 s8, $0x3;
	[sflag:s3] =	ssyncset.done $0x0  }
0x3f: {  	s7 =	sadd.s32 s30, s26;
	[sflag:s3] =	ssyncadd.s32 $0xFFFF0000  }
0x40: {  	[tilespmem:s2], [sflag:$0x2] =	stream.linear.gather [hbm4b:s7+s2], $0x200, $0x38;
	[tilespmem:$0x10200] =	vst v63  }
0x41: {  	_ =	swait.ge [sflag:s3], $0x200  }
0x42: {  	[sflag:s3] =	ssyncset.done $0x0  }
0x43: {  	[sflag:s3] =	ssyncadd.s32 $0xFFFFFE00  }
0x44: {  	[tilespmem:s5], [sflag:$0x1] =	stream.indirect.gather [hbm4b:s4+s5], $0x80, s2, s5, $0xb8;
	[tilespmem:$0x10200] =	vst v63  }
0x45: {  	_ =	swait.ge [sflag:s6], $0x10000  }
0x46: {  	s8 =	sshll.u32 s8, $0x4;
	[sflag:s6] =	ssyncset.done $0x0  }
0x47: {  	s8 =	sadd.s32 s0, s8;
	[sflag:s6] =	ssyncadd.s32 $0xFFFF0000  }
0x48: {  	[hbm4b:s8+s2] =	stream.linear.scatter [tilespmem:s5], [sflag:$0x2], $0x10000, $0x38;
	[tilespmem:$0x10200] =	vst v63  }
0x49: {  	s10 =	sor.u32 $0xA00, s1;
	_ =	swait.ge [sflag:s3], $0x10000  }
0x4a: {  	s9 =	sshrl.u32 s10, $0x3;
	[sflag:s3] =	ssyncset.done $0x0  }
0x4b: {  	s9 =	sadd.s32 s30, s9;
	[sflag:s3] =	ssyncadd.s32 $0xFFFF0000  }
0x4c: {  	[tilespmem:s2], [sflag:$0x2] =	stream.linear.gather [hbm4b:s9+s2], $0x200, $0x38;
	[tilespmem:$0x10200] =	vst v63  }
0x4d: {  	_ =	swait.ge [sflag:s3], $0x200  }
0x4e: {  	[sflag:s3] =	ssyncset.done $0x0  }
0x4f: {  	[sflag:s3] =	ssyncadd.s32 $0xFFFFFE00  }
0x50: {  	[tilespmem:s5], [sflag:$0x1] =	stream.indirect.gather [hbm4b:s4+s5], $0x80, s2, s5, $0xb8;
	[tilespmem:$0x10200] =	vst v63  }
0x51: {  	_ =	swait.ge [sflag:s6], $0x10000  }
0x52: {  	s10 =	sshll.u32 s10, $0x4;
	[sflag:s6] =	ssyncset.done $0x0  }
0x53: {  	s10 =	sadd.s32 s0, s10;
	[sflag:s6] =	ssyncadd.s32 $0xFFFF0000  }
0x54: {  	[hbm4b:s10+s2] =	stream.linear.scatter [tilespmem:s5], [sflag:$0x2], $0x10000, $0x38;
	[tilespmem:$0x10200] =	vst v63  }
0x55: {  	s12 =	sor.u32 $0xC00, s1;
	_ =	swait.ge [sflag:s3], $0x10000  }
0x56: {  	s11 =	sshrl.u32 s12, $0x3;
	[sflag:s3] =	ssyncset.done $0x0  }
0x57: {  	s11 =	sadd.s32 s30, s11;
	[sflag:s3] =	ssyncadd.s32 $0xFFFF0000  }
0x58: {  	[tilespmem:s2], [sflag:$0x2] =	stream.linear.gather [hbm4b:s11+s2], $0x200, $0x38;
	[tilespmem:$0x10200] =	vst v63  }
0x59: {  	_ =	swait.ge [sflag:s3], $0x200  }
0x5a: {  	[sflag:s3] =	ssyncset.done $0x0  }
0x5b: {  	[sflag:s3] =	ssyncadd.s32 $0xFFFFFE00  }
0x5c: {  	[tilespmem:s5], [sflag:$0x1] =	stream.indirect.gather [hbm4b:s4+s5], $0x80, s2, s5, $0xb8;
	[tilespmem:$0x10200] =	vst v63  }
0x5d: {  	_ =	swait.ge [sflag:s6], $0x10000  }
0x5e: {  	s12 =	sshll.u32 s12, $0x4;
	[sflag:s6] =	ssyncset.done $0x0  }
0x5f: {  	s12 =	sadd.s32 s0, s12;
	[sflag:s6] =	ssyncadd.s32 $0xFFFF0000  }
0x60: {  	[hbm4b:s12+s2] =	stream.linear.scatter [tilespmem:s5], [sflag:$0x2], $0x10000, $0x38;
	[tilespmem:$0x10200] =	vst v63  }
0x61: {  	s14 =	sor.u32 $0xE00, s1;
	_ =	swait.ge [sflag:s3], $0x10000  }
0x62: {  	s13 =	sshrl.u32 s14, $0x3;
	[sflag:s3] =	ssyncset.done $0x0  }
0x63: {  	s13 =	sadd.s32 s30, s13;
	[sflag:s3] =	ssyncadd.s32 $0xFFFF0000  }
0x64: {  	[tilespmem:s2], [sflag:$0x2] =	stream.linear.gather [hbm4b:s13+s2], $0x200, $0x38;
	[tilespmem:$0x10200] =	vst v63  }
0x65: {  	_ =	swait.ge [sflag:s3], $0x200  }
0x66: {  	[sflag:s3] =	ssyncset.done $0x0  }
0x67: {  	[sflag:s3] =	ssyncadd.s32 $0xFFFFFE00  }
0x68: {  	[tilespmem:s5], [sflag:$0x1] =	stream.indirect.gather [hbm4b:s4+s5], $0x80, s2, s5, $0xb8;
	[tilespmem:$0x10200] =	vst v63  }
0x69: {  	_ =	swait.ge [sflag:s6], $0x10000  }
0x6a: {  	s14 =	sshll.u32 s14, $0x4;
	[sflag:s6] =	ssyncset.done $0x0  }
0x6b: {  	s14 =	sadd.s32 s0, s14;
	[sflag:s6] =	ssyncadd.s32 $0xFFFF0000  }
0x6c: {  	[hbm4b:s14+s2] =	stream.linear.scatter [tilespmem:s5], [sflag:$0x2], $0x10000, $0x38;
	[tilespmem:$0x10200] =	vst v63  }
0x6d: {  	s16 =	sor.u32 $0x1000, s1;
	_ =	swait.ge [sflag:s3], $0x10000  }
0x6e: {  	s15 =	sshrl.u32 s16, $0x3;
	[sflag:s3] =	ssyncset.done $0x0  }
0x6f: {  	s15 =	sadd.s32 s30, s15;
	[sflag:s3] =	ssyncadd.s32 $0xFFFF0000  }
0x70: {  	[tilespmem:s2], [sflag:$0x2] =	stream.linear.gather [hbm4b:s15+s2], $0x200, $0x38;
	[tilespmem:$0x10200] =	vst v63  }
0x71: {  	_ =	swait.ge [sflag:s3], $0x200  }
0x72: {  	[sflag:s3] =	ssyncset.done $0x0  }
0x73: {  	[sflag:s3] =	ssyncadd.s32 $0xFFFFFE00  }
0x74: {  	[tilespmem:s5], [sflag:$0x1] =	stream.indirect.gather [hbm4b:s4+s5], $0x80, s2, s5, $0xb8;
	[tilespmem:$0x10200] =	vst v63  }
0x75: {  	_ =	swait.ge [sflag:s6], $0x10000  }
0x76: {  	s16 =	sshll.u32 s16, $0x4;
	[sflag:s6] =	ssyncset.done $0x0  }
0x77: {  	s16 =	sadd.s32 s0, s16;
	[sflag:s6] =	ssyncadd.s32 $0xFFFF0000  }
0x78: {  	[hbm4b:s16+s2] =	stream.linear.scatter [tilespmem:s5], [sflag:$0x2], $0x10000, $0x38;
	[tilespmem:$0x10200] =	vst v63  }
0x79: {  	s18 =	sor.u32 $0x1200, s1;
	_ =	swait.ge [sflag:s3], $0x10000  }
0x7a: {  	s17 =	sshrl.u32 s18, $0x3;
	[sflag:s3] =	ssyncset.done $0x0  }
0x7b: {  	s17 =	sadd.s32 s30, s17;
	[sflag:s3] =	ssyncadd.s32 $0xFFFF0000  }
0x7c: {  	[tilespmem:s2], [sflag:$0x2] =	stream.linear.gather [hbm4b:s17+s2], $0x200, $0x38;
	[tilespmem:$0x10200] =	vst v63  }
0x7d: {  	_ =	swait.ge [sflag:s3], $0x200  }
0x7e: {  	[sflag:s3] =	ssyncset.done $0x0  }
0x7f: {  	[sflag:s3] =	ssyncadd.s32 $0xFFFFFE00  }
0x80: {  	[tilespmem:s5], [sflag:$0x1] =	stream.indirect.gather [hbm4b:s4+s5], $0x80, s2, s5, $0xb8;
	[tilespmem:$0x10200] =	vst v63  }
0x81: {  	_ =	swait.ge [sflag:s6], $0x10000  }
0x82: {  	s18 =	sshll.u32 s18, $0x4;
	[sflag:s6] =	ssyncset.done $0x0  }
0x83: {  	s18 =	sadd.s32 s0, s18;
	[sflag:s6] =	ssyncadd.s32 $0xFFFF0000  }
0x84: {  	[hbm4b:s18+s2] =	stream.linear.scatter [tilespmem:s5], [sflag:$0x2], $0x10000, $0x38;
	[tilespmem:$0x10200] =	vst v63  }
0x85: {  	s20 =	sor.u32 $0x1400, s1;
	_ =	swait.ge [sflag:s3], $0x10000  }
0x86: {  	s19 =	sshrl.u32 s20, $0x3;
	[sflag:s3] =	ssyncset.done $0x0  }
0x87: {  	s19 =	sadd.s32 s30, s19;
	[sflag:s3] =	ssyncadd.s32 $0xFFFF0000  }
0x88: {  	[tilespmem:s2], [sflag:$0x2] =	stream.linear.gather [hbm4b:s19+s2], $0x200, $0x38;
	[tilespmem:$0x10200] =	vst v63  }
0x89: {  	_ =	swait.ge [sflag:s3], $0x200  }
0x8a: {  	[sflag:s3] =	ssyncset.done $0x0  }
0x8b: {  	[sflag:s3] =	ssyncadd.s32 $0xFFFFFE00  }
0x8c: {  	[tilespmem:s5], [sflag:$0x1] =	stream.indirect.gather [hbm4b:s4+s5], $0x80, s2, s5, $0xb8;
	[tilespmem:$0x10200] =	vst v63  }
0x8d: {  	_ =	swait.ge [sflag:s6], $0x10000  }
0x8e: {  	s20 =	sshll.u32 s20, $0x4;
	[sflag:s6] =	ssyncset.done $0x0  }
0x8f: {  	s20 =	sadd.s32 s0, s20;
	[sflag:s6] =	ssyncadd.s32 $0xFFFF0000  }
0x90: {  	[hbm4b:s20+s2] =	stream.linear.scatter [tilespmem:s5], [sflag:$0x2], $0x10000, $0x38;
	[tilespmem:$0x10200] =	vst v63  }
0x91: {  	s22 =	sor.u32 $0x1600, s1;
	_ =	swait.ge [sflag:s3], $0x10000  }
0x92: {  	s21 =	sshrl.u32 s22, $0x3;
	[sflag:s3] =	ssyncset.done $0x0  }
0x93: {  	s21 =	sadd.s32 s30, s21;
	[sflag:s3] =	ssyncadd.s32 $0xFFFF0000  }
0x94: {  	[tilespmem:s2], [sflag:$0x2] =	stream.linear.gather [hbm4b:s21+s2], $0x200, $0x38;
	[tilespmem:$0x10200] =	vst v63  }
0x95: {  	_ =	swait.ge [sflag:s3], $0x200  }
0x96: {  	[sflag:s3] =	ssyncset.done $0x0  }
0x97: {  	[sflag:s3] =	ssyncadd.s32 $0xFFFFFE00  }
0x98: {  	[tilespmem:s5], [sflag:$0x1] =	stream.indirect.gather [hbm4b:s4+s5], $0x80, s2, s5, $0xb8;
	[tilespmem:$0x10200] =	vst v63  }
0x99: {  	_ =	swait.ge [sflag:s6], $0x10000  }
0x9a: {  	s22 =	sshll.u32 s22, $0x4;
	[sflag:s6] =	ssyncset.done $0x0  }
0x9b: {  	s22 =	sadd.s32 s0, s22;
	[sflag:s6] =	ssyncadd.s32 $0xFFFF0000  }
0x9c: {  	[hbm4b:s22+s2] =	stream.linear.scatter [tilespmem:s5], [sflag:$0x2], $0x10000, $0x38;
	[tilespmem:$0x10200] =	vst v63  }
0x9d: {  	s24 =	sor.u32 $0x1800, s1;
	_ =	swait.ge [sflag:s3], $0x10000  }
0x9e: {  	s23 =	sshrl.u32 s24, $0x3;
	[sflag:s3] =	ssyncset.done $0x0  }
0x9f: {  	s23 =	sadd.s32 s30, s23;
	[sflag:s3] =	ssyncadd.s32 $0xFFFF0000  }
0xa0: {  	[tilespmem:s2], [sflag:$0x2] =	stream.linear.gather [hbm4b:s23+s2], $0x200, $0x38;
	[tilespmem:$0x10200] =	vst v63  }
0xa1: {  	_ =	swait.ge [sflag:s3], $0x200  }
0xa2: {  	[sflag:s3] =	ssyncset.done $0x0  }
0xa3: {  	[sflag:s3] =	ssyncadd.s32 $0xFFFFFE00  }
0xa4: {  	[tilespmem:s5], [sflag:$0x1] =	stream.indirect.gather [hbm4b:s4+s5], $0x80, s2, s5, $0xb8;
	[tilespmem:$0x10200] =	vst v63  }
0xa5: {  	_ =	swait.ge [sflag:s6], $0x10000  }
0xa6: {  	s24 =	sshll.u32 s24, $0x4;
	[sflag:s6] =	ssyncset.done $0x0  }
0xa7: {  	s24 =	sadd.s32 s0, s24;
	[sflag:s6] =	ssyncadd.s32 $0xFFFF0000  }
0xa8: {  	[hbm4b:s24+s2] =	stream.linear.scatter [tilespmem:s5], [sflag:$0x2], $0x10000, $0x38;
	[tilespmem:$0x10200] =	vst v63  }
0xa9: {  	s26 =	sor.u32 $0x1A00, s1;
	_ =	swait.ge [sflag:s3], $0x10000  }
0xaa: {  	s25 =	sshrl.u32 s26, $0x3;
	[sflag:s3] =	ssyncset.done $0x0  }
0xab: {  	s25 =	sadd.s32 s30, s25;
	[sflag:s3] =	ssyncadd.s32 $0xFFFF0000  }
0xac: {  	[tilespmem:s2], [sflag:$0x2] =	stream.linear.gather [hbm4b:s25+s2], $0x200, $0x38;
	[tilespmem:$0x10200] =	vst v63  }
0xad: {  	_ =	swait.ge [sflag:s3], $0x200  }
0xae: {  	[sflag:s3] =	ssyncset.done $0x0  }
0xaf: {  	[sflag:s3] =	ssyncadd.s32 $0xFFFFFE00  }
0xb0: {  	[tilespmem:s5], [sflag:$0x1] =	stream.indirect.gather [hbm4b:s4+s5], $0x80, s2, s5, $0xb8;
	[tilespmem:$0x10200] =	vst v63  }
0xb1: {  	_ =	swait.ge [sflag:s6], $0x10000  }
0xb2: {  	s26 =	sshll.u32 s26, $0x4;
	[sflag:s6] =	ssyncset.done $0x0  }
0xb3: {  	s26 =	sadd.s32 s0, s26;
	[dreg:$0xa] =	wrdreg s0;
	[sflag:s6] =	ssyncadd.s32 $0xFFFF0000  }
0xb4: {  	[hbm4b:s26+s2] =	stream.linear.scatter [tilespmem:s5], [sflag:$0x2], $0x10000, $0x38;
	[tilespmem:$0x10200] =	vst v63  }
0xb5: {  	s29 =	sor.u32 $0x1C00, s1;
	_ =	swait.ge [sflag:s3], $0x10000  }
0xb6: {  	s28 =	sshrl.u32 s29, $0x3;
	[sflag:s3] =	ssyncset.done $0x0  }
0xb7: {  	s28 =	sadd.s32 s30, s28;
	[sflag:s3] =	ssyncadd.s32 $0xFFFF0000  }
0xb8: {  	[tilespmem:s2], [sflag:$0x2] =	stream.linear.gather [hbm4b:s28+s2], $0x200, $0x38;
	[tilespmem:$0x10200] =	vst v63  }
0xb9: {  	_ =	swait.ge [sflag:s3], $0x200  }
0xba: {  	[sflag:s3] =	ssyncset.done $0x0  }
0xbb: {  	[sflag:s3] =	ssyncadd.s32 $0xFFFFFE00  }
0xbc: {  	[tilespmem:s5], [sflag:$0x1] =	stream.indirect.gather [hbm4b:s4+s5], $0x80, s2, s5, $0xb8;
	[tilespmem:$0x10200] =	vst v63  }
0xbd: {  	_ =	swait.ge [sflag:s6], $0x10000  }
0xbe: {  	s29 =	sshll.u32 s29, $0x4;
	[sflag:s6] =	ssyncset.done $0x0  }
0xbf: {  	s29 =	sadd.s32 s0, s29;
	s1 =	sor.u32 $0x1E00, s1;
	[sflag:s6] =	ssyncadd.s32 $0xFFFF0000  }
0xc0: {  	[hbm4b:s29+s2] =	stream.linear.scatter [tilespmem:s5], [sflag:$0x2], $0x10000, $0x38;
	[tilespmem:$0x10200] =	vst v63  }
0xc1: {  	s0 =	sshrl.u32 s1, $0x3;
	_ =	swait.ge [sflag:s3], $0x10000  }
0xc2: {  	s30 =	sadd.s32 s30, s0;
	s0 =	ssub.s32 $0x2, s31;
	[sflag:s3] =	ssyncset.done $0x0  }
0xc3: {  	s31 =	sshrl.u32 s0, $0x1;
	[sflag:s3] =	ssyncadd.s32 $0xFFFF0000  }
0xc4: {  	[tilespmem:s2], [sflag:$0x2] =	stream.linear.gather [hbm4b:s30+s2], $0x200, $0x38;
	[tilespmem:$0x10200] =	vst v63  }
0xc5: {  	s0 =	ssub.s32 s0, s31;
	_ =	swait.ge [sflag:s3], $0x200  }
0xc6: {  	s0 =	smax.u32 s0, $0x1;
	[sflag:s3] =	ssyncset.done $0x0  }
0xc7: {  	p0 =	sne.s32 s0, $0x1;
	[sflag:s3] =	ssyncadd.s32 $0xFFFFFE00  }
0xc8: {  	[tilespmem:s5], [sflag:$0x1] =	stream.indirect.gather [hbm4b:s4+s5], $0x80, s2, s5, $0xb8;
	[tilespmem:$0x10200] =	vst v63  }
.Ltmp0:
0xc9: {  	_ =	swait.ge [sflag:s6], $0x10000;
	(pc) =	sbr.rel @!p0 .LBB2_2-.Ltmp0, $4  }
0xca: {  	s1 =	sshll.u32 s1, $0x4;
	[sflag:s6] =	ssyncset.done $0x0;
	s31 =	rddreg [dreg:$0xa]  }
0xcb: {  	s31 =	sadd.s32 s31, s1;
	[sflag:s6] =	ssyncadd.s32 $0xFFFF0000  }
0xcc: {  	[hbm4b:s31+s2] =	stream.linear.scatter [tilespmem:s5], [sflag:$0x2], $0x10000, $0x38;
	[tilespmem:$0x10200] =	vst v63  }
0xcd: {  	s0 =	sadd.s32 $0xFFFFFFFF, s0;
	_ =	swait.ge [sflag:s3], $0x10000  }
.LBB2_1:
0xce: {  	[sflag:s3] =	ssyncset.done $0x0  }
0xcf: {  	s1 =	rddreg [dreg:$0x2];
	[sflag:s3] =	ssyncadd.s32 $0xFFFF0000  }
0xd0: {  	[tilespmem:s2], [sflag:$0x2] =	stream.linear.gather [hbm4b:s1+s2], $0x200, $0x38;
	[tilespmem:$0x10200] =	vst v63  }
0xd1: {  	_ =	swait.ge [sflag:s3], $0x200  }
0xd2: {  	[sflag:s3] =	ssyncset.done $0x0  }
0xd3: {  	[sflag:s3] =	ssyncadd.s32 $0xFFFFFE00  }
0xd4: {  	[tilespmem:s5], [sflag:$0x1] =	stream.indirect.gather [hbm4b:s4+s5], $0x80, s2, s5, $0xb8;
	[tilespmem:$0x10200] =	vst v63  }
0xd5: {  	_ =	swait.ge [sflag:s6], $0x10000  }
0xd6: {  	[sflag:s6] =	ssyncset.done $0x0  }
0xd7: {  	s1 =	rddreg [dreg:$0x3];
	[sflag:s6] =	ssyncadd.s32 $0xFFFF0000  }
0xd8: {  	[hbm4b:s1+s2] =	stream.linear.scatter [tilespmem:s5], [sflag:$0x2], $0x10000, $0x38;
	[tilespmem:$0x10200] =	vst v63  }
0xd9: {  	_ =	swait.ge [sflag:s3], $0x10000  }
0xda: {  	[sflag:s3] =	ssyncset.done $0x0  }
0xdb: {  	s1 =	rddreg [dreg:$0x4];
	[sflag:s3] =	ssyncadd.s32 $0xFFFF0000  }
0xdc: {  	[tilespmem:s2], [sflag:$0x2] =	stream.linear.gather [hbm4b:s1+s2], $0x200, $0x38;
	[tilespmem:$0x10200] =	vst v63  }
0xdd: {  	_ =	swait.ge [sflag:s3], $0x200  }
0xde: {  	[sflag:s3] =	ssyncset.done $0x0  }
0xdf: {  	[sflag:s3] =	ssyncadd.s32 $0xFFFFFE00  }
0xe0: {  	[tilespmem:s5], [sflag:$0x1] =	stream.indirect.gather [hbm4b:s4+s5], $0x80, s2, s5, $0xb8;
	[tilespmem:$0x10200] =	vst v63  }
0xe1: {  	_ =	swait.ge [sflag:s6], $0x10000  }
0xe2: {  	[sflag:s6] =	ssyncset.done $0x0  }
0xe3: {  	s1 =	rddreg [dreg:$0x5];
	[sflag:s6] =	ssyncadd.s32 $0xFFFF0000  }
0xe4: {  	[hbm4b:s1+s2] =	stream.linear.scatter [tilespmem:s5], [sflag:$0x2], $0x10000, $0x38;
	[tilespmem:$0x10200] =	vst v63  }
0xe5: {  	_ =	swait.ge [sflag:s3], $0x10000  }
0xe6: {  	[sflag:s3] =	ssyncset.done $0x0  }
0xe7: {  	s1 =	rddreg [dreg:$0x6];
	[sflag:s3] =	ssyncadd.s32 $0xFFFF0000  }
0xe8: {  	[tilespmem:s2], [sflag:$0x2] =	stream.linear.gather [hbm4b:s1+s2], $0x200, $0x38;
	[tilespmem:$0x10200] =	vst v63  }
0xe9: {  	_ =	swait.ge [sflag:s3], $0x200  }
0xea: {  	[sflag:s3] =	ssyncset.done $0x0  }
0xeb: {  	[sflag:s3] =	ssyncadd.s32 $0xFFFFFE00  }
0xec: {  	[tilespmem:s5], [sflag:$0x1] =	stream.indirect.gather [hbm4b:s4+s5], $0x80, s2, s5, $0xb8;
	[tilespmem:$0x10200] =	vst v63  }
0xed: {  	_ =	swait.ge [sflag:s6], $0x10000  }
0xee: {  	[sflag:s6] =	ssyncset.done $0x0  }
0xef: {  	s1 =	rddreg [dreg:$0x7];
	[sflag:s6] =	ssyncadd.s32 $0xFFFF0000  }
0xf0: {  	[hbm4b:s1+s2] =	stream.linear.scatter [tilespmem:s5], [sflag:$0x2], $0x10000, $0x38;
	[tilespmem:$0x10200] =	vst v63  }
0xf1: {  	_ =	swait.ge [sflag:s3], $0x10000  }
0xf2: {  	[sflag:s3] =	ssyncset.done $0x0  }
0xf3: {  	s1 =	rddreg [dreg:$0x8];
	[sflag:s3] =	ssyncadd.s32 $0xFFFF0000  }
0xf4: {  	[tilespmem:s2], [sflag:$0x2] =	stream.linear.gather [hbm4b:s1+s2], $0x200, $0x38;
	[tilespmem:$0x10200] =	vst v63  }
0xf5: {  	_ =	swait.ge [sflag:s3], $0x200  }
0xf6: {  	[sflag:s3] =	ssyncset.done $0x0  }
0xf7: {  	[sflag:s3] =	ssyncadd.s32 $0xFFFFFE00  }
0xf8: {  	[tilespmem:s5], [sflag:$0x1] =	stream.indirect.gather [hbm4b:s4+s5], $0x80, s2, s5, $0xb8;
	[tilespmem:$0x10200] =	vst v63  }
0xf9: {  	_ =	swait.ge [sflag:s6], $0x10000  }
0xfa: {  	[sflag:s6] =	ssyncset.done $0x0  }
0xfb: {  	s1 =	rddreg [dreg:$0x9];
	[sflag:s6] =	ssyncadd.s32 $0xFFFF0000  }
0xfc: {  	[hbm4b:s1+s2] =	stream.linear.scatter [tilespmem:s5], [sflag:$0x2], $0x10000, $0x38;
	[tilespmem:$0x10200] =	vst v63  }
0xfd: {  	_ =	swait.ge [sflag:s3], $0x10000  }
0xfe: {  	[sflag:s3] =	ssyncset.done $0x0  }
0xff: {  	[sflag:s3] =	ssyncadd.s32 $0xFFFF0000  }
0x100: {  	[tilespmem:s2], [sflag:$0x2] =	stream.linear.gather [hbm4b:s7+s2], $0x200, $0x38;
	[tilespmem:$0x10200] =	vst v63  }
0x101: {  	_ =	swait.ge [sflag:s3], $0x200  }
0x102: {  	[sflag:s3] =	ssyncset.done $0x0  }
0x103: {  	[sflag:s3] =	ssyncadd.s32 $0xFFFFFE00  }
0x104: {  	[tilespmem:s5], [sflag:$0x1] =	stream.indirect.gather [hbm4b:s4+s5], $0x80, s2, s5, $0xb8;
	[tilespmem:$0x10200] =	vst v63  }
0x105: {  	_ =	swait.ge [sflag:s6], $0x10000  }
0x106: {  	[sflag:s6] =	ssyncset.done $0x0  }
0x107: {  	[sflag:s6] =	ssyncadd.s32 $0xFFFF0000  }
0x108: {  	[hbm4b:s8+s2] =	stream.linear.scatter [tilespmem:s5], [sflag:$0x2], $0x10000, $0x38;
	[tilespmem:$0x10200] =	vst v63  }
0x109: {  	_ =	swait.ge [sflag:s3], $0x10000  }
0x10a: {  	[sflag:s3] =	ssyncset.done $0x0  }
0x10b: {  	[sflag:s3] =	ssyncadd.s32 $0xFFFF0000  }
0x10c: {  	[tilespmem:s2], [sflag:$0x2] =	stream.linear.gather [hbm4b:s9+s2], $0x200, $0x38;
	[tilespmem:$0x10200] =	vst v63  }
0x10d: {  	_ =	swait.ge [sflag:s3], $0x200  }
0x10e: {  	[sflag:s3] =	ssyncset.done $0x0  }
0x10f: {  	[sflag:s3] =	ssyncadd.s32 $0xFFFFFE00  }
0x110: {  	[tilespmem:s5], [sflag:$0x1] =	stream.indirect.gather [hbm4b:s4+s5], $0x80, s2, s5, $0xb8;
	[tilespmem:$0x10200] =	vst v63  }
0x111: {  	_ =	swait.ge [sflag:s6], $0x10000  }
0x112: {  	[sflag:s6] =	ssyncset.done $0x0  }
0x113: {  	[sflag:s6] =	ssyncadd.s32 $0xFFFF0000  }
0x114: {  	[hbm4b:s10+s2] =	stream.linear.scatter [tilespmem:s5], [sflag:$0x2], $0x10000, $0x38;
	[tilespmem:$0x10200] =	vst v63  }
0x115: {  	_ =	swait.ge [sflag:s3], $0x10000  }
0x116: {  	[sflag:s3] =	ssyncset.done $0x0  }
0x117: {  	[sflag:s3] =	ssyncadd.s32 $0xFFFF0000  }
0x118: {  	[tilespmem:s2], [sflag:$0x2] =	stream.linear.gather [hbm4b:s11+s2], $0x200, $0x38;
	[tilespmem:$0x10200] =	vst v63  }
0x119: {  	_ =	swait.ge [sflag:s3], $0x200  }
0x11a: {  	[sflag:s3] =	ssyncset.done $0x0  }
0x11b: {  	[sflag:s3] =	ssyncadd.s32 $0xFFFFFE00  }
0x11c: {  	[tilespmem:s5], [sflag:$0x1] =	stream.indirect.gather [hbm4b:s4+s5], $0x80, s2, s5, $0xb8;
	[tilespmem:$0x10200] =	vst v63  }
0x11d: {  	_ =	swait.ge [sflag:s6], $0x10000  }
0x11e: {  	[sflag:s6] =	ssyncset.done $0x0  }
0x11f: {  	[sflag:s6] =	ssyncadd.s32 $0xFFFF0000  }
0x120: {  	[hbm4b:s12+s2] =	stream.linear.scatter [tilespmem:s5], [sflag:$0x2], $0x10000, $0x38;
	[tilespmem:$0x10200] =	vst v63  }
0x121: {  	_ =	swait.ge [sflag:s3], $0x10000  }
0x122: {  	[sflag:s3] =	ssyncset.done $0x0  }
0x123: {  	[sflag:s3] =	ssyncadd.s32 $0xFFFF0000  }
0x124: {  	[tilespmem:s2], [sflag:$0x2] =	stream.linear.gather [hbm4b:s13+s2], $0x200, $0x38;
	[tilespmem:$0x10200] =	vst v63  }
0x125: {  	_ =	swait.ge [sflag:s3], $0x200  }
0x126: {  	[sflag:s3] =	ssyncset.done $0x0  }
0x127: {  	[sflag:s3] =	ssyncadd.s32 $0xFFFFFE00  }
0x128: {  	[tilespmem:s5], [sflag:$0x1] =	stream.indirect.gather [hbm4b:s4+s5], $0x80, s2, s5, $0xb8;
	[tilespmem:$0x10200] =	vst v63  }
0x129: {  	_ =	swait.ge [sflag:s6], $0x10000  }
0x12a: {  	[sflag:s6] =	ssyncset.done $0x0  }
0x12b: {  	[sflag:s6] =	ssyncadd.s32 $0xFFFF0000  }
0x12c: {  	[hbm4b:s14+s2] =	stream.linear.scatter [tilespmem:s5], [sflag:$0x2], $0x10000, $0x38;
	[tilespmem:$0x10200] =	vst v63  }
0x12d: {  	_ =	swait.ge [sflag:s3], $0x10000  }
0x12e: {  	[sflag:s3] =	ssyncset.done $0x0  }
0x12f: {  	[sflag:s3] =	ssyncadd.s32 $0xFFFF0000  }
0x130: {  	[tilespmem:s2], [sflag:$0x2] =	stream.linear.gather [hbm4b:s15+s2], $0x200, $0x38;
	[tilespmem:$0x10200] =	vst v63  }
0x131: {  	_ =	swait.ge [sflag:s3], $0x200  }
0x132: {  	[sflag:s3] =	ssyncset.done $0x0  }
0x133: {  	[sflag:s3] =	ssyncadd.s32 $0xFFFFFE00  }
0x134: {  	[tilespmem:s5], [sflag:$0x1] =	stream.indirect.gather [hbm4b:s4+s5], $0x80, s2, s5, $0xb8;
	[tilespmem:$0x10200] =	vst v63  }
0x135: {  	_ =	swait.ge [sflag:s6], $0x10000  }
0x136: {  	[sflag:s6] =	ssyncset.done $0x0  }
0x137: {  	[sflag:s6] =	ssyncadd.s32 $0xFFFF0000  }
0x138: {  	[hbm4b:s16+s2] =	stream.linear.scatter [tilespmem:s5], [sflag:$0x2], $0x10000, $0x38;
	[tilespmem:$0x10200] =	vst v63  }
0x139: {  	_ =	swait.ge [sflag:s3], $0x10000  }
0x13a: {  	[sflag:s3] =	ssyncset.done $0x0  }
0x13b: {  	[sflag:s3] =	ssyncadd.s32 $0xFFFF0000  }
0x13c: {  	[tilespmem:s2], [sflag:$0x2] =	stream.linear.gather [hbm4b:s17+s2], $0x200, $0x38;
	[tilespmem:$0x10200] =	vst v63  }
0x13d: {  	_ =	swait.ge [sflag:s3], $0x200  }
0x13e: {  	[sflag:s3] =	ssyncset.done $0x0  }
0x13f: {  	[sflag:s3] =	ssyncadd.s32 $0xFFFFFE00  }
0x140: {  	[tilespmem:s5], [sflag:$0x1] =	stream.indirect.gather [hbm4b:s4+s5], $0x80, s2, s5, $0xb8;
	[tilespmem:$0x10200] =	vst v63  }
0x141: {  	_ =	swait.ge [sflag:s6], $0x10000  }
0x142: {  	[sflag:s6] =	ssyncset.done $0x0  }
0x143: {  	[sflag:s6] =	ssyncadd.s32 $0xFFFF0000  }
0x144: {  	[hbm4b:s18+s2] =	stream.linear.scatter [tilespmem:s5], [sflag:$0x2], $0x10000, $0x38;
	[tilespmem:$0x10200] =	vst v63  }
0x145: {  	_ =	swait.ge [sflag:s3], $0x10000  }
0x146: {  	[sflag:s3] =	ssyncset.done $0x0  }
0x147: {  	[sflag:s3] =	ssyncadd.s32 $0xFFFF0000  }
0x148: {  	[tilespmem:s2], [sflag:$0x2] =	stream.linear.gather [hbm4b:s19+s2], $0x200, $0x38;
	[tilespmem:$0x10200] =	vst v63  }
0x149: {  	_ =	swait.ge [sflag:s3], $0x200  }
0x14a: {  	[sflag:s3] =	ssyncset.done $0x0  }
0x14b: {  	[sflag:s3] =	ssyncadd.s32 $0xFFFFFE00  }
0x14c: {  	[tilespmem:s5], [sflag:$0x1] =	stream.indirect.gather [hbm4b:s4+s5], $0x80, s2, s5, $0xb8;
	[tilespmem:$0x10200] =	vst v63  }
0x14d: {  	_ =	swait.ge [sflag:s6], $0x10000  }
0x14e: {  	[sflag:s6] =	ssyncset.done $0x0  }
0x14f: {  	[sflag:s6] =	ssyncadd.s32 $0xFFFF0000  }
0x150: {  	[hbm4b:s20+s2] =	stream.linear.scatter [tilespmem:s5], [sflag:$0x2], $0x10000, $0x38;
	[tilespmem:$0x10200] =	vst v63  }
0x151: {  	_ =	swait.ge [sflag:s3], $0x10000  }
0x152: {  	[sflag:s3] =	ssyncset.done $0x0  }
0x153: {  	[sflag:s3] =	ssyncadd.s32 $0xFFFF0000  }
0x154: {  	[tilespmem:s2], [sflag:$0x2] =	stream.linear.gather [hbm4b:s21+s2], $0x200, $0x38;
	[tilespmem:$0x10200] =	vst v63  }
0x155: {  	_ =	swait.ge [sflag:s3], $0x200  }
0x156: {  	[sflag:s3] =	ssyncset.done $0x0  }
0x157: {  	[sflag:s3] =	ssyncadd.s32 $0xFFFFFE00  }
0x158: {  	[tilespmem:s5], [sflag:$0x1] =	stream.indirect.gather [hbm4b:s4+s5], $0x80, s2, s5, $0xb8;
	[tilespmem:$0x10200] =	vst v63  }
0x159: {  	_ =	swait.ge [sflag:s6], $0x10000  }
0x15a: {  	[sflag:s6] =	ssyncset.done $0x0  }
0x15b: {  	[sflag:s6] =	ssyncadd.s32 $0xFFFF0000  }
0x15c: {  	[hbm4b:s22+s2] =	stream.linear.scatter [tilespmem:s5], [sflag:$0x2], $0x10000, $0x38;
	[tilespmem:$0x10200] =	vst v63  }
0x15d: {  	_ =	swait.ge [sflag:s3], $0x10000  }
0x15e: {  	[sflag:s3] =	ssyncset.done $0x0  }
0x15f: {  	[sflag:s3] =	ssyncadd.s32 $0xFFFF0000  }
0x160: {  	[tilespmem:s2], [sflag:$0x2] =	stream.linear.gather [hbm4b:s23+s2], $0x200, $0x38;
	[tilespmem:$0x10200] =	vst v63  }
0x161: {  	_ =	swait.ge [sflag:s3], $0x200  }
0x162: {  	[sflag:s3] =	ssyncset.done $0x0  }
0x163: {  	[sflag:s3] =	ssyncadd.s32 $0xFFFFFE00  }
0x164: {  	[tilespmem:s5], [sflag:$0x1] =	stream.indirect.gather [hbm4b:s4+s5], $0x80, s2, s5, $0xb8;
	[tilespmem:$0x10200] =	vst v63  }
0x165: {  	_ =	swait.ge [sflag:s6], $0x10000  }
0x166: {  	[sflag:s6] =	ssyncset.done $0x0  }
0x167: {  	[sflag:s6] =	ssyncadd.s32 $0xFFFF0000  }
0x168: {  	[hbm4b:s24+s2] =	stream.linear.scatter [tilespmem:s5], [sflag:$0x2], $0x10000, $0x38;
	[tilespmem:$0x10200] =	vst v63  }
0x169: {  	_ =	swait.ge [sflag:s3], $0x10000  }
0x16a: {  	[sflag:s3] =	ssyncset.done $0x0  }
0x16b: {  	[sflag:s3] =	ssyncadd.s32 $0xFFFF0000  }
0x16c: {  	[tilespmem:s2], [sflag:$0x2] =	stream.linear.gather [hbm4b:s25+s2], $0x200, $0x38;
	[tilespmem:$0x10200] =	vst v63  }
0x16d: {  	_ =	swait.ge [sflag:s3], $0x200  }
0x16e: {  	[sflag:s3] =	ssyncset.done $0x0  }
0x16f: {  	[sflag:s3] =	ssyncadd.s32 $0xFFFFFE00  }
0x170: {  	[tilespmem:s5], [sflag:$0x1] =	stream.indirect.gather [hbm4b:s4+s5], $0x80, s2, s5, $0xb8;
	[tilespmem:$0x10200] =	vst v63  }
0x171: {  	_ =	swait.ge [sflag:s6], $0x10000  }
0x172: {  	[sflag:s6] =	ssyncset.done $0x0  }
0x173: {  	[sflag:s6] =	ssyncadd.s32 $0xFFFF0000  }
0x174: {  	[hbm4b:s26+s2] =	stream.linear.scatter [tilespmem:s5], [sflag:$0x2], $0x10000, $0x38;
	[tilespmem:$0x10200] =	vst v63  }
0x175: {  	_ =	swait.ge [sflag:s3], $0x10000  }
0x176: {  	[sflag:s3] =	ssyncset.done $0x0  }
0x177: {  	[sflag:s3] =	ssyncadd.s32 $0xFFFF0000  }
0x178: {  	[tilespmem:s2], [sflag:$0x2] =	stream.linear.gather [hbm4b:s28+s2], $0x200, $0x38;
	[tilespmem:$0x10200] =	vst v63  }
0x179: {  	_ =	swait.ge [sflag:s3], $0x200  }
0x17a: {  	[sflag:s3] =	ssyncset.done $0x0  }
0x17b: {  	[sflag:s3] =	ssyncadd.s32 $0xFFFFFE00  }
0x17c: {  	[tilespmem:s5], [sflag:$0x1] =	stream.indirect.gather [hbm4b:s4+s5], $0x80, s2, s5, $0xb8;
	[tilespmem:$0x10200] =	vst v63  }
0x17d: {  	_ =	swait.ge [sflag:s6], $0x10000  }
0x17e: {  	[sflag:s6] =	ssyncset.done $0x0  }
0x17f: {  	[sflag:s6] =	ssyncadd.s32 $0xFFFF0000  }
0x180: {  	[hbm4b:s29+s2] =	stream.linear.scatter [tilespmem:s5], [sflag:$0x2], $0x10000, $0x38;
	[tilespmem:$0x10200] =	vst v63  }
0x181: {  	_ =	swait.ge [sflag:s3], $0x10000  }
0x182: {  	[sflag:s3] =	ssyncset.done $0x0  }
0x183: {  	[sflag:s3] =	ssyncadd.s32 $0xFFFF0000  }
0x184: {  	[tilespmem:s2], [sflag:$0x2] =	stream.linear.gather [hbm4b:s30+s2], $0x200, $0x38;
	[tilespmem:$0x10200] =	vst v63  }
0x185: {  	_ =	swait.ge [sflag:s3], $0x200  }
0x186: {  	[sflag:s3] =	ssyncset.done $0x0  }
0x187: {  	p0 =	sne.s32 s0, $0x1;
	[sflag:s3] =	ssyncadd.s32 $0xFFFFFE00  }
0x188: {  	[tilespmem:s5], [sflag:$0x1] =	stream.indirect.gather [hbm4b:s4+s5], $0x80, s2, s5, $0xb8;
	[tilespmem:$0x10200] =	vst v63  }
.Ltmp1:
0x189: {  	_ =	swait.ge [sflag:s6], $0x10000;
	(pc) =	sbr.rel @p0 .LBB2_1-.Ltmp1, $4  }
0x18a: {  	[sflag:s6] =	ssyncset.done $0x0  }
0x18b: {  	[sflag:s6] =	ssyncadd.s32 $0xFFFF0000  }
0x18c: {  	[hbm4b:s31+s2] =	stream.linear.scatter [tilespmem:s5], [sflag:$0x2], $0x10000, $0x38;
	[tilespmem:$0x10200] =	vst v63  }
0x18d: {  	s0 =	sadd.s32 $0xFFFFFFFF, s0;
	_ =	swait.ge [sflag:s3], $0x10000  }
.LBB2_2:
0x18e: {  	[sflag:s3] =	ssyncset.done $0x0  }
0x18f: {  	[sflag:s3] =	ssyncadd.s32 $0xFFFF0000  }
0x190: {  	_ =	sfence.sel $0x180000  }
0x191: {  	[bflag:$0x0] =	sbarrier.arrive $0xFFFF  }
0x192: {  	_ =	strace $0x9000004A  }
0x193: {  	s0 =	stileid.u32;
	[bflag:$0x2] =	sbarrier.arrive $0xFFFF  }
0x194: {  	p0 =	sne.s32 s0, $0x0;
	s0 =	rddreg [dreg:$0x1]  }
0x195: {  	s0 =	sadd.s32 @!p0 $0x100000, s0  }
0x196: {  	[sflag:s0] =	ssyncadd.tile.s32 @!p0 $0x1;
	_ =	shalt  }
.Lfunc_end2:
_tile_overlayer_lowered:
.L_overlay_start_2:
0x197: {  	(tag) =	ssettag $0x2  }
0x198: {  	s0 =	rddreg [dreg:$0x0];
	s2 =	stileid.u32  }
0x199: {  	s1 =	rddreg [dreg:$0x1];
	p0 =	sne.s32 s2, $0x0  }
0x19a: {  	s3 =	rddreg [dreg:$0x2];
	[bflag:$0x3] =	sbarrier.arrive $0xFFFF;
	s2 =	simm.s32 @!p0 $0x1C02  }
0x19b: {  	[timem:s3], [sflag:s2] =	dma.local @!p0 [hbm:s0], s1  }
0x19c: {  	s0 =	simm.s32 @!p0 $0x2  }
0x19d: {  	_ =	swait.ge @!p0 [sflag:s0], s1  }
0x19e: {  	s1 =	ssub.s32 @!p0 $0x0, s1;
	[sflag:s0] =	ssyncset.done @!p0 $0x0  }
0x19f: {  	[sflag:s0] =	ssyncadd.s32 @!p0 s1  }
0x1a0: {  	[bflag:$0x3] =	sbarrier.arrive $0xFFFF  }
0x1a1: {  	_ =	shalt  }

</sc_bundles>
